<compile_context>
chip_gen: v7x
topology: tpu7x:2x2x1
jax: 0.10.2.dev20260603
libtpu: 0.0.44.dev20260713+nightly
codegen_flags: <defaults>
</compile_context>

<pallas_src>
import functools

import jax
import jax.numpy as jnp
from jax import lax
from jax.experimental import pallas as pl
from jax.experimental.pallas import tpu as pltpu
from jax.experimental.pallas import tpu_sc as plsc

N = 10000
E = 160000
D = 256
B = 4096
OUT = 1
BN_EPS = 1e-5

NC, NS, LANES = 2, 16, 16
NPAD = 10240
RPS = NPAD // NS
CHE = 128
EPW = 10240
EPAD = EPW * NS
NCHUNK = EPW // CHE
TILE = 8
NTILE = NCHUNK // TILE
NBUF = 2
CHP = 128
PPS = B // NS
PCH = PPS // CHP
CHPA = 64
PCHA = PPS // CHPA

@functools.lru_cache(maxsize=1)
def _mesh():
    return plsc.VectorSubcoreMesh(core_axis_name="c", subcore_axis_name="s",
                                  num_cores=NC, num_subcores=NS)



def _deg_body(dst_hbm, eli0_hbm, eli1_hbm, deg_hbm, dg1_hbm, dg2_hbm,
              dstv, ones_v, idx_v, vals_v, deg_sp, sem):
    c = lax.axis_index("c")
    s = lax.axis_index("s")
    for k in range(CHE // LANES):
        ones_v[pl.ds(k * LANES, LANES)] = jnp.full((LANES,), 1.0, jnp.float32)
    for t in range(RPS // CHE):
        pltpu.sync_copy(ones_v, deg_sp.at[pl.ds(s * RPS + t * CHE, CHE)])
    plsc.subcore_barrier()
    pltpu.sync_copy(dst_hbm.at[s], dstv)

    def count(g, carry):
        for k in range(8):
            pltpu.async_copy(ones_v, deg_sp.at[dstv.at[g * 8 + k]], sem,
                             add=True)
        for k in range(8):
            pltpu.make_async_copy(dst_hbm.at[0, 0], ones_v, sem).wait()
        return carry

    lax.fori_loop(0, NCHUNK // 8, count, 0)
    plsc.subcore_barrier()

    @pl.when(c == 0)
    def _():
        pltpu.sync_copy(deg_sp.at[pl.ds(s * RPS, RPS)],
                        deg_hbm.at[pl.ds(s * RPS, RPS)])

    @pl.when(c == 1)
    def _():
        for eli_hbm, dg_hbm in ((eli0_hbm, dg1_hbm), (eli1_hbm, dg2_hbm)):
            pltpu.sync_copy(eli_hbm.at[s], idx_v)
            for j in range(PCH):
                pltpu.async_copy(deg_sp.at[idx_v.at[j]], vals_v, sem).wait()
                pltpu.sync_copy(vals_v,
                                dg_hbm.at[pl.ds(s * PPS + j * CHP, CHP)])


def _sc_deg(dst_r, eli0_r, eli1_r):
    f = pl.kernel(
        _deg_body,
        out_type=(
            jax.ShapeDtypeStruct((NPAD,), jnp.float32),
            jax.ShapeDtypeStruct((B,), jnp.float32),
            jax.ShapeDtypeStruct((B,), jnp.float32),
        ),
        mesh=_mesh(),
        scratch_types=[
            pltpu.VMEM((NCHUNK, CHE), jnp.int32),
            pltpu.VMEM((CHE,), jnp.float32),
            pltpu.VMEM((PCH, CHP), jnp.int32),
            pltpu.VMEM((CHP,), jnp.float32),
            pltpu.VMEM_SHARED((NPAD,), jnp.float32),
            pltpu.SemaphoreType.DMA,
        ],
    )
    return f(dst_r, eli0_r, eli1_r)


def _agg_body(gather_pairs, hs_hbm, src_hbm, dst_hbm, eli0_hbm, eli1_hbm,
              *refs):
    if gather_pairs:
        d1_hbm, d2_hbm = refs[0], refs[1]
        refs = refs[2:]
    else:
        out_hbm = refs[0]
        refs = refs[1:]
    srcr, dstr, pidx = refs[0], refs[1], refs[2]
    rows = refs[3:3 + NBUF]
    acc = refs[3 + NBUF]
    sem_s, sem_d = refs[4 + NBUF], refs[5 + NBUF]
    sems = refs[6 + NBUF:6 + 2 * NBUF]
    sem_w = refs[6 + 2 * NBUF]
    c = lax.axis_index("c")
    s = lax.axis_index("s")
    pltpu.sync_copy(hs_hbm.at[pl.ds(c * NPAD + s * RPS, RPS)],
                    acc.at[pl.ds(s * RPS, RPS)])
    pltpu.sync_copy(src_hbm.at[c, s, 0], srcr.at[pl.ds(0, TILE)])
    pltpu.sync_copy(dst_hbm.at[s, 0], dstr.at[pl.ds(0, TILE)])
    pltpu.async_copy(hs_hbm.at[srcr.at[0]], rows[0], sems[0])
    plsc.subcore_barrier()

    def wait_rows(buf, sem):
        pltpu.make_async_copy(hs_hbm.at[pl.ds(0, CHE)], buf, sem).wait()

    def wait_tile(ring, sem, hbm_tile):
        pltpu.make_async_copy(hbm_tile, ring.at[pl.ds(0, TILE)], sem).wait()

    def wait_scatter():
        pltpu.make_async_copy(hs_hbm.at[pl.ds(0, CHE)], rows[0], sem_w).wait()

    def body(t, carry):
        p = lax.rem(t, 2)
        pn = 1 - p
        tn = lax.rem(t + 1, NTILE)
        pltpu.async_copy(src_hbm.at[c, s, tn],
                         srcr.at[pl.ds(pn * TILE, TILE)], sem_s)
        pltpu.async_copy(dst_hbm.at[s, tn],
                         dstr.at[pl.ds(pn * TILE, TILE)], sem_d)
        for k in range(TILE):
            cur, csem = rows[k % NBUF], sems[k % NBUF]
            nxt, nsem = rows[(k + 1) % NBUF], sems[(k + 1) % NBUF]
            if k == TILE - 1:
                wait_tile(srcr, sem_s, src_hbm.at[c, s, 0])
                wait_tile(dstr, sem_d, dst_hbm.at[s, 0])
                nrow = pn * TILE
            else:
                nrow = p * TILE + k + 1
            if k < NBUF - 1:
                @pl.when(t > 0)
                def _():
                    wait_scatter()
            else:
                wait_scatter()
            pltpu.async_copy(hs_hbm.at[srcr.at[nrow]], nxt, nsem)
            wait_rows(cur, csem)
            pltpu.async_copy(cur, acc.at[dstr.at[p * TILE + k]], sem_w,
                             add=True)
        return carry

    lax.fori_loop(0, NTILE, body, 0)
    for _ in range(NBUF - 1):
        wait_scatter()
    wait_rows(rows[0], sems[0])
    plsc.subcore_barrier()
    if gather_pairs:
        stage = rows[0].at[pl.ds(0, CHPA)]
        for eli_hbm, d_hbm in ((eli0_hbm, d1_hbm), (eli1_hbm, d2_hbm)):
            pltpu.sync_copy(eli_hbm.at[s], pidx)
            for j in range(PCHA):
                pltpu.async_copy(acc.at[pidx.at[j]], stage, sems[0]).wait()
                pltpu.sync_copy(stage,
                                d_hbm.at[c, pl.ds(s * PPS + j * CHPA, CHPA)])
    else:
        pltpu.sync_copy(acc.at[pl.ds(s * RPS, RPS)],
                        out_hbm.at[c, pl.ds(s * RPS, RPS)])


def _sc_agg(hs_flat, src_r, dst_r, eli0_r, eli1_r, gather_pairs):
    if gather_pairs:
        out_type = (
            jax.ShapeDtypeStruct((NC, B, 128), jnp.float32),
            jax.ShapeDtypeStruct((NC, B, 128), jnp.float32),
        )
    else:
        out_type = jax.ShapeDtypeStruct((NC, NPAD, 128), jnp.float32)
    f = pl.kernel(
        functools.partial(_agg_body, gather_pairs),
        out_type=out_type,
        mesh=_mesh(),
        scratch_types=(
            [pltpu.VMEM((2 * TILE, CHE), jnp.int32),
             pltpu.VMEM((2 * TILE, CHE), jnp.int32),
             pltpu.VMEM((PCHA, CHPA), jnp.int32)]
            + [pltpu.VMEM((CHE, 128), jnp.float32) for _ in range(NBUF)]
            + [pltpu.VMEM_SHARED((NPAD, 128), jnp.float32)]
            + [pltpu.SemaphoreType.DMA for _ in range(3 + NBUF)]
        ),
    )
    return f(hs_flat, src_r, dst_r, eli0_r, eli1_r)



BM = 1024


def _mm1_body(emb_ref, deg_ref, w_ref, out_ref):
    i = pl.program_id(0)
    dinv = lax.rsqrt(deg_ref[...])
    hw = jnp.dot(emb_ref[...], w_ref[...],
                 preferred_element_type=jnp.float32)
    hs = hw * dinv
    rows = i * BM + lax.broadcasted_iota(jnp.int32, (BM, 1), 0)
    hs = jnp.where(rows < N, hs, 0.0)
    out_ref[0] = hs[:, :128]
    out_ref[1] = hs[:, 128:]


def _mm2_body(agg_ref, deg_ref, w_ref, b_ref, out_ref):
    i = pl.program_id(0)
    dinv = lax.rsqrt(deg_ref[...])
    agg = jnp.concatenate([agg_ref[0], agg_ref[1]], axis=1)
    h1 = jnp.maximum(agg * dinv + b_ref[...], 0.0)
    hs = jnp.dot(h1, w_ref[...], preferred_element_type=jnp.float32) * dinv
    rows = i * BM + lax.broadcasted_iota(jnp.int32, (BM, 1), 0)
    hs = jnp.where(rows < N, hs, 0.0)
    out_ref[0] = hs[:, :128]
    out_ref[1] = hs[:, 128:]


def _head_body(d1_ref, d2_ref, g1_ref, g2_ref, bg2_ref,
               w1_ref, b1_ref, w2_ref, b2_ref,
               fw1_ref, fb1_ref, fw2_ref, fb2_ref, out_ref):
    def tr(d_ref, g_ref):
        d = jnp.concatenate([d_ref[0], d_ref[1]], axis=1)
        d = d * lax.rsqrt(g_ref[...]) + bg2_ref[...]
        z = jnp.maximum(
            jnp.dot(d, w1_ref[...], preferred_element_type=jnp.float32)
            + b1_ref[...], 0.0)
        return (jnp.dot(z, w2_ref[...], preferred_element_type=jnp.float32)
                + b2_ref[...])

    comb = tr(d1_ref, g1_ref) * tr(d2_ref, g2_ref)
    z = jnp.maximum(
        jnp.dot(comb, fw1_ref[...], preferred_element_type=jnp.float32)
        + fb1_ref[...], 0.0)
    out_ref[...] = (jnp.dot(z, fw2_ref[...], preferred_element_type=jnp.float32)
                    + fb2_ref[...])


def _tc_mm1(emb_pad, deg2, Wg1):
    grid = (NPAD // BM,)
    return pl.pallas_call(
        _mm1_body,
        grid=grid,
        in_specs=[
            pl.BlockSpec((BM, D), lambda i: (i, 0)),
            pl.BlockSpec((BM, 1), lambda i: (i, 0)),
            pl.BlockSpec((D, D), lambda i: (0, 0)),
        ],
        out_specs=pl.BlockSpec((NC, BM, 128), lambda i: (0, i, 0)),
        out_shape=jax.ShapeDtypeStruct((NC, NPAD, 128), jnp.float32),
    )(emb_pad, deg2, Wg1)


def _tc_mm2(agg1, deg2, Wg2, bg1):
    grid = (NPAD // BM,)
    return pl.pallas_call(
        _mm2_body,
        grid=grid,
        in_specs=[
            pl.BlockSpec((NC, BM, 128), lambda i: (0, i, 0)),
            pl.BlockSpec((BM, 1), lambda i: (i, 0)),
            pl.BlockSpec((D, D), lambda i: (0, 0)),
            pl.BlockSpec((1, D), lambda i: (0, 0)),
        ],
        out_specs=pl.BlockSpec((NC, BM, 128), lambda i: (0, i, 0)),
        out_shape=jax.ShapeDtypeStruct((NC, NPAD, 128), jnp.float32),
    )(agg1, deg2, Wg2, bg1.reshape(1, D))


def _tc_head(d1g, d2g, dg1, dg2, bg2, w1f, b1f, w2f, b2f, fw1f, fb1f,
             fw2p, fb2p):
    HB = 1024
    grid = (B // HB,)
    full = lambda shape: pl.BlockSpec(shape, lambda i: tuple(0 for _ in shape))
    return pl.pallas_call(
        _head_body,
        grid=grid,
        in_specs=[
            pl.BlockSpec((NC, HB, 128), lambda i: (0, i, 0)),
            pl.BlockSpec((NC, HB, 128), lambda i: (0, i, 0)),
            pl.BlockSpec((HB, 1), lambda i: (i, 0)),
            pl.BlockSpec((HB, 1), lambda i: (i, 0)),
            full((1, D)),
            full((D, D)), full((1, D)),
            full((D, D)), full((1, D)),
            full((D, D)), full((1, D)),
            full((D, 128)), full((1, 128)),
        ],
        out_specs=pl.BlockSpec((HB, 128), lambda i: (i, 0)),
        out_shape=jax.ShapeDtypeStruct((B, 128), jnp.float32),
    )(d1g, d2g, dg1, dg2, bg2, w1f, b1f, w2f, b2f, fw1f, fb1f, fw2p, fb2p)



def kernel(x, edge_index, edge_label_index, emb,
           Wg1, bg1, Wg2, bg2,
           tr_W1, tr_b1, tr_g1, tr_be1, tr_W2, tr_b2, tr_g2, tr_be2,
           fc_W1, fc_b1, fc_g1, fc_be1, fc_W2, fc_b2):
    f32 = jnp.float32
    src = edge_index[0]
    dst = edge_index[1]

    npad_edges = EPAD - E
    pad_idx = (N + (jnp.arange(npad_edges, dtype=jnp.int32) % (NPAD - N)))
    srcp = jnp.concatenate([src, pad_idx])
    dstp = jnp.concatenate([dst, pad_idx])
    src_r = jnp.stack([srcp, srcp + NPAD]).reshape(NC, NS, NTILE, TILE, CHE)
    dst_r = dstp.reshape(NS, NTILE, TILE, CHE)
    dst_deg = dstp.reshape(NS, NCHUNK, CHE)
    eli0_d = edge_label_index[0].reshape(NS, PCH, CHP)
    eli1_d = edge_label_index[1].reshape(NS, PCH, CHP)
    eli0_a = edge_label_index[0].reshape(NS, PCHA, CHPA)
    eli1_a = edge_label_index[1].reshape(NS, PCHA, CHPA)

    k1 = tr_g1 / jnp.sqrt(1.0 + BN_EPS)
    w1f = tr_W1 * k1[None, :]
    b1f = (tr_b1 * k1 + tr_be1).reshape(1, D)
    k2 = tr_g2 / jnp.sqrt(1.0 + BN_EPS)
    w2f = tr_W2 * k2[None, :]
    b2f = (tr_b2 * k2 + tr_be2).reshape(1, D)
    kf = fc_g1 / jnp.sqrt(1.0 + BN_EPS)
    fw1f = fc_W1 * kf[None, :]
    fb1f = (fc_b1 * kf + fc_be1).reshape(1, D)
    fw2p = jnp.pad(fc_W2, ((0, 0), (0, 128 - OUT)))
    fb2p = jnp.pad(fc_b2, (0, 128 - OUT)).reshape(1, 128)

    deg, dg1, dg2 = _sc_deg(dst_deg, eli0_d, eli1_d)
    deg2 = deg.reshape(NPAD, 1)
    hs1 = _tc_mm1(emb, deg2, Wg1).reshape(NC * NPAD, 128)
    agg1 = _sc_agg(hs1, src_r, dst_r, eli0_a, eli1_a, gather_pairs=False)
    hs2 = _tc_mm2(agg1, deg2, Wg2, bg1).reshape(NC * NPAD, 128)
    d1g, d2g = _sc_agg(hs2, src_r, dst_r, eli0_a, eli1_a, gather_pairs=True)
    out = _tc_head(d1g, d2g, dg1.reshape(B, 1), dg2.reshape(B, 1),
                   bg2.reshape(1, D), w1f, b1f, w2f, b2f, fw1f, fb1f,
                   fw2p, fb2p)
    return out[:, :OUT]

# --- scband reference (transcript-rebuilt; emitter-appended) ---
"""Pipeline reference for scband-comb-gnn-55611236548986 (READ-ONLY COPY).

The authoritative reference and input builder live on the scoring server;
editing this copy changes nothing except your own understanding.
"""

import jax, jax.numpy as jnp
import numpy as np

N = 10000
E = 160000
D = 256
B = 4096
OUT = 1
BN_EPS = 1e-5

def _gcn_conv(h, src, dst, W, b):
    n = h.shape[0]
    loop = jnp.arange(n, dtype=src.dtype)
    s = jnp.concatenate([src, loop])
    d = jnp.concatenate([dst, loop])
    deg = jnp.zeros((n,), dtype=h.dtype).at[d].add(1.0)
    dinv = 1.0 / jnp.sqrt(deg)
    norm = dinv[s] * dinv[d]
    hw = h @ W
    msg = hw[s] * norm[:, None]
    out = jnp.zeros_like(hw).at[d].add(msg)
    return out + b

def _bn_eval(x, g, be):
    # BatchNorm1d in eval mode with running_mean=0, running_var=1
    return x * (g / jnp.sqrt(1.0 + BN_EPS)) + be

def setup_inputs(seed: int = 0):
    key = jax.random.key(seed)
    ks = jax.random.split(key, 20)
    s = 0.05
    inp = {}
    inp["x"] = jnp.arange(N, dtype=jnp.int32)
    inp["edge_index"] = jax.random.randint(ks[0], (2, E), 0, N, dtype=jnp.int32)
    inp["edge_label_index"] = jax.random.randint(ks[1], (2, B), 0, N, dtype=jnp.int32)
    inp["emb"] = jax.random.normal(ks[2], (N, D), dtype=jnp.float32) * s
    inp["Wg1"] = jax.random.normal(ks[3], (D, D), dtype=jnp.float32) * s
    inp["bg1"] = jnp.zeros((D,), dtype=jnp.float32)
    inp["Wg2"] = jax.random.normal(ks[4], (D, D), dtype=jnp.float32) * s
    inp["bg2"] = jnp.zeros((D,), dtype=jnp.float32)
    inp["tr_W1"] = jax.random.normal(ks[5], (D, D), dtype=jnp.float32) * s
    inp["tr_b1"] = jnp.zeros((D,), dtype=jnp.float32)
    inp["tr_g1"] = jnp.ones((D,), dtype=jnp.float32)
    inp["tr_be1"] = jnp.zeros((D,), dtype=jnp.float32)
    inp["tr_W2"] = jax.random.normal(ks[6], (D, D), dtype=jnp.float32) * s
    inp["tr_b2"] = jnp.zeros((D,), dtype=jnp.float32)
    inp["tr_g2"] = jnp.ones((D,), dtype=jnp.float32)
    inp["tr_be2"] = jnp.zeros((D,), dtype=jnp.float32)
    inp["fc_W1"] = jax.random.normal(ks[7], (D, D), dtype=jnp.float32) * s
    inp["fc_b1"] = jnp.zeros((D,), dtype=jnp.float32)
    inp["fc_g1"] = jnp.ones((D,), dtype=jnp.float32)
    inp["fc_be1"] = jnp.zeros((D,), dtype=jnp.float32)
    inp["fc_W2"] = jax.random.normal(ks[8], (D, OUT), dtype=jnp.float32) * s
    inp["fc_b2"] = jnp.zeros((OUT,), dtype=jnp.float32)
    return inp

def reference(x, edge_index, edge_label_index, emb, Wg1, bg1, Wg2, bg2, tr_W1, tr_b1, tr_g1, tr_be1, tr_W2, tr_b2, tr_g2, tr_be2, fc_W1, fc_b1, fc_g1, fc_be1, fc_W2, fc_b2):
    src, dst = edge_index[0], edge_index[1]
    h = emb[x]
    h = jax.nn.relu(_gcn_conv(h, src, dst, Wg1, bg1))
    h = _gcn_conv(h, src, dst, Wg2, bg2)
    d1 = h[edge_label_index[0]]
    d2 = h[edge_label_index[1]]
    def tr(z):
        z = _bn_eval(z @ tr_W1 + tr_b1, tr_g1, tr_be1)
        z = jax.nn.relu(z)
        z = _bn_eval(z @ tr_W2 + tr_b2, tr_g2, tr_be2)
        return z
    d1 = tr(d1)
    d2 = tr(d2)
    comb = d1 * d2
    z = _bn_eval(comb @ fc_W1 + fc_b1, fc_g1, fc_be1)
    z = jax.nn.relu(z)
    out = z @ fc_W2 + fc_b2
    return out

if __name__ == "__main__":
    import jax
    _d = setup_inputs()
    print(jax.jit(kernel)(*tuple(_d.values())))

</pallas_src>

<mosaic_0001>
#map = affine_map<(d0, d1) -> (0, 0)>
#map1 = affine_map<(d0, d1) -> (0, 0, 0, 0, 0)>
#map2 = affine_map<(d0, d1) -> (0, 0, 0, 0)>
#map3 = affine_map<(d0, d1) -> (0, 0, 0)>
module attributes {stable_mosaic.version = 14 : i64} {
  func.func @_agg_body(%arg0: i32, %arg1: i32, %arg2: memref<20480x128xf32, #tpu.memory_space<hbm>>, %arg3: memref<2x16x10x8x128xi32, #tpu.memory_space<hbm>>, %arg4: memref<16x10x8x128xi32, #tpu.memory_space<hbm>>, %arg5: memref<16x4x64xi32, #tpu.memory_space<hbm>>, %arg6: memref<16x4x64xi32, #tpu.memory_space<hbm>>, %arg7: memref<2x10240x128xf32, #tpu.memory_space<hbm>>, %arg8: memref<16x128xi32, #tpu.memory_space<vmem>>, %arg9: memref<16x128xi32, #tpu.memory_space<vmem>>, %arg10: memref<4x64xi32, #tpu.memory_space<vmem>>, %arg11: memref<128x128xf32, #tpu.memory_space<vmem>>, %arg12: memref<128x128xf32, #tpu.memory_space<vmem>>, %arg13: memref<10240x128xf32, #tpu.memory_space<vmem_shared>>, %arg14: memref<!tpu.dma_semaphore, #tpu.memory_space<semaphore_mem>>, %arg15: memref<!tpu.dma_semaphore, #tpu.memory_space<semaphore_mem>>, %arg16: memref<!tpu.dma_semaphore, #tpu.memory_space<semaphore_mem>>, %arg17: memref<!tpu.dma_semaphore, #tpu.memory_space<semaphore_mem>>, %arg18: memref<!tpu.dma_semaphore, #tpu.memory_space<semaphore_mem>>) attributes {dimension_semantics = [#tpu.dimension_semantics<core_parallel>, #tpu.dimension_semantics<subcore_parallel>], iteration_bounds = array<i64: 2, 16>, scalar_prefetch = 0 : i64, scratch_operands = 11 : i64, tpu.core_type = #tpu.core_type<sc_vector_subcore>, window_params = [{transform_indices = #map}, {transform_indices = #map1}, {transform_indices = #map2}, {transform_indices = #map3}, {transform_indices = #map3}, {transform_indices = #map3}]} {
    %mul3A = arith.constant 10240 : i32
    %mul3A_0 = arith.muli %arg0, %mul3A : i32
    %mul3A_1 = arith.constant 640 : i32
    %mul3A_2 = arith.muli %arg1, %mul3A_1 : i32
    %add3A = arith.addi %mul3A_0, %mul3A_2 : i32
    %mul3A_3 = arith.constant 640 : i32
    %mul3A_4 = arith.muli %arg1, %mul3A_3 : i32
    "tpu.region"() ({
      %run_scoped3A_33 = tpu.sem_alloc : memref<!tpu.dma_semaphore, #tpu.memory_space<semaphore_mem>>
      %dma_start3A_34 = arith.constant 0 : i32
      %dma_start3A_35 = tpu.memref_slice %arg13[%mul3A_4, %dma_start3A_34] : memref<10240x128xf32, #tpu.memory_space<vmem_shared>> -> memref<640x128xf32, #tpu.memory_space<vmem_shared>>
      %dma_start3A_36 = arith.constant 0 : i32
      %dma_start3A_37 = tpu.memref_slice %arg2[%add3A, %dma_start3A_36] : memref<20480x128xf32, #tpu.memory_space<hbm>> -> memref<640x128xf32, #tpu.memory_space<hbm>>
      tpu.enqueue_dma source(%dma_start3A_37 : memref<640x128xf32, #tpu.memory_space<hbm>>) target(%dma_start3A_35 : memref<640x128xf32, #tpu.memory_space<vmem_shared>>) target_semaphore(%run_scoped3A_33 : memref<!tpu.dma_semaphore, #tpu.memory_space<semaphore_mem>>)
      %dma_wait3A_38 = arith.constant 0 : i32
      %dma_wait3A_39 = tpu.memref_slice %arg13[%mul3A_4, %dma_wait3A_38] : memref<10240x128xf32, #tpu.memory_space<vmem_shared>> -> memref<640x128xf32, #tpu.memory_space<vmem_shared>>
      %dma_wait3A_40 = arith.constant 0 : i32
      %dma_wait3A_41 = tpu.memref_slice %arg2[%add3A, %dma_wait3A_40] : memref<20480x128xf32, #tpu.memory_space<hbm>> -> memref<640x128xf32, #tpu.memory_space<hbm>>
      tpu.wait_dma2 semaphore(%run_scoped3A_33 : memref<!tpu.dma_semaphore, #tpu.memory_space<semaphore_mem>>) src(%dma_wait3A_41 : memref<640x128xf32, #tpu.memory_space<hbm>>) dst(%dma_wait3A_39 : memref<640x128xf32, #tpu.memory_space<vmem_shared>>)
      tpu.yield
    }) : () -> ()
    %run_scoped3A = arith.constant 0 : i32
    "tpu.region"() ({
      %run_scoped3A_33 = tpu.sem_alloc : memref<!tpu.dma_semaphore, #tpu.memory_space<semaphore_mem>>
      %dma_start3A_34 = arith.constant 0 : i32
      %dma_start3A_35 = arith.constant 0 : i32
      %dma_start3A_36 = tpu.memref_slice %arg8[%dma_start3A_34, %dma_start3A_35] : memref<16x128xi32, #tpu.memory_space<vmem>> -> memref<8x128xi32, #tpu.memory_space<vmem>>
      %dma_start3A_37 = arith.constant 0 : i32
      %dma_start3A_38 = arith.constant 0 : i32
      %dma_start3A_39 = tpu.memref_slice %arg3[%arg0, %arg1, %run_scoped3A, %dma_start3A_37, %dma_start3A_38] : memref<2x16x10x8x128xi32, #tpu.memory_space<hbm>> -> memref<1x1x1x8x128xi32, #tpu.memory_space<hbm>>
      %dma_start3A_40 = tpu.memref_squeeze %dma_start3A_39 : memref<1x1x1x8x128xi32, #tpu.memory_space<hbm>> -> memref<8x128xi32, #tpu.memory_space<hbm>>
      %dma_start3A_41 = arith.constant 0 : i32
      %dma_start3A_42 = arith.constant 0 : i32
      %dma_start3A_43 = tpu.memref_slice %arg8[%dma_start3A_41, %dma_start3A_42] : memref<16x128xi32, #tpu.memory_space<vmem>> -> memref<8x128xi32, #tpu.memory_space<vmem>>
      %dma_start3A_44 = arith.constant 0 : i32
      %dma_start3A_45 = arith.constant 0 : i32
      %dma_start3A_46 = tpu.memref_slice %arg3[%arg0, %arg1, %run_scoped3A, %dma_start3A_44, %dma_start3A_45] : memref<2x16x10x8x128xi32, #tpu.memory_space<hbm>> -> memref<1x1x1x8x128xi32, #tpu.memory_space<hbm>>
      %dma_start3A_47 = tpu.memref_squeeze %dma_start3A_46 : memref<1x1x1x8x128xi32, #tpu.memory_space<hbm>> -> memref<8x128xi32, #tpu.memory_space<hbm>>
      tpu.enqueue_dma source(%dma_start3A_47 : memref<8x128xi32, #tpu.memory_space<hbm>>) target(%dma_start3A_43 : memref<8x128xi32, #tpu.memory_space<vmem>>) target_semaphore(%run_scoped3A_33 : memref<!tpu.dma_semaphore, #tpu.memory_space<semaphore_mem>>)
      %dma_wait3A_48 = arith.constant 0 : i32
      %dma_wait3A_49 = arith.constant 0 : i32
      %dma_wait3A_50 = tpu.memref_slice %arg8[%dma_wait3A_48, %dma_wait3A_49] : memref<16x128xi32, #tpu.memory_space<vmem>> -> memref<8x128xi32, #tpu.memory_space<vmem>>
      %dma_wait3A_51 = arith.constant 0 : i32
      %dma_wait3A_52 = arith.constant 0 : i32
      %dma_wait3A_53 = tpu.memref_slice %arg3[%arg0, %arg1, %run_scoped3A, %dma_wait3A_51, %dma_wait3A_52] : memref<2x16x10x8x128xi32, #tpu.memory_space<hbm>> -> memref<1x1x1x8x128xi32, #tpu.memory_space<hbm>>
      %dma_wait3A_54 = tpu.memref_squeeze %dma_wait3A_53 : memref<1x1x1x8x128xi32, #tpu.memory_space<hbm>> -> memref<8x128xi32, #tpu.memory_space<hbm>>
      %dma_wait3A_55 = arith.constant 0 : i32
      %dma_wait3A_56 = arith.constant 0 : i32
      %dma_wait3A_57 = tpu.memref_slice %arg8[%dma_wait3A_55, %dma_wait3A_56] : memref<16x128xi32, #tpu.memory_space<vmem>> -> memref<8x128xi32, #tpu.memory_space<vmem>>
      %dma_wait3A_58 = arith.constant 0 : i32
      %dma_wait3A_59 = arith.constant 0 : i32
      %dma_wait3A_60 = tpu.memref_slice %arg3[%arg0, %arg1, %run_scoped3A, %dma_wait3A_58, %dma_wait3A_59] : memref<2x16x10x8x128xi32, #tpu.memory_space<hbm>> -> memref<1x1x1x8x128xi32, #tpu.memory_space<hbm>>
      %dma_wait3A_61 = tpu.memref_squeeze %dma_wait3A_60 : memref<1x1x1x8x128xi32, #tpu.memory_space<hbm>> -> memref<8x128xi32, #tpu.memory_space<hbm>>
      tpu.wait_dma2 semaphore(%run_scoped3A_33 : memref<!tpu.dma_semaphore, #tpu.memory_space<semaphore_mem>>) src(%dma_wait3A_61 : memref<8x128xi32, #tpu.memory_space<hbm>>) dst(%dma_wait3A_57 : memref<8x128xi32, #tpu.memory_space<vmem>>)
      tpu.yield
    }) : () -> ()
    %run_scoped3A_5 = arith.constant 0 : i32
    "tpu.region"() ({
      %run_scoped3A_33 = tpu.sem_alloc : memref<!tpu.dma_semaphore, #tpu.memory_space<semaphore_mem>>
      %dma_start3A_34 = arith.constant 0 : i32
      %dma_start3A_35 = arith.constant 0 : i32
      %dma_start3A_36 = tpu.memref_slice %arg9[%dma_start3A_34, %dma_start3A_35] : memref<16x128xi32, #tpu.memory_space<vmem>> -> memref<8x128xi32, #tpu.memory_space<vmem>>
      %dma_start3A_37 = arith.constant 0 : i32
      %dma_start3A_38 = arith.constant 0 : i32
      %dma_start3A_39 = tpu.memref_slice %arg4[%arg1, %run_scoped3A_5, %dma_start3A_37, %dma_start3A_38] : memref<16x10x8x128xi32, #tpu.memory_space<hbm>> -> memref<1x1x8x128xi32, #tpu.memory_space<hbm>>
      %dma_start3A_40 = tpu.memref_squeeze %dma_start3A_39 : memref<1x1x8x128xi32, #tpu.memory_space<hbm>> -> memref<8x128xi32, #tpu.memory_space<hbm>>
      %dma_start3A_41 = arith.constant 0 : i32
      %dma_start3A_42 = arith.constant 0 : i32
      %dma_start3A_43 = tpu.memref_slice %arg9[%dma_start3A_41, %dma_start3A_42] : memref<16x128xi32, #tpu.memory_space<vmem>> -> memref<8x128xi32, #tpu.memory_space<vmem>>
      %dma_start3A_44 = arith.constant 0 : i32
      %dma_start3A_45 = arith.constant 0 : i32
      %dma_start3A_46 = tpu.memref_slice %arg4[%arg1, %run_scoped3A_5, %dma_start3A_44, %dma_start3A_45] : memref<16x10x8x128xi32, #tpu.memory_space<hbm>> -> memref<1x1x8x128xi32, #tpu.memory_space<hbm>>
      %dma_start3A_47 = tpu.memref_squeeze %dma_start3A_46 : memref<1x1x8x128xi32, #tpu.memory_space<hbm>> -> memref<8x128xi32, #tpu.memory_space<hbm>>
      tpu.enqueue_dma source(%dma_start3A_47 : memref<8x128xi32, #tpu.memory_space<hbm>>) target(%dma_start3A_43 : memref<8x128xi32, #tpu.memory_space<vmem>>) target_semaphore(%run_scoped3A_33 : memref<!tpu.dma_semaphore, #tpu.memory_space<semaphore_mem>>)
      %dma_wait3A_48 = arith.constant 0 : i32
      %dma_wait3A_49 = arith.constant 0 : i32
      %dma_wait3A_50 = tpu.memref_slice %arg9[%dma_wait3A_48, %dma_wait3A_49] : memref<16x128xi32, #tpu.memory_space<vmem>> -> memref<8x128xi32, #tpu.memory_space<vmem>>
      %dma_wait3A_51 = arith.constant 0 : i32
      %dma_wait3A_52 = arith.constant 0 : i32
      %dma_wait3A_53 = tpu.memref_slice %arg4[%arg1, %run_scoped3A_5, %dma_wait3A_51, %dma_wait3A_52] : memref<16x10x8x128xi32, #tpu.memory_space<hbm>> -> memref<1x1x8x128xi32, #tpu.memory_space<hbm>>
      %dma_wait3A_54 = tpu.memref_squeeze %dma_wait3A_53 : memref<1x1x8x128xi32, #tpu.memory_space<hbm>> -> memref<8x128xi32, #tpu.memory_space<hbm>>
      %dma_wait3A_55 = arith.constant 0 : i32
      %dma_wait3A_56 = arith.constant 0 : i32
      %dma_wait3A_57 = tpu.memref_slice %arg9[%dma_wait3A_55, %dma_wait3A_56] : memref<16x128xi32, #tpu.memory_space<vmem>> -> memref<8x128xi32, #tpu.memory_space<vmem>>
      %dma_wait3A_58 = arith.constant 0 : i32
      %dma_wait3A_59 = arith.constant 0 : i32
      %dma_wait3A_60 = tpu.memref_slice %arg4[%arg1, %run_scoped3A_5, %dma_wait3A_58, %dma_wait3A_59] : memref<16x10x8x128xi32, #tpu.memory_space<hbm>> -> memref<1x1x8x128xi32, #tpu.memory_space<hbm>>
      %dma_wait3A_61 = tpu.memref_squeeze %dma_wait3A_60 : memref<1x1x8x128xi32, #tpu.memory_space<hbm>> -> memref<8x128xi32, #tpu.memory_space<hbm>>
      tpu.wait_dma2 semaphore(%run_scoped3A_33 : memref<!tpu.dma_semaphore, #tpu.memory_space<semaphore_mem>>) src(%dma_wait3A_61 : memref<8x128xi32, #tpu.memory_space<hbm>>) dst(%dma_wait3A_57 : memref<8x128xi32, #tpu.memory_space<vmem>>)
      tpu.yield
    }) : () -> ()
    %dma_start3A = arith.constant 0 : i32
    %dma_start3A_6 = arith.constant 0 : i32
    %dma_start3A_7 = tpu.memref_slice %arg8[%dma_start3A, %dma_start3A_6] : memref<16x128xi32, #tpu.memory_space<vmem>> -> memref<1x128xi32, #tpu.memory_space<vmem>>
    %dma_start3A_8 = tpu.memref_squeeze %dma_start3A_7 : memref<1x128xi32, #tpu.memory_space<vmem>> -> memref<128xi32, #tpu.memory_space<vmem>>
    %dma_start3A_9 = arith.constant 0 : i32
    %dma_start3A_10 = arith.constant 0 : i32
    %dma_start3A_11 = tpu.memref_slice %arg2[%dma_start3A_9, %dma_start3A_10] : memref<20480x128xf32, #tpu.memory_space<hbm>> -> memref<20480x128xf32, #tpu.memory_space<hbm>>
    tpu.enqueue_indirect_dma source(%dma_start3A_11 : memref<20480x128xf32, #tpu.memory_space<hbm>>) target(%arg11 : memref<128x128xf32, #tpu.memory_space<vmem>>) offsets(%dma_start3A_8 : memref<128xi32, #tpu.memory_space<vmem>>) semaphore(%arg16 : memref<!tpu.dma_semaphore, #tpu.memory_space<semaphore_mem>>)
    %barrier3A = arith.constant 0 : index
    tpu.barrier barrier_id(%barrier3A)
    %scan3A = arith.constant 0 : i32
    %scan3A_12 = arith.constant 0 : i32
    %scan3A_13 = arith.constant 10 : i32
    %scan3A_14 = arith.addi %scan3A_12, %scan3A_13 : i32
    %scan3A_15 = arith.constant 1 : i32
    scf.for %scan3A_33 = %scan3A_12 to %scan3A_14 step %scan3A_15  : i32 {
      %rem3A = arith.constant 2 : i32
      %rem3A_34 = arith.remsi %scan3A_33, %rem3A : i32
      %sub3A = arith.constant 1 : i32
      %sub3A_35 = arith.subi %sub3A, %rem3A_34 : i32
      %add3A_36 = arith.constant 1 : i32
      %add3A_37 = arith.addi %scan3A_33, %add3A_36 : i32
      %rem3A_38 = arith.constant 10 : i32
      %rem3A_39 = arith.remsi %add3A_37, %rem3A_38 : i32
      %mul3A_40 = arith.constant 8 : i32
      %mul3A_41 = arith.muli %sub3A_35, %mul3A_40 : i32
      %dma_start3A_42 = arith.constant 0 : i32
      %dma_start3A_43 = tpu.memref_slice %arg8[%mul3A_41, %dma_start3A_42] : memref<16x128xi32, #tpu.memory_space<vmem>> -> memref<8x128xi32, #tpu.memory_space<vmem>>
      %dma_start3A_44 = arith.constant 0 : i32
      %dma_start3A_45 = arith.constant 0 : i32
      %dma_start3A_46 = tpu.memref_slice %arg3[%arg0, %arg1, %rem3A_39, %dma_start3A_44, %dma_start3A_45] : memref<2x16x10x8x128xi32, #tpu.memory_space<hbm>> -> memref<1x1x1x8x128xi32, #tpu.memory_space<hbm>>
      %dma_start3A_47 = tpu.memref_squeeze %dma_start3A_46 : memref<1x1x1x8x128xi32, #tpu.memory_space<hbm>> -> memref<8x128xi32, #tpu.memory_space<hbm>>
      %dma_start3A_48 = arith.constant 0 : i32
      %dma_start3A_49 = tpu.memref_slice %arg8[%mul3A_41, %dma_start3A_48] : memref<16x128xi32, #tpu.memory_space<vmem>> -> memref<8x128xi32, #tpu.memory_space<vmem>>
      %dma_start3A_50 = arith.constant 0 : i32
      %dma_start3A_51 = arith.constant 0 : i32
      %dma_start3A_52 = tpu.memref_slice %arg3[%arg0, %arg1, %rem3A_39, %dma_start3A_50, %dma_start3A_51] : memref<2x16x10x8x128xi32, #tpu.memory_space<hbm>> -> memref<1x1x1x8x128xi32, #tpu.memory_space<hbm>>
      %dma_start3A_53 = tpu.memref_squeeze %dma_start3A_52 : memref<1x1x1x8x128xi32, #tpu.memory_space<hbm>> -> memref<8x128xi32, #tpu.memory_space<hbm>>
      tpu.enqueue_dma source(%dma_start3A_53 : memref<8x128xi32, #tpu.memory_space<hbm>>) target(%dma_start3A_49 : memref<8x128xi32, #tpu.memory_space<vmem>>) target_semaphore(%arg14 : memref<!tpu.dma_semaphore, #tpu.memory_space<semaphore_mem>>)
      %mul3A_54 = arith.constant 8 : i32
      %mul3A_55 = arith.muli %sub3A_35, %mul3A_54 : i32
      %dma_start3A_56 = arith.constant 0 : i32
      %dma_start3A_57 = tpu.memref_slice %arg9[%mul3A_55, %dma_start3A_56] : memref<16x128xi32, #tpu.memory_space<vmem>> -> memref<8x128xi32, #tpu.memory_space<vmem>>
      %dma_start3A_58 = arith.constant 0 : i32
      %dma_start3A_59 = arith.constant 0 : i32
      %dma_start3A_60 = tpu.memref_slice %arg4[%arg1, %rem3A_39, %dma_start3A_58, %dma_start3A_59] : memref<16x10x8x128xi32, #tpu.memory_space<hbm>> -> memref<1x1x8x128xi32, #tpu.memory_space<hbm>>
      %dma_start3A_61 = tpu.memref_squeeze %dma_start3A_60 : memref<1x1x8x128xi32, #tpu.memory_space<hbm>> -> memref<8x128xi32, #tpu.memory_space<hbm>>
      %dma_start3A_62 = arith.constant 0 : i32
      %dma_start3A_63 = tpu.memref_slice %arg9[%mul3A_55, %dma_start3A_62] : memref<16x128xi32, #tpu.memory_space<vmem>> -> memref<8x128xi32, #tpu.memory_space<vmem>>
      %dma_start3A_64 = arith.constant 0 : i32
      %dma_start3A_65 = arith.constant 0 : i32
      %dma_start3A_66 = tpu.memref_slice %arg4[%arg1, %rem3A_39, %dma_start3A_64, %dma_start3A_65] : memref<16x10x8x128xi32, #tpu.memory_space<hbm>> -> memref<1x1x8x128xi32, #tpu.memory_space<hbm>>
      %dma_start3A_67 = tpu.memref_squeeze %dma_start3A_66 : memref<1x1x8x128xi32, #tpu.memory_space<hbm>> -> memref<8x128xi32, #tpu.memory_space<hbm>>
      tpu.enqueue_dma source(%dma_start3A_67 : memref<8x128xi32, #tpu.memory_space<hbm>>) target(%dma_start3A_63 : memref<8x128xi32, #tpu.memory_space<vmem>>) target_semaphore(%arg15 : memref<!tpu.dma_semaphore, #tpu.memory_space<semaphore_mem>>)
      %mul3A_68 = arith.constant 8 : i32
      %mul3A_69 = arith.muli %rem3A_34, %mul3A_68 : i32
      %add3A_70 = arith.constant 0 : i32
      %add3A_71 = arith.addi %mul3A_69, %add3A_70 : i32
      %add3A_72 = arith.constant 1 : i32
      %add3A_73 = arith.addi %add3A_71, %add3A_72 : i32
      %gt3A = arith.constant 0 : i32
      %gt3A_74 = arith.cmpi sgt, %scan3A_33, %gt3A : i32
      %convert_element_type3A = arith.extui %gt3A_74 : i1 to i32
      %cond3A = arith.constant 0 : i32
      %cond3A_75 = arith.cmpi ne, %convert_element_type3A, %cond3A : i32
      scf.if %cond3A_75 {
        %dma_wait3A_362 = arith.constant 0 : i32
        %dma_wait3A_363 = arith.constant 0 : i32
        %dma_wait3A_364 = tpu.memref_slice %arg2[%dma_wait3A_362, %dma_wait3A_363] : memref<20480x128xf32, #tpu.memory_space<hbm>> -> memref<128x128xf32, #tpu.memory_space<hbm>>
        %dma_wait3A_365 = arith.constant 0 : i32
        %dma_wait3A_366 = arith.constant 0 : i32
        %dma_wait3A_367 = tpu.memref_slice %arg2[%dma_wait3A_365, %dma_wait3A_366] : memref<20480x128xf32, #tpu.memory_space<hbm>> -> memref<128x128xf32, #tpu.memory_space<hbm>>
        tpu.wait_dma2 semaphore(%arg18 : memref<!tpu.dma_semaphore, #tpu.memory_space<semaphore_mem>>) src(%dma_wait3A_367 : memref<128x128xf32, #tpu.memory_space<hbm>>) dst(%arg11 : memref<128x128xf32, #tpu.memory_space<vmem>>)
      } else {
      }
      %dma_start3A_76 = arith.constant 0 : i32
      %dma_start3A_77 = tpu.memref_slice %arg8[%add3A_73, %dma_start3A_76] : memref<16x128xi32, #tpu.memory_space<vmem>> -> memref<1x128xi32, #tpu.memory_space<vmem>>
      %dma_start3A_78 = tpu.memref_squeeze %dma_start3A_77 : memref<1x128xi32, #tpu.memory_space<vmem>> -> memref<128xi32, #tpu.memory_space<vmem>>
      %dma_start3A_79 = arith.constant 0 : i32
      %dma_start3A_80 = arith.constant 0 : i32
      %dma_start3A_81 = tpu.memref_slice %arg2[%dma_start3A_79, %dma_start3A_80] : memref<20480x128xf32, #tpu.memory_space<hbm>> -> memref<20480x128xf32, #tpu.memory_space<hbm>>
      tpu.enqueue_indirect_dma source(%dma_start3A_81 : memref<20480x128xf32, #tpu.memory_space<hbm>>) target(%arg12 : memref<128x128xf32, #tpu.memory_space<vmem>>) offsets(%dma_start3A_78 : memref<128xi32, #tpu.memory_space<vmem>>) semaphore(%arg17 : memref<!tpu.dma_semaphore, #tpu.memory_space<semaphore_mem>>)
      %dma_wait3A_82 = arith.constant 0 : i32
      %dma_wait3A_83 = arith.constant 0 : i32
      %dma_wait3A_84 = tpu.memref_slice %arg2[%dma_wait3A_82, %dma_wait3A_83] : memref<20480x128xf32, #tpu.memory_space<hbm>> -> memref<128x128xf32, #tpu.memory_space<hbm>>
      %dma_wait3A_85 = arith.constant 0 : i32
      %dma_wait3A_86 = arith.constant 0 : i32
      %dma_wait3A_87 = tpu.memref_slice %arg2[%dma_wait3A_85, %dma_wait3A_86] : memref<20480x128xf32, #tpu.memory_space<hbm>> -> memref<128x128xf32, #tpu.memory_space<hbm>>
      tpu.wait_dma2 semaphore(%arg16 : memref<!tpu.dma_semaphore, #tpu.memory_space<semaphore_mem>>) src(%dma_wait3A_87 : memref<128x128xf32, #tpu.memory_space<hbm>>) dst(%arg11 : memref<128x128xf32, #tpu.memory_space<vmem>>)
      %mul3A_88 = arith.constant 8 : i32
      %mul3A_89 = arith.muli %rem3A_34, %mul3A_88 : i32
      %add3A_90 = arith.constant 0 : i32
      %add3A_91 = arith.addi %mul3A_89, %add3A_90 : i32
      %dma_start3A_92 = arith.constant 0 : i32
      %dma_start3A_93 = tpu.memref_slice %arg9[%add3A_91, %dma_start3A_92] : memref<16x128xi32, #tpu.memory_space<vmem>> -> memref<1x128xi32, #tpu.memory_space<vmem>>
      %dma_start3A_94 = tpu.memref_squeeze %dma_start3A_93 : memref<1x128xi32, #tpu.memory_space<vmem>> -> memref<128xi32, #tpu.memory_space<vmem>>
      %dma_start3A_95 = arith.constant 0 : i32
      %dma_start3A_96 = arith.constant 0 : i32
      %dma_start3A_97 = tpu.memref_slice %arg13[%dma_start3A_95, %dma_start3A_96] : memref<10240x128xf32, #tpu.memory_space<vmem_shared>> -> memref<10240x128xf32, #tpu.memory_space<vmem_shared>>
      tpu.enqueue_indirect_dma source(%arg11 : memref<128x128xf32, #tpu.memory_space<vmem>>) target(%dma_start3A_97 : memref<10240x128xf32, #tpu.memory_space<vmem_shared>>) offsets(%dma_start3A_94 : memref<128xi32, #tpu.memory_space<vmem>>) semaphore(%arg18 : memref<!tpu.dma_semaphore, #tpu.memory_space<semaphore_mem>>) {add = true}
      %mul3A_98 = arith.constant 8 : i32
      %mul3A_99 = arith.muli %rem3A_34, %mul3A_98 : i32
      %add3A_100 = arith.constant 1 : i32
      %add3A_101 = arith.addi %mul3A_99, %add3A_100 : i32
      %add3A_102 = arith.constant 1 : i32
      %add3A_103 = arith.addi %add3A_101, %add3A_102 : i32
      %dma_wait3A_104 = arith.constant 0 : i32
      %dma_wait3A_105 = arith.constant 0 : i32
      %dma_wait3A_106 = tpu.memref_slice %arg2[%dma_wait3A_104, %dma_wait3A_105] : memref<20480x128xf32, #tpu.memory_space<hbm>> -> memref<128x128xf32, #tpu.memory_space<hbm>>
      %dma_wait3A_107 = arith.constant 0 : i32
      %dma_wait3A_108 = arith.constant 0 : i32
      %dma_wait3A_109 = tpu.memref_slice %arg2[%dma_wait3A_107, %dma_wait3A_108] : memref<20480x128xf32, #tpu.memory_space<hbm>> -> memref<128x128xf32, #tpu.memory_space<hbm>>
      tpu.wait_dma2 semaphore(%arg18 : memref<!tpu.dma_semaphore, #tpu.memory_space<semaphore_mem>>) src(%dma_wait3A_109 : memref<128x128xf32, #tpu.memory_space<hbm>>) dst(%arg11 : memref<128x128xf32, #tpu.memory_space<vmem>>)
      %dma_start3A_110 = arith.constant 0 : i32
      %dma_start3A_111 = tpu.memref_slice %arg8[%add3A_103, %dma_start3A_110] : memref<16x128xi32, #tpu.memory_space<vmem>> -> memref<1x128xi32, #tpu.memory_space<vmem>>
      %dma_start3A_112 = tpu.memref_squeeze %dma_start3A_111 : memref<1x128xi32, #tpu.memory_space<vmem>> -> memref<128xi32, #tpu.memory_space<vmem>>
      %dma_start3A_113 = arith.constant 0 : i32
      %dma_start3A_114 = arith.constant 0 : i32
      %dma_start3A_115 = tpu.memref_slice %arg2[%dma_start3A_113, %dma_start3A_114] : memref<20480x128xf32, #tpu.memory_space<hbm>> -> memref<20480x128xf32, #tpu.memory_space<hbm>>
      tpu.enqueue_indirect_dma source(%dma_start3A_115 : memref<20480x128xf32, #tpu.memory_space<hbm>>) target(%arg11 : memref<128x128xf32, #tpu.memory_space<vmem>>) offsets(%dma_start3A_112 : memref<128xi32, #tpu.memory_space<vmem>>) semaphore(%arg16 : memref<!tpu.dma_semaphore, #tpu.memory_space<semaphore_mem>>)
      %dma_wait3A_116 = arith.constant 0 : i32
      %dma_wait3A_117 = arith.constant 0 : i32
      %dma_wait3A_118 = tpu.memref_slice %arg2[%dma_wait3A_116, %dma_wait3A_117] : memref<20480x128xf32, #tpu.memory_space<hbm>> -> memref<128x128xf32, #tpu.memory_space<hbm>>
      %dma_wait3A_119 = arith.constant 0 : i32
      %dma_wait3A_120 = arith.constant 0 : i32
      %dma_wait3A_121 = tpu.memref_slice %arg2[%dma_wait3A_119, %dma_wait3A_120] : memref<20480x128xf32, #tpu.memory_space<hbm>> -> memref<128x128xf32, #tpu.memory_space<hbm>>
      tpu.wait_dma2 semaphore(%arg17 : memref<!tpu.dma_semaphore, #tpu.memory_space<semaphore_mem>>) src(%dma_wait3A_121 : memref<128x128xf32, #tpu.memory_space<hbm>>) dst(%arg12 : memref<128x128xf32, #tpu.memory_space<vmem>>)
      %mul3A_122 = arith.constant 8 : i32
      %mul3A_123 = arith.muli %rem3A_34, %mul3A_122 : i32
      %add3A_124 = arith.constant 1 : i32
      %add3A_125 = arith.addi %mul3A_123, %add3A_124 : i32
      %dma_start3A_126 = arith.constant 0 : i32
      %dma_start3A_127 = tpu.memref_slice %arg9[%add3A_125, %dma_start3A_126] : memref<16x128xi32, #tpu.memory_space<vmem>> -> memref<1x128xi32, #tpu.memory_space<vmem>>
      %dma_start3A_128 = tpu.memref_squeeze %dma_start3A_127 : memref<1x128xi32, #tpu.memory_space<vmem>> -> memref<128xi32, #tpu.memory_space<vmem>>
      %dma_start3A_129 = arith.constant 0 : i32
      %dma_start3A_130 = arith.constant 0 : i32
      %dma_start3A_131 = tpu.memref_slice %arg13[%dma_start3A_129, %dma_start3A_130] : memref<10240x128xf32, #tpu.memory_space<vmem_shared>> -> memref<10240x128xf32, #tpu.memory_space<vmem_shared>>
      tpu.enqueue_indirect_dma source(%arg12 : memref<128x128xf32, #tpu.memory_space<vmem>>) target(%dma_start3A_131 : memref<10240x128xf32, #tpu.memory_space<vmem_shared>>) offsets(%dma_start3A_128 : memref<128xi32, #tpu.memory_space<vmem>>) semaphore(%arg18 : memref<!tpu.dma_semaphore, #tpu.memory_space<semaphore_mem>>) {add = true}
      %mul3A_132 = arith.constant 8 : i32
      %mul3A_133 = arith.muli %rem3A_34, %mul3A_132 : i32
      %add3A_134 = arith.constant 2 : i32
      %add3A_135 = arith.addi %mul3A_133, %add3A_134 : i32
      %add3A_136 = arith.constant 1 : i32
      %add3A_137 = arith.addi %add3A_135, %add3A_136 : i32
      %dma_wait3A_138 = arith.constant 0 : i32
      %dma_wait3A_139 = arith.constant 0 : i32
      %dma_wait3A_140 = tpu.memref_slice %arg2[%dma_wait3A_138, %dma_wait3A_139] : memref<20480x128xf32, #tpu.memory_space<hbm>> -> memref<128x128xf32, #tpu.memory_space<hbm>>
      %dma_wait3A_141 = arith.constant 0 : i32
      %dma_wait3A_142 = arith.constant 0 : i32
      %dma_wait3A_143 = tpu.memref_slice %arg2[%dma_wait3A_141, %dma_wait3A_142] : memref<20480x128xf32, #tpu.memory_space<hbm>> -> memref<128x128xf32, #tpu.memory_space<hbm>>
      tpu.wait_dma2 semaphore(%arg18 : memref<!tpu.dma_semaphore, #tpu.memory_space<semaphore_mem>>) src(%dma_wait3A_143 : memref<128x128xf32, #tpu.memory_space<hbm>>) dst(%arg11 : memref<128x128xf32, #tpu.memory_space<vmem>>)
      %dma_start3A_144 = arith.constant 0 : i32
      %dma_start3A_145 = tpu.memref_slice %arg8[%add3A_137, %dma_start3A_144] : memref<16x128xi32, #tpu.memory_space<vmem>> -> memref<1x128xi32, #tpu.memory_space<vmem>>
      %dma_start3A_146 = tpu.memref_squeeze %dma_start3A_145 : memref<1x128xi32, #tpu.memory_space<vmem>> -> memref<128xi32, #tpu.memory_space<vmem>>
      %dma_start3A_147 = arith.constant 0 : i32
      %dma_start3A_148 = arith.constant 0 : i32
      %dma_start3A_149 = tpu.memref_slice %arg2[%dma_start3A_147, %dma_start3A_148] : memref<20480x128xf32, #tpu.memory_space<hbm>> -> memref<20480x128xf32, #tpu.memory_space<hbm>>
      tpu.enqueue_indirect_dma source(%dma_start3A_149 : memref<20480x128xf32, #tpu.memory_space<hbm>>) target(%arg12 : memref<128x128xf32, #tpu.memory_space<vmem>>) offsets(%dma_start3A_146 : memref<128xi32, #tpu.memory_space<vmem>>) semaphore(%arg17 : memref<!tpu.dma_semaphore, #tpu.memory_space<semaphore_mem>>)
      %dma_wait3A_150 = arith.constant 0 : i32
      %dma_wait3A_151 = arith.constant 0 : i32
      %dma_wait3A_152 = tpu.memref_slice %arg2[%dma_wait3A_150, %dma_wait3A_151] : memref<20480x128xf32, #tpu.memory_space<hbm>> -> memref<128x128xf32, #tpu.memory_space<hbm>>
      %dma_wait3A_153 = arith.constant 0 : i32
      %dma_wait3A_154 = arith.constant 0 : i32
      %dma_wait3A_155 = tpu.memref_slice %arg2[%dma_wait3A_153, %dma_wait3A_154] : memref<20480x128xf32, #tpu.memory_space<hbm>> -> memref<128x128xf32, #tpu.memory_space<hbm>>
      tpu.wait_dma2 semaphore(%arg16 : memref<!tpu.dma_semaphore, #tpu.memory_space<semaphore_mem>>) src(%dma_wait3A_155 : memref<128x128xf32, #tpu.memory_space<hbm>>) dst(%arg11 : memref<128x128xf32, #tpu.memory_space<vmem>>)
      %mul3A_156 = arith.constant 8 : i32
      %mul3A_157 = arith.muli %rem3A_34, %mul3A_156 : i32
      %add3A_158 = arith.constant 2 : i32
      %add3A_159 = arith.addi %mul3A_157, %add3A_158 : i32
      %dma_start3A_160 = arith.constant 0 : i32
      %dma_start3A_161 = tpu.memref_slice %arg9[%add3A_159, %dma_start3A_160] : memref<16x128xi32, #tpu.memory_space<vmem>> -> memref<1x128xi32, #tpu.memory_space<vmem>>
      %dma_start3A_162 = tpu.memref_squeeze %dma_start3A_161 : memref<1x128xi32, #tpu.memory_space<vmem>> -> memref<128xi32, #tpu.memory_space<vmem>>
      %dma_start3A_163 = arith.constant 0 : i32
      %dma_start3A_164 = arith.constant 0 : i32
      %dma_start3A_165 = tpu.memref_slice %arg13[%dma_start3A_163, %dma_start3A_164] : memref<10240x128xf32, #tpu.memory_space<vmem_shared>> -> memref<10240x128xf32, #tpu.memory_space<vmem_shared>>
      tpu.enqueue_indirect_dma source(%arg11 : memref<128x128xf32, #tpu.memory_space<vmem>>) target(%dma_start3A_165 : memref<10240x128xf32, #tpu.memory_space<vmem_shared>>) offsets(%dma_start3A_162 : memref<128xi32, #tpu.memory_space<vmem>>) semaphore(%arg18 : memref<!tpu.dma_semaphore, #tpu.memory_space<semaphore_mem>>) {add = true}
      %mul3A_166 = arith.constant 8 : i32
      %mul3A_167 = arith.muli %rem3A_34, %mul3A_166 : i32
      %add3A_168 = arith.constant 3 : i32
      %add3A_169 = arith.addi %mul3A_167, %add3A_168 : i32
      %add3A_170 = arith.constant 1 : i32
      %add3A_171 = arith.addi %add3A_169, %add3A_170 : i32
      %dma_wait3A_172 = arith.constant 0 : i32
      %dma_wait3A_173 = arith.constant 0 : i32
      %dma_wait3A_174 = tpu.memref_slice %arg2[%dma_wait3A_172, %dma_wait3A_173] : memref<20480x128xf32, #tpu.memory_space<hbm>> -> memref<128x128xf32, #tpu.memory_space<hbm>>
      %dma_wait3A_175 = arith.constant 0 : i32
      %dma_wait3A_176 = arith.constant 0 : i32
      %dma_wait3A_177 = tpu.memref_slice %arg2[%dma_wait3A_175, %dma_wait3A_176] : memref<20480x128xf32, #tpu.memory_space<hbm>> -> memref<128x128xf32, #tpu.memory_space<hbm>>
      tpu.wait_dma2 semaphore(%arg18 : memref<!tpu.dma_semaphore, #tpu.memory_space<semaphore_mem>>) src(%dma_wait3A_177 : memref<128x128xf32, #tpu.memory_space<hbm>>) dst(%arg11 : memref<128x128xf32, #tpu.memory_space<vmem>>)
      %dma_start3A_178 = arith.constant 0 : i32
      %dma_start3A_179 = tpu.memref_slice %arg8[%add3A_171, %dma_start3A_178] : memref<16x128xi32, #tpu.memory_space<vmem>> -> memref<1x128xi32, #tpu.memory_space<vmem>>
      %dma_start3A_180 = tpu.memref_squeeze %dma_start3A_179 : memref<1x128xi32, #tpu.memory_space<vmem>> -> memref<128xi32, #tpu.memory_space<vmem>>
      %dma_start3A_181 = arith.constant 0 : i32
      %dma_start3A_182 = arith.constant 0 : i32
      %dma_start3A_183 = tpu.memref_slice %arg2[%dma_start3A_181, %dma_start3A_182] : memref<20480x128xf32, #tpu.memory_space<hbm>> -> memref<20480x128xf32, #tpu.memory_space<hbm>>
      tpu.enqueue_indirect_dma source(%dma_start3A_183 : memref<20480x128xf32, #tpu.memory_space<hbm>>) target(%arg11 : memref<128x128xf32, #tpu.memory_space<vmem>>) offsets(%dma_start3A_180 : memref<128xi32, #tpu.memory_space<vmem>>) semaphore(%arg16 : memref<!tpu.dma_semaphore, #tpu.memory_space<semaphore_mem>>)
      %dma_wait3A_184 = arith.constant 0 : i32
      %dma_wait3A_185 = arith.constant 0 : i32
      %dma_wait3A_186 = tpu.memref_slice %arg2[%dma_wait3A_184, %dma_wait3A_185] : memref<20480x128xf32, #tpu.memory_space<hbm>> -> memref<128x128xf32, #tpu.memory_space<hbm>>
      %dma_wait3A_187 = arith.constant 0 : i32
      %dma_wait3A_188 = arith.constant 0 : i32
      %dma_wait3A_189 = tpu.memref_slice %arg2[%dma_wait3A_187, %dma_wait3A_188] : memref<20480x128xf32, #tpu.memory_space<hbm>> -> memref<128x128xf32, #tpu.memory_space<hbm>>
      tpu.wait_dma2 semaphore(%arg17 : memref<!tpu.dma_semaphore, #tpu.memory_space<semaphore_mem>>) src(%dma_wait3A_189 : memref<128x128xf32, #tpu.memory_space<hbm>>) dst(%arg12 : memref<128x128xf32, #tpu.memory_space<vmem>>)
      %mul3A_190 = arith.constant 8 : i32
      %mul3A_191 = arith.muli %rem3A_34, %mul3A_190 : i32
      %add3A_192 = arith.constant 3 : i32
      %add3A_193 = arith.addi %mul3A_191, %add3A_192 : i32
      %dma_start3A_194 = arith.constant 0 : i32
      %dma_start3A_195 = tpu.memref_slice %arg9[%add3A_193, %dma_start3A_194] : memref<16x128xi32, #tpu.memory_space<vmem>> -> memref<1x128xi32, #tpu.memory_space<vmem>>
      %dma_start3A_196 = tpu.memref_squeeze %dma_start3A_195 : memref<1x128xi32, #tpu.memory_space<vmem>> -> memref<128xi32, #tpu.memory_space<vmem>>
      %dma_start3A_197 = arith.constant 0 : i32
      %dma_start3A_198 = arith.constant 0 : i32
      %dma_start3A_199 = tpu.memref_slice %arg13[%dma_start3A_197, %dma_start3A_198] : memref<10240x128xf32, #tpu.memory_space<vmem_shared>> -> memref<10240x128xf32, #tpu.memory_space<vmem_shared>>
      tpu.enqueue_indirect_dma source(%arg12 : memref<128x128xf32, #tpu.memory_space<vmem>>) target(%dma_start3A_199 : memref<10240x128xf32, #tpu.memory_space<vmem_shared>>) offsets(%dma_start3A_196 : memref<128xi32, #tpu.memory_space<vmem>>) semaphore(%arg18 : memref<!tpu.dma_semaphore, #tpu.memory_space<semaphore_mem>>) {add = true}
      %mul3A_200 = arith.constant 8 : i32
      %mul3A_201 = arith.muli %rem3A_34, %mul3A_200 : i32
      %add3A_202 = arith.constant 4 : i32
      %add3A_203 = arith.addi %mul3A_201, %add3A_202 : i32
      %add3A_204 = arith.constant 1 : i32
      %add3A_205 = arith.addi %add3A_203, %add3A_204 : i32
      %dma_wait3A_206 = arith.constant 0 : i32
      %dma_wait3A_207 = arith.constant 0 : i32
      %dma_wait3A_208 = tpu.memref_slice %arg2[%dma_wait3A_206, %dma_wait3A_207] : memref<20480x128xf32, #tpu.memory_space<hbm>> -> memref<128x128xf32, #tpu.memory_space<hbm>>
      %dma_wait3A_209 = arith.constant 0 : i32
      %dma_wait3A_210 = arith.constant 0 : i32
      %dma_wait3A_211 = tpu.memref_slice %arg2[%dma_wait3A_209, %dma_wait3A_210] : memref<20480x128xf32, #tpu.memory_space<hbm>> -> memref<128x128xf32, #tpu.memory_space<hbm>>
      tpu.wait_dma2 semaphore(%arg18 : memref<!tpu.dma_semaphore, #tpu.memory_space<semaphore_mem>>) src(%dma_wait3A_211 : memref<128x128xf32, #tpu.memory_space<hbm>>) dst(%arg11 : memref<128x128xf32, #tpu.memory_space<vmem>>)
      %dma_start3A_212 = arith.constant 0 : i32
      %dma_start3A_213 = tpu.memref_slice %arg8[%add3A_205, %dma_start3A_212] : memref<16x128xi32, #tpu.memory_space<vmem>> -> memref<1x128xi32, #tpu.memory_space<vmem>>
      %dma_start3A_214 = tpu.memref_squeeze %dma_start3A_213 : memref<1x128xi32, #tpu.memory_space<vmem>> -> memref<128xi32, #tpu.memory_space<vmem>>
      %dma_start3A_215 = arith.constant 0 : i32
      %dma_start3A_216 = arith.constant 0 : i32
      %dma_start3A_217 = tpu.memref_slice %arg2[%dma_start3A_215, %dma_start3A_216] : memref<20480x128xf32, #tpu.memory_space<hbm>> -> memref<20480x128xf32, #tpu.memory_space<hbm>>
      tpu.enqueue_indirect_dma source(%dma_start3A_217 : memref<20480x128xf32, #tpu.memory_space<hbm>>) target(%arg12 : memref<128x128xf32, #tpu.memory_space<vmem>>) offsets(%dma_start3A_214 : memref<128xi32, #tpu.memory_space<vmem>>) semaphore(%arg17 : memref<!tpu.dma_semaphore, #tpu.memory_space<semaphore_mem>>)
      %dma_wait3A_218 = arith.constant 0 : i32
      %dma_wait3A_219 = arith.constant 0 : i32
      %dma_wait3A_220 = tpu.memref_slice %arg2[%dma_wait3A_218, %dma_wait3A_219] : memref<20480x128xf32, #tpu.memory_space<hbm>> -> memref<128x128xf32, #tpu.memory_space<hbm>>
      %dma_wait3A_221 = arith.constant 0 : i32
      %dma_wait3A_222 = arith.constant 0 : i32
      %dma_wait3A_223 = tpu.memref_slice %arg2[%dma_wait3A_221, %dma_wait3A_222] : memref<20480x128xf32, #tpu.memory_space<hbm>> -> memref<128x128xf32, #tpu.memory_space<hbm>>
      tpu.wait_dma2 semaphore(%arg16 : memref<!tpu.dma_semaphore, #tpu.memory_space<semaphore_mem>>) src(%dma_wait3A_223 : memref<128x128xf32, #tpu.memory_space<hbm>>) dst(%arg11 : memref<128x128xf32, #tpu.memory_space<vmem>>)
      %mul3A_224 = arith.constant 8 : i32
      %mul3A_225 = arith.muli %rem3A_34, %mul3A_224 : i32
      %add3A_226 = arith.constant 4 : i32
      %add3A_227 = arith.addi %mul3A_225, %add3A_226 : i32
      %dma_start3A_228 = arith.constant 0 : i32
      %dma_start3A_229 = tpu.memref_slice %arg9[%add3A_227, %dma_start3A_228] : memref<16x128xi32, #tpu.memory_space<vmem>> -> memref<1x128xi32, #tpu.memory_space<vmem>>
      %dma_start3A_230 = tpu.memref_squeeze %dma_start3A_229 : memref<1x128xi32, #tpu.memory_space<vmem>> -> memref<128xi32, #tpu.memory_space<vmem>>
      %dma_start3A_231 = arith.constant 0 : i32
      %dma_start3A_232 = arith.constant 0 : i32
      %dma_start3A_233 = tpu.memref_slice %arg13[%dma_start3A_231, %dma_start3A_232] : memref<10240x128xf32, #tpu.memory_space<vmem_shared>> -> memref<10240x128xf32, #tpu.memory_space<vmem_shared>>
      tpu.enqueue_indirect_dma source(%arg11 : memref<128x128xf32, #tpu.memory_space<vmem>>) target(%dma_start3A_233 : memref<10240x128xf32, #tpu.memory_space<vmem_shared>>) offsets(%dma_start3A_230 : memref<128xi32, #tpu.memory_space<vmem>>) semaphore(%arg18 : memref<!tpu.dma_semaphore, #tpu.memory_space<semaphore_mem>>) {add = true}
      %mul3A_234 = arith.constant 8 : i32
      %mul3A_235 = arith.muli %rem3A_34, %mul3A_234 : i32
      %add3A_236 = arith.constant 5 : i32
      %add3A_237 = arith.addi %mul3A_235, %add3A_236 : i32
      %add3A_238 = arith.constant 1 : i32
      %add3A_239 = arith.addi %add3A_237, %add3A_238 : i32
      %dma_wait3A_240 = arith.constant 0 : i32
      %dma_wait3A_241 = arith.constant 0 : i32
      %dma_wait3A_242 = tpu.memref_slice %arg2[%dma_wait3A_240, %dma_wait3A_241] : memref<20480x128xf32, #tpu.memory_space<hbm>> -> memref<128x128xf32, #tpu.memory_space<hbm>>
      %dma_wait3A_243 = arith.constant 0 : i32
      %dma_wait3A_244 = arith.constant 0 : i32
      %dma_wait3A_245 = tpu.memref_slice %arg2[%dma_wait3A_243, %dma_wait3A_244] : memref<20480x128xf32, #tpu.memory_space<hbm>> -> memref<128x128xf32, #tpu.memory_space<hbm>>
      tpu.wait_dma2 semaphore(%arg18 : memref<!tpu.dma_semaphore, #tpu.memory_space<semaphore_mem>>) src(%dma_wait3A_245 : memref<128x128xf32, #tpu.memory_space<hbm>>) dst(%arg11 : memref<128x128xf32, #tpu.memory_space<vmem>>)
      %dma_start3A_246 = arith.constant 0 : i32
      %dma_start3A_247 = tpu.memref_slice %arg8[%add3A_239, %dma_start3A_246] : memref<16x128xi32, #tpu.memory_space<vmem>> -> memref<1x128xi32, #tpu.memory_space<vmem>>
      %dma_start3A_248 = tpu.memref_squeeze %dma_start3A_247 : memref<1x128xi32, #tpu.memory_space<vmem>> -> memref<128xi32, #tpu.memory_space<vmem>>
      %dma_start3A_249 = arith.constant 0 : i32
      %dma_start3A_250 = arith.constant 0 : i32
      %dma_start3A_251 = tpu.memref_slice %arg2[%dma_start3A_249, %dma_start3A_250] : memref<20480x128xf32, #tpu.memory_space<hbm>> -> memref<20480x128xf32, #tpu.memory_space<hbm>>
      tpu.enqueue_indirect_dma source(%dma_start3A_251 : memref<20480x128xf32, #tpu.memory_space<hbm>>) target(%arg11 : memref<128x128xf32, #tpu.memory_space<vmem>>) offsets(%dma_start3A_248 : memref<128xi32, #tpu.memory_space<vmem>>) semaphore(%arg16 : memref<!tpu.dma_semaphore, #tpu.memory_space<semaphore_mem>>)
      %dma_wait3A_252 = arith.constant 0 : i32
      %dma_wait3A_253 = arith.constant 0 : i32
      %dma_wait3A_254 = tpu.memref_slice %arg2[%dma_wait3A_252, %dma_wait3A_253] : memref<20480x128xf32, #tpu.memory_space<hbm>> -> memref<128x128xf32, #tpu.memory_space<hbm>>
      %dma_wait3A_255 = arith.constant 0 : i32
      %dma_wait3A_256 = arith.constant 0 : i32
      %dma_wait3A_257 = tpu.memref_slice %arg2[%dma_wait3A_255, %dma_wait3A_256] : memref<20480x128xf32, #tpu.memory_space<hbm>> -> memref<128x128xf32, #tpu.memory_space<hbm>>
      tpu.wait_dma2 semaphore(%arg17 : memref<!tpu.dma_semaphore, #tpu.memory_space<semaphore_mem>>) src(%dma_wait3A_257 : memref<128x128xf32, #tpu.memory_space<hbm>>) dst(%arg12 : memref<128x128xf32, #tpu.memory_space<vmem>>)
      %mul3A_258 = arith.constant 8 : i32
      %mul3A_259 = arith.muli %rem3A_34, %mul3A_258 : i32
      %add3A_260 = arith.constant 5 : i32
      %add3A_261 = arith.addi %mul3A_259, %add3A_260 : i32
      %dma_start3A_262 = arith.constant 0 : i32
      %dma_start3A_263 = tpu.memref_slice %arg9[%add3A_261, %dma_start3A_262] : memref<16x128xi32, #tpu.memory_space<vmem>> -> memref<1x128xi32, #tpu.memory_space<vmem>>
      %dma_start3A_264 = tpu.memref_squeeze %dma_start3A_263 : memref<1x128xi32, #tpu.memory_space<vmem>> -> memref<128xi32, #tpu.memory_space<vmem>>
      %dma_start3A_265 = arith.constant 0 : i32
      %dma_start3A_266 = arith.constant 0 : i32
      %dma_start3A_267 = tpu.memref_slice %arg13[%dma_start3A_265, %dma_start3A_266] : memref<10240x128xf32, #tpu.memory_space<vmem_shared>> -> memref<10240x128xf32, #tpu.memory_space<vmem_shared>>
      tpu.enqueue_indirect_dma source(%arg12 : memref<128x128xf32, #tpu.memory_space<vmem>>) target(%dma_start3A_267 : memref<10240x128xf32, #tpu.memory_space<vmem_shared>>) offsets(%dma_start3A_264 : memref<128xi32, #tpu.memory_space<vmem>>) semaphore(%arg18 : memref<!tpu.dma_semaphore, #tpu.memory_space<semaphore_mem>>) {add = true}
      %mul3A_268 = arith.constant 8 : i32
      %mul3A_269 = arith.muli %rem3A_34, %mul3A_268 : i32
      %add3A_270 = arith.constant 6 : i32
      %add3A_271 = arith.addi %mul3A_269, %add3A_270 : i32
      %add3A_272 = arith.constant 1 : i32
      %add3A_273 = arith.addi %add3A_271, %add3A_272 : i32
      %dma_wait3A_274 = arith.constant 0 : i32
      %dma_wait3A_275 = arith.constant 0 : i32
      %dma_wait3A_276 = tpu.memref_slice %arg2[%dma_wait3A_274, %dma_wait3A_275] : memref<20480x128xf32, #tpu.memory_space<hbm>> -> memref<128x128xf32, #tpu.memory_space<hbm>>
      %dma_wait3A_277 = arith.constant 0 : i32
      %dma_wait3A_278 = arith.constant 0 : i32
      %dma_wait3A_279 = tpu.memref_slice %arg2[%dma_wait3A_277, %dma_wait3A_278] : memref<20480x128xf32, #tpu.memory_space<hbm>> -> memref<128x128xf32, #tpu.memory_space<hbm>>
      tpu.wait_dma2 semaphore(%arg18 : memref<!tpu.dma_semaphore, #tpu.memory_space<semaphore_mem>>) src(%dma_wait3A_279 : memref<128x128xf32, #tpu.memory_space<hbm>>) dst(%arg11 : memref<128x128xf32, #tpu.memory_space<vmem>>)
      %dma_start3A_280 = arith.constant 0 : i32
      %dma_start3A_281 = tpu.memref_slice %arg8[%add3A_273, %dma_start3A_280] : memref<16x128xi32, #tpu.memory_space<vmem>> -> memref<1x128xi32, #tpu.memory_space<vmem>>
      %dma_start3A_282 = tpu.memref_squeeze %dma_start3A_281 : memref<1x128xi32, #tpu.memory_space<vmem>> -> memref<128xi32, #tpu.memory_space<vmem>>
      %dma_start3A_283 = arith.constant 0 : i32
      %dma_start3A_284 = arith.constant 0 : i32
      %dma_start3A_285 = tpu.memref_slice %arg2[%dma_start3A_283, %dma_start3A_284] : memref<20480x128xf32, #tpu.memory_space<hbm>> -> memref<20480x128xf32, #tpu.memory_space<hbm>>
      tpu.enqueue_indirect_dma source(%dma_start3A_285 : memref<20480x128xf32, #tpu.memory_space<hbm>>) target(%arg12 : memref<128x128xf32, #tpu.memory_space<vmem>>) offsets(%dma_start3A_282 : memref<128xi32, #tpu.memory_space<vmem>>) semaphore(%arg17 : memref<!tpu.dma_semaphore, #tpu.memory_space<semaphore_mem>>)
      %dma_wait3A_286 = arith.constant 0 : i32
      %dma_wait3A_287 = arith.constant 0 : i32
      %dma_wait3A_288 = tpu.memref_slice %arg2[%dma_wait3A_286, %dma_wait3A_287] : memref<20480x128xf32, #tpu.memory_space<hbm>> -> memref<128x128xf32, #tpu.memory_space<hbm>>
      %dma_wait3A_289 = arith.constant 0 : i32
      %dma_wait3A_290 = arith.constant 0 : i32
      %dma_wait3A_291 = tpu.memref_slice %arg2[%dma_wait3A_289, %dma_wait3A_290] : memref<20480x128xf32, #tpu.memory_space<hbm>> -> memref<128x128xf32, #tpu.memory_space<hbm>>
      tpu.wait_dma2 semaphore(%arg16 : memref<!tpu.dma_semaphore, #tpu.memory_space<semaphore_mem>>) src(%dma_wait3A_291 : memref<128x128xf32, #tpu.memory_space<hbm>>) dst(%arg11 : memref<128x128xf32, #tpu.memory_space<vmem>>)
      %mul3A_292 = arith.constant 8 : i32
      %mul3A_293 = arith.muli %rem3A_34, %mul3A_292 : i32
      %add3A_294 = arith.constant 6 : i32
      %add3A_295 = arith.addi %mul3A_293, %add3A_294 : i32
      %dma_start3A_296 = arith.constant 0 : i32
      %dma_start3A_297 = tpu.memref_slice %arg9[%add3A_295, %dma_start3A_296] : memref<16x128xi32, #tpu.memory_space<vmem>> -> memref<1x128xi32, #tpu.memory_space<vmem>>
      %dma_start3A_298 = tpu.memref_squeeze %dma_start3A_297 : memref<1x128xi32, #tpu.memory_space<vmem>> -> memref<128xi32, #tpu.memory_space<vmem>>
      %dma_start3A_299 = arith.constant 0 : i32
      %dma_start3A_300 = arith.constant 0 : i32
      %dma_start3A_301 = tpu.memref_slice %arg13[%dma_start3A_299, %dma_start3A_300] : memref<10240x128xf32, #tpu.memory_space<vmem_shared>> -> memref<10240x128xf32, #tpu.memory_space<vmem_shared>>
      tpu.enqueue_indirect_dma source(%arg11 : memref<128x128xf32, #tpu.memory_space<vmem>>) target(%dma_start3A_301 : memref<10240x128xf32, #tpu.memory_space<vmem_shared>>) offsets(%dma_start3A_298 : memref<128xi32, #tpu.memory_space<vmem>>) semaphore(%arg18 : memref<!tpu.dma_semaphore, #tpu.memory_space<semaphore_mem>>) {add = true}
      %dma_wait3A_302 = arith.constant 0 : i32
      %dma_wait3A_303 = arith.constant 0 : i32
      %dma_wait3A_304 = arith.constant 0 : i32
      %dma_wait3A_305 = tpu.memref_slice %arg8[%dma_wait3A_303, %dma_wait3A_304] : memref<16x128xi32, #tpu.memory_space<vmem>> -> memref<8x128xi32, #tpu.memory_space<vmem>>
      %dma_wait3A_306 = arith.constant 0 : i32
      %dma_wait3A_307 = arith.constant 0 : i32
      %dma_wait3A_308 = tpu.memref_slice %arg3[%arg0, %arg1, %dma_wait3A_302, %dma_wait3A_306, %dma_wait3A_307] : memref<2x16x10x8x128xi32, #tpu.memory_space<hbm>> -> memref<1x1x1x8x128xi32, #tpu.memory_space<hbm>>
      %dma_wait3A_309 = tpu.memref_squeeze %dma_wait3A_308 : memref<1x1x1x8x128xi32, #tpu.memory_space<hbm>> -> memref<8x128xi32, #tpu.memory_space<hbm>>
      %dma_wait3A_310 = arith.constant 0 : i32
      %dma_wait3A_311 = arith.constant 0 : i32
      %dma_wait3A_312 = tpu.memref_slice %arg8[%dma_wait3A_310, %dma_wait3A_311] : memref<16x128xi32, #tpu.memory_space<vmem>> -> memref<8x128xi32, #tpu.memory_space<vmem>>
      %dma_wait3A_313 = arith.constant 0 : i32
      %dma_wait3A_314 = arith.constant 0 : i32
      %dma_wait3A_315 = tpu.memref_slice %arg3[%arg0, %arg1, %dma_wait3A_302, %dma_wait3A_313, %dma_wait3A_314] : memref<2x16x10x8x128xi32, #tpu.memory_space<hbm>> -> memref<1x1x1x8x128xi32, #tpu.memory_space<hbm>>
      %dma_wait3A_316 = tpu.memref_squeeze %dma_wait3A_315 : memref<1x1x1x8x128xi32, #tpu.memory_space<hbm>> -> memref<8x128xi32, #tpu.memory_space<hbm>>
      tpu.wait_dma2 semaphore(%arg14 : memref<!tpu.dma_semaphore, #tpu.memory_space<semaphore_mem>>) src(%dma_wait3A_316 : memref<8x128xi32, #tpu.memory_space<hbm>>) dst(%dma_wait3A_312 : memref<8x128xi32, #tpu.memory_space<vmem>>)
      %dma_wait3A_317 = arith.constant 0 : i32
      %dma_wait3A_318 = arith.constant 0 : i32
      %dma_wait3A_319 = arith.constant 0 : i32
      %dma_wait3A_320 = tpu.memref_slice %arg9[%dma_wait3A_318, %dma_wait3A_319] : memref<16x128xi32, #tpu.memory_space<vmem>> -> memref<8x128xi32, #tpu.memory_space<vmem>>
      %dma_wait3A_321 = arith.constant 0 : i32
      %dma_wait3A_322 = arith.constant 0 : i32
      %dma_wait3A_323 = tpu.memref_slice %arg4[%arg1, %dma_wait3A_317, %dma_wait3A_321, %dma_wait3A_322] : memref<16x10x8x128xi32, #tpu.memory_space<hbm>> -> memref<1x1x8x128xi32, #tpu.memory_space<hbm>>
      %dma_wait3A_324 = tpu.memref_squeeze %dma_wait3A_323 : memref<1x1x8x128xi32, #tpu.memory_space<hbm>> -> memref<8x128xi32, #tpu.memory_space<hbm>>
      %dma_wait3A_325 = arith.constant 0 : i32
      %dma_wait3A_326 = arith.constant 0 : i32
      %dma_wait3A_327 = tpu.memref_slice %arg9[%dma_wait3A_325, %dma_wait3A_326] : memref<16x128xi32, #tpu.memory_space<vmem>> -> memref<8x128xi32, #tpu.memory_space<vmem>>
      %dma_wait3A_328 = arith.constant 0 : i32
      %dma_wait3A_329 = arith.constant 0 : i32
      %dma_wait3A_330 = tpu.memref_slice %arg4[%arg1, %dma_wait3A_317, %dma_wait3A_328, %dma_wait3A_329] : memref<16x10x8x128xi32, #tpu.memory_space<hbm>> -> memref<1x1x8x128xi32, #tpu.memory_space<hbm>>
      %dma_wait3A_331 = tpu.memref_squeeze %dma_wait3A_330 : memref<1x1x8x128xi32, #tpu.memory_space<hbm>> -> memref<8x128xi32, #tpu.memory_space<hbm>>
      tpu.wait_dma2 semaphore(%arg15 : memref<!tpu.dma_semaphore, #tpu.memory_space<semaphore_mem>>) src(%dma_wait3A_331 : memref<8x128xi32, #tpu.memory_space<hbm>>) dst(%dma_wait3A_327 : memref<8x128xi32, #tpu.memory_space<vmem>>)
      %mul3A_332 = arith.constant 8 : i32
      %mul3A_333 = arith.muli %sub3A_35, %mul3A_332 : i32
      %dma_wait3A_334 = arith.constant 0 : i32
      %dma_wait3A_335 = arith.constant 0 : i32
      %dma_wait3A_336 = tpu.memref_slice %arg2[%dma_wait3A_334, %dma_wait3A_335] : memref<20480x128xf32, #tpu.memory_space<hbm>> -> memref<128x128xf32, #tpu.memory_space<hbm>>
      %dma_wait3A_337 = arith.constant 0 : i32
      %dma_wait3A_338 = arith.constant 0 : i32
      %dma_wait3A_339 = tpu.memref_slice %arg2[%dma_wait3A_337, %dma_wait3A_338] : memref<20480x128xf32, #tpu.memory_space<hbm>> -> memref<128x128xf32, #tpu.memory_space<hbm>>
      tpu.wait_dma2 semaphore(%arg18 : memref<!tpu.dma_semaphore, #tpu.memory_space<semaphore_mem>>) src(%dma_wait3A_339 : memref<128x128xf32, #tpu.memory_space<hbm>>) dst(%arg11 : memref<128x128xf32, #tpu.memory_space<vmem>>)
      %dma_start3A_340 = arith.constant 0 : i32
      %dma_start3A_341 = tpu.memref_slice %arg8[%mul3A_333, %dma_start3A_340] : memref<16x128xi32, #tpu.memory_space<vmem>> -> memref<1x128xi32, #tpu.memory_space<vmem>>
      %dma_start3A_342 = tpu.memref_squeeze %dma_start3A_341 : memref<1x128xi32, #tpu.memory_space<vmem>> -> memref<128xi32, #tpu.memory_space<vmem>>
      %dma_start3A_343 = arith.constant 0 : i32
      %dma_start3A_344 = arith.constant 0 : i32
      %dma_start3A_345 = tpu.memref_slice %arg2[%dma_start3A_343, %dma_start3A_344] : memref<20480x128xf32, #tpu.memory_space<hbm>> -> memref<20480x128xf32, #tpu.memory_space<hbm>>
      tpu.enqueue_indirect_dma source(%dma_start3A_345 : memref<20480x128xf32, #tpu.memory_space<hbm>>) target(%arg11 : memref<128x128xf32, #tpu.memory_space<vmem>>) offsets(%dma_start3A_342 : memref<128xi32, #tpu.memory_space<vmem>>) semaphore(%arg16 : memref<!tpu.dma_semaphore, #tpu.memory_space<semaphore_mem>>)
      %dma_wait3A_346 = arith.constant 0 : i32
      %dma_wait3A_347 = arith.constant 0 : i32
      %dma_wait3A_348 = tpu.memref_slice %arg2[%dma_wait3A_346, %dma_wait3A_347] : memref<20480x128xf32, #tpu.memory_space<hbm>> -> memref<128x128xf32, #tpu.memory_space<hbm>>
      %dma_wait3A_349 = arith.constant 0 : i32
      %dma_wait3A_350 = arith.constant 0 : i32
      %dma_wait3A_351 = tpu.memref_slice %arg2[%dma_wait3A_349, %dma_wait3A_350] : memref<20480x128xf32, #tpu.memory_space<hbm>> -> memref<128x128xf32, #tpu.memory_space<hbm>>
      tpu.wait_dma2 semaphore(%arg17 : memref<!tpu.dma_semaphore, #tpu.memory_space<semaphore_mem>>) src(%dma_wait3A_351 : memref<128x128xf32, #tpu.memory_space<hbm>>) dst(%arg12 : memref<128x128xf32, #tpu.memory_space<vmem>>)
      %mul3A_352 = arith.constant 8 : i32
      %mul3A_353 = arith.muli %rem3A_34, %mul3A_352 : i32
      %add3A_354 = arith.constant 7 : i32
      %add3A_355 = arith.addi %mul3A_353, %add3A_354 : i32
      %dma_start3A_356 = arith.constant 0 : i32
      %dma_start3A_357 = tpu.memref_slice %arg9[%add3A_355, %dma_start3A_356] : memref<16x128xi32, #tpu.memory_space<vmem>> -> memref<1x128xi32, #tpu.memory_space<vmem>>
      %dma_start3A_358 = tpu.memref_squeeze %dma_start3A_357 : memref<1x128xi32, #tpu.memory_space<vmem>> -> memref<128xi32, #tpu.memory_space<vmem>>
      %dma_start3A_359 = arith.constant 0 : i32
      %dma_start3A_360 = arith.constant 0 : i32
      %dma_start3A_361 = tpu.memref_slice %arg13[%dma_start3A_359, %dma_start3A_360] : memref<10240x128xf32, #tpu.memory_space<vmem_shared>> -> memref<10240x128xf32, #tpu.memory_space<vmem_shared>>
      tpu.enqueue_indirect_dma source(%arg12 : memref<128x128xf32, #tpu.memory_space<vmem>>) target(%dma_start3A_361 : memref<10240x128xf32, #tpu.memory_space<vmem_shared>>) offsets(%dma_start3A_358 : memref<128xi32, #tpu.memory_space<vmem>>) semaphore(%arg18 : memref<!tpu.dma_semaphore, #tpu.memory_space<semaphore_mem>>) {add = true}
    }
    %scan3A_16 = arith.constant 10 : i32
    %dma_wait3A = arith.constant 0 : i32
    %dma_wait3A_17 = arith.constant 0 : i32
    %dma_wait3A_18 = tpu.memref_slice %arg2[%dma_wait3A, %dma_wait3A_17] : memref<20480x128xf32, #tpu.memory_space<hbm>> -> memref<128x128xf32, #tpu.memory_space<hbm>>
    %dma_wait3A_19 = arith.constant 0 : i32
    %dma_wait3A_20 = arith.constant 0 : i32
    %dma_wait3A_21 = tpu.memref_slice %arg2[%dma_wait3A_19, %dma_wait3A_20] : memref<20480x128xf32, #tpu.memory_space<hbm>> -> memref<128x128xf32, #tpu.memory_space<hbm>>
    tpu.wait_dma2 semaphore(%arg18 : memref<!tpu.dma_semaphore, #tpu.memory_space<semaphore_mem>>) src(%dma_wait3A_21 : memref<128x128xf32, #tpu.memory_space<hbm>>) dst(%arg11 : memref<128x128xf32, #tpu.memory_space<vmem>>)
    %dma_wait3A_22 = arith.constant 0 : i32
    %dma_wait3A_23 = arith.constant 0 : i32
    %dma_wait3A_24 = tpu.memref_slice %arg2[%dma_wait3A_22, %dma_wait3A_23] : memref<20480x128xf32, #tpu.memory_space<hbm>> -> memref<128x128xf32, #tpu.memory_space<hbm>>
    %dma_wait3A_25 = arith.constant 0 : i32
    %dma_wait3A_26 = arith.constant 0 : i32
    %dma_wait3A_27 = tpu.memref_slice %arg2[%dma_wait3A_25, %dma_wait3A_26] : memref<20480x128xf32, #tpu.memory_space<hbm>> -> memref<128x128xf32, #tpu.memory_space<hbm>>
    tpu.wait_dma2 semaphore(%arg16 : memref<!tpu.dma_semaphore, #tpu.memory_space<semaphore_mem>>) src(%dma_wait3A_27 : memref<128x128xf32, #tpu.memory_space<hbm>>) dst(%arg11 : memref<128x128xf32, #tpu.memory_space<vmem>>)
    %barrier3A_28 = arith.constant 0 : index
    tpu.barrier barrier_id(%barrier3A_28)
    %mul3A_29 = arith.constant 640 : i32
    %mul3A_30 = arith.muli %arg1, %mul3A_29 : i32
    %mul3A_31 = arith.constant 640 : i32
    %mul3A_32 = arith.muli %arg1, %mul3A_31 : i32
    "tpu.region"() ({
      %run_scoped3A_33 = tpu.sem_alloc : memref<!tpu.dma_semaphore, #tpu.memory_space<semaphore_mem>>
      %dma_start3A_34 = arith.constant 0 : i32
      %dma_start3A_35 = tpu.memref_slice %arg7[%arg0, %mul3A_32, %dma_start3A_34] : memref<2x10240x128xf32, #tpu.memory_space<hbm>> -> memref<1x640x128xf32, #tpu.memory_space<hbm>>
      %dma_start3A_36 = tpu.memref_squeeze %dma_start3A_35 : memref<1x640x128xf32, #tpu.memory_space<hbm>> -> memref<640x128xf32, #tpu.memory_space<hbm>>
      %dma_start3A_37 = arith.constant 0 : i32
      %dma_start3A_38 = tpu.memref_slice %arg13[%mul3A_30, %dma_start3A_37] : memref<10240x128xf32, #tpu.memory_space<vmem_shared>> -> memref<640x128xf32, #tpu.memory_space<vmem_shared>>
      tpu.enqueue_dma source(%dma_start3A_38 : memref<640x128xf32, #tpu.memory_space<vmem_shared>>) target(%dma_start3A_36 : memref<640x128xf32, #tpu.memory_space<hbm>>) target_semaphore(%run_scoped3A_33 : memref<!tpu.dma_semaphore, #tpu.memory_space<semaphore_mem>>)
      %dma_wait3A_39 = arith.constant 0 : i32
      %dma_wait3A_40 = tpu.memref_slice %arg7[%arg0, %mul3A_32, %dma_wait3A_39] : memref<2x10240x128xf32, #tpu.memory_space<hbm>> -> memref<1x640x128xf32, #tpu.memory_space<hbm>>
      %dma_wait3A_41 = tpu.memref_squeeze %dma_wait3A_40 : memref<1x640x128xf32, #tpu.memory_space<hbm>> -> memref<640x128xf32, #tpu.memory_space<hbm>>
      %dma_wait3A_42 = arith.constant 0 : i32
      %dma_wait3A_43 = tpu.memref_slice %arg13[%mul3A_30, %dma_wait3A_42] : memref<10240x128xf32, #tpu.memory_space<vmem_shared>> -> memref<640x128xf32, #tpu.memory_space<vmem_shared>>
      tpu.wait_dma2 semaphore(%run_scoped3A_33 : memref<!tpu.dma_semaphore, #tpu.memory_space<semaphore_mem>>) src(%dma_wait3A_43 : memref<640x128xf32, #tpu.memory_space<vmem_shared>>) dst(%dma_wait3A_41 : memref<640x128xf32, #tpu.memory_space<hbm>>)
      tpu.yield
    }) : () -> ()
    return
  }
}

#map = affine_map<(d0, d1) -> (0, 0, 0)>
#map1 = affine_map<(d0, d1) -> (0)>
module attributes {stable_mosaic.version = 14 : i64} {
  func.func @_deg_body(%arg0: i32, %arg1: i32, %arg2: memref<16x80x128xi32, #tpu.memory_space<hbm>>, %arg3: memref<16x2x128xi32, #tpu.memory_space<hbm>>, %arg4: memref<16x2x128xi32, #tpu.memory_space<hbm>>, %arg5: memref<10240xf32, #tpu.memory_space<hbm>>, %arg6: memref<4096xf32, #tpu.memory_space<hbm>>, %arg7: memref<4096xf32, #tpu.memory_space<hbm>>, %arg8: memref<80x128xi32, #tpu.memory_space<vmem>>, %arg9: memref<128xf32, #tpu.memory_space<vmem>>, %arg10: memref<2x128xi32, #tpu.memory_space<vmem>>, %arg11: memref<128xf32, #tpu.memory_space<vmem>>, %arg12: memref<10240xf32, #tpu.memory_space<vmem_shared>>, %arg13: memref<!tpu.dma_semaphore, #tpu.memory_space<semaphore_mem>>) attributes {dimension_semantics = [#tpu.dimension_semantics<core_parallel>, #tpu.dimension_semantics<subcore_parallel>], iteration_bounds = array<i64: 2, 16>, scalar_prefetch = 0 : i64, scratch_operands = 6 : i64, tpu.core_type = #tpu.core_type<sc_vector_subcore>, window_params = [{transform_indices = #map}, {transform_indices = #map}, {transform_indices = #map}, {transform_indices = #map1}, {transform_indices = #map1}, {transform_indices = #map1}]} {
    %broadcast_in_dim3A = arith.constant 1.000000e+00 : f32
    %broadcast_in_dim3A_0 = vector.broadcast %broadcast_in_dim3A : f32 to vector<16xf32>
    %swap3A = arith.constant 0 : index
    %swap3A_1 = tpu.vector_load %arg9[%swap3A] {strides = array<i32>} : memref<128xf32, #tpu.memory_space<vmem>>, vector<16xf32>,
    %swap3A_2 = vector.shape_cast %swap3A_1 : vector<16xf32> to vector<16xf32>
    %swap3A_3 = vector.shape_cast %broadcast_in_dim3A_0 : vector<16xf32> to vector<16xf32>
    tpu.vector_store %arg9[%swap3A], %swap3A_3 {strides = array<i32>} : memref<128xf32, #tpu.memory_space<vmem>>, vector<16xf32>,
    %broadcast_in_dim3A_4 = arith.constant 1.000000e+00 : f32
    %broadcast_in_dim3A_5 = vector.broadcast %broadcast_in_dim3A_4 : f32 to vector<16xf32>
    %swap3A_6 = arith.constant 16 : index
    %swap3A_7 = tpu.vector_load %arg9[%swap3A_6] {strides = array<i32>} : memref<128xf32, #tpu.memory_space<vmem>>, vector<16xf32>,
    %swap3A_8 = vector.shape_cast %swap3A_7 : vector<16xf32> to vector<16xf32>
    %swap3A_9 = vector.shape_cast %broadcast_in_dim3A_5 : vector<16xf32> to vector<16xf32>
    tpu.vector_store %arg9[%swap3A_6], %swap3A_9 {strides = array<i32>} : memref<128xf32, #tpu.memory_space<vmem>>, vector<16xf32>,
    %broadcast_in_dim3A_10 = arith.constant 1.000000e+00 : f32
    %broadcast_in_dim3A_11 = vector.broadcast %broadcast_in_dim3A_10 : f32 to vector<16xf32>
    %swap3A_12 = arith.constant 32 : index
    %swap3A_13 = tpu.vector_load %arg9[%swap3A_12] {strides = array<i32>} : memref<128xf32, #tpu.memory_space<vmem>>, vector<16xf32>,
    %swap3A_14 = vector.shape_cast %swap3A_13 : vector<16xf32> to vector<16xf32>
    %swap3A_15 = vector.shape_cast %broadcast_in_dim3A_11 : vector<16xf32> to vector<16xf32>
    tpu.vector_store %arg9[%swap3A_12], %swap3A_15 {strides = array<i32>} : memref<128xf32, #tpu.memory_space<vmem>>, vector<16xf32>,
    %broadcast_in_dim3A_16 = arith.constant 1.000000e+00 : f32
    %broadcast_in_dim3A_17 = vector.broadcast %broadcast_in_dim3A_16 : f32 to vector<16xf32>
    %swap3A_18 = arith.constant 48 : index
    %swap3A_19 = tpu.vector_load %arg9[%swap3A_18] {strides = array<i32>} : memref<128xf32, #tpu.memory_space<vmem>>, vector<16xf32>,
    %swap3A_20 = vector.shape_cast %swap3A_19 : vector<16xf32> to vector<16xf32>
    %swap3A_21 = vector.shape_cast %broadcast_in_dim3A_17 : vector<16xf32> to vector<16xf32>
    tpu.vector_store %arg9[%swap3A_18], %swap3A_21 {strides = array<i32>} : memref<128xf32, #tpu.memory_space<vmem>>, vector<16xf32>,
    %broadcast_in_dim3A_22 = arith.constant 1.000000e+00 : f32
    %broadcast_in_dim3A_23 = vector.broadcast %broadcast_in_dim3A_22 : f32 to vector<16xf32>
    %swap3A_24 = arith.constant 64 : index
    %swap3A_25 = tpu.vector_load %arg9[%swap3A_24] {strides = array<i32>} : memref<128xf32, #tpu.memory_space<vmem>>, vector<16xf32>,
    %swap3A_26 = vector.shape_cast %swap3A_25 : vector<16xf32> to vector<16xf32>
    %swap3A_27 = vector.shape_cast %broadcast_in_dim3A_23 : vector<16xf32> to vector<16xf32>
    tpu.vector_store %arg9[%swap3A_24], %swap3A_27 {strides = array<i32>} : memref<128xf32, #tpu.memory_space<vmem>>, vector<16xf32>,
    %broadcast_in_dim3A_28 = arith.constant 1.000000e+00 : f32
    %broadcast_in_dim3A_29 = vector.broadcast %broadcast_in_dim3A_28 : f32 to vector<16xf32>
    %swap3A_30 = arith.constant 80 : index
    %swap3A_31 = tpu.vector_load %arg9[%swap3A_30] {strides = array<i32>} : memref<128xf32, #tpu.memory_space<vmem>>, vector<16xf32>,
    %swap3A_32 = vector.shape_cast %swap3A_31 : vector<16xf32> to vector<16xf32>
    %swap3A_33 = vector.shape_cast %broadcast_in_dim3A_29 : vector<16xf32> to vector<16xf32>
    tpu.vector_store %arg9[%swap3A_30], %swap3A_33 {strides = array<i32>} : memref<128xf32, #tpu.memory_space<vmem>>, vector<16xf32>,
    %broadcast_in_dim3A_34 = arith.constant 1.000000e+00 : f32
    %broadcast_in_dim3A_35 = vector.broadcast %broadcast_in_dim3A_34 : f32 to vector<16xf32>
    %swap3A_36 = arith.constant 96 : index
    %swap3A_37 = tpu.vector_load %arg9[%swap3A_36] {strides = array<i32>} : memref<128xf32, #tpu.memory_space<vmem>>, vector<16xf32>,
    %swap3A_38 = vector.shape_cast %swap3A_37 : vector<16xf32> to vector<16xf32>
    %swap3A_39 = vector.shape_cast %broadcast_in_dim3A_35 : vector<16xf32> to vector<16xf32>
    tpu.vector_store %arg9[%swap3A_36], %swap3A_39 {strides = array<i32>} : memref<128xf32, #tpu.memory_space<vmem>>, vector<16xf32>,
    %broadcast_in_dim3A_40 = arith.constant 1.000000e+00 : f32
    %broadcast_in_dim3A_41 = vector.broadcast %broadcast_in_dim3A_40 : f32 to vector<16xf32>
    %swap3A_42 = arith.constant 112 : index
    %swap3A_43 = tpu.vector_load %arg9[%swap3A_42] {strides = array<i32>} : memref<128xf32, #tpu.memory_space<vmem>>, vector<16xf32>,
    %swap3A_44 = vector.shape_cast %swap3A_43 : vector<16xf32> to vector<16xf32>
    %swap3A_45 = vector.shape_cast %broadcast_in_dim3A_41 : vector<16xf32> to vector<16xf32>
    tpu.vector_store %arg9[%swap3A_42], %swap3A_45 {strides = array<i32>} : memref<128xf32, #tpu.memory_space<vmem>>, vector<16xf32>,
    %mul3A = arith.constant 640 : i32
    %mul3A_46 = arith.muli %arg1, %mul3A : i32
    %add3A = arith.constant 0 : i32
    %add3A_47 = arith.addi %mul3A_46, %add3A : i32
    "tpu.region"() ({
      %run_scoped3A = tpu.sem_alloc : memref<!tpu.dma_semaphore, #tpu.memory_space<semaphore_mem>>
      %dma_start3A = tpu.memref_slice %arg12[%add3A_47] : memref<10240xf32, #tpu.memory_space<vmem_shared>> -> memref<128xf32, #tpu.memory_space<vmem_shared>>
      %dma_start3A_77 = tpu.memref_slice %arg12[%add3A_47] : memref<10240xf32, #tpu.memory_space<vmem_shared>> -> memref<128xf32, #tpu.memory_space<vmem_shared>>
      tpu.enqueue_dma source(%arg9 : memref<128xf32, #tpu.memory_space<vmem>>) target(%dma_start3A_77 : memref<128xf32, #tpu.memory_space<vmem_shared>>) target_semaphore(%run_scoped3A : memref<!tpu.dma_semaphore, #tpu.memory_space<semaphore_mem>>)
      %dma_wait3A = tpu.memref_slice %arg12[%add3A_47] : memref<10240xf32, #tpu.memory_space<vmem_shared>> -> memref<128xf32, #tpu.memory_space<vmem_shared>>
      %dma_wait3A_78 = tpu.memref_slice %arg12[%add3A_47] : memref<10240xf32, #tpu.memory_space<vmem_shared>> -> memref<128xf32, #tpu.memory_space<vmem_shared>>
      tpu.wait_dma2 semaphore(%run_scoped3A : memref<!tpu.dma_semaphore, #tpu.memory_space<semaphore_mem>>) src(%arg9 : memref<128xf32, #tpu.memory_space<vmem>>) dst(%dma_wait3A_78 : memref<128xf32, #tpu.memory_space<vmem_shared>>)
      tpu.yield
    }) : () -> ()
    %mul3A_48 = arith.constant 640 : i32
    %mul3A_49 = arith.muli %arg1, %mul3A_48 : i32
    %add3A_50 = arith.constant 128 : i32
    %add3A_51 = arith.addi %mul3A_49, %add3A_50 : i32
    "tpu.region"() ({
      %run_scoped3A = tpu.sem_alloc : memref<!tpu.dma_semaphore, #tpu.memory_space<semaphore_mem>>
      %dma_start3A = tpu.memref_slice %arg12[%add3A_51] : memref<10240xf32, #tpu.memory_space<vmem_shared>> -> memref<128xf32, #tpu.memory_space<vmem_shared>>
      %dma_start3A_77 = tpu.memref_slice %arg12[%add3A_51] : memref<10240xf32, #tpu.memory_space<vmem_shared>> -> memref<128xf32, #tpu.memory_space<vmem_shared>>
      tpu.enqueue_dma source(%arg9 : memref<128xf32, #tpu.memory_space<vmem>>) target(%dma_start3A_77 : memref<128xf32, #tpu.memory_space<vmem_shared>>) target_semaphore(%run_scoped3A : memref<!tpu.dma_semaphore, #tpu.memory_space<semaphore_mem>>)
      %dma_wait3A = tpu.memref_slice %arg12[%add3A_51] : memref<10240xf32, #tpu.memory_space<vmem_shared>> -> memref<128xf32, #tpu.memory_space<vmem_shared>>
      %dma_wait3A_78 = tpu.memref_slice %arg12[%add3A_51] : memref<10240xf32, #tpu.memory_space<vmem_shared>> -> memref<128xf32, #tpu.memory_space<vmem_shared>>
      tpu.wait_dma2 semaphore(%run_scoped3A : memref<!tpu.dma_semaphore, #tpu.memory_space<semaphore_mem>>) src(%arg9 : memref<128xf32, #tpu.memory_space<vmem>>) dst(%dma_wait3A_78 : memref<128xf32, #tpu.memory_space<vmem_shared>>)
      tpu.yield
    }) : () -> ()
    %mul3A_52 = arith.constant 640 : i32
    %mul3A_53 = arith.muli %arg1, %mul3A_52 : i32
    %add3A_54 = arith.constant 256 : i32
    %add3A_55 = arith.addi %mul3A_53, %add3A_54 : i32
    "tpu.region"() ({
      %run_scoped3A = tpu.sem_alloc : memref<!tpu.dma_semaphore, #tpu.memory_space<semaphore_mem>>
      %dma_start3A = tpu.memref_slice %arg12[%add3A_55] : memref<10240xf32, #tpu.memory_space<vmem_shared>> -> memref<128xf32, #tpu.memory_space<vmem_shared>>
      %dma_start3A_77 = tpu.memref_slice %arg12[%add3A_55] : memref<10240xf32, #tpu.memory_space<vmem_shared>> -> memref<128xf32, #tpu.memory_space<vmem_shared>>
      tpu.enqueue_dma source(%arg9 : memref<128xf32, #tpu.memory_space<vmem>>) target(%dma_start3A_77 : memref<128xf32, #tpu.memory_space<vmem_shared>>) target_semaphore(%run_scoped3A : memref<!tpu.dma_semaphore, #tpu.memory_space<semaphore_mem>>)
      %dma_wait3A = tpu.memref_slice %arg12[%add3A_55] : memref<10240xf32, #tpu.memory_space<vmem_shared>> -> memref<128xf32, #tpu.memory_space<vmem_shared>>
      %dma_wait3A_78 = tpu.memref_slice %arg12[%add3A_55] : memref<10240xf32, #tpu.memory_space<vmem_shared>> -> memref<128xf32, #tpu.memory_space<vmem_shared>>
      tpu.wait_dma2 semaphore(%run_scoped3A : memref<!tpu.dma_semaphore, #tpu.memory_space<semaphore_mem>>) src(%arg9 : memref<128xf32, #tpu.memory_space<vmem>>) dst(%dma_wait3A_78 : memref<128xf32, #tpu.memory_space<vmem_shared>>)
      tpu.yield
    }) : () -> ()
    %mul3A_56 = arith.constant 640 : i32
    %mul3A_57 = arith.muli %arg1, %mul3A_56 : i32
    %add3A_58 = arith.constant 384 : i32
    %add3A_59 = arith.addi %mul3A_57, %add3A_58 : i32
    "tpu.region"() ({
      %run_scoped3A = tpu.sem_alloc : memref<!tpu.dma_semaphore, #tpu.memory_space<semaphore_mem>>
      %dma_start3A = tpu.memref_slice %arg12[%add3A_59] : memref<10240xf32, #tpu.memory_space<vmem_shared>> -> memref<128xf32, #tpu.memory_space<vmem_shared>>
      %dma_start3A_77 = tpu.memref_slice %arg12[%add3A_59] : memref<10240xf32, #tpu.memory_space<vmem_shared>> -> memref<128xf32, #tpu.memory_space<vmem_shared>>
      tpu.enqueue_dma source(%arg9 : memref<128xf32, #tpu.memory_space<vmem>>) target(%dma_start3A_77 : memref<128xf32, #tpu.memory_space<vmem_shared>>) target_semaphore(%run_scoped3A : memref<!tpu.dma_semaphore, #tpu.memory_space<semaphore_mem>>)
      %dma_wait3A = tpu.memref_slice %arg12[%add3A_59] : memref<10240xf32, #tpu.memory_space<vmem_shared>> -> memref<128xf32, #tpu.memory_space<vmem_shared>>
      %dma_wait3A_78 = tpu.memref_slice %arg12[%add3A_59] : memref<10240xf32, #tpu.memory_space<vmem_shared>> -> memref<128xf32, #tpu.memory_space<vmem_shared>>
      tpu.wait_dma2 semaphore(%run_scoped3A : memref<!tpu.dma_semaphore, #tpu.memory_space<semaphore_mem>>) src(%arg9 : memref<128xf32, #tpu.memory_space<vmem>>) dst(%dma_wait3A_78 : memref<128xf32, #tpu.memory_space<vmem_shared>>)
      tpu.yield
    }) : () -> ()
    %mul3A_60 = arith.constant 640 : i32
    %mul3A_61 = arith.muli %arg1, %mul3A_60 : i32
    %add3A_62 = arith.constant 512 : i32
    %add3A_63 = arith.addi %mul3A_61, %add3A_62 : i32
    "tpu.region"() ({
      %run_scoped3A = tpu.sem_alloc : memref<!tpu.dma_semaphore, #tpu.memory_space<semaphore_mem>>
      %dma_start3A = tpu.memref_slice %arg12[%add3A_63] : memref<10240xf32, #tpu.memory_space<vmem_shared>> -> memref<128xf32, #tpu.memory_space<vmem_shared>>
      %dma_start3A_77 = tpu.memref_slice %arg12[%add3A_63] : memref<10240xf32, #tpu.memory_space<vmem_shared>> -> memref<128xf32, #tpu.memory_space<vmem_shared>>
      tpu.enqueue_dma source(%arg9 : memref<128xf32, #tpu.memory_space<vmem>>) target(%dma_start3A_77 : memref<128xf32, #tpu.memory_space<vmem_shared>>) target_semaphore(%run_scoped3A : memref<!tpu.dma_semaphore, #tpu.memory_space<semaphore_mem>>)
      %dma_wait3A = tpu.memref_slice %arg12[%add3A_63] : memref<10240xf32, #tpu.memory_space<vmem_shared>> -> memref<128xf32, #tpu.memory_space<vmem_shared>>
      %dma_wait3A_78 = tpu.memref_slice %arg12[%add3A_63] : memref<10240xf32, #tpu.memory_space<vmem_shared>> -> memref<128xf32, #tpu.memory_space<vmem_shared>>
      tpu.wait_dma2 semaphore(%run_scoped3A : memref<!tpu.dma_semaphore, #tpu.memory_space<semaphore_mem>>) src(%arg9 : memref<128xf32, #tpu.memory_space<vmem>>) dst(%dma_wait3A_78 : memref<128xf32, #tpu.memory_space<vmem_shared>>)
      tpu.yield
    }) : () -> ()
    %barrier3A = arith.constant 0 : index
    tpu.barrier barrier_id(%barrier3A)
    "tpu.region"() ({
      %run_scoped3A = tpu.sem_alloc : memref<!tpu.dma_semaphore, #tpu.memory_space<semaphore_mem>>
      %dma_start3A = arith.constant 0 : i32
      %dma_start3A_77 = arith.constant 0 : i32
      %dma_start3A_78 = tpu.memref_slice %arg2[%arg1, %dma_start3A, %dma_start3A_77] : memref<16x80x128xi32, #tpu.memory_space<hbm>> -> memref<1x80x128xi32, #tpu.memory_space<hbm>>
      %dma_start3A_79 = tpu.memref_squeeze %dma_start3A_78 : memref<1x80x128xi32, #tpu.memory_space<hbm>> -> memref<80x128xi32, #tpu.memory_space<hbm>>
      %dma_start3A_80 = arith.constant 0 : i32
      %dma_start3A_81 = arith.constant 0 : i32
      %dma_start3A_82 = tpu.memref_slice %arg2[%arg1, %dma_start3A_80, %dma_start3A_81] : memref<16x80x128xi32, #tpu.memory_space<hbm>> -> memref<1x80x128xi32, #tpu.memory_space<hbm>>
      %dma_start3A_83 = tpu.memref_squeeze %dma_start3A_82 : memref<1x80x128xi32, #tpu.memory_space<hbm>> -> memref<80x128xi32, #tpu.memory_space<hbm>>
      tpu.enqueue_dma source(%dma_start3A_83 : memref<80x128xi32, #tpu.memory_space<hbm>>) target(%arg8 : memref<80x128xi32, #tpu.memory_space<vmem>>) target_semaphore(%run_scoped3A : memref<!tpu.dma_semaphore, #tpu.memory_space<semaphore_mem>>)
      %dma_wait3A = arith.constant 0 : i32
      %dma_wait3A_84 = arith.constant 0 : i32
      %dma_wait3A_85 = tpu.memref_slice %arg2[%arg1, %dma_wait3A, %dma_wait3A_84] : memref<16x80x128xi32, #tpu.memory_space<hbm>> -> memref<1x80x128xi32, #tpu.memory_space<hbm>>
      %dma_wait3A_86 = tpu.memref_squeeze %dma_wait3A_85 : memref<1x80x128xi32, #tpu.memory_space<hbm>> -> memref<80x128xi32, #tpu.memory_space<hbm>>
      %dma_wait3A_87 = arith.constant 0 : i32
      %dma_wait3A_88 = arith.constant 0 : i32
      %dma_wait3A_89 = tpu.memref_slice %arg2[%arg1, %dma_wait3A_87, %dma_wait3A_88] : memref<16x80x128xi32, #tpu.memory_space<hbm>> -> memref<1x80x128xi32, #tpu.memory_space<hbm>>
      %dma_wait3A_90 = tpu.memref_squeeze %dma_wait3A_89 : memref<1x80x128xi32, #tpu.memory_space<hbm>> -> memref<80x128xi32, #tpu.memory_space<hbm>>
      tpu.wait_dma2 semaphore(%run_scoped3A : memref<!tpu.dma_semaphore, #tpu.memory_space<semaphore_mem>>) src(%dma_wait3A_90 : memref<80x128xi32, #tpu.memory_space<hbm>>) dst(%arg8 : memref<80x128xi32, #tpu.memory_space<vmem>>)
      tpu.yield
    }) : () -> ()
    %scan3A = arith.constant 0 : i32
    %scan3A_64 = arith.constant 0 : i32
    %scan3A_65 = arith.constant 10 : i32
    %scan3A_66 = arith.addi %scan3A_64, %scan3A_65 : i32
    %scan3A_67 = arith.constant 1 : i32
    scf.for %scan3A_77 = %scan3A_64 to %scan3A_66 step %scan3A_67  : i32 {
      %mul3A_78 = arith.constant 8 : i32
      %mul3A_79 = arith.muli %scan3A_77, %mul3A_78 : i32
      %add3A_80 = arith.constant 0 : i32
      %add3A_81 = arith.addi %mul3A_79, %add3A_80 : i32
      %dma_start3A = arith.constant 0 : i32
      %dma_start3A_82 = tpu.memref_slice %arg8[%add3A_81, %dma_start3A] : memref<80x128xi32, #tpu.memory_space<vmem>> -> memref<1x128xi32, #tpu.memory_space<vmem>>
      %dma_start3A_83 = tpu.memref_squeeze %dma_start3A_82 : memref<1x128xi32, #tpu.memory_space<vmem>> -> memref<128xi32, #tpu.memory_space<vmem>>
      %dma_start3A_84 = arith.constant 0 : i32
      %dma_start3A_85 = tpu.memref_slice %arg12[%dma_start3A_84] : memref<10240xf32, #tpu.memory_space<vmem_shared>> -> memref<10240xf32, #tpu.memory_space<vmem_shared>>
      tpu.enqueue_indirect_dma source(%arg9 : memref<128xf32, #tpu.memory_space<vmem>>) target(%dma_start3A_85 : memref<10240xf32, #tpu.memory_space<vmem_shared>>) offsets(%dma_start3A_83 : memref<128xi32, #tpu.memory_space<vmem>>) semaphore(%arg13 : memref<!tpu.dma_semaphore, #tpu.memory_space<semaphore_mem>>) {add = true}
      %mul3A_86 = arith.constant 8 : i32
      %mul3A_87 = arith.muli %scan3A_77, %mul3A_86 : i32
      %add3A_88 = arith.constant 1 : i32
      %add3A_89 = arith.addi %mul3A_87, %add3A_88 : i32
      %dma_start3A_90 = arith.constant 0 : i32
      %dma_start3A_91 = tpu.memref_slice %arg8[%add3A_89, %dma_start3A_90] : memref<80x128xi32, #tpu.memory_space<vmem>> -> memref<1x128xi32, #tpu.memory_space<vmem>>
      %dma_start3A_92 = tpu.memref_squeeze %dma_start3A_91 : memref<1x128xi32, #tpu.memory_space<vmem>> -> memref<128xi32, #tpu.memory_space<vmem>>
      %dma_start3A_93 = arith.constant 0 : i32
      %dma_start3A_94 = tpu.memref_slice %arg12[%dma_start3A_93] : memref<10240xf32, #tpu.memory_space<vmem_shared>> -> memref<10240xf32, #tpu.memory_space<vmem_shared>>
      tpu.enqueue_indirect_dma source(%arg9 : memref<128xf32, #tpu.memory_space<vmem>>) target(%dma_start3A_94 : memref<10240xf32, #tpu.memory_space<vmem_shared>>) offsets(%dma_start3A_92 : memref<128xi32, #tpu.memory_space<vmem>>) semaphore(%arg13 : memref<!tpu.dma_semaphore, #tpu.memory_space<semaphore_mem>>) {add = true}
      %mul3A_95 = arith.constant 8 : i32
      %mul3A_96 = arith.muli %scan3A_77, %mul3A_95 : i32
      %add3A_97 = arith.constant 2 : i32
      %add3A_98 = arith.addi %mul3A_96, %add3A_97 : i32
      %dma_start3A_99 = arith.constant 0 : i32
      %dma_start3A_100 = tpu.memref_slice %arg8[%add3A_98, %dma_start3A_99] : memref<80x128xi32, #tpu.memory_space<vmem>> -> memref<1x128xi32, #tpu.memory_space<vmem>>
      %dma_start3A_101 = tpu.memref_squeeze %dma_start3A_100 : memref<1x128xi32, #tpu.memory_space<vmem>> -> memref<128xi32, #tpu.memory_space<vmem>>
      %dma_start3A_102 = arith.constant 0 : i32
      %dma_start3A_103 = tpu.memref_slice %arg12[%dma_start3A_102] : memref<10240xf32, #tpu.memory_space<vmem_shared>> -> memref<10240xf32, #tpu.memory_space<vmem_shared>>
      tpu.enqueue_indirect_dma source(%arg9 : memref<128xf32, #tpu.memory_space<vmem>>) target(%dma_start3A_103 : memref<10240xf32, #tpu.memory_space<vmem_shared>>) offsets(%dma_start3A_101 : memref<128xi32, #tpu.memory_space<vmem>>) semaphore(%arg13 : memref<!tpu.dma_semaphore, #tpu.memory_space<semaphore_mem>>) {add = true}
      %mul3A_104 = arith.constant 8 : i32
      %mul3A_105 = arith.muli %scan3A_77, %mul3A_104 : i32
      %add3A_106 = arith.constant 3 : i32
      %add3A_107 = arith.addi %mul3A_105, %add3A_106 : i32
      %dma_start3A_108 = arith.constant 0 : i32
      %dma_start3A_109 = tpu.memref_slice %arg8[%add3A_107, %dma_start3A_108] : memref<80x128xi32, #tpu.memory_space<vmem>> -> memref<1x128xi32, #tpu.memory_space<vmem>>
      %dma_start3A_110 = tpu.memref_squeeze %dma_start3A_109 : memref<1x128xi32, #tpu.memory_space<vmem>> -> memref<128xi32, #tpu.memory_space<vmem>>
      %dma_start3A_111 = arith.constant 0 : i32
      %dma_start3A_112 = tpu.memref_slice %arg12[%dma_start3A_111] : memref<10240xf32, #tpu.memory_space<vmem_shared>> -> memref<10240xf32, #tpu.memory_space<vmem_shared>>
      tpu.enqueue_indirect_dma source(%arg9 : memref<128xf32, #tpu.memory_space<vmem>>) target(%dma_start3A_112 : memref<10240xf32, #tpu.memory_space<vmem_shared>>) offsets(%dma_start3A_110 : memref<128xi32, #tpu.memory_space<vmem>>) semaphore(%arg13 : memref<!tpu.dma_semaphore, #tpu.memory_space<semaphore_mem>>) {add = true}
      %mul3A_113 = arith.constant 8 : i32
      %mul3A_114 = arith.muli %scan3A_77, %mul3A_113 : i32
      %add3A_115 = arith.constant 4 : i32
      %add3A_116 = arith.addi %mul3A_114, %add3A_115 : i32
      %dma_start3A_117 = arith.constant 0 : i32
      %dma_start3A_118 = tpu.memref_slice %arg8[%add3A_116, %dma_start3A_117] : memref<80x128xi32, #tpu.memory_space<vmem>> -> memref<1x128xi32, #tpu.memory_space<vmem>>
      %dma_start3A_119 = tpu.memref_squeeze %dma_start3A_118 : memref<1x128xi32, #tpu.memory_space<vmem>> -> memref<128xi32, #tpu.memory_space<vmem>>
      %dma_start3A_120 = arith.constant 0 : i32
      %dma_start3A_121 = tpu.memref_slice %arg12[%dma_start3A_120] : memref<10240xf32, #tpu.memory_space<vmem_shared>> -> memref<10240xf32, #tpu.memory_space<vmem_shared>>
      tpu.enqueue_indirect_dma source(%arg9 : memref<128xf32, #tpu.memory_space<vmem>>) target(%dma_start3A_121 : memref<10240xf32, #tpu.memory_space<vmem_shared>>) offsets(%dma_start3A_119 : memref<128xi32, #tpu.memory_space<vmem>>) semaphore(%arg13 : memref<!tpu.dma_semaphore, #tpu.memory_space<semaphore_mem>>) {add = true}
      %mul3A_122 = arith.constant 8 : i32
      %mul3A_123 = arith.muli %scan3A_77, %mul3A_122 : i32
      %add3A_124 = arith.constant 5 : i32
      %add3A_125 = arith.addi %mul3A_123, %add3A_124 : i32
      %dma_start3A_126 = arith.constant 0 : i32
      %dma_start3A_127 = tpu.memref_slice %arg8[%add3A_125, %dma_start3A_126] : memref<80x128xi32, #tpu.memory_space<vmem>> -> memref<1x128xi32, #tpu.memory_space<vmem>>
      %dma_start3A_128 = tpu.memref_squeeze %dma_start3A_127 : memref<1x128xi32, #tpu.memory_space<vmem>> -> memref<128xi32, #tpu.memory_space<vmem>>
      %dma_start3A_129 = arith.constant 0 : i32
      %dma_start3A_130 = tpu.memref_slice %arg12[%dma_start3A_129] : memref<10240xf32, #tpu.memory_space<vmem_shared>> -> memref<10240xf32, #tpu.memory_space<vmem_shared>>
      tpu.enqueue_indirect_dma source(%arg9 : memref<128xf32, #tpu.memory_space<vmem>>) target(%dma_start3A_130 : memref<10240xf32, #tpu.memory_space<vmem_shared>>) offsets(%dma_start3A_128 : memref<128xi32, #tpu.memory_space<vmem>>) semaphore(%arg13 : memref<!tpu.dma_semaphore, #tpu.memory_space<semaphore_mem>>) {add = true}
      %mul3A_131 = arith.constant 8 : i32
      %mul3A_132 = arith.muli %scan3A_77, %mul3A_131 : i32
      %add3A_133 = arith.constant 6 : i32
      %add3A_134 = arith.addi %mul3A_132, %add3A_133 : i32
      %dma_start3A_135 = arith.constant 0 : i32
      %dma_start3A_136 = tpu.memref_slice %arg8[%add3A_134, %dma_start3A_135] : memref<80x128xi32, #tpu.memory_space<vmem>> -> memref<1x128xi32, #tpu.memory_space<vmem>>
      %dma_start3A_137 = tpu.memref_squeeze %dma_start3A_136 : memref<1x128xi32, #tpu.memory_space<vmem>> -> memref<128xi32, #tpu.memory_space<vmem>>
      %dma_start3A_138 = arith.constant 0 : i32
      %dma_start3A_139 = tpu.memref_slice %arg12[%dma_start3A_138] : memref<10240xf32, #tpu.memory_space<vmem_shared>> -> memref<10240xf32, #tpu.memory_space<vmem_shared>>
      tpu.enqueue_indirect_dma source(%arg9 : memref<128xf32, #tpu.memory_space<vmem>>) target(%dma_start3A_139 : memref<10240xf32, #tpu.memory_space<vmem_shared>>) offsets(%dma_start3A_137 : memref<128xi32, #tpu.memory_space<vmem>>) semaphore(%arg13 : memref<!tpu.dma_semaphore, #tpu.memory_space<semaphore_mem>>) {add = true}
      %mul3A_140 = arith.constant 8 : i32
      %mul3A_141 = arith.muli %scan3A_77, %mul3A_140 : i32
      %add3A_142 = arith.constant 7 : i32
      %add3A_143 = arith.addi %mul3A_141, %add3A_142 : i32
      %dma_start3A_144 = arith.constant 0 : i32
      %dma_start3A_145 = tpu.memref_slice %arg8[%add3A_143, %dma_start3A_144] : memref<80x128xi32, #tpu.memory_space<vmem>> -> memref<1x128xi32, #tpu.memory_space<vmem>>
      %dma_start3A_146 = tpu.memref_squeeze %dma_start3A_145 : memref<1x128xi32, #tpu.memory_space<vmem>> -> memref<128xi32, #tpu.memory_space<vmem>>
      %dma_start3A_147 = arith.constant 0 : i32
      %dma_start3A_148 = tpu.memref_slice %arg12[%dma_start3A_147] : memref<10240xf32, #tpu.memory_space<vmem_shared>> -> memref<10240xf32, #tpu.memory_space<vmem_shared>>
      tpu.enqueue_indirect_dma source(%arg9 : memref<128xf32, #tpu.memory_space<vmem>>) target(%dma_start3A_148 : memref<10240xf32, #tpu.memory_space<vmem_shared>>) offsets(%dma_start3A_146 : memref<128xi32, #tpu.memory_space<vmem>>) semaphore(%arg13 : memref<!tpu.dma_semaphore, #tpu.memory_space<semaphore_mem>>) {add = true}
      %dma_wait3A = arith.constant 0 : i32
      %dma_wait3A_149 = arith.constant 0 : i32
      %dma_wait3A_150 = arith.constant 0 : i32
      %dma_wait3A_151 = tpu.memref_slice %arg2[%dma_wait3A, %dma_wait3A_149, %dma_wait3A_150] : memref<16x80x128xi32, #tpu.memory_space<hbm>> -> memref<1x1x128xi32, #tpu.memory_space<hbm>>
      %dma_wait3A_152 = tpu.memref_squeeze %dma_wait3A_151 : memref<1x1x128xi32, #tpu.memory_space<hbm>> -> memref<128xi32, #tpu.memory_space<hbm>>
      %dma_wait3A_153 = arith.constant 0 : i32
      %dma_wait3A_154 = tpu.memref_slice %arg2[%dma_wait3A, %dma_wait3A_149, %dma_wait3A_153] : memref<16x80x128xi32, #tpu.memory_space<hbm>> -> memref<1x1x128xi32, #tpu.memory_space<hbm>>
      %dma_wait3A_155 = tpu.memref_squeeze %dma_wait3A_154 : memref<1x1x128xi32, #tpu.memory_space<hbm>> -> memref<128xi32, #tpu.memory_space<hbm>>
      tpu.wait_dma2 semaphore(%arg13 : memref<!tpu.dma_semaphore, #tpu.memory_space<semaphore_mem>>) src(%dma_wait3A_155 : memref<128xi32, #tpu.memory_space<hbm>>) dst(%arg9 : memref<128xf32, #tpu.memory_space<vmem>>)
      %dma_wait3A_156 = arith.constant 0 : i32
      %dma_wait3A_157 = arith.constant 0 : i32
      %dma_wait3A_158 = arith.constant 0 : i32
      %dma_wait3A_159 = tpu.memref_slice %arg2[%dma_wait3A_156, %dma_wait3A_157, %dma_wait3A_158] : memref<16x80x128xi32, #tpu.memory_space<hbm>> -> memref<1x1x128xi32, #tpu.memory_space<hbm>>
      %dma_wait3A_160 = tpu.memref_squeeze %dma_wait3A_159 : memref<1x1x128xi32, #tpu.memory_space<hbm>> -> memref<128xi32, #tpu.memory_space<hbm>>
      %dma_wait3A_161 = arith.constant 0 : i32
      %dma_wait3A_162 = tpu.memref_slice %arg2[%dma_wait3A_156, %dma_wait3A_157, %dma_wait3A_161] : memref<16x80x128xi32, #tpu.memory_space<hbm>> -> memref<1x1x128xi32, #tpu.memory_space<hbm>>
      %dma_wait3A_163 = tpu.memref_squeeze %dma_wait3A_162 : memref<1x1x128xi32, #tpu.memory_space<hbm>> -> memref<128xi32, #tpu.memory_space<hbm>>
      tpu.wait_dma2 semaphore(%arg13 : memref<!tpu.dma_semaphore, #tpu.memory_space<semaphore_mem>>) src(%dma_wait3A_163 : memref<128xi32, #tpu.memory_space<hbm>>) dst(%arg9 : memref<128xf32, #tpu.memory_space<vmem>>)
      %dma_wait3A_164 = arith.constant 0 : i32
      %dma_wait3A_165 = arith.constant 0 : i32
      %dma_wait3A_166 = arith.constant 0 : i32
      %dma_wait3A_167 = tpu.memref_slice %arg2[%dma_wait3A_164, %dma_wait3A_165, %dma_wait3A_166] : memref<16x80x128xi32, #tpu.memory_space<hbm>> -> memref<1x1x128xi32, #tpu.memory_space<hbm>>
      %dma_wait3A_168 = tpu.memref_squeeze %dma_wait3A_167 : memref<1x1x128xi32, #tpu.memory_space<hbm>> -> memref<128xi32, #tpu.memory_space<hbm>>
      %dma_wait3A_169 = arith.constant 0 : i32
      %dma_wait3A_170 = tpu.memref_slice %arg2[%dma_wait3A_164, %dma_wait3A_165, %dma_wait3A_169] : memref<16x80x128xi32, #tpu.memory_space<hbm>> -> memref<1x1x128xi32, #tpu.memory_space<hbm>>
      %dma_wait3A_171 = tpu.memref_squeeze %dma_wait3A_170 : memref<1x1x128xi32, #tpu.memory_space<hbm>> -> memref<128xi32, #tpu.memory_space<hbm>>
      tpu.wait_dma2 semaphore(%arg13 : memref<!tpu.dma_semaphore, #tpu.memory_space<semaphore_mem>>) src(%dma_wait3A_171 : memref<128xi32, #tpu.memory_space<hbm>>) dst(%arg9 : memref<128xf32, #tpu.memory_space<vmem>>)
      %dma_wait3A_172 = arith.constant 0 : i32
      %dma_wait3A_173 = arith.constant 0 : i32
      %dma_wait3A_174 = arith.constant 0 : i32
      %dma_wait3A_175 = tpu.memref_slice %arg2[%dma_wait3A_172, %dma_wait3A_173, %dma_wait3A_174] : memref<16x80x128xi32, #tpu.memory_space<hbm>> -> memref<1x1x128xi32, #tpu.memory_space<hbm>>
      %dma_wait3A_176 = tpu.memref_squeeze %dma_wait3A_175 : memref<1x1x128xi32, #tpu.memory_space<hbm>> -> memref<128xi32, #tpu.memory_space<hbm>>
      %dma_wait3A_177 = arith.constant 0 : i32
      %dma_wait3A_178 = tpu.memref_slice %arg2[%dma_wait3A_172, %dma_wait3A_173, %dma_wait3A_177] : memref<16x80x128xi32, #tpu.memory_space<hbm>> -> memref<1x1x128xi32, #tpu.memory_space<hbm>>
      %dma_wait3A_179 = tpu.memref_squeeze %dma_wait3A_178 : memref<1x1x128xi32, #tpu.memory_space<hbm>> -> memref<128xi32, #tpu.memory_space<hbm>>
      tpu.wait_dma2 semaphore(%arg13 : memref<!tpu.dma_semaphore, #tpu.memory_space<semaphore_mem>>) src(%dma_wait3A_179 : memref<128xi32, #tpu.memory_space<hbm>>) dst(%arg9 : memref<128xf32, #tpu.memory_space<vmem>>)
      %dma_wait3A_180 = arith.constant 0 : i32
      %dma_wait3A_181 = arith.constant 0 : i32
      %dma_wait3A_182 = arith.constant 0 : i32
      %dma_wait3A_183 = tpu.memref_slice %arg2[%dma_wait3A_180, %dma_wait3A_181, %dma_wait3A_182] : memref<16x80x128xi32, #tpu.memory_space<hbm>> -> memref<1x1x128xi32, #tpu.memory_space<hbm>>
      %dma_wait3A_184 = tpu.memref_squeeze %dma_wait3A_183 : memref<1x1x128xi32, #tpu.memory_space<hbm>> -> memref<128xi32, #tpu.memory_space<hbm>>
      %dma_wait3A_185 = arith.constant 0 : i32
      %dma_wait3A_186 = tpu.memref_slice %arg2[%dma_wait3A_180, %dma_wait3A_181, %dma_wait3A_185] : memref<16x80x128xi32, #tpu.memory_space<hbm>> -> memref<1x1x128xi32, #tpu.memory_space<hbm>>
      %dma_wait3A_187 = tpu.memref_squeeze %dma_wait3A_186 : memref<1x1x128xi32, #tpu.memory_space<hbm>> -> memref<128xi32, #tpu.memory_space<hbm>>
      tpu.wait_dma2 semaphore(%arg13 : memref<!tpu.dma_semaphore, #tpu.memory_space<semaphore_mem>>) src(%dma_wait3A_187 : memref<128xi32, #tpu.memory_space<hbm>>) dst(%arg9 : memref<128xf32, #tpu.memory_space<vmem>>)
      %dma_wait3A_188 = arith.constant 0 : i32
      %dma_wait3A_189 = arith.constant 0 : i32
      %dma_wait3A_190 = arith.constant 0 : i32
      %dma_wait3A_191 = tpu.memref_slice %arg2[%dma_wait3A_188, %dma_wait3A_189, %dma_wait3A_190] : memref<16x80x128xi32, #tpu.memory_space<hbm>> -> memref<1x1x128xi32, #tpu.memory_space<hbm>>
      %dma_wait3A_192 = tpu.memref_squeeze %dma_wait3A_191 : memref<1x1x128xi32, #tpu.memory_space<hbm>> -> memref<128xi32, #tpu.memory_space<hbm>>
      %dma_wait3A_193 = arith.constant 0 : i32
      %dma_wait3A_194 = tpu.memref_slice %arg2[%dma_wait3A_188, %dma_wait3A_189, %dma_wait3A_193] : memref<16x80x128xi32, #tpu.memory_space<hbm>> -> memref<1x1x128xi32, #tpu.memory_space<hbm>>
      %dma_wait3A_195 = tpu.memref_squeeze %dma_wait3A_194 : memref<1x1x128xi32, #tpu.memory_space<hbm>> -> memref<128xi32, #tpu.memory_space<hbm>>
      tpu.wait_dma2 semaphore(%arg13 : memref<!tpu.dma_semaphore, #tpu.memory_space<semaphore_mem>>) src(%dma_wait3A_195 : memref<128xi32, #tpu.memory_space<hbm>>) dst(%arg9 : memref<128xf32, #tpu.memory_space<vmem>>)
      %dma_wait3A_196 = arith.constant 0 : i32
      %dma_wait3A_197 = arith.constant 0 : i32
      %dma_wait3A_198 = arith.constant 0 : i32
      %dma_wait3A_199 = tpu.memref_slice %arg2[%dma_wait3A_196, %dma_wait3A_197, %dma_wait3A_198] : memref<16x80x128xi32, #tpu.memory_space<hbm>> -> memref<1x1x128xi32, #tpu.memory_space<hbm>>
      %dma_wait3A_200 = tpu.memref_squeeze %dma_wait3A_199 : memref<1x1x128xi32, #tpu.memory_space<hbm>> -> memref<128xi32, #tpu.memory_space<hbm>>
      %dma_wait3A_201 = arith.constant 0 : i32
      %dma_wait3A_202 = tpu.memref_slice %arg2[%dma_wait3A_196, %dma_wait3A_197, %dma_wait3A_201] : memref<16x80x128xi32, #tpu.memory_space<hbm>> -> memref<1x1x128xi32, #tpu.memory_space<hbm>>
      %dma_wait3A_203 = tpu.memref_squeeze %dma_wait3A_202 : memref<1x1x128xi32, #tpu.memory_space<hbm>> -> memref<128xi32, #tpu.memory_space<hbm>>
      tpu.wait_dma2 semaphore(%arg13 : memref<!tpu.dma_semaphore, #tpu.memory_space<semaphore_mem>>) src(%dma_wait3A_203 : memref<128xi32, #tpu.memory_space<hbm>>) dst(%arg9 : memref<128xf32, #tpu.memory_space<vmem>>)
      %dma_wait3A_204 = arith.constant 0 : i32
      %dma_wait3A_205 = arith.constant 0 : i32
      %dma_wait3A_206 = arith.constant 0 : i32
      %dma_wait3A_207 = tpu.memref_slice %arg2[%dma_wait3A_204, %dma_wait3A_205, %dma_wait3A_206] : memref<16x80x128xi32, #tpu.memory_space<hbm>> -> memref<1x1x128xi32, #tpu.memory_space<hbm>>
      %dma_wait3A_208 = tpu.memref_squeeze %dma_wait3A_207 : memref<1x1x128xi32, #tpu.memory_space<hbm>> -> memref<128xi32, #tpu.memory_space<hbm>>
      %dma_wait3A_209 = arith.constant 0 : i32
      %dma_wait3A_210 = tpu.memref_slice %arg2[%dma_wait3A_204, %dma_wait3A_205, %dma_wait3A_209] : memref<16x80x128xi32, #tpu.memory_space<hbm>> -> memref<1x1x128xi32, #tpu.memory_space<hbm>>
      %dma_wait3A_211 = tpu.memref_squeeze %dma_wait3A_210 : memref<1x1x128xi32, #tpu.memory_space<hbm>> -> memref<128xi32, #tpu.memory_space<hbm>>
      tpu.wait_dma2 semaphore(%arg13 : memref<!tpu.dma_semaphore, #tpu.memory_space<semaphore_mem>>) src(%dma_wait3A_211 : memref<128xi32, #tpu.memory_space<hbm>>) dst(%arg9 : memref<128xf32, #tpu.memory_space<vmem>>)
    }
    %scan3A_68 = arith.constant 10 : i32
    %barrier3A_69 = arith.constant 0 : index
    tpu.barrier barrier_id(%barrier3A_69)
    %eq3A = arith.constant 0 : i32
    %eq3A_70 = arith.cmpi eq, %arg0, %eq3A : i32
    %convert_element_type3A = arith.extui %eq3A_70 : i1 to i32
    %cond3A = arith.constant 0 : i32
    %cond3A_71 = arith.cmpi ne, %convert_element_type3A, %cond3A : i32
    scf.if %cond3A_71 {
      %mul3A_77 = arith.constant 640 : i32
      %mul3A_78 = arith.muli %arg1, %mul3A_77 : i32
      %mul3A_79 = arith.constant 640 : i32
      %mul3A_80 = arith.muli %arg1, %mul3A_79 : i32
      "tpu.region"() ({
        %run_scoped3A = tpu.sem_alloc : memref<!tpu.dma_semaphore, #tpu.memory_space<semaphore_mem>>
        %dma_start3A = tpu.memref_slice %arg5[%mul3A_80] : memref<10240xf32, #tpu.memory_space<hbm>> -> memref<640xf32, #tpu.memory_space<hbm>>
        %dma_start3A_81 = tpu.memref_slice %arg12[%mul3A_78] : memref<10240xf32, #tpu.memory_space<vmem_shared>> -> memref<640xf32, #tpu.memory_space<vmem_shared>>
        tpu.enqueue_dma source(%dma_start3A_81 : memref<640xf32, #tpu.memory_space<vmem_shared>>) target(%dma_start3A : memref<640xf32, #tpu.memory_space<hbm>>) target_semaphore(%run_scoped3A : memref<!tpu.dma_semaphore, #tpu.memory_space<semaphore_mem>>)
        %dma_wait3A = tpu.memref_slice %arg5[%mul3A_80] : memref<10240xf32, #tpu.memory_space<hbm>> -> memref<640xf32, #tpu.memory_space<hbm>>
        %dma_wait3A_82 = tpu.memref_slice %arg12[%mul3A_78] : memref<10240xf32, #tpu.memory_space<vmem_shared>> -> memref<640xf32, #tpu.memory_space<vmem_shared>>
        tpu.wait_dma2 semaphore(%run_scoped3A : memref<!tpu.dma_semaphore, #tpu.memory_space<semaphore_mem>>) src(%dma_wait3A_82 : memref<640xf32, #tpu.memory_space<vmem_shared>>) dst(%dma_wait3A : memref<640xf32, #tpu.memory_space<hbm>>)
        tpu.yield
      }) : () -> ()
    } else {
    }
    %eq3A_72 = arith.constant 1 : i32
    %eq3A_73 = arith.cmpi eq, %arg0, %eq3A_72 : i32
    %convert_element_type3A_74 = arith.extui %eq3A_73 : i1 to i32
    %cond3A_75 = arith.constant 0 : i32
    %cond3A_76 = arith.cmpi ne, %convert_element_type3A_74, %cond3A_75 : i32
    scf.if %cond3A_76 {
      "tpu.region"() ({
        %run_scoped3A = tpu.sem_alloc : memref<!tpu.dma_semaphore, #tpu.memory_space<semaphore_mem>>
        %dma_start3A_139 = arith.constant 0 : i32
        %dma_start3A_140 = arith.constant 0 : i32
        %dma_start3A_141 = tpu.memref_slice %arg3[%arg1, %dma_start3A_139, %dma_start3A_140] : memref<16x2x128xi32, #tpu.memory_space<hbm>> -> memref<1x2x128xi32, #tpu.memory_space<hbm>>
        %dma_start3A_142 = tpu.memref_squeeze %dma_start3A_141 : memref<1x2x128xi32, #tpu.memory_space<hbm>> -> memref<2x128xi32, #tpu.memory_space<hbm>>
        %dma_start3A_143 = arith.constant 0 : i32
        %dma_start3A_144 = arith.constant 0 : i32
        %dma_start3A_145 = tpu.memref_slice %arg3[%arg1, %dma_start3A_143, %dma_start3A_144] : memref<16x2x128xi32, #tpu.memory_space<hbm>> -> memref<1x2x128xi32, #tpu.memory_space<hbm>>
        %dma_start3A_146 = tpu.memref_squeeze %dma_start3A_145 : memref<1x2x128xi32, #tpu.memory_space<hbm>> -> memref<2x128xi32, #tpu.memory_space<hbm>>
        tpu.enqueue_dma source(%dma_start3A_146 : memref<2x128xi32, #tpu.memory_space<hbm>>) target(%arg10 : memref<2x128xi32, #tpu.memory_space<vmem>>) target_semaphore(%run_scoped3A : memref<!tpu.dma_semaphore, #tpu.memory_space<semaphore_mem>>)
        %dma_wait3A_147 = arith.constant 0 : i32
        %dma_wait3A_148 = arith.constant 0 : i32
        %dma_wait3A_149 = tpu.memref_slice %arg3[%arg1, %dma_wait3A_147, %dma_wait3A_148] : memref<16x2x128xi32, #tpu.memory_space<hbm>> -> memref<1x2x128xi32, #tpu.memory_space<hbm>>
        %dma_wait3A_150 = tpu.memref_squeeze %dma_wait3A_149 : memref<1x2x128xi32, #tpu.memory_space<hbm>> -> memref<2x128xi32, #tpu.memory_space<hbm>>
        %dma_wait3A_151 = arith.constant 0 : i32
        %dma_wait3A_152 = arith.constant 0 : i32
        %dma_wait3A_153 = tpu.memref_slice %arg3[%arg1, %dma_wait3A_151, %dma_wait3A_152] : memref<16x2x128xi32, #tpu.memory_space<hbm>> -> memref<1x2x128xi32, #tpu.memory_space<hbm>>
        %dma_wait3A_154 = tpu.memref_squeeze %dma_wait3A_153 : memref<1x2x128xi32, #tpu.memory_space<hbm>> -> memref<2x128xi32, #tpu.memory_space<hbm>>
        tpu.wait_dma2 semaphore(%run_scoped3A : memref<!tpu.dma_semaphore, #tpu.memory_space<semaphore_mem>>) src(%dma_wait3A_154 : memref<2x128xi32, #tpu.memory_space<hbm>>) dst(%arg10 : memref<2x128xi32, #tpu.memory_space<vmem>>)
        tpu.yield
      }) : () -> ()
      %dma_start3A = arith.constant 0 : i32
      %dma_start3A_77 = arith.constant 0 : i32
      %dma_start3A_78 = tpu.memref_slice %arg10[%dma_start3A, %dma_start3A_77] : memref<2x128xi32, #tpu.memory_space<vmem>> -> memref<1x128xi32, #tpu.memory_space<vmem>>
      %dma_start3A_79 = tpu.memref_squeeze %dma_start3A_78 : memref<1x128xi32, #tpu.memory_space<vmem>> -> memref<128xi32, #tpu.memory_space<vmem>>
      %dma_start3A_80 = arith.constant 0 : i32
      %dma_start3A_81 = tpu.memref_slice %arg12[%dma_start3A_80] : memref<10240xf32, #tpu.memory_space<vmem_shared>> -> memref<10240xf32, #tpu.memory_space<vmem_shared>>
      tpu.enqueue_indirect_dma source(%dma_start3A_81 : memref<10240xf32, #tpu.memory_space<vmem_shared>>) target(%arg11 : memref<128xf32, #tpu.memory_space<vmem>>) offsets(%dma_start3A_79 : memref<128xi32, #tpu.memory_space<vmem>>) semaphore(%arg13 : memref<!tpu.dma_semaphore, #tpu.memory_space<semaphore_mem>>)
      %dma_wait3A = arith.constant 0 : i32
      %dma_wait3A_82 = arith.constant 0 : i32
      %dma_wait3A_83 = tpu.memref_slice %arg10[%dma_wait3A, %dma_wait3A_82] : memref<2x128xi32, #tpu.memory_space<vmem>> -> memref<1x128xi32, #tpu.memory_space<vmem>>
      %dma_wait3A_84 = tpu.memref_squeeze %dma_wait3A_83 : memref<1x128xi32, #tpu.memory_space<vmem>> -> memref<128xi32, #tpu.memory_space<vmem>>
      %dma_wait3A_85 = arith.constant 0 : i32
      %dma_wait3A_86 = tpu.memref_slice %arg12[%dma_wait3A_85] : memref<10240xf32, #tpu.memory_space<vmem_shared>> -> memref<10240xf32, #tpu.memory_space<vmem_shared>>
      tpu.wait_indirect_dma semaphore(%arg13 : memref<!tpu.dma_semaphore, #tpu.memory_space<semaphore_mem>>) src(%dma_wait3A_86 : memref<10240xf32, #tpu.memory_space<vmem_shared>>) dst(%arg11 : memref<128xf32, #tpu.memory_space<vmem>>)
      %mul3A_87 = arith.constant 256 : i32
      %mul3A_88 = arith.muli %arg1, %mul3A_87 : i32
      %add3A_89 = arith.constant 0 : i32
      %add3A_90 = arith.addi %mul3A_88, %add3A_89 : i32
      "tpu.region"() ({
        %run_scoped3A = tpu.sem_alloc : memref<!tpu.dma_semaphore, #tpu.memory_space<semaphore_mem>>
        %dma_start3A_139 = tpu.memref_slice %arg6[%add3A_90] : memref<4096xf32, #tpu.memory_space<hbm>> -> memref<128xf32, #tpu.memory_space<hbm>>
        %dma_start3A_140 = tpu.memref_slice %arg6[%add3A_90] : memref<4096xf32, #tpu.memory_space<hbm>> -> memref<128xf32, #tpu.memory_space<hbm>>
        tpu.enqueue_dma source(%arg11 : memref<128xf32, #tpu.memory_space<vmem>>) target(%dma_start3A_140 : memref<128xf32, #tpu.memory_space<hbm>>) target_semaphore(%run_scoped3A : memref<!tpu.dma_semaphore, #tpu.memory_space<semaphore_mem>>)
        %dma_wait3A_141 = tpu.memref_slice %arg6[%add3A_90] : memref<4096xf32, #tpu.memory_space<hbm>> -> memref<128xf32, #tpu.memory_space<hbm>>
        %dma_wait3A_142 = tpu.memref_slice %arg6[%add3A_90] : memref<4096xf32, #tpu.memory_space<hbm>> -> memref<128xf32, #tpu.memory_space<hbm>>
        tpu.wait_dma2 semaphore(%run_scoped3A : memref<!tpu.dma_semaphore, #tpu.memory_space<semaphore_mem>>) src(%arg11 : memref<128xf32, #tpu.memory_space<vmem>>) dst(%dma_wait3A_142 : memref<128xf32, #tpu.memory_space<hbm>>)
        tpu.yield
      }) : () -> ()
      %dma_start3A_91 = arith.constant 1 : i32
      %dma_start3A_92 = arith.constant 0 : i32
      %dma_start3A_93 = tpu.memref_slice %arg10[%dma_start3A_91, %dma_start3A_92] : memref<2x128xi32, #tpu.memory_space<vmem>> -> memref<1x128xi32, #tpu.memory_space<vmem>>
      %dma_start3A_94 = tpu.memref_squeeze %dma_start3A_93 : memref<1x128xi32, #tpu.memory_space<vmem>> -> memref<128xi32, #tpu.memory_space<vmem>>
      %dma_start3A_95 = arith.constant 0 : i32
      %dma_start3A_96 = tpu.memref_slice %arg12[%dma_start3A_95] : memref<10240xf32, #tpu.memory_space<vmem_shared>> -> memref<10240xf32, #tpu.memory_space<vmem_shared>>
      tpu.enqueue_indirect_dma source(%dma_start3A_96 : memref<10240xf32, #tpu.memory_space<vmem_shared>>) target(%arg11 : memref<128xf32, #tpu.memory_space<vmem>>) offsets(%dma_start3A_94 : memref<128xi32, #tpu.memory_space<vmem>>) semaphore(%arg13 : memref<!tpu.dma_semaphore, #tpu.memory_space<semaphore_mem>>)
      %dma_wait3A_97 = arith.constant 1 : i32
      %dma_wait3A_98 = arith.constant 0 : i32
      %dma_wait3A_99 = tpu.memref_slice %arg10[%dma_wait3A_97, %dma_wait3A_98] : memref<2x128xi32, #tpu.memory_space<vmem>> -> memref<1x128xi32, #tpu.memory_space<vmem>>
      %dma_wait3A_100 = tpu.memref_squeeze %dma_wait3A_99 : memref<1x128xi32, #tpu.memory_space<vmem>> -> memref<128xi32, #tpu.memory_space<vmem>>
      %dma_wait3A_101 = arith.constant 0 : i32
      %dma_wait3A_102 = tpu.memref_slice %arg12[%dma_wait3A_101] : memref<10240xf32, #tpu.memory_space<vmem_shared>> -> memref<10240xf32, #tpu.memory_space<vmem_shared>>
      tpu.wait_indirect_dma semaphore(%arg13 : memref<!tpu.dma_semaphore, #tpu.memory_space<semaphore_mem>>) src(%dma_wait3A_102 : memref<10240xf32, #tpu.memory_space<vmem_shared>>) dst(%arg11 : memref<128xf32, #tpu.memory_space<vmem>>)
      %mul3A_103 = arith.constant 256 : i32
      %mul3A_104 = arith.muli %arg1, %mul3A_103 : i32
      %add3A_105 = arith.constant 128 : i32
      %add3A_106 = arith.addi %mul3A_104, %add3A_105 : i32
      "tpu.region"() ({
        %run_scoped3A = tpu.sem_alloc : memref<!tpu.dma_semaphore, #tpu.memory_space<semaphore_mem>>
        %dma_start3A_139 = tpu.memref_slice %arg6[%add3A_106] : memref<4096xf32, #tpu.memory_space<hbm>> -> memref<128xf32, #tpu.memory_space<hbm>>
        %dma_start3A_140 = tpu.memref_slice %arg6[%add3A_106] : memref<4096xf32, #tpu.memory_space<hbm>> -> memref<128xf32, #tpu.memory_space<hbm>>
        tpu.enqueue_dma source(%arg11 : memref<128xf32, #tpu.memory_space<vmem>>) target(%dma_start3A_140 : memref<128xf32, #tpu.memory_space<hbm>>) target_semaphore(%run_scoped3A : memref<!tpu.dma_semaphore, #tpu.memory_space<semaphore_mem>>)
        %dma_wait3A_141 = tpu.memref_slice %arg6[%add3A_106] : memref<4096xf32, #tpu.memory_space<hbm>> -> memref<128xf32, #tpu.memory_space<hbm>>
        %dma_wait3A_142 = tpu.memref_slice %arg6[%add3A_106] : memref<4096xf32, #tpu.memory_space<hbm>> -> memref<128xf32, #tpu.memory_space<hbm>>
        tpu.wait_dma2 semaphore(%run_scoped3A : memref<!tpu.dma_semaphore, #tpu.memory_space<semaphore_mem>>) src(%arg11 : memref<128xf32, #tpu.memory_space<vmem>>) dst(%dma_wait3A_142 : memref<128xf32, #tpu.memory_space<hbm>>)
        tpu.yield
      }) : () -> ()
      "tpu.region"() ({
        %run_scoped3A = tpu.sem_alloc : memref<!tpu.dma_semaphore, #tpu.memory_space<semaphore_mem>>
        %dma_start3A_139 = arith.constant 0 : i32
        %dma_start3A_140 = arith.constant 0 : i32
        %dma_start3A_141 = tpu.memref_slice %arg4[%arg1, %dma_start3A_139, %dma_start3A_140] : memref<16x2x128xi32, #tpu.memory_space<hbm>> -> memref<1x2x128xi32, #tpu.memory_space<hbm>>
        %dma_start3A_142 = tpu.memref_squeeze %dma_start3A_141 : memref<1x2x128xi32, #tpu.memory_space<hbm>> -> memref<2x128xi32, #tpu.memory_space<hbm>>
        %dma_start3A_143 = arith.constant 0 : i32
        %dma_start3A_144 = arith.constant 0 : i32
        %dma_start3A_145 = tpu.memref_slice %arg4[%arg1, %dma_start3A_143, %dma_start3A_144] : memref<16x2x128xi32, #tpu.memory_space<hbm>> -> memref<1x2x128xi32, #tpu.memory_space<hbm>>
        %dma_start3A_146 = tpu.memref_squeeze %dma_start3A_145 : memref<1x2x128xi32, #tpu.memory_space<hbm>> -> memref<2x128xi32, #tpu.memory_space<hbm>>
        tpu.enqueue_dma source(%dma_start3A_146 : memref<2x128xi32, #tpu.memory_space<hbm>>) target(%arg10 : memref<2x128xi32, #tpu.memory_space<vmem>>) target_semaphore(%run_scoped3A : memref<!tpu.dma_semaphore, #tpu.memory_space<semaphore_mem>>)
        %dma_wait3A_147 = arith.constant 0 : i32
        %dma_wait3A_148 = arith.constant 0 : i32
        %dma_wait3A_149 = tpu.memref_slice %arg4[%arg1, %dma_wait3A_147, %dma_wait3A_148] : memref<16x2x128xi32, #tpu.memory_space<hbm>> -> memref<1x2x128xi32, #tpu.memory_space<hbm>>
        %dma_wait3A_150 = tpu.memref_squeeze %dma_wait3A_149 : memref<1x2x128xi32, #tpu.memory_space<hbm>> -> memref<2x128xi32, #tpu.memory_space<hbm>>
        %dma_wait3A_151 = arith.constant 0 : i32
        %dma_wait3A_152 = arith.constant 0 : i32
        %dma_wait3A_153 = tpu.memref_slice %arg4[%arg1, %dma_wait3A_151, %dma_wait3A_152] : memref<16x2x128xi32, #tpu.memory_space<hbm>> -> memref<1x2x128xi32, #tpu.memory_space<hbm>>
        %dma_wait3A_154 = tpu.memref_squeeze %dma_wait3A_153 : memref<1x2x128xi32, #tpu.memory_space<hbm>> -> memref<2x128xi32, #tpu.memory_space<hbm>>
        tpu.wait_dma2 semaphore(%run_scoped3A : memref<!tpu.dma_semaphore, #tpu.memory_space<semaphore_mem>>) src(%dma_wait3A_154 : memref<2x128xi32, #tpu.memory_space<hbm>>) dst(%arg10 : memref<2x128xi32, #tpu.memory_space<vmem>>)
        tpu.yield
      }) : () -> ()
      %dma_start3A_107 = arith.constant 0 : i32
      %dma_start3A_108 = arith.constant 0 : i32
      %dma_start3A_109 = tpu.memref_slice %arg10[%dma_start3A_107, %dma_start3A_108] : memref<2x128xi32, #tpu.memory_space<vmem>> -> memref<1x128xi32, #tpu.memory_space<vmem>>
      %dma_start3A_110 = tpu.memref_squeeze %dma_start3A_109 : memref<1x128xi32, #tpu.memory_space<vmem>> -> memref<128xi32, #tpu.memory_space<vmem>>
      %dma_start3A_111 = arith.constant 0 : i32
      %dma_start3A_112 = tpu.memref_slice %arg12[%dma_start3A_111] : memref<10240xf32, #tpu.memory_space<vmem_shared>> -> memref<10240xf32, #tpu.memory_space<vmem_shared>>
      tpu.enqueue_indirect_dma source(%dma_start3A_112 : memref<10240xf32, #tpu.memory_space<vmem_shared>>) target(%arg11 : memref<128xf32, #tpu.memory_space<vmem>>) offsets(%dma_start3A_110 : memref<128xi32, #tpu.memory_space<vmem>>) semaphore(%arg13 : memref<!tpu.dma_semaphore, #tpu.memory_space<semaphore_mem>>)
      %dma_wait3A_113 = arith.constant 0 : i32
      %dma_wait3A_114 = arith.constant 0 : i32
      %dma_wait3A_115 = tpu.memref_slice %arg10[%dma_wait3A_113, %dma_wait3A_114] : memref<2x128xi32, #tpu.memory_space<vmem>> -> memref<1x128xi32, #tpu.memory_space<vmem>>
      %dma_wait3A_116 = tpu.memref_squeeze %dma_wait3A_115 : memref<1x128xi32, #tpu.memory_space<vmem>> -> memref<128xi32, #tpu.memory_space<vmem>>
      %dma_wait3A_117 = arith.constant 0 : i32
      %dma_wait3A_118 = tpu.memref_slice %arg12[%dma_wait3A_117] : memref<10240xf32, #tpu.memory_space<vmem_shared>> -> memref<10240xf32, #tpu.memory_space<vmem_shared>>
      tpu.wait_indirect_dma semaphore(%arg13 : memref<!tpu.dma_semaphore, #tpu.memory_space<semaphore_mem>>) src(%dma_wait3A_118 : memref<10240xf32, #tpu.memory_space<vmem_shared>>) dst(%arg11 : memref<128xf32, #tpu.memory_space<vmem>>)
      %mul3A_119 = arith.constant 256 : i32
      %mul3A_120 = arith.muli %arg1, %mul3A_119 : i32
      %add3A_121 = arith.constant 0 : i32
      %add3A_122 = arith.addi %mul3A_120, %add3A_121 : i32
      "tpu.region"() ({
        %run_scoped3A = tpu.sem_alloc : memref<!tpu.dma_semaphore, #tpu.memory_space<semaphore_mem>>
        %dma_start3A_139 = tpu.memref_slice %arg7[%add3A_122] : memref<4096xf32, #tpu.memory_space<hbm>> -> memref<128xf32, #tpu.memory_space<hbm>>
        %dma_start3A_140 = tpu.memref_slice %arg7[%add3A_122] : memref<4096xf32, #tpu.memory_space<hbm>> -> memref<128xf32, #tpu.memory_space<hbm>>
        tpu.enqueue_dma source(%arg11 : memref<128xf32, #tpu.memory_space<vmem>>) target(%dma_start3A_140 : memref<128xf32, #tpu.memory_space<hbm>>) target_semaphore(%run_scoped3A : memref<!tpu.dma_semaphore, #tpu.memory_space<semaphore_mem>>)
        %dma_wait3A_141 = tpu.memref_slice %arg7[%add3A_122] : memref<4096xf32, #tpu.memory_space<hbm>> -> memref<128xf32, #tpu.memory_space<hbm>>
        %dma_wait3A_142 = tpu.memref_slice %arg7[%add3A_122] : memref<4096xf32, #tpu.memory_space<hbm>> -> memref<128xf32, #tpu.memory_space<hbm>>
        tpu.wait_dma2 semaphore(%run_scoped3A : memref<!tpu.dma_semaphore, #tpu.memory_space<semaphore_mem>>) src(%arg11 : memref<128xf32, #tpu.memory_space<vmem>>) dst(%dma_wait3A_142 : memref<128xf32, #tpu.memory_space<hbm>>)
        tpu.yield
      }) : () -> ()
      %dma_start3A_123 = arith.constant 1 : i32
      %dma_start3A_124 = arith.constant 0 : i32
      %dma_start3A_125 = tpu.memref_slice %arg10[%dma_start3A_123, %dma_start3A_124] : memref<2x128xi32, #tpu.memory_space<vmem>> -> memref<1x128xi32, #tpu.memory_space<vmem>>
      %dma_start3A_126 = tpu.memref_squeeze %dma_start3A_125 : memref<1x128xi32, #tpu.memory_space<vmem>> -> memref<128xi32, #tpu.memory_space<vmem>>
      %dma_start3A_127 = arith.constant 0 : i32
      %dma_start3A_128 = tpu.memref_slice %arg12[%dma_start3A_127] : memref<10240xf32, #tpu.memory_space<vmem_shared>> -> memref<10240xf32, #tpu.memory_space<vmem_shared>>
      tpu.enqueue_indirect_dma source(%dma_start3A_128 : memref<10240xf32, #tpu.memory_space<vmem_shared>>) target(%arg11 : memref<128xf32, #tpu.memory_space<vmem>>) offsets(%dma_start3A_126 : memref<128xi32, #tpu.memory_space<vmem>>) semaphore(%arg13 : memref<!tpu.dma_semaphore, #tpu.memory_space<semaphore_mem>>)
      %dma_wait3A_129 = arith.constant 1 : i32
      %dma_wait3A_130 = arith.constant 0 : i32
      %dma_wait3A_131 = tpu.memref_slice %arg10[%dma_wait3A_129, %dma_wait3A_130] : memref<2x128xi32, #tpu.memory_space<vmem>> -> memref<1x128xi32, #tpu.memory_space<vmem>>
      %dma_wait3A_132 = tpu.memref_squeeze %dma_wait3A_131 : memref<1x128xi32, #tpu.memory_space<vmem>> -> memref<128xi32, #tpu.memory_space<vmem>>
      %dma_wait3A_133 = arith.constant 0 : i32
      %dma_wait3A_134 = tpu.memref_slice %arg12[%dma_wait3A_133] : memref<10240xf32, #tpu.memory_space<vmem_shared>> -> memref<10240xf32, #tpu.memory_space<vmem_shared>>
      tpu.wait_indirect_dma semaphore(%arg13 : memref<!tpu.dma_semaphore, #tpu.memory_space<semaphore_mem>>) src(%dma_wait3A_134 : memref<10240xf32, #tpu.memory_space<vmem_shared>>) dst(%arg11 : memref<128xf32, #tpu.memory_space<vmem>>)
      %mul3A_135 = arith.constant 256 : i32
      %mul3A_136 = arith.muli %arg1, %mul3A_135 : i32
      %add3A_137 = arith.constant 128 : i32
      %add3A_138 = arith.addi %mul3A_136, %add3A_137 : i32
      "tpu.region"() ({
        %run_scoped3A = tpu.sem_alloc : memref<!tpu.dma_semaphore, #tpu.memory_space<semaphore_mem>>
        %dma_start3A_139 = tpu.memref_slice %arg7[%add3A_138] : memref<4096xf32, #tpu.memory_space<hbm>> -> memref<128xf32, #tpu.memory_space<hbm>>
        %dma_start3A_140 = tpu.memref_slice %arg7[%add3A_138] : memref<4096xf32, #tpu.memory_space<hbm>> -> memref<128xf32, #tpu.memory_space<hbm>>
        tpu.enqueue_dma source(%arg11 : memref<128xf32, #tpu.memory_space<vmem>>) target(%dma_start3A_140 : memref<128xf32, #tpu.memory_space<hbm>>) target_semaphore(%run_scoped3A : memref<!tpu.dma_semaphore, #tpu.memory_space<semaphore_mem>>)
        %dma_wait3A_141 = tpu.memref_slice %arg7[%add3A_138] : memref<4096xf32, #tpu.memory_space<hbm>> -> memref<128xf32, #tpu.memory_space<hbm>>
        %dma_wait3A_142 = tpu.memref_slice %arg7[%add3A_138] : memref<4096xf32, #tpu.memory_space<hbm>> -> memref<128xf32, #tpu.memory_space<hbm>>
        tpu.wait_dma2 semaphore(%run_scoped3A : memref<!tpu.dma_semaphore, #tpu.memory_space<semaphore_mem>>) src(%arg11 : memref<128xf32, #tpu.memory_space<vmem>>) dst(%dma_wait3A_142 : memref<128xf32, #tpu.memory_space<hbm>>)
        tpu.yield
      }) : () -> ()
    } else {
    }
    return
  }
}

#map = affine_map<(d0, d1) -> (0, 0)>
#map1 = affine_map<(d0, d1) -> (0, 0, 0, 0, 0)>
#map2 = affine_map<(d0, d1) -> (0, 0, 0, 0)>
#map3 = affine_map<(d0, d1) -> (0, 0, 0)>
module attributes {stable_mosaic.version = 14 : i64} {
  func.func @_agg_body(%arg0: i32, %arg1: i32, %arg2: memref<20480x128xf32, #tpu.memory_space<hbm>>, %arg3: memref<2x16x10x8x128xi32, #tpu.memory_space<hbm>>, %arg4: memref<16x10x8x128xi32, #tpu.memory_space<hbm>>, %arg5: memref<16x4x64xi32, #tpu.memory_space<hbm>>, %arg6: memref<16x4x64xi32, #tpu.memory_space<hbm>>, %arg7: memref<2x4096x128xf32, #tpu.memory_space<hbm>>, %arg8: memref<2x4096x128xf32, #tpu.memory_space<hbm>>, %arg9: memref<16x128xi32, #tpu.memory_space<vmem>>, %arg10: memref<16x128xi32, #tpu.memory_space<vmem>>, %arg11: memref<4x64xi32, #tpu.memory_space<vmem>>, %arg12: memref<128x128xf32, #tpu.memory_space<vmem>>, %arg13: memref<128x128xf32, #tpu.memory_space<vmem>>, %arg14: memref<10240x128xf32, #tpu.memory_space<vmem_shared>>, %arg15: memref<!tpu.dma_semaphore, #tpu.memory_space<semaphore_mem>>, %arg16: memref<!tpu.dma_semaphore, #tpu.memory_space<semaphore_mem>>, %arg17: memref<!tpu.dma_semaphore, #tpu.memory_space<semaphore_mem>>, %arg18: memref<!tpu.dma_semaphore, #tpu.memory_space<semaphore_mem>>, %arg19: memref<!tpu.dma_semaphore, #tpu.memory_space<semaphore_mem>>) attributes {dimension_semantics = [#tpu.dimension_semantics<core_parallel>, #tpu.dimension_semantics<subcore_parallel>], iteration_bounds = array<i64: 2, 16>, scalar_prefetch = 0 : i64, scratch_operands = 11 : i64, tpu.core_type = #tpu.core_type<sc_vector_subcore>, window_params = [{transform_indices = #map}, {transform_indices = #map1}, {transform_indices = #map2}, {transform_indices = #map3}, {transform_indices = #map3}, {transform_indices = #map3}, {transform_indices = #map3}]} {
    %mul3A = arith.constant 10240 : i32
    %mul3A_0 = arith.muli %arg0, %mul3A : i32
    %mul3A_1 = arith.constant 640 : i32
    %mul3A_2 = arith.muli %arg1, %mul3A_1 : i32
    %add3A = arith.addi %mul3A_0, %mul3A_2 : i32
    %mul3A_3 = arith.constant 640 : i32
    %mul3A_4 = arith.muli %arg1, %mul3A_3 : i32
    "tpu.region"() ({
      %run_scoped3A_221 = tpu.sem_alloc : memref<!tpu.dma_semaphore, #tpu.memory_space<semaphore_mem>>
      %dma_start3A_222 = arith.constant 0 : i32
      %dma_start3A_223 = tpu.memref_slice %arg14[%mul3A_4, %dma_start3A_222] : memref<10240x128xf32, #tpu.memory_space<vmem_shared>> -> memref<640x128xf32, #tpu.memory_space<vmem_shared>>
      %dma_start3A_224 = arith.constant 0 : i32
      %dma_start3A_225 = tpu.memref_slice %arg2[%add3A, %dma_start3A_224] : memref<20480x128xf32, #tpu.memory_space<hbm>> -> memref<640x128xf32, #tpu.memory_space<hbm>>
      tpu.enqueue_dma source(%dma_start3A_225 : memref<640x128xf32, #tpu.memory_space<hbm>>) target(%dma_start3A_223 : memref<640x128xf32, #tpu.memory_space<vmem_shared>>) target_semaphore(%run_scoped3A_221 : memref<!tpu.dma_semaphore, #tpu.memory_space<semaphore_mem>>)
      %dma_wait3A_226 = arith.constant 0 : i32
      %dma_wait3A_227 = tpu.memref_slice %arg14[%mul3A_4, %dma_wait3A_226] : memref<10240x128xf32, #tpu.memory_space<vmem_shared>> -> memref<640x128xf32, #tpu.memory_space<vmem_shared>>
      %dma_wait3A_228 = arith.constant 0 : i32
      %dma_wait3A_229 = tpu.memref_slice %arg2[%add3A, %dma_wait3A_228] : memref<20480x128xf32, #tpu.memory_space<hbm>> -> memref<640x128xf32, #tpu.memory_space<hbm>>
      tpu.wait_dma2 semaphore(%run_scoped3A_221 : memref<!tpu.dma_semaphore, #tpu.memory_space<semaphore_mem>>) src(%dma_wait3A_229 : memref<640x128xf32, #tpu.memory_space<hbm>>) dst(%dma_wait3A_227 : memref<640x128xf32, #tpu.memory_space<vmem_shared>>)
      tpu.yield
    }) : () -> ()
    %run_scoped3A = arith.constant 0 : i32
    "tpu.region"() ({
      %run_scoped3A_221 = tpu.sem_alloc : memref<!tpu.dma_semaphore, #tpu.memory_space<semaphore_mem>>
      %dma_start3A_222 = arith.constant 0 : i32
      %dma_start3A_223 = arith.constant 0 : i32
      %dma_start3A_224 = tpu.memref_slice %arg9[%dma_start3A_222, %dma_start3A_223] : memref<16x128xi32, #tpu.memory_space<vmem>> -> memref<8x128xi32, #tpu.memory_space<vmem>>
      %dma_start3A_225 = arith.constant 0 : i32
      %dma_start3A_226 = arith.constant 0 : i32
      %dma_start3A_227 = tpu.memref_slice %arg3[%arg0, %arg1, %run_scoped3A, %dma_start3A_225, %dma_start3A_226] : memref<2x16x10x8x128xi32, #tpu.memory_space<hbm>> -> memref<1x1x1x8x128xi32, #tpu.memory_space<hbm>>
      %dma_start3A_228 = tpu.memref_squeeze %dma_start3A_227 : memref<1x1x1x8x128xi32, #tpu.memory_space<hbm>> -> memref<8x128xi32, #tpu.memory_space<hbm>>
      %dma_start3A_229 = arith.constant 0 : i32
      %dma_start3A_230 = arith.constant 0 : i32
      %dma_start3A_231 = tpu.memref_slice %arg9[%dma_start3A_229, %dma_start3A_230] : memref<16x128xi32, #tpu.memory_space<vmem>> -> memref<8x128xi32, #tpu.memory_space<vmem>>
      %dma_start3A_232 = arith.constant 0 : i32
      %dma_start3A_233 = arith.constant 0 : i32
      %dma_start3A_234 = tpu.memref_slice %arg3[%arg0, %arg1, %run_scoped3A, %dma_start3A_232, %dma_start3A_233] : memref<2x16x10x8x128xi32, #tpu.memory_space<hbm>> -> memref<1x1x1x8x128xi32, #tpu.memory_space<hbm>>
      %dma_start3A_235 = tpu.memref_squeeze %dma_start3A_234 : memref<1x1x1x8x128xi32, #tpu.memory_space<hbm>> -> memref<8x128xi32, #tpu.memory_space<hbm>>
      tpu.enqueue_dma source(%dma_start3A_235 : memref<8x128xi32, #tpu.memory_space<hbm>>) target(%dma_start3A_231 : memref<8x128xi32, #tpu.memory_space<vmem>>) target_semaphore(%run_scoped3A_221 : memref<!tpu.dma_semaphore, #tpu.memory_space<semaphore_mem>>)
      %dma_wait3A_236 = arith.constant 0 : i32
      %dma_wait3A_237 = arith.constant 0 : i32
      %dma_wait3A_238 = tpu.memref_slice %arg9[%dma_wait3A_236, %dma_wait3A_237] : memref<16x128xi32, #tpu.memory_space<vmem>> -> memref<8x128xi32, #tpu.memory_space<vmem>>
      %dma_wait3A_239 = arith.constant 0 : i32
      %dma_wait3A_240 = arith.constant 0 : i32
      %dma_wait3A_241 = tpu.memref_slice %arg3[%arg0, %arg1, %run_scoped3A, %dma_wait3A_239, %dma_wait3A_240] : memref<2x16x10x8x128xi32, #tpu.memory_space<hbm>> -> memref<1x1x1x8x128xi32, #tpu.memory_space<hbm>>
      %dma_wait3A_242 = tpu.memref_squeeze %dma_wait3A_241 : memref<1x1x1x8x128xi32, #tpu.memory_space<hbm>> -> memref<8x128xi32, #tpu.memory_space<hbm>>
      %dma_wait3A_243 = arith.constant 0 : i32
      %dma_wait3A_244 = arith.constant 0 : i32
      %dma_wait3A_245 = tpu.memref_slice %arg9[%dma_wait3A_243, %dma_wait3A_244] : memref<16x128xi32, #tpu.memory_space<vmem>> -> memref<8x128xi32, #tpu.memory_space<vmem>>
      %dma_wait3A_246 = arith.constant 0 : i32
      %dma_wait3A_247 = arith.constant 0 : i32
      %dma_wait3A_248 = tpu.memref_slice %arg3[%arg0, %arg1, %run_scoped3A, %dma_wait3A_246, %dma_wait3A_247] : memref<2x16x10x8x128xi32, #tpu.memory_space<hbm>> -> memref<1x1x1x8x128xi32, #tpu.memory_space<hbm>>
      %dma_wait3A_249 = tpu.memref_squeeze %dma_wait3A_248 : memref<1x1x1x8x128xi32, #tpu.memory_space<hbm>> -> memref<8x128xi32, #tpu.memory_space<hbm>>
      tpu.wait_dma2 semaphore(%run_scoped3A_221 : memref<!tpu.dma_semaphore, #tpu.memory_space<semaphore_mem>>) src(%dma_wait3A_249 : memref<8x128xi32, #tpu.memory_space<hbm>>) dst(%dma_wait3A_245 : memref<8x128xi32, #tpu.memory_space<vmem>>)
      tpu.yield
    }) : () -> ()
    %run_scoped3A_5 = arith.constant 0 : i32
    "tpu.region"() ({
      %run_scoped3A_221 = tpu.sem_alloc : memref<!tpu.dma_semaphore, #tpu.memory_space<semaphore_mem>>
      %dma_start3A_222 = arith.constant 0 : i32
      %dma_start3A_223 = arith.constant 0 : i32
      %dma_start3A_224 = tpu.memref_slice %arg10[%dma_start3A_222, %dma_start3A_223] : memref<16x128xi32, #tpu.memory_space<vmem>> -> memref<8x128xi32, #tpu.memory_space<vmem>>
      %dma_start3A_225 = arith.constant 0 : i32
      %dma_start3A_226 = arith.constant 0 : i32
      %dma_start3A_227 = tpu.memref_slice %arg4[%arg1, %run_scoped3A_5, %dma_start3A_225, %dma_start3A_226] : memref<16x10x8x128xi32, #tpu.memory_space<hbm>> -> memref<1x1x8x128xi32, #tpu.memory_space<hbm>>
      %dma_start3A_228 = tpu.memref_squeeze %dma_start3A_227 : memref<1x1x8x128xi32, #tpu.memory_space<hbm>> -> memref<8x128xi32, #tpu.memory_space<hbm>>
      %dma_start3A_229 = arith.constant 0 : i32
      %dma_start3A_230 = arith.constant 0 : i32
      %dma_start3A_231 = tpu.memref_slice %arg10[%dma_start3A_229, %dma_start3A_230] : memref<16x128xi32, #tpu.memory_space<vmem>> -> memref<8x128xi32, #tpu.memory_space<vmem>>
      %dma_start3A_232 = arith.constant 0 : i32
      %dma_start3A_233 = arith.constant 0 : i32
      %dma_start3A_234 = tpu.memref_slice %arg4[%arg1, %run_scoped3A_5, %dma_start3A_232, %dma_start3A_233] : memref<16x10x8x128xi32, #tpu.memory_space<hbm>> -> memref<1x1x8x128xi32, #tpu.memory_space<hbm>>
      %dma_start3A_235 = tpu.memref_squeeze %dma_start3A_234 : memref<1x1x8x128xi32, #tpu.memory_space<hbm>> -> memref<8x128xi32, #tpu.memory_space<hbm>>
      tpu.enqueue_dma source(%dma_start3A_235 : memref<8x128xi32, #tpu.memory_space<hbm>>) target(%dma_start3A_231 : memref<8x128xi32, #tpu.memory_space<vmem>>) target_semaphore(%run_scoped3A_221 : memref<!tpu.dma_semaphore, #tpu.memory_space<semaphore_mem>>)
      %dma_wait3A_236 = arith.constant 0 : i32
      %dma_wait3A_237 = arith.constant 0 : i32
      %dma_wait3A_238 = tpu.memref_slice %arg10[%dma_wait3A_236, %dma_wait3A_237] : memref<16x128xi32, #tpu.memory_space<vmem>> -> memref<8x128xi32, #tpu.memory_space<vmem>>
      %dma_wait3A_239 = arith.constant 0 : i32
      %dma_wait3A_240 = arith.constant 0 : i32
      %dma_wait3A_241 = tpu.memref_slice %arg4[%arg1, %run_scoped3A_5, %dma_wait3A_239, %dma_wait3A_240] : memref<16x10x8x128xi32, #tpu.memory_space<hbm>> -> memref<1x1x8x128xi32, #tpu.memory_space<hbm>>
      %dma_wait3A_242 = tpu.memref_squeeze %dma_wait3A_241 : memref<1x1x8x128xi32, #tpu.memory_space<hbm>> -> memref<8x128xi32, #tpu.memory_space<hbm>>
      %dma_wait3A_243 = arith.constant 0 : i32
      %dma_wait3A_244 = arith.constant 0 : i32
      %dma_wait3A_245 = tpu.memref_slice %arg10[%dma_wait3A_243, %dma_wait3A_244] : memref<16x128xi32, #tpu.memory_space<vmem>> -> memref<8x128xi32, #tpu.memory_space<vmem>>
      %dma_wait3A_246 = arith.constant 0 : i32
      %dma_wait3A_247 = arith.constant 0 : i32
      %dma_wait3A_248 = tpu.memref_slice %arg4[%arg1, %run_scoped3A_5, %dma_wait3A_246, %dma_wait3A_247] : memref<16x10x8x128xi32, #tpu.memory_space<hbm>> -> memref<1x1x8x128xi32, #tpu.memory_space<hbm>>
      %dma_wait3A_249 = tpu.memref_squeeze %dma_wait3A_248 : memref<1x1x8x128xi32, #tpu.memory_space<hbm>> -> memref<8x128xi32, #tpu.memory_space<hbm>>
      tpu.wait_dma2 semaphore(%run_scoped3A_221 : memref<!tpu.dma_semaphore, #tpu.memory_space<semaphore_mem>>) src(%dma_wait3A_249 : memref<8x128xi32, #tpu.memory_space<hbm>>) dst(%dma_wait3A_245 : memref<8x128xi32, #tpu.memory_space<vmem>>)
      tpu.yield
    }) : () -> ()
    %dma_start3A = arith.constant 0 : i32
    %dma_start3A_6 = arith.constant 0 : i32
    %dma_start3A_7 = tpu.memref_slice %arg9[%dma_start3A, %dma_start3A_6] : memref<16x128xi32, #tpu.memory_space<vmem>> -> memref<1x128xi32, #tpu.memory_space<vmem>>
    %dma_start3A_8 = tpu.memref_squeeze %dma_start3A_7 : memref<1x128xi32, #tpu.memory_space<vmem>> -> memref<128xi32, #tpu.memory_space<vmem>>
    %dma_start3A_9 = arith.constant 0 : i32
    %dma_start3A_10 = arith.constant 0 : i32
    %dma_start3A_11 = tpu.memref_slice %arg2[%dma_start3A_9, %dma_start3A_10] : memref<20480x128xf32, #tpu.memory_space<hbm>> -> memref<20480x128xf32, #tpu.memory_space<hbm>>
    tpu.enqueue_indirect_dma source(%dma_start3A_11 : memref<20480x128xf32, #tpu.memory_space<hbm>>) target(%arg12 : memref<128x128xf32, #tpu.memory_space<vmem>>) offsets(%dma_start3A_8 : memref<128xi32, #tpu.memory_space<vmem>>) semaphore(%arg17 : memref<!tpu.dma_semaphore, #tpu.memory_space<semaphore_mem>>)
    %barrier3A = arith.constant 0 : index
    tpu.barrier barrier_id(%barrier3A)
    %scan3A = arith.constant 0 : i32
    %scan3A_12 = arith.constant 0 : i32
    %scan3A_13 = arith.constant 10 : i32
    %scan3A_14 = arith.addi %scan3A_12, %scan3A_13 : i32
    %scan3A_15 = arith.constant 1 : i32
    scf.for %scan3A_221 = %scan3A_12 to %scan3A_14 step %scan3A_15  : i32 {
      %rem3A = arith.constant 2 : i32
      %rem3A_222 = arith.remsi %scan3A_221, %rem3A : i32
      %sub3A = arith.constant 1 : i32
      %sub3A_223 = arith.subi %sub3A, %rem3A_222 : i32
      %add3A_224 = arith.constant 1 : i32
      %add3A_225 = arith.addi %scan3A_221, %add3A_224 : i32
      %rem3A_226 = arith.constant 10 : i32
      %rem3A_227 = arith.remsi %add3A_225, %rem3A_226 : i32
      %mul3A_228 = arith.constant 8 : i32
      %mul3A_229 = arith.muli %sub3A_223, %mul3A_228 : i32
      %dma_start3A_230 = arith.constant 0 : i32
      %dma_start3A_231 = tpu.memref_slice %arg9[%mul3A_229, %dma_start3A_230] : memref<16x128xi32, #tpu.memory_space<vmem>> -> memref<8x128xi32, #tpu.memory_space<vmem>>
      %dma_start3A_232 = arith.constant 0 : i32
      %dma_start3A_233 = arith.constant 0 : i32
      %dma_start3A_234 = tpu.memref_slice %arg3[%arg0, %arg1, %rem3A_227, %dma_start3A_232, %dma_start3A_233] : memref<2x16x10x8x128xi32, #tpu.memory_space<hbm>> -> memref<1x1x1x8x128xi32, #tpu.memory_space<hbm>>
      %dma_start3A_235 = tpu.memref_squeeze %dma_start3A_234 : memref<1x1x1x8x128xi32, #tpu.memory_space<hbm>> -> memref<8x128xi32, #tpu.memory_space<hbm>>
      %dma_start3A_236 = arith.constant 0 : i32
      %dma_start3A_237 = tpu.memref_slice %arg9[%mul3A_229, %dma_start3A_236] : memref<16x128xi32, #tpu.memory_space<vmem>> -> memref<8x128xi32, #tpu.memory_space<vmem>>
      %dma_start3A_238 = arith.constant 0 : i32
      %dma_start3A_239 = arith.constant 0 : i32
      %dma_start3A_240 = tpu.memref_slice %arg3[%arg0, %arg1, %rem3A_227, %dma_start3A_238, %dma_start3A_239] : memref<2x16x10x8x128xi32, #tpu.memory_space<hbm>> -> memref<1x1x1x8x128xi32, #tpu.memory_space<hbm>>
      %dma_start3A_241 = tpu.memref_squeeze %dma_start3A_240 : memref<1x1x1x8x128xi32, #tpu.memory_space<hbm>> -> memref<8x128xi32, #tpu.memory_space<hbm>>
      tpu.enqueue_dma source(%dma_start3A_241 : memref<8x128xi32, #tpu.memory_space<hbm>>) target(%dma_start3A_237 : memref<8x128xi32, #tpu.memory_space<vmem>>) target_semaphore(%arg15 : memref<!tpu.dma_semaphore, #tpu.memory_space<semaphore_mem>>)
      %mul3A_242 = arith.constant 8 : i32
      %mul3A_243 = arith.muli %sub3A_223, %mul3A_242 : i32
      %dma_start3A_244 = arith.constant 0 : i32
      %dma_start3A_245 = tpu.memref_slice %arg10[%mul3A_243, %dma_start3A_244] : memref<16x128xi32, #tpu.memory_space<vmem>> -> memref<8x128xi32, #tpu.memory_space<vmem>>
      %dma_start3A_246 = arith.constant 0 : i32
      %dma_start3A_247 = arith.constant 0 : i32
      %dma_start3A_248 = tpu.memref_slice %arg4[%arg1, %rem3A_227, %dma_start3A_246, %dma_start3A_247] : memref<16x10x8x128xi32, #tpu.memory_space<hbm>> -> memref<1x1x8x128xi32, #tpu.memory_space<hbm>>
      %dma_start3A_249 = tpu.memref_squeeze %dma_start3A_248 : memref<1x1x8x128xi32, #tpu.memory_space<hbm>> -> memref<8x128xi32, #tpu.memory_space<hbm>>
      %dma_start3A_250 = arith.constant 0 : i32
      %dma_start3A_251 = tpu.memref_slice %arg10[%mul3A_243, %dma_start3A_250] : memref<16x128xi32, #tpu.memory_space<vmem>> -> memref<8x128xi32, #tpu.memory_space<vmem>>
      %dma_start3A_252 = arith.constant 0 : i32
      %dma_start3A_253 = arith.constant 0 : i32
      %dma_start3A_254 = tpu.memref_slice %arg4[%arg1, %rem3A_227, %dma_start3A_252, %dma_start3A_253] : memref<16x10x8x128xi32, #tpu.memory_space<hbm>> -> memref<1x1x8x128xi32, #tpu.memory_space<hbm>>
      %dma_start3A_255 = tpu.memref_squeeze %dma_start3A_254 : memref<1x1x8x128xi32, #tpu.memory_space<hbm>> -> memref<8x128xi32, #tpu.memory_space<hbm>>
      tpu.enqueue_dma source(%dma_start3A_255 : memref<8x128xi32, #tpu.memory_space<hbm>>) target(%dma_start3A_251 : memref<8x128xi32, #tpu.memory_space<vmem>>) target_semaphore(%arg16 : memref<!tpu.dma_semaphore, #tpu.memory_space<semaphore_mem>>)
      %mul3A_256 = arith.constant 8 : i32
      %mul3A_257 = arith.muli %rem3A_222, %mul3A_256 : i32
      %add3A_258 = arith.constant 0 : i32
      %add3A_259 = arith.addi %mul3A_257, %add3A_258 : i32
      %add3A_260 = arith.constant 1 : i32
      %add3A_261 = arith.addi %add3A_259, %add3A_260 : i32
      %gt3A = arith.constant 0 : i32
      %gt3A_262 = arith.cmpi sgt, %scan3A_221, %gt3A : i32
      %convert_element_type3A = arith.extui %gt3A_262 : i1 to i32
      %cond3A = arith.constant 0 : i32
      %cond3A_263 = arith.cmpi ne, %convert_element_type3A, %cond3A : i32
      scf.if %cond3A_263 {
        %dma_wait3A_550 = arith.constant 0 : i32
        %dma_wait3A_551 = arith.constant 0 : i32
        %dma_wait3A_552 = tpu.memref_slice %arg2[%dma_wait3A_550, %dma_wait3A_551] : memref<20480x128xf32, #tpu.memory_space<hbm>> -> memref<128x128xf32, #tpu.memory_space<hbm>>
        %dma_wait3A_553 = arith.constant 0 : i32
        %dma_wait3A_554 = arith.constant 0 : i32
        %dma_wait3A_555 = tpu.memref_slice %arg2[%dma_wait3A_553, %dma_wait3A_554] : memref<20480x128xf32, #tpu.memory_space<hbm>> -> memref<128x128xf32, #tpu.memory_space<hbm>>
        tpu.wait_dma2 semaphore(%arg19 : memref<!tpu.dma_semaphore, #tpu.memory_space<semaphore_mem>>) src(%dma_wait3A_555 : memref<128x128xf32, #tpu.memory_space<hbm>>) dst(%arg12 : memref<128x128xf32, #tpu.memory_space<vmem>>)
      } else {
      }
      %dma_start3A_264 = arith.constant 0 : i32
      %dma_start3A_265 = tpu.memref_slice %arg9[%add3A_261, %dma_start3A_264] : memref<16x128xi32, #tpu.memory_space<vmem>> -> memref<1x128xi32, #tpu.memory_space<vmem>>
      %dma_start3A_266 = tpu.memref_squeeze %dma_start3A_265 : memref<1x128xi32, #tpu.memory_space<vmem>> -> memref<128xi32, #tpu.memory_space<vmem>>
      %dma_start3A_267 = arith.constant 0 : i32
      %dma_start3A_268 = arith.constant 0 : i32
      %dma_start3A_269 = tpu.memref_slice %arg2[%dma_start3A_267, %dma_start3A_268] : memref<20480x128xf32, #tpu.memory_space<hbm>> -> memref<20480x128xf32, #tpu.memory_space<hbm>>
      tpu.enqueue_indirect_dma source(%dma_start3A_269 : memref<20480x128xf32, #tpu.memory_space<hbm>>) target(%arg13 : memref<128x128xf32, #tpu.memory_space<vmem>>) offsets(%dma_start3A_266 : memref<128xi32, #tpu.memory_space<vmem>>) semaphore(%arg18 : memref<!tpu.dma_semaphore, #tpu.memory_space<semaphore_mem>>)
      %dma_wait3A_270 = arith.constant 0 : i32
      %dma_wait3A_271 = arith.constant 0 : i32
      %dma_wait3A_272 = tpu.memref_slice %arg2[%dma_wait3A_270, %dma_wait3A_271] : memref<20480x128xf32, #tpu.memory_space<hbm>> -> memref<128x128xf32, #tpu.memory_space<hbm>>
      %dma_wait3A_273 = arith.constant 0 : i32
      %dma_wait3A_274 = arith.constant 0 : i32
      %dma_wait3A_275 = tpu.memref_slice %arg2[%dma_wait3A_273, %dma_wait3A_274] : memref<20480x128xf32, #tpu.memory_space<hbm>> -> memref<128x128xf32, #tpu.memory_space<hbm>>
      tpu.wait_dma2 semaphore(%arg17 : memref<!tpu.dma_semaphore, #tpu.memory_space<semaphore_mem>>) src(%dma_wait3A_275 : memref<128x128xf32, #tpu.memory_space<hbm>>) dst(%arg12 : memref<128x128xf32, #tpu.memory_space<vmem>>)
      %mul3A_276 = arith.constant 8 : i32
      %mul3A_277 = arith.muli %rem3A_222, %mul3A_276 : i32
      %add3A_278 = arith.constant 0 : i32
      %add3A_279 = arith.addi %mul3A_277, %add3A_278 : i32
      %dma_start3A_280 = arith.constant 0 : i32
      %dma_start3A_281 = tpu.memref_slice %arg10[%add3A_279, %dma_start3A_280] : memref<16x128xi32, #tpu.memory_space<vmem>> -> memref<1x128xi32, #tpu.memory_space<vmem>>
      %dma_start3A_282 = tpu.memref_squeeze %dma_start3A_281 : memref<1x128xi32, #tpu.memory_space<vmem>> -> memref<128xi32, #tpu.memory_space<vmem>>
      %dma_start3A_283 = arith.constant 0 : i32
      %dma_start3A_284 = arith.constant 0 : i32
      %dma_start3A_285 = tpu.memref_slice %arg14[%dma_start3A_283, %dma_start3A_284] : memref<10240x128xf32, #tpu.memory_space<vmem_shared>> -> memref<10240x128xf32, #tpu.memory_space<vmem_shared>>
      tpu.enqueue_indirect_dma source(%arg12 : memref<128x128xf32, #tpu.memory_space<vmem>>) target(%dma_start3A_285 : memref<10240x128xf32, #tpu.memory_space<vmem_shared>>) offsets(%dma_start3A_282 : memref<128xi32, #tpu.memory_space<vmem>>) semaphore(%arg19 : memref<!tpu.dma_semaphore, #tpu.memory_space<semaphore_mem>>) {add = true}
      %mul3A_286 = arith.constant 8 : i32
      %mul3A_287 = arith.muli %rem3A_222, %mul3A_286 : i32
      %add3A_288 = arith.constant 1 : i32
      %add3A_289 = arith.addi %mul3A_287, %add3A_288 : i32
      %add3A_290 = arith.constant 1 : i32
      %add3A_291 = arith.addi %add3A_289, %add3A_290 : i32
      %dma_wait3A_292 = arith.constant 0 : i32
      %dma_wait3A_293 = arith.constant 0 : i32
      %dma_wait3A_294 = tpu.memref_slice %arg2[%dma_wait3A_292, %dma_wait3A_293] : memref<20480x128xf32, #tpu.memory_space<hbm>> -> memref<128x128xf32, #tpu.memory_space<hbm>>
      %dma_wait3A_295 = arith.constant 0 : i32
      %dma_wait3A_296 = arith.constant 0 : i32
      %dma_wait3A_297 = tpu.memref_slice %arg2[%dma_wait3A_295, %dma_wait3A_296] : memref<20480x128xf32, #tpu.memory_space<hbm>> -> memref<128x128xf32, #tpu.memory_space<hbm>>
      tpu.wait_dma2 semaphore(%arg19 : memref<!tpu.dma_semaphore, #tpu.memory_space<semaphore_mem>>) src(%dma_wait3A_297 : memref<128x128xf32, #tpu.memory_space<hbm>>) dst(%arg12 : memref<128x128xf32, #tpu.memory_space<vmem>>)
      %dma_start3A_298 = arith.constant 0 : i32
      %dma_start3A_299 = tpu.memref_slice %arg9[%add3A_291, %dma_start3A_298] : memref<16x128xi32, #tpu.memory_space<vmem>> -> memref<1x128xi32, #tpu.memory_space<vmem>>
      %dma_start3A_300 = tpu.memref_squeeze %dma_start3A_299 : memref<1x128xi32, #tpu.memory_space<vmem>> -> memref<128xi32, #tpu.memory_space<vmem>>
      %dma_start3A_301 = arith.constant 0 : i32
      %dma_start3A_302 = arith.constant 0 : i32
      %dma_start3A_303 = tpu.memref_slice %arg2[%dma_start3A_301, %dma_start3A_302] : memref<20480x128xf32, #tpu.memory_space<hbm>> -> memref<20480x128xf32, #tpu.memory_space<hbm>>
      tpu.enqueue_indirect_dma source(%dma_start3A_303 : memref<20480x128xf32, #tpu.memory_space<hbm>>) target(%arg12 : memref<128x128xf32, #tpu.memory_space<vmem>>) offsets(%dma_start3A_300 : memref<128xi32, #tpu.memory_space<vmem>>) semaphore(%arg17 : memref<!tpu.dma_semaphore, #tpu.memory_space<semaphore_mem>>)
      %dma_wait3A_304 = arith.constant 0 : i32
      %dma_wait3A_305 = arith.constant 0 : i32
      %dma_wait3A_306 = tpu.memref_slice %arg2[%dma_wait3A_304, %dma_wait3A_305] : memref<20480x128xf32, #tpu.memory_space<hbm>> -> memref<128x128xf32, #tpu.memory_space<hbm>>
      %dma_wait3A_307 = arith.constant 0 : i32
      %dma_wait3A_308 = arith.constant 0 : i32
      %dma_wait3A_309 = tpu.memref_slice %arg2[%dma_wait3A_307, %dma_wait3A_308] : memref<20480x128xf32, #tpu.memory_space<hbm>> -> memref<128x128xf32, #tpu.memory_space<hbm>>
      tpu.wait_dma2 semaphore(%arg18 : memref<!tpu.dma_semaphore, #tpu.memory_space<semaphore_mem>>) src(%dma_wait3A_309 : memref<128x128xf32, #tpu.memory_space<hbm>>) dst(%arg13 : memref<128x128xf32, #tpu.memory_space<vmem>>)
      %mul3A_310 = arith.constant 8 : i32
      %mul3A_311 = arith.muli %rem3A_222, %mul3A_310 : i32
      %add3A_312 = arith.constant 1 : i32
      %add3A_313 = arith.addi %mul3A_311, %add3A_312 : i32
      %dma_start3A_314 = arith.constant 0 : i32
      %dma_start3A_315 = tpu.memref_slice %arg10[%add3A_313, %dma_start3A_314] : memref<16x128xi32, #tpu.memory_space<vmem>> -> memref<1x128xi32, #tpu.memory_space<vmem>>
      %dma_start3A_316 = tpu.memref_squeeze %dma_start3A_315 : memref<1x128xi32, #tpu.memory_space<vmem>> -> memref<128xi32, #tpu.memory_space<vmem>>
      %dma_start3A_317 = arith.constant 0 : i32
      %dma_start3A_318 = arith.constant 0 : i32
      %dma_start3A_319 = tpu.memref_slice %arg14[%dma_start3A_317, %dma_start3A_318] : memref<10240x128xf32, #tpu.memory_space<vmem_shared>> -> memref<10240x128xf32, #tpu.memory_space<vmem_shared>>
      tpu.enqueue_indirect_dma source(%arg13 : memref<128x128xf32, #tpu.memory_space<vmem>>) target(%dma_start3A_319 : memref<10240x128xf32, #tpu.memory_space<vmem_shared>>) offsets(%dma_start3A_316 : memref<128xi32, #tpu.memory_space<vmem>>) semaphore(%arg19 : memref<!tpu.dma_semaphore, #tpu.memory_space<semaphore_mem>>) {add = true}
      %mul3A_320 = arith.constant 8 : i32
      %mul3A_321 = arith.muli %rem3A_222, %mul3A_320 : i32
      %add3A_322 = arith.constant 2 : i32
      %add3A_323 = arith.addi %mul3A_321, %add3A_322 : i32
      %add3A_324 = arith.constant 1 : i32
      %add3A_325 = arith.addi %add3A_323, %add3A_324 : i32
      %dma_wait3A_326 = arith.constant 0 : i32
      %dma_wait3A_327 = arith.constant 0 : i32
      %dma_wait3A_328 = tpu.memref_slice %arg2[%dma_wait3A_326, %dma_wait3A_327] : memref<20480x128xf32, #tpu.memory_space<hbm>> -> memref<128x128xf32, #tpu.memory_space<hbm>>
      %dma_wait3A_329 = arith.constant 0 : i32
      %dma_wait3A_330 = arith.constant 0 : i32
      %dma_wait3A_331 = tpu.memref_slice %arg2[%dma_wait3A_329, %dma_wait3A_330] : memref<20480x128xf32, #tpu.memory_space<hbm>> -> memref<128x128xf32, #tpu.memory_space<hbm>>
      tpu.wait_dma2 semaphore(%arg19 : memref<!tpu.dma_semaphore, #tpu.memory_space<semaphore_mem>>) src(%dma_wait3A_331 : memref<128x128xf32, #tpu.memory_space<hbm>>) dst(%arg12 : memref<128x128xf32, #tpu.memory_space<vmem>>)
      %dma_start3A_332 = arith.constant 0 : i32
      %dma_start3A_333 = tpu.memref_slice %arg9[%add3A_325, %dma_start3A_332] : memref<16x128xi32, #tpu.memory_space<vmem>> -> memref<1x128xi32, #tpu.memory_space<vmem>>
      %dma_start3A_334 = tpu.memref_squeeze %dma_start3A_333 : memref<1x128xi32, #tpu.memory_space<vmem>> -> memref<128xi32, #tpu.memory_space<vmem>>
      %dma_start3A_335 = arith.constant 0 : i32
      %dma_start3A_336 = arith.constant 0 : i32
      %dma_start3A_337 = tpu.memref_slice %arg2[%dma_start3A_335, %dma_start3A_336] : memref<20480x128xf32, #tpu.memory_space<hbm>> -> memref<20480x128xf32, #tpu.memory_space<hbm>>
      tpu.enqueue_indirect_dma source(%dma_start3A_337 : memref<20480x128xf32, #tpu.memory_space<hbm>>) target(%arg13 : memref<128x128xf32, #tpu.memory_space<vmem>>) offsets(%dma_start3A_334 : memref<128xi32, #tpu.memory_space<vmem>>) semaphore(%arg18 : memref<!tpu.dma_semaphore, #tpu.memory_space<semaphore_mem>>)
      %dma_wait3A_338 = arith.constant 0 : i32
      %dma_wait3A_339 = arith.constant 0 : i32
      %dma_wait3A_340 = tpu.memref_slice %arg2[%dma_wait3A_338, %dma_wait3A_339] : memref<20480x128xf32, #tpu.memory_space<hbm>> -> memref<128x128xf32, #tpu.memory_space<hbm>>
      %dma_wait3A_341 = arith.constant 0 : i32
      %dma_wait3A_342 = arith.constant 0 : i32
      %dma_wait3A_343 = tpu.memref_slice %arg2[%dma_wait3A_341, %dma_wait3A_342] : memref<20480x128xf32, #tpu.memory_space<hbm>> -> memref<128x128xf32, #tpu.memory_space<hbm>>
      tpu.wait_dma2 semaphore(%arg17 : memref<!tpu.dma_semaphore, #tpu.memory_space<semaphore_mem>>) src(%dma_wait3A_343 : memref<128x128xf32, #tpu.memory_space<hbm>>) dst(%arg12 : memref<128x128xf32, #tpu.memory_space<vmem>>)
      %mul3A_344 = arith.constant 8 : i32
      %mul3A_345 = arith.muli %rem3A_222, %mul3A_344 : i32
      %add3A_346 = arith.constant 2 : i32
      %add3A_347 = arith.addi %mul3A_345, %add3A_346 : i32
      %dma_start3A_348 = arith.constant 0 : i32
      %dma_start3A_349 = tpu.memref_slice %arg10[%add3A_347, %dma_start3A_348] : memref<16x128xi32, #tpu.memory_space<vmem>> -> memref<1x128xi32, #tpu.memory_space<vmem>>
      %dma_start3A_350 = tpu.memref_squeeze %dma_start3A_349 : memref<1x128xi32, #tpu.memory_space<vmem>> -> memref<128xi32, #tpu.memory_space<vmem>>
      %dma_start3A_351 = arith.constant 0 : i32
      %dma_start3A_352 = arith.constant 0 : i32
      %dma_start3A_353 = tpu.memref_slice %arg14[%dma_start3A_351, %dma_start3A_352] : memref<10240x128xf32, #tpu.memory_space<vmem_shared>> -> memref<10240x128xf32, #tpu.memory_space<vmem_shared>>
      tpu.enqueue_indirect_dma source(%arg12 : memref<128x128xf32, #tpu.memory_space<vmem>>) target(%dma_start3A_353 : memref<10240x128xf32, #tpu.memory_space<vmem_shared>>) offsets(%dma_start3A_350 : memref<128xi32, #tpu.memory_space<vmem>>) semaphore(%arg19 : memref<!tpu.dma_semaphore, #tpu.memory_space<semaphore_mem>>) {add = true}
      %mul3A_354 = arith.constant 8 : i32
      %mul3A_355 = arith.muli %rem3A_222, %mul3A_354 : i32
      %add3A_356 = arith.constant 3 : i32
      %add3A_357 = arith.addi %mul3A_355, %add3A_356 : i32
      %add3A_358 = arith.constant 1 : i32
      %add3A_359 = arith.addi %add3A_357, %add3A_358 : i32
      %dma_wait3A_360 = arith.constant 0 : i32
      %dma_wait3A_361 = arith.constant 0 : i32
      %dma_wait3A_362 = tpu.memref_slice %arg2[%dma_wait3A_360, %dma_wait3A_361] : memref<20480x128xf32, #tpu.memory_space<hbm>> -> memref<128x128xf32, #tpu.memory_space<hbm>>
      %dma_wait3A_363 = arith.constant 0 : i32
      %dma_wait3A_364 = arith.constant 0 : i32
      %dma_wait3A_365 = tpu.memref_slice %arg2[%dma_wait3A_363, %dma_wait3A_364] : memref<20480x128xf32, #tpu.memory_space<hbm>> -> memref<128x128xf32, #tpu.memory_space<hbm>>
      tpu.wait_dma2 semaphore(%arg19 : memref<!tpu.dma_semaphore, #tpu.memory_space<semaphore_mem>>) src(%dma_wait3A_365 : memref<128x128xf32, #tpu.memory_space<hbm>>) dst(%arg12 : memref<128x128xf32, #tpu.memory_space<vmem>>)
      %dma_start3A_366 = arith.constant 0 : i32
      %dma_start3A_367 = tpu.memref_slice %arg9[%add3A_359, %dma_start3A_366] : memref<16x128xi32, #tpu.memory_space<vmem>> -> memref<1x128xi32, #tpu.memory_space<vmem>>
      %dma_start3A_368 = tpu.memref_squeeze %dma_start3A_367 : memref<1x128xi32, #tpu.memory_space<vmem>> -> memref<128xi32, #tpu.memory_space<vmem>>
      %dma_start3A_369 = arith.constant 0 : i32
      %dma_start3A_370 = arith.constant 0 : i32
      %dma_start3A_371 = tpu.memref_slice %arg2[%dma_start3A_369, %dma_start3A_370] : memref<20480x128xf32, #tpu.memory_space<hbm>> -> memref<20480x128xf32, #tpu.memory_space<hbm>>
      tpu.enqueue_indirect_dma source(%dma_start3A_371 : memref<20480x128xf32, #tpu.memory_space<hbm>>) target(%arg12 : memref<128x128xf32, #tpu.memory_space<vmem>>) offsets(%dma_start3A_368 : memref<128xi32, #tpu.memory_space<vmem>>) semaphore(%arg17 : memref<!tpu.dma_semaphore, #tpu.memory_space<semaphore_mem>>)
      %dma_wait3A_372 = arith.constant 0 : i32
      %dma_wait3A_373 = arith.constant 0 : i32
      %dma_wait3A_374 = tpu.memref_slice %arg2[%dma_wait3A_372, %dma_wait3A_373] : memref<20480x128xf32, #tpu.memory_space<hbm>> -> memref<128x128xf32, #tpu.memory_space<hbm>>
      %dma_wait3A_375 = arith.constant 0 : i32
      %dma_wait3A_376 = arith.constant 0 : i32
      %dma_wait3A_377 = tpu.memref_slice %arg2[%dma_wait3A_375, %dma_wait3A_376] : memref<20480x128xf32, #tpu.memory_space<hbm>> -> memref<128x128xf32, #tpu.memory_space<hbm>>
      tpu.wait_dma2 semaphore(%arg18 : memref<!tpu.dma_semaphore, #tpu.memory_space<semaphore_mem>>) src(%dma_wait3A_377 : memref<128x128xf32, #tpu.memory_space<hbm>>) dst(%arg13 : memref<128x128xf32, #tpu.memory_space<vmem>>)
      %mul3A_378 = arith.constant 8 : i32
      %mul3A_379 = arith.muli %rem3A_222, %mul3A_378 : i32
      %add3A_380 = arith.constant 3 : i32
      %add3A_381 = arith.addi %mul3A_379, %add3A_380 : i32
      %dma_start3A_382 = arith.constant 0 : i32
      %dma_start3A_383 = tpu.memref_slice %arg10[%add3A_381, %dma_start3A_382] : memref<16x128xi32, #tpu.memory_space<vmem>> -> memref<1x128xi32, #tpu.memory_space<vmem>>
      %dma_start3A_384 = tpu.memref_squeeze %dma_start3A_383 : memref<1x128xi32, #tpu.memory_space<vmem>> -> memref<128xi32, #tpu.memory_space<vmem>>
      %dma_start3A_385 = arith.constant 0 : i32
      %dma_start3A_386 = arith.constant 0 : i32
      %dma_start3A_387 = tpu.memref_slice %arg14[%dma_start3A_385, %dma_start3A_386] : memref<10240x128xf32, #tpu.memory_space<vmem_shared>> -> memref<10240x128xf32, #tpu.memory_space<vmem_shared>>
      tpu.enqueue_indirect_dma source(%arg13 : memref<128x128xf32, #tpu.memory_space<vmem>>) target(%dma_start3A_387 : memref<10240x128xf32, #tpu.memory_space<vmem_shared>>) offsets(%dma_start3A_384 : memref<128xi32, #tpu.memory_space<vmem>>) semaphore(%arg19 : memref<!tpu.dma_semaphore, #tpu.memory_space<semaphore_mem>>) {add = true}
      %mul3A_388 = arith.constant 8 : i32
      %mul3A_389 = arith.muli %rem3A_222, %mul3A_388 : i32
      %add3A_390 = arith.constant 4 : i32
      %add3A_391 = arith.addi %mul3A_389, %add3A_390 : i32
      %add3A_392 = arith.constant 1 : i32
      %add3A_393 = arith.addi %add3A_391, %add3A_392 : i32
      %dma_wait3A_394 = arith.constant 0 : i32
      %dma_wait3A_395 = arith.constant 0 : i32
      %dma_wait3A_396 = tpu.memref_slice %arg2[%dma_wait3A_394, %dma_wait3A_395] : memref<20480x128xf32, #tpu.memory_space<hbm>> -> memref<128x128xf32, #tpu.memory_space<hbm>>
      %dma_wait3A_397 = arith.constant 0 : i32
      %dma_wait3A_398 = arith.constant 0 : i32
      %dma_wait3A_399 = tpu.memref_slice %arg2[%dma_wait3A_397, %dma_wait3A_398] : memref<20480x128xf32, #tpu.memory_space<hbm>> -> memref<128x128xf32, #tpu.memory_space<hbm>>
      tpu.wait_dma2 semaphore(%arg19 : memref<!tpu.dma_semaphore, #tpu.memory_space<semaphore_mem>>) src(%dma_wait3A_399 : memref<128x128xf32, #tpu.memory_space<hbm>>) dst(%arg12 : memref<128x128xf32, #tpu.memory_space<vmem>>)
      %dma_start3A_400 = arith.constant 0 : i32
      %dma_start3A_401 = tpu.memref_slice %arg9[%add3A_393, %dma_start3A_400] : memref<16x128xi32, #tpu.memory_space<vmem>> -> memref<1x128xi32, #tpu.memory_space<vmem>>
      %dma_start3A_402 = tpu.memref_squeeze %dma_start3A_401 : memref<1x128xi32, #tpu.memory_space<vmem>> -> memref<128xi32, #tpu.memory_space<vmem>>
      %dma_start3A_403 = arith.constant 0 : i32
      %dma_start3A_404 = arith.constant 0 : i32
      %dma_start3A_405 = tpu.memref_slice %arg2[%dma_start3A_403, %dma_start3A_404] : memref<20480x128xf32, #tpu.memory_space<hbm>> -> memref<20480x128xf32, #tpu.memory_space<hbm>>
      tpu.enqueue_indirect_dma source(%dma_start3A_405 : memref<20480x128xf32, #tpu.memory_space<hbm>>) target(%arg13 : memref<128x128xf32, #tpu.memory_space<vmem>>) offsets(%dma_start3A_402 : memref<128xi32, #tpu.memory_space<vmem>>) semaphore(%arg18 : memref<!tpu.dma_semaphore, #tpu.memory_space<semaphore_mem>>)
      %dma_wait3A_406 = arith.constant 0 : i32
      %dma_wait3A_407 = arith.constant 0 : i32
      %dma_wait3A_408 = tpu.memref_slice %arg2[%dma_wait3A_406, %dma_wait3A_407] : memref<20480x128xf32, #tpu.memory_space<hbm>> -> memref<128x128xf32, #tpu.memory_space<hbm>>
      %dma_wait3A_409 = arith.constant 0 : i32
      %dma_wait3A_410 = arith.constant 0 : i32
      %dma_wait3A_411 = tpu.memref_slice %arg2[%dma_wait3A_409, %dma_wait3A_410] : memref<20480x128xf32, #tpu.memory_space<hbm>> -> memref<128x128xf32, #tpu.memory_space<hbm>>
      tpu.wait_dma2 semaphore(%arg17 : memref<!tpu.dma_semaphore, #tpu.memory_space<semaphore_mem>>) src(%dma_wait3A_411 : memref<128x128xf32, #tpu.memory_space<hbm>>) dst(%arg12 : memref<128x128xf32, #tpu.memory_space<vmem>>)
      %mul3A_412 = arith.constant 8 : i32
      %mul3A_413 = arith.muli %rem3A_222, %mul3A_412 : i32
      %add3A_414 = arith.constant 4 : i32
      %add3A_415 = arith.addi %mul3A_413, %add3A_414 : i32
      %dma_start3A_416 = arith.constant 0 : i32
      %dma_start3A_417 = tpu.memref_slice %arg10[%add3A_415, %dma_start3A_416] : memref<16x128xi32, #tpu.memory_space<vmem>> -> memref<1x128xi32, #tpu.memory_space<vmem>>
      %dma_start3A_418 = tpu.memref_squeeze %dma_start3A_417 : memref<1x128xi32, #tpu.memory_space<vmem>> -> memref<128xi32, #tpu.memory_space<vmem>>
      %dma_start3A_419 = arith.constant 0 : i32
      %dma_start3A_420 = arith.constant 0 : i32
      %dma_start3A_421 = tpu.memref_slice %arg14[%dma_start3A_419, %dma_start3A_420] : memref<10240x128xf32, #tpu.memory_space<vmem_shared>> -> memref<10240x128xf32, #tpu.memory_space<vmem_shared>>
      tpu.enqueue_indirect_dma source(%arg12 : memref<128x128xf32, #tpu.memory_space<vmem>>) target(%dma_start3A_421 : memref<10240x128xf32, #tpu.memory_space<vmem_shared>>) offsets(%dma_start3A_418 : memref<128xi32, #tpu.memory_space<vmem>>) semaphore(%arg19 : memref<!tpu.dma_semaphore, #tpu.memory_space<semaphore_mem>>) {add = true}
      %mul3A_422 = arith.constant 8 : i32
      %mul3A_423 = arith.muli %rem3A_222, %mul3A_422 : i32
      %add3A_424 = arith.constant 5 : i32
      %add3A_425 = arith.addi %mul3A_423, %add3A_424 : i32
      %add3A_426 = arith.constant 1 : i32
      %add3A_427 = arith.addi %add3A_425, %add3A_426 : i32
      %dma_wait3A_428 = arith.constant 0 : i32
      %dma_wait3A_429 = arith.constant 0 : i32
      %dma_wait3A_430 = tpu.memref_slice %arg2[%dma_wait3A_428, %dma_wait3A_429] : memref<20480x128xf32, #tpu.memory_space<hbm>> -> memref<128x128xf32, #tpu.memory_space<hbm>>
      %dma_wait3A_431 = arith.constant 0 : i32
      %dma_wait3A_432 = arith.constant 0 : i32
      %dma_wait3A_433 = tpu.memref_slice %arg2[%dma_wait3A_431, %dma_wait3A_432] : memref<20480x128xf32, #tpu.memory_space<hbm>> -> memref<128x128xf32, #tpu.memory_space<hbm>>
      tpu.wait_dma2 semaphore(%arg19 : memref<!tpu.dma_semaphore, #tpu.memory_space<semaphore_mem>>) src(%dma_wait3A_433 : memref<128x128xf32, #tpu.memory_space<hbm>>) dst(%arg12 : memref<128x128xf32, #tpu.memory_space<vmem>>)
      %dma_start3A_434 = arith.constant 0 : i32
      %dma_start3A_435 = tpu.memref_slice %arg9[%add3A_427, %dma_start3A_434] : memref<16x128xi32, #tpu.memory_space<vmem>> -> memref<1x128xi32, #tpu.memory_space<vmem>>
      %dma_start3A_436 = tpu.memref_squeeze %dma_start3A_435 : memref<1x128xi32, #tpu.memory_space<vmem>> -> memref<128xi32, #tpu.memory_space<vmem>>
      %dma_start3A_437 = arith.constant 0 : i32
      %dma_start3A_438 = arith.constant 0 : i32
      %dma_start3A_439 = tpu.memref_slice %arg2[%dma_start3A_437, %dma_start3A_438] : memref<20480x128xf32, #tpu.memory_space<hbm>> -> memref<20480x128xf32, #tpu.memory_space<hbm>>
      tpu.enqueue_indirect_dma source(%dma_start3A_439 : memref<20480x128xf32, #tpu.memory_space<hbm>>) target(%arg12 : memref<128x128xf32, #tpu.memory_space<vmem>>) offsets(%dma_start3A_436 : memref<128xi32, #tpu.memory_space<vmem>>) semaphore(%arg17 : memref<!tpu.dma_semaphore, #tpu.memory_space<semaphore_mem>>)
      %dma_wait3A_440 = arith.constant 0 : i32
      %dma_wait3A_441 = arith.constant 0 : i32
      %dma_wait3A_442 = tpu.memref_slice %arg2[%dma_wait3A_440, %dma_wait3A_441] : memref<20480x128xf32, #tpu.memory_space<hbm>> -> memref<128x128xf32, #tpu.memory_space<hbm>>
      %dma_wait3A_443 = arith.constant 0 : i32
      %dma_wait3A_444 = arith.constant 0 : i32
      %dma_wait3A_445 = tpu.memref_slice %arg2[%dma_wait3A_443, %dma_wait3A_444] : memref<20480x128xf32, #tpu.memory_space<hbm>> -> memref<128x128xf32, #tpu.memory_space<hbm>>
      tpu.wait_dma2 semaphore(%arg18 : memref<!tpu.dma_semaphore, #tpu.memory_space<semaphore_mem>>) src(%dma_wait3A_445 : memref<128x128xf32, #tpu.memory_space<hbm>>) dst(%arg13 : memref<128x128xf32, #tpu.memory_space<vmem>>)
      %mul3A_446 = arith.constant 8 : i32
      %mul3A_447 = arith.muli %rem3A_222, %mul3A_446 : i32
      %add3A_448 = arith.constant 5 : i32
      %add3A_449 = arith.addi %mul3A_447, %add3A_448 : i32
      %dma_start3A_450 = arith.constant 0 : i32
      %dma_start3A_451 = tpu.memref_slice %arg10[%add3A_449, %dma_start3A_450] : memref<16x128xi32, #tpu.memory_space<vmem>> -> memref<1x128xi32, #tpu.memory_space<vmem>>
      %dma_start3A_452 = tpu.memref_squeeze %dma_start3A_451 : memref<1x128xi32, #tpu.memory_space<vmem>> -> memref<128xi32, #tpu.memory_space<vmem>>
      %dma_start3A_453 = arith.constant 0 : i32
      %dma_start3A_454 = arith.constant 0 : i32
      %dma_start3A_455 = tpu.memref_slice %arg14[%dma_start3A_453, %dma_start3A_454] : memref<10240x128xf32, #tpu.memory_space<vmem_shared>> -> memref<10240x128xf32, #tpu.memory_space<vmem_shared>>
      tpu.enqueue_indirect_dma source(%arg13 : memref<128x128xf32, #tpu.memory_space<vmem>>) target(%dma_start3A_455 : memref<10240x128xf32, #tpu.memory_space<vmem_shared>>) offsets(%dma_start3A_452 : memref<128xi32, #tpu.memory_space<vmem>>) semaphore(%arg19 : memref<!tpu.dma_semaphore, #tpu.memory_space<semaphore_mem>>) {add = true}
      %mul3A_456 = arith.constant 8 : i32
      %mul3A_457 = arith.muli %rem3A_222, %mul3A_456 : i32
      %add3A_458 = arith.constant 6 : i32
      %add3A_459 = arith.addi %mul3A_457, %add3A_458 : i32
      %add3A_460 = arith.constant 1 : i32
      %add3A_461 = arith.addi %add3A_459, %add3A_460 : i32
      %dma_wait3A_462 = arith.constant 0 : i32
      %dma_wait3A_463 = arith.constant 0 : i32
      %dma_wait3A_464 = tpu.memref_slice %arg2[%dma_wait3A_462, %dma_wait3A_463] : memref<20480x128xf32, #tpu.memory_space<hbm>> -> memref<128x128xf32, #tpu.memory_space<hbm>>
      %dma_wait3A_465 = arith.constant 0 : i32
      %dma_wait3A_466 = arith.constant 0 : i32
      %dma_wait3A_467 = tpu.memref_slice %arg2[%dma_wait3A_465, %dma_wait3A_466] : memref<20480x128xf32, #tpu.memory_space<hbm>> -> memref<128x128xf32, #tpu.memory_space<hbm>>
      tpu.wait_dma2 semaphore(%arg19 : memref<!tpu.dma_semaphore, #tpu.memory_space<semaphore_mem>>) src(%dma_wait3A_467 : memref<128x128xf32, #tpu.memory_space<hbm>>) dst(%arg12 : memref<128x128xf32, #tpu.memory_space<vmem>>)
      %dma_start3A_468 = arith.constant 0 : i32
      %dma_start3A_469 = tpu.memref_slice %arg9[%add3A_461, %dma_start3A_468] : memref<16x128xi32, #tpu.memory_space<vmem>> -> memref<1x128xi32, #tpu.memory_space<vmem>>
      %dma_start3A_470 = tpu.memref_squeeze %dma_start3A_469 : memref<1x128xi32, #tpu.memory_space<vmem>> -> memref<128xi32, #tpu.memory_space<vmem>>
      %dma_start3A_471 = arith.constant 0 : i32
      %dma_start3A_472 = arith.constant 0 : i32
      %dma_start3A_473 = tpu.memref_slice %arg2[%dma_start3A_471, %dma_start3A_472] : memref<20480x128xf32, #tpu.memory_space<hbm>> -> memref<20480x128xf32, #tpu.memory_space<hbm>>
      tpu.enqueue_indirect_dma source(%dma_start3A_473 : memref<20480x128xf32, #tpu.memory_space<hbm>>) target(%arg13 : memref<128x128xf32, #tpu.memory_space<vmem>>) offsets(%dma_start3A_470 : memref<128xi32, #tpu.memory_space<vmem>>) semaphore(%arg18 : memref<!tpu.dma_semaphore, #tpu.memory_space<semaphore_mem>>)
      %dma_wait3A_474 = arith.constant 0 : i32
      %dma_wait3A_475 = arith.constant 0 : i32
      %dma_wait3A_476 = tpu.memref_slice %arg2[%dma_wait3A_474, %dma_wait3A_475] : memref<20480x128xf32, #tpu.memory_space<hbm>> -> memref<128x128xf32, #tpu.memory_space<hbm>>
      %dma_wait3A_477 = arith.constant 0 : i32
      %dma_wait3A_478 = arith.constant 0 : i32
      %dma_wait3A_479 = tpu.memref_slice %arg2[%dma_wait3A_477, %dma_wait3A_478] : memref<20480x128xf32, #tpu.memory_space<hbm>> -> memref<128x128xf32, #tpu.memory_space<hbm>>
      tpu.wait_dma2 semaphore(%arg17 : memref<!tpu.dma_semaphore, #tpu.memory_space<semaphore_mem>>) src(%dma_wait3A_479 : memref<128x128xf32, #tpu.memory_space<hbm>>) dst(%arg12 : memref<128x128xf32, #tpu.memory_space<vmem>>)
      %mul3A_480 = arith.constant 8 : i32
      %mul3A_481 = arith.muli %rem3A_222, %mul3A_480 : i32
      %add3A_482 = arith.constant 6 : i32
      %add3A_483 = arith.addi %mul3A_481, %add3A_482 : i32
      %dma_start3A_484 = arith.constant 0 : i32
      %dma_start3A_485 = tpu.memref_slice %arg10[%add3A_483, %dma_start3A_484] : memref<16x128xi32, #tpu.memory_space<vmem>> -> memref<1x128xi32, #tpu.memory_space<vmem>>
      %dma_start3A_486 = tpu.memref_squeeze %dma_start3A_485 : memref<1x128xi32, #tpu.memory_space<vmem>> -> memref<128xi32, #tpu.memory_space<vmem>>
      %dma_start3A_487 = arith.constant 0 : i32
      %dma_start3A_488 = arith.constant 0 : i32
      %dma_start3A_489 = tpu.memref_slice %arg14[%dma_start3A_487, %dma_start3A_488] : memref<10240x128xf32, #tpu.memory_space<vmem_shared>> -> memref<10240x128xf32, #tpu.memory_space<vmem_shared>>
      tpu.enqueue_indirect_dma source(%arg12 : memref<128x128xf32, #tpu.memory_space<vmem>>) target(%dma_start3A_489 : memref<10240x128xf32, #tpu.memory_space<vmem_shared>>) offsets(%dma_start3A_486 : memref<128xi32, #tpu.memory_space<vmem>>) semaphore(%arg19 : memref<!tpu.dma_semaphore, #tpu.memory_space<semaphore_mem>>) {add = true}
      %dma_wait3A_490 = arith.constant 0 : i32
      %dma_wait3A_491 = arith.constant 0 : i32
      %dma_wait3A_492 = arith.constant 0 : i32
      %dma_wait3A_493 = tpu.memref_slice %arg9[%dma_wait3A_491, %dma_wait3A_492] : memref<16x128xi32, #tpu.memory_space<vmem>> -> memref<8x128xi32, #tpu.memory_space<vmem>>
      %dma_wait3A_494 = arith.constant 0 : i32
      %dma_wait3A_495 = arith.constant 0 : i32
      %dma_wait3A_496 = tpu.memref_slice %arg3[%arg0, %arg1, %dma_wait3A_490, %dma_wait3A_494, %dma_wait3A_495] : memref<2x16x10x8x128xi32, #tpu.memory_space<hbm>> -> memref<1x1x1x8x128xi32, #tpu.memory_space<hbm>>
      %dma_wait3A_497 = tpu.memref_squeeze %dma_wait3A_496 : memref<1x1x1x8x128xi32, #tpu.memory_space<hbm>> -> memref<8x128xi32, #tpu.memory_space<hbm>>
      %dma_wait3A_498 = arith.constant 0 : i32
      %dma_wait3A_499 = arith.constant 0 : i32
      %dma_wait3A_500 = tpu.memref_slice %arg9[%dma_wait3A_498, %dma_wait3A_499] : memref<16x128xi32, #tpu.memory_space<vmem>> -> memref<8x128xi32, #tpu.memory_space<vmem>>
      %dma_wait3A_501 = arith.constant 0 : i32
      %dma_wait3A_502 = arith.constant 0 : i32
      %dma_wait3A_503 = tpu.memref_slice %arg3[%arg0, %arg1, %dma_wait3A_490, %dma_wait3A_501, %dma_wait3A_502] : memref<2x16x10x8x128xi32, #tpu.memory_space<hbm>> -> memref<1x1x1x8x128xi32, #tpu.memory_space<hbm>>
      %dma_wait3A_504 = tpu.memref_squeeze %dma_wait3A_503 : memref<1x1x1x8x128xi32, #tpu.memory_space<hbm>> -> memref<8x128xi32, #tpu.memory_space<hbm>>
      tpu.wait_dma2 semaphore(%arg15 : memref<!tpu.dma_semaphore, #tpu.memory_space<semaphore_mem>>) src(%dma_wait3A_504 : memref<8x128xi32, #tpu.memory_space<hbm>>) dst(%dma_wait3A_500 : memref<8x128xi32, #tpu.memory_space<vmem>>)
      %dma_wait3A_505 = arith.constant 0 : i32
      %dma_wait3A_506 = arith.constant 0 : i32
      %dma_wait3A_507 = arith.constant 0 : i32
      %dma_wait3A_508 = tpu.memref_slice %arg10[%dma_wait3A_506, %dma_wait3A_507] : memref<16x128xi32, #tpu.memory_space<vmem>> -> memref<8x128xi32, #tpu.memory_space<vmem>>
      %dma_wait3A_509 = arith.constant 0 : i32
      %dma_wait3A_510 = arith.constant 0 : i32
      %dma_wait3A_511 = tpu.memref_slice %arg4[%arg1, %dma_wait3A_505, %dma_wait3A_509, %dma_wait3A_510] : memref<16x10x8x128xi32, #tpu.memory_space<hbm>> -> memref<1x1x8x128xi32, #tpu.memory_space<hbm>>
      %dma_wait3A_512 = tpu.memref_squeeze %dma_wait3A_511 : memref<1x1x8x128xi32, #tpu.memory_space<hbm>> -> memref<8x128xi32, #tpu.memory_space<hbm>>
      %dma_wait3A_513 = arith.constant 0 : i32
      %dma_wait3A_514 = arith.constant 0 : i32
      %dma_wait3A_515 = tpu.memref_slice %arg10[%dma_wait3A_513, %dma_wait3A_514] : memref<16x128xi32, #tpu.memory_space<vmem>> -> memref<8x128xi32, #tpu.memory_space<vmem>>
      %dma_wait3A_516 = arith.constant 0 : i32
      %dma_wait3A_517 = arith.constant 0 : i32
      %dma_wait3A_518 = tpu.memref_slice %arg4[%arg1, %dma_wait3A_505, %dma_wait3A_516, %dma_wait3A_517] : memref<16x10x8x128xi32, #tpu.memory_space<hbm>> -> memref<1x1x8x128xi32, #tpu.memory_space<hbm>>
      %dma_wait3A_519 = tpu.memref_squeeze %dma_wait3A_518 : memref<1x1x8x128xi32, #tpu.memory_space<hbm>> -> memref<8x128xi32, #tpu.memory_space<hbm>>
      tpu.wait_dma2 semaphore(%arg16 : memref<!tpu.dma_semaphore, #tpu.memory_space<semaphore_mem>>) src(%dma_wait3A_519 : memref<8x128xi32, #tpu.memory_space<hbm>>) dst(%dma_wait3A_515 : memref<8x128xi32, #tpu.memory_space<vmem>>)
      %mul3A_520 = arith.constant 8 : i32
      %mul3A_521 = arith.muli %sub3A_223, %mul3A_520 : i32
      %dma_wait3A_522 = arith.constant 0 : i32
      %dma_wait3A_523 = arith.constant 0 : i32
      %dma_wait3A_524 = tpu.memref_slice %arg2[%dma_wait3A_522, %dma_wait3A_523] : memref<20480x128xf32, #tpu.memory_space<hbm>> -> memref<128x128xf32, #tpu.memory_space<hbm>>
      %dma_wait3A_525 = arith.constant 0 : i32
      %dma_wait3A_526 = arith.constant 0 : i32
      %dma_wait3A_527 = tpu.memref_slice %arg2[%dma_wait3A_525, %dma_wait3A_526] : memref<20480x128xf32, #tpu.memory_space<hbm>> -> memref<128x128xf32, #tpu.memory_space<hbm>>
      tpu.wait_dma2 semaphore(%arg19 : memref<!tpu.dma_semaphore, #tpu.memory_space<semaphore_mem>>) src(%dma_wait3A_527 : memref<128x128xf32, #tpu.memory_space<hbm>>) dst(%arg12 : memref<128x128xf32, #tpu.memory_space<vmem>>)
      %dma_start3A_528 = arith.constant 0 : i32
      %dma_start3A_529 = tpu.memref_slice %arg9[%mul3A_521, %dma_start3A_528] : memref<16x128xi32, #tpu.memory_space<vmem>> -> memref<1x128xi32, #tpu.memory_space<vmem>>
      %dma_start3A_530 = tpu.memref_squeeze %dma_start3A_529 : memref<1x128xi32, #tpu.memory_space<vmem>> -> memref<128xi32, #tpu.memory_space<vmem>>
      %dma_start3A_531 = arith.constant 0 : i32
      %dma_start3A_532 = arith.constant 0 : i32
      %dma_start3A_533 = tpu.memref_slice %arg2[%dma_start3A_531, %dma_start3A_532] : memref<20480x128xf32, #tpu.memory_space<hbm>> -> memref<20480x128xf32, #tpu.memory_space<hbm>>
      tpu.enqueue_indirect_dma source(%dma_start3A_533 : memref<20480x128xf32, #tpu.memory_space<hbm>>) target(%arg12 : memref<128x128xf32, #tpu.memory_space<vmem>>) offsets(%dma_start3A_530 : memref<128xi32, #tpu.memory_space<vmem>>) semaphore(%arg17 : memref<!tpu.dma_semaphore, #tpu.memory_space<semaphore_mem>>)
      %dma_wait3A_534 = arith.constant 0 : i32
      %dma_wait3A_535 = arith.constant 0 : i32
      %dma_wait3A_536 = tpu.memref_slice %arg2[%dma_wait3A_534, %dma_wait3A_535] : memref<20480x128xf32, #tpu.memory_space<hbm>> -> memref<128x128xf32, #tpu.memory_space<hbm>>
      %dma_wait3A_537 = arith.constant 0 : i32
      %dma_wait3A_538 = arith.constant 0 : i32
      %dma_wait3A_539 = tpu.memref_slice %arg2[%dma_wait3A_537, %dma_wait3A_538] : memref<20480x128xf32, #tpu.memory_space<hbm>> -> memref<128x128xf32, #tpu.memory_space<hbm>>
      tpu.wait_dma2 semaphore(%arg18 : memref<!tpu.dma_semaphore, #tpu.memory_space<semaphore_mem>>) src(%dma_wait3A_539 : memref<128x128xf32, #tpu.memory_space<hbm>>) dst(%arg13 : memref<128x128xf32, #tpu.memory_space<vmem>>)
      %mul3A_540 = arith.constant 8 : i32
      %mul3A_541 = arith.muli %rem3A_222, %mul3A_540 : i32
      %add3A_542 = arith.constant 7 : i32
      %add3A_543 = arith.addi %mul3A_541, %add3A_542 : i32
      %dma_start3A_544 = arith.constant 0 : i32
      %dma_start3A_545 = tpu.memref_slice %arg10[%add3A_543, %dma_start3A_544] : memref<16x128xi32, #tpu.memory_space<vmem>> -> memref<1x128xi32, #tpu.memory_space<vmem>>
      %dma_start3A_546 = tpu.memref_squeeze %dma_start3A_545 : memref<1x128xi32, #tpu.memory_space<vmem>> -> memref<128xi32, #tpu.memory_space<vmem>>
      %dma_start3A_547 = arith.constant 0 : i32
      %dma_start3A_548 = arith.constant 0 : i32
      %dma_start3A_549 = tpu.memref_slice %arg14[%dma_start3A_547, %dma_start3A_548] : memref<10240x128xf32, #tpu.memory_space<vmem_shared>> -> memref<10240x128xf32, #tpu.memory_space<vmem_shared>>
      tpu.enqueue_indirect_dma source(%arg13 : memref<128x128xf32, #tpu.memory_space<vmem>>) target(%dma_start3A_549 : memref<10240x128xf32, #tpu.memory_space<vmem_shared>>) offsets(%dma_start3A_546 : memref<128xi32, #tpu.memory_space<vmem>>) semaphore(%arg19 : memref<!tpu.dma_semaphore, #tpu.memory_space<semaphore_mem>>) {add = true}
    }
    %scan3A_16 = arith.constant 10 : i32
    %dma_wait3A = arith.constant 0 : i32
    %dma_wait3A_17 = arith.constant 0 : i32
    %dma_wait3A_18 = tpu.memref_slice %arg2[%dma_wait3A, %dma_wait3A_17] : memref<20480x128xf32, #tpu.memory_space<hbm>> -> memref<128x128xf32, #tpu.memory_space<hbm>>
    %dma_wait3A_19 = arith.constant 0 : i32
    %dma_wait3A_20 = arith.constant 0 : i32
    %dma_wait3A_21 = tpu.memref_slice %arg2[%dma_wait3A_19, %dma_wait3A_20] : memref<20480x128xf32, #tpu.memory_space<hbm>> -> memref<128x128xf32, #tpu.memory_space<hbm>>
    tpu.wait_dma2 semaphore(%arg19 : memref<!tpu.dma_semaphore, #tpu.memory_space<semaphore_mem>>) src(%dma_wait3A_21 : memref<128x128xf32, #tpu.memory_space<hbm>>) dst(%arg12 : memref<128x128xf32, #tpu.memory_space<vmem>>)
    %dma_wait3A_22 = arith.constant 0 : i32
    %dma_wait3A_23 = arith.constant 0 : i32
    %dma_wait3A_24 = tpu.memref_slice %arg2[%dma_wait3A_22, %dma_wait3A_23] : memref<20480x128xf32, #tpu.memory_space<hbm>> -> memref<128x128xf32, #tpu.memory_space<hbm>>
    %dma_wait3A_25 = arith.constant 0 : i32
    %dma_wait3A_26 = arith.constant 0 : i32
    %dma_wait3A_27 = tpu.memref_slice %arg2[%dma_wait3A_25, %dma_wait3A_26] : memref<20480x128xf32, #tpu.memory_space<hbm>> -> memref<128x128xf32, #tpu.memory_space<hbm>>
    tpu.wait_dma2 semaphore(%arg17 : memref<!tpu.dma_semaphore, #tpu.memory_space<semaphore_mem>>) src(%dma_wait3A_27 : memref<128x128xf32, #tpu.memory_space<hbm>>) dst(%arg12 : memref<128x128xf32, #tpu.memory_space<vmem>>)
    %barrier3A_28 = arith.constant 0 : index
    tpu.barrier barrier_id(%barrier3A_28)
    "tpu.region"() ({
      %run_scoped3A_221 = tpu.sem_alloc : memref<!tpu.dma_semaphore, #tpu.memory_space<semaphore_mem>>
      %dma_start3A_222 = arith.constant 0 : i32
      %dma_start3A_223 = arith.constant 0 : i32
      %dma_start3A_224 = tpu.memref_slice %arg5[%arg1, %dma_start3A_222, %dma_start3A_223] : memref<16x4x64xi32, #tpu.memory_space<hbm>> -> memref<1x4x64xi32, #tpu.memory_space<hbm>>
      %dma_start3A_225 = tpu.memref_squeeze %dma_start3A_224 : memref<1x4x64xi32, #tpu.memory_space<hbm>> -> memref<4x64xi32, #tpu.memory_space<hbm>>
      %dma_start3A_226 = arith.constant 0 : i32
      %dma_start3A_227 = arith.constant 0 : i32
      %dma_start3A_228 = tpu.memref_slice %arg5[%arg1, %dma_start3A_226, %dma_start3A_227] : memref<16x4x64xi32, #tpu.memory_space<hbm>> -> memref<1x4x64xi32, #tpu.memory_space<hbm>>
      %dma_start3A_229 = tpu.memref_squeeze %dma_start3A_228 : memref<1x4x64xi32, #tpu.memory_space<hbm>> -> memref<4x64xi32, #tpu.memory_space<hbm>>
      tpu.enqueue_dma source(%dma_start3A_229 : memref<4x64xi32, #tpu.memory_space<hbm>>) target(%arg11 : memref<4x64xi32, #tpu.memory_space<vmem>>) target_semaphore(%run_scoped3A_221 : memref<!tpu.dma_semaphore, #tpu.memory_space<semaphore_mem>>)
      %dma_wait3A_230 = arith.constant 0 : i32
      %dma_wait3A_231 = arith.constant 0 : i32
      %dma_wait3A_232 = tpu.memref_slice %arg5[%arg1, %dma_wait3A_230, %dma_wait3A_231] : memref<16x4x64xi32, #tpu.memory_space<hbm>> -> memref<1x4x64xi32, #tpu.memory_space<hbm>>
      %dma_wait3A_233 = tpu.memref_squeeze %dma_wait3A_232 : memref<1x4x64xi32, #tpu.memory_space<hbm>> -> memref<4x64xi32, #tpu.memory_space<hbm>>
      %dma_wait3A_234 = arith.constant 0 : i32
      %dma_wait3A_235 = arith.constant 0 : i32
      %dma_wait3A_236 = tpu.memref_slice %arg5[%arg1, %dma_wait3A_234, %dma_wait3A_235] : memref<16x4x64xi32, #tpu.memory_space<hbm>> -> memref<1x4x64xi32, #tpu.memory_space<hbm>>
      %dma_wait3A_237 = tpu.memref_squeeze %dma_wait3A_236 : memref<1x4x64xi32, #tpu.memory_space<hbm>> -> memref<4x64xi32, #tpu.memory_space<hbm>>
      tpu.wait_dma2 semaphore(%run_scoped3A_221 : memref<!tpu.dma_semaphore, #tpu.memory_space<semaphore_mem>>) src(%dma_wait3A_237 : memref<4x64xi32, #tpu.memory_space<hbm>>) dst(%arg11 : memref<4x64xi32, #tpu.memory_space<vmem>>)
      tpu.yield
    }) : () -> ()
    %dma_start3A_29 = arith.constant 0 : i32
    %dma_start3A_30 = arith.constant 0 : i32
    %dma_start3A_31 = arith.constant 0 : i32
    %dma_start3A_32 = tpu.memref_slice %arg12[%dma_start3A_30, %dma_start3A_31] : memref<128x128xf32, #tpu.memory_space<vmem>> -> memref<64x128xf32, #tpu.memory_space<vmem>>
    %dma_start3A_33 = arith.constant 0 : i32
    %dma_start3A_34 = tpu.memref_slice %arg11[%dma_start3A_29, %dma_start3A_33] : memref<4x64xi32, #tpu.memory_space<vmem>> -> memref<1x64xi32, #tpu.memory_space<vmem>>
    %dma_start3A_35 = tpu.memref_squeeze %dma_start3A_34 : memref<1x64xi32, #tpu.memory_space<vmem>> -> memref<64xi32, #tpu.memory_space<vmem>>
    %dma_start3A_36 = arith.constant 0 : i32
    %dma_start3A_37 = arith.constant 0 : i32
    %dma_start3A_38 = tpu.memref_slice %arg14[%dma_start3A_36, %dma_start3A_37] : memref<10240x128xf32, #tpu.memory_space<vmem_shared>> -> memref<10240x128xf32, #tpu.memory_space<vmem_shared>>
    tpu.enqueue_indirect_dma source(%dma_start3A_38 : memref<10240x128xf32, #tpu.memory_space<vmem_shared>>) target(%dma_start3A_32 : memref<64x128xf32, #tpu.memory_space<vmem>>) offsets(%dma_start3A_35 : memref<64xi32, #tpu.memory_space<vmem>>) semaphore(%arg17 : memref<!tpu.dma_semaphore, #tpu.memory_space<semaphore_mem>>)
    %dma_wait3A_39 = arith.constant 0 : i32
    %dma_wait3A_40 = arith.constant 0 : i32
    %dma_wait3A_41 = arith.constant 0 : i32
    %dma_wait3A_42 = tpu.memref_slice %arg12[%dma_wait3A_40, %dma_wait3A_41] : memref<128x128xf32, #tpu.memory_space<vmem>> -> memref<64x128xf32, #tpu.memory_space<vmem>>
    %dma_wait3A_43 = arith.constant 0 : i32
    %dma_wait3A_44 = tpu.memref_slice %arg11[%dma_wait3A_39, %dma_wait3A_43] : memref<4x64xi32, #tpu.memory_space<vmem>> -> memref<1x64xi32, #tpu.memory_space<vmem>>
    %dma_wait3A_45 = tpu.memref_squeeze %dma_wait3A_44 : memref<1x64xi32, #tpu.memory_space<vmem>> -> memref<64xi32, #tpu.memory_space<vmem>>
    %dma_wait3A_46 = arith.constant 0 : i32
    %dma_wait3A_47 = arith.constant 0 : i32
    %dma_wait3A_48 = tpu.memref_slice %arg14[%dma_wait3A_46, %dma_wait3A_47] : memref<10240x128xf32, #tpu.memory_space<vmem_shared>> -> memref<10240x128xf32, #tpu.memory_space<vmem_shared>>
    tpu.wait_indirect_dma semaphore(%arg17 : memref<!tpu.dma_semaphore, #tpu.memory_space<semaphore_mem>>) src(%dma_wait3A_48 : memref<10240x128xf32, #tpu.memory_space<vmem_shared>>) dst(%dma_wait3A_42 : memref<64x128xf32, #tpu.memory_space<vmem>>)
    %mul3A_49 = arith.constant 256 : i32
    %mul3A_50 = arith.muli %arg1, %mul3A_49 : i32
    %add3A_51 = arith.constant 0 : i32
    %add3A_52 = arith.addi %mul3A_50, %add3A_51 : i32
    "tpu.region"() ({
      %run_scoped3A_221 = tpu.sem_alloc : memref<!tpu.dma_semaphore, #tpu.memory_space<semaphore_mem>>
      %dma_start3A_222 = arith.constant 0 : i32
      %dma_start3A_223 = arith.constant 0 : i32
      %dma_start3A_224 = tpu.memref_slice %arg12[%dma_start3A_222, %dma_start3A_223] : memref<128x128xf32, #tpu.memory_space<vmem>> -> memref<64x128xf32, #tpu.memory_space<vmem>>
      %dma_start3A_225 = arith.constant 0 : i32
      %dma_start3A_226 = tpu.memref_slice %arg7[%arg0, %add3A_52, %dma_start3A_225] : memref<2x4096x128xf32, #tpu.memory_space<hbm>> -> memref<1x64x128xf32, #tpu.memory_space<hbm>>
      %dma_start3A_227 = tpu.memref_squeeze %dma_start3A_226 : memref<1x64x128xf32, #tpu.memory_space<hbm>> -> memref<64x128xf32, #tpu.memory_space<hbm>>
      %dma_start3A_228 = arith.constant 0 : i32
      %dma_start3A_229 = tpu.memref_slice %arg7[%arg0, %add3A_52, %dma_start3A_228] : memref<2x4096x128xf32, #tpu.memory_space<hbm>> -> memref<1x64x128xf32, #tpu.memory_space<hbm>>
      %dma_start3A_230 = tpu.memref_squeeze %dma_start3A_229 : memref<1x64x128xf32, #tpu.memory_space<hbm>> -> memref<64x128xf32, #tpu.memory_space<hbm>>
      %dma_start3A_231 = arith.constant 0 : i32
      %dma_start3A_232 = arith.constant 0 : i32
      %dma_start3A_233 = tpu.memref_slice %arg12[%dma_start3A_231, %dma_start3A_232] : memref<128x128xf32, #tpu.memory_space<vmem>> -> memref<64x128xf32, #tpu.memory_space<vmem>>
      tpu.enqueue_dma source(%dma_start3A_233 : memref<64x128xf32, #tpu.memory_space<vmem>>) target(%dma_start3A_230 : memref<64x128xf32, #tpu.memory_space<hbm>>) target_semaphore(%run_scoped3A_221 : memref<!tpu.dma_semaphore, #tpu.memory_space<semaphore_mem>>)
      %dma_wait3A_234 = arith.constant 0 : i32
      %dma_wait3A_235 = arith.constant 0 : i32
      %dma_wait3A_236 = tpu.memref_slice %arg12[%dma_wait3A_234, %dma_wait3A_235] : memref<128x128xf32, #tpu.memory_space<vmem>> -> memref<64x128xf32, #tpu.memory_space<vmem>>
      %dma_wait3A_237 = arith.constant 0 : i32
      %dma_wait3A_238 = tpu.memref_slice %arg7[%arg0, %add3A_52, %dma_wait3A_237] : memref<2x4096x128xf32, #tpu.memory_space<hbm>> -> memref<1x64x128xf32, #tpu.memory_space<hbm>>
      %dma_wait3A_239 = tpu.memref_squeeze %dma_wait3A_238 : memref<1x64x128xf32, #tpu.memory_space<hbm>> -> memref<64x128xf32, #tpu.memory_space<hbm>>
      %dma_wait3A_240 = arith.constant 0 : i32
      %dma_wait3A_241 = tpu.memref_slice %arg7[%arg0, %add3A_52, %dma_wait3A_240] : memref<2x4096x128xf32, #tpu.memory_space<hbm>> -> memref<1x64x128xf32, #tpu.memory_space<hbm>>
      %dma_wait3A_242 = tpu.memref_squeeze %dma_wait3A_241 : memref<1x64x128xf32, #tpu.memory_space<hbm>> -> memref<64x128xf32, #tpu.memory_space<hbm>>
      %dma_wait3A_243 = arith.constant 0 : i32
      %dma_wait3A_244 = arith.constant 0 : i32
      %dma_wait3A_245 = tpu.memref_slice %arg12[%dma_wait3A_243, %dma_wait3A_244] : memref<128x128xf32, #tpu.memory_space<vmem>> -> memref<64x128xf32, #tpu.memory_space<vmem>>
      tpu.wait_dma2 semaphore(%run_scoped3A_221 : memref<!tpu.dma_semaphore, #tpu.memory_space<semaphore_mem>>) src(%dma_wait3A_245 : memref<64x128xf32, #tpu.memory_space<vmem>>) dst(%dma_wait3A_242 : memref<64x128xf32, #tpu.memory_space<hbm>>)
      tpu.yield
    }) : () -> ()
    %dma_start3A_53 = arith.constant 1 : i32
    %dma_start3A_54 = arith.constant 0 : i32
    %dma_start3A_55 = arith.constant 0 : i32
    %dma_start3A_56 = tpu.memref_slice %arg12[%dma_start3A_54, %dma_start3A_55] : memref<128x128xf32, #tpu.memory_space<vmem>> -> memref<64x128xf32, #tpu.memory_space<vmem>>
    %dma_start3A_57 = arith.constant 0 : i32
    %dma_start3A_58 = tpu.memref_slice %arg11[%dma_start3A_53, %dma_start3A_57] : memref<4x64xi32, #tpu.memory_space<vmem>> -> memref<1x64xi32, #tpu.memory_space<vmem>>
    %dma_start3A_59 = tpu.memref_squeeze %dma_start3A_58 : memref<1x64xi32, #tpu.memory_space<vmem>> -> memref<64xi32, #tpu.memory_space<vmem>>
    %dma_start3A_60 = arith.constant 0 : i32
    %dma_start3A_61 = arith.constant 0 : i32
    %dma_start3A_62 = tpu.memref_slice %arg14[%dma_start3A_60, %dma_start3A_61] : memref<10240x128xf32, #tpu.memory_space<vmem_shared>> -> memref<10240x128xf32, #tpu.memory_space<vmem_shared>>
    tpu.enqueue_indirect_dma source(%dma_start3A_62 : memref<10240x128xf32, #tpu.memory_space<vmem_shared>>) target(%dma_start3A_56 : memref<64x128xf32, #tpu.memory_space<vmem>>) offsets(%dma_start3A_59 : memref<64xi32, #tpu.memory_space<vmem>>) semaphore(%arg17 : memref<!tpu.dma_semaphore, #tpu.memory_space<semaphore_mem>>)
    %dma_wait3A_63 = arith.constant 1 : i32
    %dma_wait3A_64 = arith.constant 0 : i32
    %dma_wait3A_65 = arith.constant 0 : i32
    %dma_wait3A_66 = tpu.memref_slice %arg12[%dma_wait3A_64, %dma_wait3A_65] : memref<128x128xf32, #tpu.memory_space<vmem>> -> memref<64x128xf32, #tpu.memory_space<vmem>>
    %dma_wait3A_67 = arith.constant 0 : i32
    %dma_wait3A_68 = tpu.memref_slice %arg11[%dma_wait3A_63, %dma_wait3A_67] : memref<4x64xi32, #tpu.memory_space<vmem>> -> memref<1x64xi32, #tpu.memory_space<vmem>>
    %dma_wait3A_69 = tpu.memref_squeeze %dma_wait3A_68 : memref<1x64xi32, #tpu.memory_space<vmem>> -> memref<64xi32, #tpu.memory_space<vmem>>
    %dma_wait3A_70 = arith.constant 0 : i32
    %dma_wait3A_71 = arith.constant 0 : i32
    %dma_wait3A_72 = tpu.memref_slice %arg14[%dma_wait3A_70, %dma_wait3A_71] : memref<10240x128xf32, #tpu.memory_space<vmem_shared>> -> memref<10240x128xf32, #tpu.memory_space<vmem_shared>>
    tpu.wait_indirect_dma semaphore(%arg17 : memref<!tpu.dma_semaphore, #tpu.memory_space<semaphore_mem>>) src(%dma_wait3A_72 : memref<10240x128xf32, #tpu.memory_space<vmem_shared>>) dst(%dma_wait3A_66 : memref<64x128xf32, #tpu.memory_space<vmem>>)
    %mul3A_73 = arith.constant 256 : i32
    %mul3A_74 = arith.muli %arg1, %mul3A_73 : i32
    %add3A_75 = arith.constant 64 : i32
    %add3A_76 = arith.addi %mul3A_74, %add3A_75 : i32
    "tpu.region"() ({
      %run_scoped3A_221 = tpu.sem_alloc : memref<!tpu.dma_semaphore, #tpu.memory_space<semaphore_mem>>
      %dma_start3A_222 = arith.constant 0 : i32
      %dma_start3A_223 = arith.constant 0 : i32
      %dma_start3A_224 = tpu.memref_slice %arg12[%dma_start3A_222, %dma_start3A_223] : memref<128x128xf32, #tpu.memory_space<vmem>> -> memref<64x128xf32, #tpu.memory_space<vmem>>
      %dma_start3A_225 = arith.constant 0 : i32
      %dma_start3A_226 = tpu.memref_slice %arg7[%arg0, %add3A_76, %dma_start3A_225] : memref<2x4096x128xf32, #tpu.memory_space<hbm>> -> memref<1x64x128xf32, #tpu.memory_space<hbm>>
      %dma_start3A_227 = tpu.memref_squeeze %dma_start3A_226 : memref<1x64x128xf32, #tpu.memory_space<hbm>> -> memref<64x128xf32, #tpu.memory_space<hbm>>
      %dma_start3A_228 = arith.constant 0 : i32
      %dma_start3A_229 = tpu.memref_slice %arg7[%arg0, %add3A_76, %dma_start3A_228] : memref<2x4096x128xf32, #tpu.memory_space<hbm>> -> memref<1x64x128xf32, #tpu.memory_space<hbm>>
      %dma_start3A_230 = tpu.memref_squeeze %dma_start3A_229 : memref<1x64x128xf32, #tpu.memory_space<hbm>> -> memref<64x128xf32, #tpu.memory_space<hbm>>
      %dma_start3A_231 = arith.constant 0 : i32
      %dma_start3A_232 = arith.constant 0 : i32
      %dma_start3A_233 = tpu.memref_slice %arg12[%dma_start3A_231, %dma_start3A_232] : memref<128x128xf32, #tpu.memory_space<vmem>> -> memref<64x128xf32, #tpu.memory_space<vmem>>
      tpu.enqueue_dma source(%dma_start3A_233 : memref<64x128xf32, #tpu.memory_space<vmem>>) target(%dma_start3A_230 : memref<64x128xf32, #tpu.memory_space<hbm>>) target_semaphore(%run_scoped3A_221 : memref<!tpu.dma_semaphore, #tpu.memory_space<semaphore_mem>>)
      %dma_wait3A_234 = arith.constant 0 : i32
      %dma_wait3A_235 = arith.constant 0 : i32
      %dma_wait3A_236 = tpu.memref_slice %arg12[%dma_wait3A_234, %dma_wait3A_235] : memref<128x128xf32, #tpu.memory_space<vmem>> -> memref<64x128xf32, #tpu.memory_space<vmem>>
      %dma_wait3A_237 = arith.constant 0 : i32
      %dma_wait3A_238 = tpu.memref_slice %arg7[%arg0, %add3A_76, %dma_wait3A_237] : memref<2x4096x128xf32, #tpu.memory_space<hbm>> -> memref<1x64x128xf32, #tpu.memory_space<hbm>>
      %dma_wait3A_239 = tpu.memref_squeeze %dma_wait3A_238 : memref<1x64x128xf32, #tpu.memory_space<hbm>> -> memref<64x128xf32, #tpu.memory_space<hbm>>
      %dma_wait3A_240 = arith.constant 0 : i32
      %dma_wait3A_241 = tpu.memref_slice %arg7[%arg0, %add3A_76, %dma_wait3A_240] : memref<2x4096x128xf32, #tpu.memory_space<hbm>> -> memref<1x64x128xf32, #tpu.memory_space<hbm>>
      %dma_wait3A_242 = tpu.memref_squeeze %dma_wait3A_241 : memref<1x64x128xf32, #tpu.memory_space<hbm>> -> memref<64x128xf32, #tpu.memory_space<hbm>>
      %dma_wait3A_243 = arith.constant 0 : i32
      %dma_wait3A_244 = arith.constant 0 : i32
      %dma_wait3A_245 = tpu.memref_slice %arg12[%dma_wait3A_243, %dma_wait3A_244] : memref<128x128xf32, #tpu.memory_space<vmem>> -> memref<64x128xf32, #tpu.memory_space<vmem>>
      tpu.wait_dma2 semaphore(%run_scoped3A_221 : memref<!tpu.dma_semaphore, #tpu.memory_space<semaphore_mem>>) src(%dma_wait3A_245 : memref<64x128xf32, #tpu.memory_space<vmem>>) dst(%dma_wait3A_242 : memref<64x128xf32, #tpu.memory_space<hbm>>)
      tpu.yield
    }) : () -> ()
    %dma_start3A_77 = arith.constant 2 : i32
    %dma_start3A_78 = arith.constant 0 : i32
    %dma_start3A_79 = arith.constant 0 : i32
    %dma_start3A_80 = tpu.memref_slice %arg12[%dma_start3A_78, %dma_start3A_79] : memref<128x128xf32, #tpu.memory_space<vmem>> -> memref<64x128xf32, #tpu.memory_space<vmem>>
    %dma_start3A_81 = arith.constant 0 : i32
    %dma_start3A_82 = tpu.memref_slice %arg11[%dma_start3A_77, %dma_start3A_81] : memref<4x64xi32, #tpu.memory_space<vmem>> -> memref<1x64xi32, #tpu.memory_space<vmem>>
    %dma_start3A_83 = tpu.memref_squeeze %dma_start3A_82 : memref<1x64xi32, #tpu.memory_space<vmem>> -> memref<64xi32, #tpu.memory_space<vmem>>
    %dma_start3A_84 = arith.constant 0 : i32
    %dma_start3A_85 = arith.constant 0 : i32
    %dma_start3A_86 = tpu.memref_slice %arg14[%dma_start3A_84, %dma_start3A_85] : memref<10240x128xf32, #tpu.memory_space<vmem_shared>> -> memref<10240x128xf32, #tpu.memory_space<vmem_shared>>
    tpu.enqueue_indirect_dma source(%dma_start3A_86 : memref<10240x128xf32, #tpu.memory_space<vmem_shared>>) target(%dma_start3A_80 : memref<64x128xf32, #tpu.memory_space<vmem>>) offsets(%dma_start3A_83 : memref<64xi32, #tpu.memory_space<vmem>>) semaphore(%arg17 : memref<!tpu.dma_semaphore, #tpu.memory_space<semaphore_mem>>)
    %dma_wait3A_87 = arith.constant 2 : i32
    %dma_wait3A_88 = arith.constant 0 : i32
    %dma_wait3A_89 = arith.constant 0 : i32
    %dma_wait3A_90 = tpu.memref_slice %arg12[%dma_wait3A_88, %dma_wait3A_89] : memref<128x128xf32, #tpu.memory_space<vmem>> -> memref<64x128xf32, #tpu.memory_space<vmem>>
    %dma_wait3A_91 = arith.constant 0 : i32
    %dma_wait3A_92 = tpu.memref_slice %arg11[%dma_wait3A_87, %dma_wait3A_91] : memref<4x64xi32, #tpu.memory_space<vmem>> -> memref<1x64xi32, #tpu.memory_space<vmem>>
    %dma_wait3A_93 = tpu.memref_squeeze %dma_wait3A_92 : memref<1x64xi32, #tpu.memory_space<vmem>> -> memref<64xi32, #tpu.memory_space<vmem>>
    %dma_wait3A_94 = arith.constant 0 : i32
    %dma_wait3A_95 = arith.constant 0 : i32
    %dma_wait3A_96 = tpu.memref_slice %arg14[%dma_wait3A_94, %dma_wait3A_95] : memref<10240x128xf32, #tpu.memory_space<vmem_shared>> -> memref<10240x128xf32, #tpu.memory_space<vmem_shared>>
    tpu.wait_indirect_dma semaphore(%arg17 : memref<!tpu.dma_semaphore, #tpu.memory_space<semaphore_mem>>) src(%dma_wait3A_96 : memref<10240x128xf32, #tpu.memory_space<vmem_shared>>) dst(%dma_wait3A_90 : memref<64x128xf32, #tpu.memory_space<vmem>>)
    %mul3A_97 = arith.constant 256 : i32
    %mul3A_98 = arith.muli %arg1, %mul3A_97 : i32
    %add3A_99 = arith.constant 128 : i32
    %add3A_100 = arith.addi %mul3A_98, %add3A_99 : i32
    "tpu.region"() ({
      %run_scoped3A_221 = tpu.sem_alloc : memref<!tpu.dma_semaphore, #tpu.memory_space<semaphore_mem>>
      %dma_start3A_222 = arith.constant 0 : i32
      %dma_start3A_223 = arith.constant 0 : i32
      %dma_start3A_224 = tpu.memref_slice %arg12[%dma_start3A_222, %dma_start3A_223] : memref<128x128xf32, #tpu.memory_space<vmem>> -> memref<64x128xf32, #tpu.memory_space<vmem>>
      %dma_start3A_225 = arith.constant 0 : i32
      %dma_start3A_226 = tpu.memref_slice %arg7[%arg0, %add3A_100, %dma_start3A_225] : memref<2x4096x128xf32, #tpu.memory_space<hbm>> -> memref<1x64x128xf32, #tpu.memory_space<hbm>>
      %dma_start3A_227 = tpu.memref_squeeze %dma_start3A_226 : memref<1x64x128xf32, #tpu.memory_space<hbm>> -> memref<64x128xf32, #tpu.memory_space<hbm>>
      %dma_start3A_228 = arith.constant 0 : i32
      %dma_start3A_229 = tpu.memref_slice %arg7[%arg0, %add3A_100, %dma_start3A_228] : memref<2x4096x128xf32, #tpu.memory_space<hbm>> -> memref<1x64x128xf32, #tpu.memory_space<hbm>>
      %dma_start3A_230 = tpu.memref_squeeze %dma_start3A_229 : memref<1x64x128xf32, #tpu.memory_space<hbm>> -> memref<64x128xf32, #tpu.memory_space<hbm>>
      %dma_start3A_231 = arith.constant 0 : i32
      %dma_start3A_232 = arith.constant 0 : i32
      %dma_start3A_233 = tpu.memref_slice %arg12[%dma_start3A_231, %dma_start3A_232] : memref<128x128xf32, #tpu.memory_space<vmem>> -> memref<64x128xf32, #tpu.memory_space<vmem>>
      tpu.enqueue_dma source(%dma_start3A_233 : memref<64x128xf32, #tpu.memory_space<vmem>>) target(%dma_start3A_230 : memref<64x128xf32, #tpu.memory_space<hbm>>) target_semaphore(%run_scoped3A_221 : memref<!tpu.dma_semaphore, #tpu.memory_space<semaphore_mem>>)
      %dma_wait3A_234 = arith.constant 0 : i32
      %dma_wait3A_235 = arith.constant 0 : i32
      %dma_wait3A_236 = tpu.memref_slice %arg12[%dma_wait3A_234, %dma_wait3A_235] : memref<128x128xf32, #tpu.memory_space<vmem>> -> memref<64x128xf32, #tpu.memory_space<vmem>>
      %dma_wait3A_237 = arith.constant 0 : i32
      %dma_wait3A_238 = tpu.memref_slice %arg7[%arg0, %add3A_100, %dma_wait3A_237] : memref<2x4096x128xf32, #tpu.memory_space<hbm>> -> memref<1x64x128xf32, #tpu.memory_space<hbm>>
      %dma_wait3A_239 = tpu.memref_squeeze %dma_wait3A_238 : memref<1x64x128xf32, #tpu.memory_space<hbm>> -> memref<64x128xf32, #tpu.memory_space<hbm>>
      %dma_wait3A_240 = arith.constant 0 : i32
      %dma_wait3A_241 = tpu.memref_slice %arg7[%arg0, %add3A_100, %dma_wait3A_240] : memref<2x4096x128xf32, #tpu.memory_space<hbm>> -> memref<1x64x128xf32, #tpu.memory_space<hbm>>
      %dma_wait3A_242 = tpu.memref_squeeze %dma_wait3A_241 : memref<1x64x128xf32, #tpu.memory_space<hbm>> -> memref<64x128xf32, #tpu.memory_space<hbm>>
      %dma_wait3A_243 = arith.constant 0 : i32
      %dma_wait3A_244 = arith.constant 0 : i32
      %dma_wait3A_245 = tpu.memref_slice %arg12[%dma_wait3A_243, %dma_wait3A_244] : memref<128x128xf32, #tpu.memory_space<vmem>> -> memref<64x128xf32, #tpu.memory_space<vmem>>
      tpu.wait_dma2 semaphore(%run_scoped3A_221 : memref<!tpu.dma_semaphore, #tpu.memory_space<semaphore_mem>>) src(%dma_wait3A_245 : memref<64x128xf32, #tpu.memory_space<vmem>>) dst(%dma_wait3A_242 : memref<64x128xf32, #tpu.memory_space<hbm>>)
      tpu.yield
    }) : () -> ()
    %dma_start3A_101 = arith.constant 3 : i32
    %dma_start3A_102 = arith.constant 0 : i32
    %dma_start3A_103 = arith.constant 0 : i32
    %dma_start3A_104 = tpu.memref_slice %arg12[%dma_start3A_102, %dma_start3A_103] : memref<128x128xf32, #tpu.memory_space<vmem>> -> memref<64x128xf32, #tpu.memory_space<vmem>>
    %dma_start3A_105 = arith.constant 0 : i32
    %dma_start3A_106 = tpu.memref_slice %arg11[%dma_start3A_101, %dma_start3A_105] : memref<4x64xi32, #tpu.memory_space<vmem>> -> memref<1x64xi32, #tpu.memory_space<vmem>>
    %dma_start3A_107 = tpu.memref_squeeze %dma_start3A_106 : memref<1x64xi32, #tpu.memory_space<vmem>> -> memref<64xi32, #tpu.memory_space<vmem>>
    %dma_start3A_108 = arith.constant 0 : i32
    %dma_start3A_109 = arith.constant 0 : i32
    %dma_start3A_110 = tpu.memref_slice %arg14[%dma_start3A_108, %dma_start3A_109] : memref<10240x128xf32, #tpu.memory_space<vmem_shared>> -> memref<10240x128xf32, #tpu.memory_space<vmem_shared>>
    tpu.enqueue_indirect_dma source(%dma_start3A_110 : memref<10240x128xf32, #tpu.memory_space<vmem_shared>>) target(%dma_start3A_104 : memref<64x128xf32, #tpu.memory_space<vmem>>) offsets(%dma_start3A_107 : memref<64xi32, #tpu.memory_space<vmem>>) semaphore(%arg17 : memref<!tpu.dma_semaphore, #tpu.memory_space<semaphore_mem>>)
    %dma_wait3A_111 = arith.constant 3 : i32
    %dma_wait3A_112 = arith.constant 0 : i32
    %dma_wait3A_113 = arith.constant 0 : i32
    %dma_wait3A_114 = tpu.memref_slice %arg12[%dma_wait3A_112, %dma_wait3A_113] : memref<128x128xf32, #tpu.memory_space<vmem>> -> memref<64x128xf32, #tpu.memory_space<vmem>>
    %dma_wait3A_115 = arith.constant 0 : i32
    %dma_wait3A_116 = tpu.memref_slice %arg11[%dma_wait3A_111, %dma_wait3A_115] : memref<4x64xi32, #tpu.memory_space<vmem>> -> memref<1x64xi32, #tpu.memory_space<vmem>>
    %dma_wait3A_117 = tpu.memref_squeeze %dma_wait3A_116 : memref<1x64xi32, #tpu.memory_space<vmem>> -> memref<64xi32, #tpu.memory_space<vmem>>
    %dma_wait3A_118 = arith.constant 0 : i32
    %dma_wait3A_119 = arith.constant 0 : i32
    %dma_wait3A_120 = tpu.memref_slice %arg14[%dma_wait3A_118, %dma_wait3A_119] : memref<10240x128xf32, #tpu.memory_space<vmem_shared>> -> memref<10240x128xf32, #tpu.memory_space<vmem_shared>>
    tpu.wait_indirect_dma semaphore(%arg17 : memref<!tpu.dma_semaphore, #tpu.memory_space<semaphore_mem>>) src(%dma_wait3A_120 : memref<10240x128xf32, #tpu.memory_space<vmem_shared>>) dst(%dma_wait3A_114 : memref<64x128xf32, #tpu.memory_space<vmem>>)
    %mul3A_121 = arith.constant 256 : i32
    %mul3A_122 = arith.muli %arg1, %mul3A_121 : i32
    %add3A_123 = arith.constant 192 : i32
    %add3A_124 = arith.addi %mul3A_122, %add3A_123 : i32
    "tpu.region"() ({
      %run_scoped3A_221 = tpu.sem_alloc : memref<!tpu.dma_semaphore, #tpu.memory_space<semaphore_mem>>
      %dma_start3A_222 = arith.constant 0 : i32
      %dma_start3A_223 = arith.constant 0 : i32
      %dma_start3A_224 = tpu.memref_slice %arg12[%dma_start3A_222, %dma_start3A_223] : memref<128x128xf32, #tpu.memory_space<vmem>> -> memref<64x128xf32, #tpu.memory_space<vmem>>
      %dma_start3A_225 = arith.constant 0 : i32
      %dma_start3A_226 = tpu.memref_slice %arg7[%arg0, %add3A_124, %dma_start3A_225] : memref<2x4096x128xf32, #tpu.memory_space<hbm>> -> memref<1x64x128xf32, #tpu.memory_space<hbm>>
      %dma_start3A_227 = tpu.memref_squeeze %dma_start3A_226 : memref<1x64x128xf32, #tpu.memory_space<hbm>> -> memref<64x128xf32, #tpu.memory_space<hbm>>
      %dma_start3A_228 = arith.constant 0 : i32
      %dma_start3A_229 = tpu.memref_slice %arg7[%arg0, %add3A_124, %dma_start3A_228] : memref<2x4096x128xf32, #tpu.memory_space<hbm>> -> memref<1x64x128xf32, #tpu.memory_space<hbm>>
      %dma_start3A_230 = tpu.memref_squeeze %dma_start3A_229 : memref<1x64x128xf32, #tpu.memory_space<hbm>> -> memref<64x128xf32, #tpu.memory_space<hbm>>
      %dma_start3A_231 = arith.constant 0 : i32
      %dma_start3A_232 = arith.constant 0 : i32
      %dma_start3A_233 = tpu.memref_slice %arg12[%dma_start3A_231, %dma_start3A_232] : memref<128x128xf32, #tpu.memory_space<vmem>> -> memref<64x128xf32, #tpu.memory_space<vmem>>
      tpu.enqueue_dma source(%dma_start3A_233 : memref<64x128xf32, #tpu.memory_space<vmem>>) target(%dma_start3A_230 : memref<64x128xf32, #tpu.memory_space<hbm>>) target_semaphore(%run_scoped3A_221 : memref<!tpu.dma_semaphore, #tpu.memory_space<semaphore_mem>>)
      %dma_wait3A_234 = arith.constant 0 : i32
      %dma_wait3A_235 = arith.constant 0 : i32
      %dma_wait3A_236 = tpu.memref_slice %arg12[%dma_wait3A_234, %dma_wait3A_235] : memref<128x128xf32, #tpu.memory_space<vmem>> -> memref<64x128xf32, #tpu.memory_space<vmem>>
      %dma_wait3A_237 = arith.constant 0 : i32
      %dma_wait3A_238 = tpu.memref_slice %arg7[%arg0, %add3A_124, %dma_wait3A_237] : memref<2x4096x128xf32, #tpu.memory_space<hbm>> -> memref<1x64x128xf32, #tpu.memory_space<hbm>>
      %dma_wait3A_239 = tpu.memref_squeeze %dma_wait3A_238 : memref<1x64x128xf32, #tpu.memory_space<hbm>> -> memref<64x128xf32, #tpu.memory_space<hbm>>
      %dma_wait3A_240 = arith.constant 0 : i32
      %dma_wait3A_241 = tpu.memref_slice %arg7[%arg0, %add3A_124, %dma_wait3A_240] : memref<2x4096x128xf32, #tpu.memory_space<hbm>> -> memref<1x64x128xf32, #tpu.memory_space<hbm>>
      %dma_wait3A_242 = tpu.memref_squeeze %dma_wait3A_241 : memref<1x64x128xf32, #tpu.memory_space<hbm>> -> memref<64x128xf32, #tpu.memory_space<hbm>>
      %dma_wait3A_243 = arith.constant 0 : i32
      %dma_wait3A_244 = arith.constant 0 : i32
      %dma_wait3A_245 = tpu.memref_slice %arg12[%dma_wait3A_243, %dma_wait3A_244] : memref<128x128xf32, #tpu.memory_space<vmem>> -> memref<64x128xf32, #tpu.memory_space<vmem>>
      tpu.wait_dma2 semaphore(%run_scoped3A_221 : memref<!tpu.dma_semaphore, #tpu.memory_space<semaphore_mem>>) src(%dma_wait3A_245 : memref<64x128xf32, #tpu.memory_space<vmem>>) dst(%dma_wait3A_242 : memref<64x128xf32, #tpu.memory_space<hbm>>)
      tpu.yield
    }) : () -> ()
    "tpu.region"() ({
      %run_scoped3A_221 = tpu.sem_alloc : memref<!tpu.dma_semaphore, #tpu.memory_space<semaphore_mem>>
      %dma_start3A_222 = arith.constant 0 : i32
      %dma_start3A_223 = arith.constant 0 : i32
      %dma_start3A_224 = tpu.memref_slice %arg6[%arg1, %dma_start3A_222, %dma_start3A_223] : memref<16x4x64xi32, #tpu.memory_space<hbm>> -> memref<1x4x64xi32, #tpu.memory_space<hbm>>
      %dma_start3A_225 = tpu.memref_squeeze %dma_start3A_224 : memref<1x4x64xi32, #tpu.memory_space<hbm>> -> memref<4x64xi32, #tpu.memory_space<hbm>>
      %dma_start3A_226 = arith.constant 0 : i32
      %dma_start3A_227 = arith.constant 0 : i32
      %dma_start3A_228 = tpu.memref_slice %arg6[%arg1, %dma_start3A_226, %dma_start3A_227] : memref<16x4x64xi32, #tpu.memory_space<hbm>> -> memref<1x4x64xi32, #tpu.memory_space<hbm>>
      %dma_start3A_229 = tpu.memref_squeeze %dma_start3A_228 : memref<1x4x64xi32, #tpu.memory_space<hbm>> -> memref<4x64xi32, #tpu.memory_space<hbm>>
      tpu.enqueue_dma source(%dma_start3A_229 : memref<4x64xi32, #tpu.memory_space<hbm>>) target(%arg11 : memref<4x64xi32, #tpu.memory_space<vmem>>) target_semaphore(%run_scoped3A_221 : memref<!tpu.dma_semaphore, #tpu.memory_space<semaphore_mem>>)
      %dma_wait3A_230 = arith.constant 0 : i32
      %dma_wait3A_231 = arith.constant 0 : i32
      %dma_wait3A_232 = tpu.memref_slice %arg6[%arg1, %dma_wait3A_230, %dma_wait3A_231] : memref<16x4x64xi32, #tpu.memory_space<hbm>> -> memref<1x4x64xi32, #tpu.memory_space<hbm>>
      %dma_wait3A_233 = tpu.memref_squeeze %dma_wait3A_232 : memref<1x4x64xi32, #tpu.memory_space<hbm>> -> memref<4x64xi32, #tpu.memory_space<hbm>>
      %dma_wait3A_234 = arith.constant 0 : i32
      %dma_wait3A_235 = arith.constant 0 : i32
      %dma_wait3A_236 = tpu.memref_slice %arg6[%arg1, %dma_wait3A_234, %dma_wait3A_235] : memref<16x4x64xi32, #tpu.memory_space<hbm>> -> memref<1x4x64xi32, #tpu.memory_space<hbm>>
      %dma_wait3A_237 = tpu.memref_squeeze %dma_wait3A_236 : memref<1x4x64xi32, #tpu.memory_space<hbm>> -> memref<4x64xi32, #tpu.memory_space<hbm>>
      tpu.wait_dma2 semaphore(%run_scoped3A_221 : memref<!tpu.dma_semaphore, #tpu.memory_space<semaphore_mem>>) src(%dma_wait3A_237 : memref<4x64xi32, #tpu.memory_space<hbm>>) dst(%arg11 : memref<4x64xi32, #tpu.memory_space<vmem>>)
      tpu.yield
    }) : () -> ()
    %dma_start3A_125 = arith.constant 0 : i32
    %dma_start3A_126 = arith.constant 0 : i32
    %dma_start3A_127 = arith.constant 0 : i32
    %dma_start3A_128 = tpu.memref_slice %arg12[%dma_start3A_126, %dma_start3A_127] : memref<128x128xf32, #tpu.memory_space<vmem>> -> memref<64x128xf32, #tpu.memory_space<vmem>>
    %dma_start3A_129 = arith.constant 0 : i32
    %dma_start3A_130 = tpu.memref_slice %arg11[%dma_start3A_125, %dma_start3A_129] : memref<4x64xi32, #tpu.memory_space<vmem>> -> memref<1x64xi32, #tpu.memory_space<vmem>>
    %dma_start3A_131 = tpu.memref_squeeze %dma_start3A_130 : memref<1x64xi32, #tpu.memory_space<vmem>> -> memref<64xi32, #tpu.memory_space<vmem>>
    %dma_start3A_132 = arith.constant 0 : i32
    %dma_start3A_133 = arith.constant 0 : i32
    %dma_start3A_134 = tpu.memref_slice %arg14[%dma_start3A_132, %dma_start3A_133] : memref<10240x128xf32, #tpu.memory_space<vmem_shared>> -> memref<10240x128xf32, #tpu.memory_space<vmem_shared>>
    tpu.enqueue_indirect_dma source(%dma_start3A_134 : memref<10240x128xf32, #tpu.memory_space<vmem_shared>>) target(%dma_start3A_128 : memref<64x128xf32, #tpu.memory_space<vmem>>) offsets(%dma_start3A_131 : memref<64xi32, #tpu.memory_space<vmem>>) semaphore(%arg17 : memref<!tpu.dma_semaphore, #tpu.memory_space<semaphore_mem>>)
    %dma_wait3A_135 = arith.constant 0 : i32
    %dma_wait3A_136 = arith.constant 0 : i32
    %dma_wait3A_137 = arith.constant 0 : i32
    %dma_wait3A_138 = tpu.memref_slice %arg12[%dma_wait3A_136, %dma_wait3A_137] : memref<128x128xf32, #tpu.memory_space<vmem>> -> memref<64x128xf32, #tpu.memory_space<vmem>>
    %dma_wait3A_139 = arith.constant 0 : i32
    %dma_wait3A_140 = tpu.memref_slice %arg11[%dma_wait3A_135, %dma_wait3A_139] : memref<4x64xi32, #tpu.memory_space<vmem>> -> memref<1x64xi32, #tpu.memory_space<vmem>>
    %dma_wait3A_141 = tpu.memref_squeeze %dma_wait3A_140 : memref<1x64xi32, #tpu.memory_space<vmem>> -> memref<64xi32, #tpu.memory_space<vmem>>
    %dma_wait3A_142 = arith.constant 0 : i32
    %dma_wait3A_143 = arith.constant 0 : i32
    %dma_wait3A_144 = tpu.memref_slice %arg14[%dma_wait3A_142, %dma_wait3A_143] : memref<10240x128xf32, #tpu.memory_space<vmem_shared>> -> memref<10240x128xf32, #tpu.memory_space<vmem_shared>>
    tpu.wait_indirect_dma semaphore(%arg17 : memref<!tpu.dma_semaphore, #tpu.memory_space<semaphore_mem>>) src(%dma_wait3A_144 : memref<10240x128xf32, #tpu.memory_space<vmem_shared>>) dst(%dma_wait3A_138 : memref<64x128xf32, #tpu.memory_space<vmem>>)
    %mul3A_145 = arith.constant 256 : i32
    %mul3A_146 = arith.muli %arg1, %mul3A_145 : i32
    %add3A_147 = arith.constant 0 : i32
    %add3A_148 = arith.addi %mul3A_146, %add3A_147 : i32
    "tpu.region"() ({
      %run_scoped3A_221 = tpu.sem_alloc : memref<!tpu.dma_semaphore, #tpu.memory_space<semaphore_mem>>
      %dma_start3A_222 = arith.constant 0 : i32
      %dma_start3A_223 = arith.constant 0 : i32
      %dma_start3A_224 = tpu.memref_slice %arg12[%dma_start3A_222, %dma_start3A_223] : memref<128x128xf32, #tpu.memory_space<vmem>> -> memref<64x128xf32, #tpu.memory_space<vmem>>
      %dma_start3A_225 = arith.constant 0 : i32
      %dma_start3A_226 = tpu.memref_slice %arg8[%arg0, %add3A_148, %dma_start3A_225] : memref<2x4096x128xf32, #tpu.memory_space<hbm>> -> memref<1x64x128xf32, #tpu.memory_space<hbm>>
      %dma_start3A_227 = tpu.memref_squeeze %dma_start3A_226 : memref<1x64x128xf32, #tpu.memory_space<hbm>> -> memref<64x128xf32, #tpu.memory_space<hbm>>
      %dma_start3A_228 = arith.constant 0 : i32
      %dma_start3A_229 = tpu.memref_slice %arg8[%arg0, %add3A_148, %dma_start3A_228] : memref<2x4096x128xf32, #tpu.memory_space<hbm>> -> memref<1x64x128xf32, #tpu.memory_space<hbm>>
      %dma_start3A_230 = tpu.memref_squeeze %dma_start3A_229 : memref<1x64x128xf32, #tpu.memory_space<hbm>> -> memref<64x128xf32, #tpu.memory_space<hbm>>
      %dma_start3A_231 = arith.constant 0 : i32
      %dma_start3A_232 = arith.constant 0 : i32
      %dma_start3A_233 = tpu.memref_slice %arg12[%dma_start3A_231, %dma_start3A_232] : memref<128x128xf32, #tpu.memory_space<vmem>> -> memref<64x128xf32, #tpu.memory_space<vmem>>
      tpu.enqueue_dma source(%dma_start3A_233 : memref<64x128xf32, #tpu.memory_space<vmem>>) target(%dma_start3A_230 : memref<64x128xf32, #tpu.memory_space<hbm>>) target_semaphore(%run_scoped3A_221 : memref<!tpu.dma_semaphore, #tpu.memory_space<semaphore_mem>>)
      %dma_wait3A_234 = arith.constant 0 : i32
      %dma_wait3A_235 = arith.constant 0 : i32
      %dma_wait3A_236 = tpu.memref_slice %arg12[%dma_wait3A_234, %dma_wait3A_235] : memref<128x128xf32, #tpu.memory_space<vmem>> -> memref<64x128xf32, #tpu.memory_space<vmem>>
      %dma_wait3A_237 = arith.constant 0 : i32
      %dma_wait3A_238 = tpu.memref_slice %arg8[%arg0, %add3A_148, %dma_wait3A_237] : memref<2x4096x128xf32, #tpu.memory_space<hbm>> -> memref<1x64x128xf32, #tpu.memory_space<hbm>>
      %dma_wait3A_239 = tpu.memref_squeeze %dma_wait3A_238 : memref<1x64x128xf32, #tpu.memory_space<hbm>> -> memref<64x128xf32, #tpu.memory_space<hbm>>
      %dma_wait3A_240 = arith.constant 0 : i32
      %dma_wait3A_241 = tpu.memref_slice %arg8[%arg0, %add3A_148, %dma_wait3A_240] : memref<2x4096x128xf32, #tpu.memory_space<hbm>> -> memref<1x64x128xf32, #tpu.memory_space<hbm>>
      %dma_wait3A_242 = tpu.memref_squeeze %dma_wait3A_241 : memref<1x64x128xf32, #tpu.memory_space<hbm>> -> memref<64x128xf32, #tpu.memory_space<hbm>>
      %dma_wait3A_243 = arith.constant 0 : i32
      %dma_wait3A_244 = arith.constant 0 : i32
      %dma_wait3A_245 = tpu.memref_slice %arg12[%dma_wait3A_243, %dma_wait3A_244] : memref<128x128xf32, #tpu.memory_space<vmem>> -> memref<64x128xf32, #tpu.memory_space<vmem>>
      tpu.wait_dma2 semaphore(%run_scoped3A_221 : memref<!tpu.dma_semaphore, #tpu.memory_space<semaphore_mem>>) src(%dma_wait3A_245 : memref<64x128xf32, #tpu.memory_space<vmem>>) dst(%dma_wait3A_242 : memref<64x128xf32, #tpu.memory_space<hbm>>)
      tpu.yield
    }) : () -> ()
    %dma_start3A_149 = arith.constant 1 : i32
    %dma_start3A_150 = arith.constant 0 : i32
    %dma_start3A_151 = arith.constant 0 : i32
    %dma_start3A_152 = tpu.memref_slice %arg12[%dma_start3A_150, %dma_start3A_151] : memref<128x128xf32, #tpu.memory_space<vmem>> -> memref<64x128xf32, #tpu.memory_space<vmem>>
    %dma_start3A_153 = arith.constant 0 : i32
    %dma_start3A_154 = tpu.memref_slice %arg11[%dma_start3A_149, %dma_start3A_153] : memref<4x64xi32, #tpu.memory_space<vmem>> -> memref<1x64xi32, #tpu.memory_space<vmem>>
    %dma_start3A_155 = tpu.memref_squeeze %dma_start3A_154 : memref<1x64xi32, #tpu.memory_space<vmem>> -> memref<64xi32, #tpu.memory_space<vmem>>
    %dma_start3A_156 = arith.constant 0 : i32
    %dma_start3A_157 = arith.constant 0 : i32
    %dma_start3A_158 = tpu.memref_slice %arg14[%dma_start3A_156, %dma_start3A_157] : memref<10240x128xf32, #tpu.memory_space<vmem_shared>> -> memref<10240x128xf32, #tpu.memory_space<vmem_shared>>
    tpu.enqueue_indirect_dma source(%dma_start3A_158 : memref<10240x128xf32, #tpu.memory_space<vmem_shared>>) target(%dma_start3A_152 : memref<64x128xf32, #tpu.memory_space<vmem>>) offsets(%dma_start3A_155 : memref<64xi32, #tpu.memory_space<vmem>>) semaphore(%arg17 : memref<!tpu.dma_semaphore, #tpu.memory_space<semaphore_mem>>)
    %dma_wait3A_159 = arith.constant 1 : i32
    %dma_wait3A_160 = arith.constant 0 : i32
    %dma_wait3A_161 = arith.constant 0 : i32
    %dma_wait3A_162 = tpu.memref_slice %arg12[%dma_wait3A_160, %dma_wait3A_161] : memref<128x128xf32, #tpu.memory_space<vmem>> -> memref<64x128xf32, #tpu.memory_space<vmem>>
    %dma_wait3A_163 = arith.constant 0 : i32
    %dma_wait3A_164 = tpu.memref_slice %arg11[%dma_wait3A_159, %dma_wait3A_163] : memref<4x64xi32, #tpu.memory_space<vmem>> -> memref<1x64xi32, #tpu.memory_space<vmem>>
    %dma_wait3A_165 = tpu.memref_squeeze %dma_wait3A_164 : memref<1x64xi32, #tpu.memory_space<vmem>> -> memref<64xi32, #tpu.memory_space<vmem>>
    %dma_wait3A_166 = arith.constant 0 : i32
    %dma_wait3A_167 = arith.constant 0 : i32
    %dma_wait3A_168 = tpu.memref_slice %arg14[%dma_wait3A_166, %dma_wait3A_167] : memref<10240x128xf32, #tpu.memory_space<vmem_shared>> -> memref<10240x128xf32, #tpu.memory_space<vmem_shared>>
    tpu.wait_indirect_dma semaphore(%arg17 : memref<!tpu.dma_semaphore, #tpu.memory_space<semaphore_mem>>) src(%dma_wait3A_168 : memref<10240x128xf32, #tpu.memory_space<vmem_shared>>) dst(%dma_wait3A_162 : memref<64x128xf32, #tpu.memory_space<vmem>>)
    %mul3A_169 = arith.constant 256 : i32
    %mul3A_170 = arith.muli %arg1, %mul3A_169 : i32
    %add3A_171 = arith.constant 64 : i32
    %add3A_172 = arith.addi %mul3A_170, %add3A_171 : i32
    "tpu.region"() ({
      %run_scoped3A_221 = tpu.sem_alloc : memref<!tpu.dma_semaphore, #tpu.memory_space<semaphore_mem>>
      %dma_start3A_222 = arith.constant 0 : i32
      %dma_start3A_223 = arith.constant 0 : i32
      %dma_start3A_224 = tpu.memref_slice %arg12[%dma_start3A_222, %dma_start3A_223] : memref<128x128xf32, #tpu.memory_space<vmem>> -> memref<64x128xf32, #tpu.memory_space<vmem>>
      %dma_start3A_225 = arith.constant 0 : i32
      %dma_start3A_226 = tpu.memref_slice %arg8[%arg0, %add3A_172, %dma_start3A_225] : memref<2x4096x128xf32, #tpu.memory_space<hbm>> -> memref<1x64x128xf32, #tpu.memory_space<hbm>>
      %dma_start3A_227 = tpu.memref_squeeze %dma_start3A_226 : memref<1x64x128xf32, #tpu.memory_space<hbm>> -> memref<64x128xf32, #tpu.memory_space<hbm>>
      %dma_start3A_228 = arith.constant 0 : i32
      %dma_start3A_229 = tpu.memref_slice %arg8[%arg0, %add3A_172, %dma_start3A_228] : memref<2x4096x128xf32, #tpu.memory_space<hbm>> -> memref<1x64x128xf32, #tpu.memory_space<hbm>>
      %dma_start3A_230 = tpu.memref_squeeze %dma_start3A_229 : memref<1x64x128xf32, #tpu.memory_space<hbm>> -> memref<64x128xf32, #tpu.memory_space<hbm>>
      %dma_start3A_231 = arith.constant 0 : i32
      %dma_start3A_232 = arith.constant 0 : i32
      %dma_start3A_233 = tpu.memref_slice %arg12[%dma_start3A_231, %dma_start3A_232] : memref<128x128xf32, #tpu.memory_space<vmem>> -> memref<64x128xf32, #tpu.memory_space<vmem>>
      tpu.enqueue_dma source(%dma_start3A_233 : memref<64x128xf32, #tpu.memory_space<vmem>>) target(%dma_start3A_230 : memref<64x128xf32, #tpu.memory_space<hbm>>) target_semaphore(%run_scoped3A_221 : memref<!tpu.dma_semaphore, #tpu.memory_space<semaphore_mem>>)
      %dma_wait3A_234 = arith.constant 0 : i32
      %dma_wait3A_235 = arith.constant 0 : i32
      %dma_wait3A_236 = tpu.memref_slice %arg12[%dma_wait3A_234, %dma_wait3A_235] : memref<128x128xf32, #tpu.memory_space<vmem>> -> memref<64x128xf32, #tpu.memory_space<vmem>>
      %dma_wait3A_237 = arith.constant 0 : i32
      %dma_wait3A_238 = tpu.memref_slice %arg8[%arg0, %add3A_172, %dma_wait3A_237] : memref<2x4096x128xf32, #tpu.memory_space<hbm>> -> memref<1x64x128xf32, #tpu.memory_space<hbm>>
      %dma_wait3A_239 = tpu.memref_squeeze %dma_wait3A_238 : memref<1x64x128xf32, #tpu.memory_space<hbm>> -> memref<64x128xf32, #tpu.memory_space<hbm>>
      %dma_wait3A_240 = arith.constant 0 : i32
      %dma_wait3A_241 = tpu.memref_slice %arg8[%arg0, %add3A_172, %dma_wait3A_240] : memref<2x4096x128xf32, #tpu.memory_space<hbm>> -> memref<1x64x128xf32, #tpu.memory_space<hbm>>
      %dma_wait3A_242 = tpu.memref_squeeze %dma_wait3A_241 : memref<1x64x128xf32, #tpu.memory_space<hbm>> -> memref<64x128xf32, #tpu.memory_space<hbm>>
      %dma_wait3A_243 = arith.constant 0 : i32
      %dma_wait3A_244 = arith.constant 0 : i32
      %dma_wait3A_245 = tpu.memref_slice %arg12[%dma_wait3A_243, %dma_wait3A_244] : memref<128x128xf32, #tpu.memory_space<vmem>> -> memref<64x128xf32, #tpu.memory_space<vmem>>
      tpu.wait_dma2 semaphore(%run_scoped3A_221 : memref<!tpu.dma_semaphore, #tpu.memory_space<semaphore_mem>>) src(%dma_wait3A_245 : memref<64x128xf32, #tpu.memory_space<vmem>>) dst(%dma_wait3A_242 : memref<64x128xf32, #tpu.memory_space<hbm>>)
      tpu.yield
    }) : () -> ()
    %dma_start3A_173 = arith.constant 2 : i32
    %dma_start3A_174 = arith.constant 0 : i32
    %dma_start3A_175 = arith.constant 0 : i32
    %dma_start3A_176 = tpu.memref_slice %arg12[%dma_start3A_174, %dma_start3A_175] : memref<128x128xf32, #tpu.memory_space<vmem>> -> memref<64x128xf32, #tpu.memory_space<vmem>>
    %dma_start3A_177 = arith.constant 0 : i32
    %dma_start3A_178 = tpu.memref_slice %arg11[%dma_start3A_173, %dma_start3A_177] : memref<4x64xi32, #tpu.memory_space<vmem>> -> memref<1x64xi32, #tpu.memory_space<vmem>>
    %dma_start3A_179 = tpu.memref_squeeze %dma_start3A_178 : memref<1x64xi32, #tpu.memory_space<vmem>> -> memref<64xi32, #tpu.memory_space<vmem>>
    %dma_start3A_180 = arith.constant 0 : i32
    %dma_start3A_181 = arith.constant 0 : i32
    %dma_start3A_182 = tpu.memref_slice %arg14[%dma_start3A_180, %dma_start3A_181] : memref<10240x128xf32, #tpu.memory_space<vmem_shared>> -> memref<10240x128xf32, #tpu.memory_space<vmem_shared>>
    tpu.enqueue_indirect_dma source(%dma_start3A_182 : memref<10240x128xf32, #tpu.memory_space<vmem_shared>>) target(%dma_start3A_176 : memref<64x128xf32, #tpu.memory_space<vmem>>) offsets(%dma_start3A_179 : memref<64xi32, #tpu.memory_space<vmem>>) semaphore(%arg17 : memref<!tpu.dma_semaphore, #tpu.memory_space<semaphore_mem>>)
    %dma_wait3A_183 = arith.constant 2 : i32
    %dma_wait3A_184 = arith.constant 0 : i32
    %dma_wait3A_185 = arith.constant 0 : i32
    %dma_wait3A_186 = tpu.memref_slice %arg12[%dma_wait3A_184, %dma_wait3A_185] : memref<128x128xf32, #tpu.memory_space<vmem>> -> memref<64x128xf32, #tpu.memory_space<vmem>>
    %dma_wait3A_187 = arith.constant 0 : i32
    %dma_wait3A_188 = tpu.memref_slice %arg11[%dma_wait3A_183, %dma_wait3A_187] : memref<4x64xi32, #tpu.memory_space<vmem>> -> memref<1x64xi32, #tpu.memory_space<vmem>>
    %dma_wait3A_189 = tpu.memref_squeeze %dma_wait3A_188 : memref<1x64xi32, #tpu.memory_space<vmem>> -> memref<64xi32, #tpu.memory_space<vmem>>
    %dma_wait3A_190 = arith.constant 0 : i32
    %dma_wait3A_191 = arith.constant 0 : i32
    %dma_wait3A_192 = tpu.memref_slice %arg14[%dma_wait3A_190, %dma_wait3A_191] : memref<10240x128xf32, #tpu.memory_space<vmem_shared>> -> memref<10240x128xf32, #tpu.memory_space<vmem_shared>>
    tpu.wait_indirect_dma semaphore(%arg17 : memref<!tpu.dma_semaphore, #tpu.memory_space<semaphore_mem>>) src(%dma_wait3A_192 : memref<10240x128xf32, #tpu.memory_space<vmem_shared>>) dst(%dma_wait3A_186 : memref<64x128xf32, #tpu.memory_space<vmem>>)
    %mul3A_193 = arith.constant 256 : i32
    %mul3A_194 = arith.muli %arg1, %mul3A_193 : i32
    %add3A_195 = arith.constant 128 : i32
    %add3A_196 = arith.addi %mul3A_194, %add3A_195 : i32
    "tpu.region"() ({
      %run_scoped3A_221 = tpu.sem_alloc : memref<!tpu.dma_semaphore, #tpu.memory_space<semaphore_mem>>
      %dma_start3A_222 = arith.constant 0 : i32
      %dma_start3A_223 = arith.constant 0 : i32
      %dma_start3A_224 = tpu.memref_slice %arg12[%dma_start3A_222, %dma_start3A_223] : memref<128x128xf32, #tpu.memory_space<vmem>> -> memref<64x128xf32, #tpu.memory_space<vmem>>
      %dma_start3A_225 = arith.constant 0 : i32
      %dma_start3A_226 = tpu.memref_slice %arg8[%arg0, %add3A_196, %dma_start3A_225] : memref<2x4096x128xf32, #tpu.memory_space<hbm>> -> memref<1x64x128xf32, #tpu.memory_space<hbm>>
      %dma_start3A_227 = tpu.memref_squeeze %dma_start3A_226 : memref<1x64x128xf32, #tpu.memory_space<hbm>> -> memref<64x128xf32, #tpu.memory_space<hbm>>
      %dma_start3A_228 = arith.constant 0 : i32
      %dma_start3A_229 = tpu.memref_slice %arg8[%arg0, %add3A_196, %dma_start3A_228] : memref<2x4096x128xf32, #tpu.memory_space<hbm>> -> memref<1x64x128xf32, #tpu.memory_space<hbm>>
      %dma_start3A_230 = tpu.memref_squeeze %dma_start3A_229 : memref<1x64x128xf32, #tpu.memory_space<hbm>> -> memref<64x128xf32, #tpu.memory_space<hbm>>
      %dma_start3A_231 = arith.constant 0 : i32
      %dma_start3A_232 = arith.constant 0 : i32
      %dma_start3A_233 = tpu.memref_slice %arg12[%dma_start3A_231, %dma_start3A_232] : memref<128x128xf32, #tpu.memory_space<vmem>> -> memref<64x128xf32, #tpu.memory_space<vmem>>
      tpu.enqueue_dma source(%dma_start3A_233 : memref<64x128xf32, #tpu.memory_space<vmem>>) target(%dma_start3A_230 : memref<64x128xf32, #tpu.memory_space<hbm>>) target_semaphore(%run_scoped3A_221 : memref<!tpu.dma_semaphore, #tpu.memory_space<semaphore_mem>>)
      %dma_wait3A_234 = arith.constant 0 : i32
      %dma_wait3A_235 = arith.constant 0 : i32
      %dma_wait3A_236 = tpu.memref_slice %arg12[%dma_wait3A_234, %dma_wait3A_235] : memref<128x128xf32, #tpu.memory_space<vmem>> -> memref<64x128xf32, #tpu.memory_space<vmem>>
      %dma_wait3A_237 = arith.constant 0 : i32
      %dma_wait3A_238 = tpu.memref_slice %arg8[%arg0, %add3A_196, %dma_wait3A_237] : memref<2x4096x128xf32, #tpu.memory_space<hbm>> -> memref<1x64x128xf32, #tpu.memory_space<hbm>>
      %dma_wait3A_239 = tpu.memref_squeeze %dma_wait3A_238 : memref<1x64x128xf32, #tpu.memory_space<hbm>> -> memref<64x128xf32, #tpu.memory_space<hbm>>
      %dma_wait3A_240 = arith.constant 0 : i32
      %dma_wait3A_241 = tpu.memref_slice %arg8[%arg0, %add3A_196, %dma_wait3A_240] : memref<2x4096x128xf32, #tpu.memory_space<hbm>> -> memref<1x64x128xf32, #tpu.memory_space<hbm>>
      %dma_wait3A_242 = tpu.memref_squeeze %dma_wait3A_241 : memref<1x64x128xf32, #tpu.memory_space<hbm>> -> memref<64x128xf32, #tpu.memory_space<hbm>>
      %dma_wait3A_243 = arith.constant 0 : i32
      %dma_wait3A_244 = arith.constant 0 : i32
      %dma_wait3A_245 = tpu.memref_slice %arg12[%dma_wait3A_243, %dma_wait3A_244] : memref<128x128xf32, #tpu.memory_space<vmem>> -> memref<64x128xf32, #tpu.memory_space<vmem>>
      tpu.wait_dma2 semaphore(%run_scoped3A_221 : memref<!tpu.dma_semaphore, #tpu.memory_space<semaphore_mem>>) src(%dma_wait3A_245 : memref<64x128xf32, #tpu.memory_space<vmem>>) dst(%dma_wait3A_242 : memref<64x128xf32, #tpu.memory_space<hbm>>)
      tpu.yield
    }) : () -> ()
    %dma_start3A_197 = arith.constant 3 : i32
    %dma_start3A_198 = arith.constant 0 : i32
    %dma_start3A_199 = arith.constant 0 : i32
    %dma_start3A_200 = tpu.memref_slice %arg12[%dma_start3A_198, %dma_start3A_199] : memref<128x128xf32, #tpu.memory_space<vmem>> -> memref<64x128xf32, #tpu.memory_space<vmem>>
    %dma_start3A_201 = arith.constant 0 : i32
    %dma_start3A_202 = tpu.memref_slice %arg11[%dma_start3A_197, %dma_start3A_201] : memref<4x64xi32, #tpu.memory_space<vmem>> -> memref<1x64xi32, #tpu.memory_space<vmem>>
    %dma_start3A_203 = tpu.memref_squeeze %dma_start3A_202 : memref<1x64xi32, #tpu.memory_space<vmem>> -> memref<64xi32, #tpu.memory_space<vmem>>
    %dma_start3A_204 = arith.constant 0 : i32
    %dma_start3A_205 = arith.constant 0 : i32
    %dma_start3A_206 = tpu.memref_slice %arg14[%dma_start3A_204, %dma_start3A_205] : memref<10240x128xf32, #tpu.memory_space<vmem_shared>> -> memref<10240x128xf32, #tpu.memory_space<vmem_shared>>
    tpu.enqueue_indirect_dma source(%dma_start3A_206 : memref<10240x128xf32, #tpu.memory_space<vmem_shared>>) target(%dma_start3A_200 : memref<64x128xf32, #tpu.memory_space<vmem>>) offsets(%dma_start3A_203 : memref<64xi32, #tpu.memory_space<vmem>>) semaphore(%arg17 : memref<!tpu.dma_semaphore, #tpu.memory_space<semaphore_mem>>)
    %dma_wait3A_207 = arith.constant 3 : i32
    %dma_wait3A_208 = arith.constant 0 : i32
    %dma_wait3A_209 = arith.constant 0 : i32
    %dma_wait3A_210 = tpu.memref_slice %arg12[%dma_wait3A_208, %dma_wait3A_209] : memref<128x128xf32, #tpu.memory_space<vmem>> -> memref<64x128xf32, #tpu.memory_space<vmem>>
    %dma_wait3A_211 = arith.constant 0 : i32
    %dma_wait3A_212 = tpu.memref_slice %arg11[%dma_wait3A_207, %dma_wait3A_211] : memref<4x64xi32, #tpu.memory_space<vmem>> -> memref<1x64xi32, #tpu.memory_space<vmem>>
    %dma_wait3A_213 = tpu.memref_squeeze %dma_wait3A_212 : memref<1x64xi32, #tpu.memory_space<vmem>> -> memref<64xi32, #tpu.memory_space<vmem>>
    %dma_wait3A_214 = arith.constant 0 : i32
    %dma_wait3A_215 = arith.constant 0 : i32
    %dma_wait3A_216 = tpu.memref_slice %arg14[%dma_wait3A_214, %dma_wait3A_215] : memref<10240x128xf32, #tpu.memory_space<vmem_shared>> -> memref<10240x128xf32, #tpu.memory_space<vmem_shared>>
    tpu.wait_indirect_dma semaphore(%arg17 : memref<!tpu.dma_semaphore, #tpu.memory_space<semaphore_mem>>) src(%dma_wait3A_216 : memref<10240x128xf32, #tpu.memory_space<vmem_shared>>) dst(%dma_wait3A_210 : memref<64x128xf32, #tpu.memory_space<vmem>>)
    %mul3A_217 = arith.constant 256 : i32
    %mul3A_218 = arith.muli %arg1, %mul3A_217 : i32
    %add3A_219 = arith.constant 192 : i32
    %add3A_220 = arith.addi %mul3A_218, %add3A_219 : i32
    "tpu.region"() ({
      %run_scoped3A_221 = tpu.sem_alloc : memref<!tpu.dma_semaphore, #tpu.memory_space<semaphore_mem>>
      %dma_start3A_222 = arith.constant 0 : i32
      %dma_start3A_223 = arith.constant 0 : i32
      %dma_start3A_224 = tpu.memref_slice %arg12[%dma_start3A_222, %dma_start3A_223] : memref<128x128xf32, #tpu.memory_space<vmem>> -> memref<64x128xf32, #tpu.memory_space<vmem>>
      %dma_start3A_225 = arith.constant 0 : i32
      %dma_start3A_226 = tpu.memref_slice %arg8[%arg0, %add3A_220, %dma_start3A_225] : memref<2x4096x128xf32, #tpu.memory_space<hbm>> -> memref<1x64x128xf32, #tpu.memory_space<hbm>>
      %dma_start3A_227 = tpu.memref_squeeze %dma_start3A_226 : memref<1x64x128xf32, #tpu.memory_space<hbm>> -> memref<64x128xf32, #tpu.memory_space<hbm>>
      %dma_start3A_228 = arith.constant 0 : i32
      %dma_start3A_229 = tpu.memref_slice %arg8[%arg0, %add3A_220, %dma_start3A_228] : memref<2x4096x128xf32, #tpu.memory_space<hbm>> -> memref<1x64x128xf32, #tpu.memory_space<hbm>>
      %dma_start3A_230 = tpu.memref_squeeze %dma_start3A_229 : memref<1x64x128xf32, #tpu.memory_space<hbm>> -> memref<64x128xf32, #tpu.memory_space<hbm>>
      %dma_start3A_231 = arith.constant 0 : i32
      %dma_start3A_232 = arith.constant 0 : i32
      %dma_start3A_233 = tpu.memref_slice %arg12[%dma_start3A_231, %dma_start3A_232] : memref<128x128xf32, #tpu.memory_space<vmem>> -> memref<64x128xf32, #tpu.memory_space<vmem>>
      tpu.enqueue_dma source(%dma_start3A_233 : memref<64x128xf32, #tpu.memory_space<vmem>>) target(%dma_start3A_230 : memref<64x128xf32, #tpu.memory_space<hbm>>) target_semaphore(%run_scoped3A_221 : memref<!tpu.dma_semaphore, #tpu.memory_space<semaphore_mem>>)
      %dma_wait3A_234 = arith.constant 0 : i32
      %dma_wait3A_235 = arith.constant 0 : i32
      %dma_wait3A_236 = tpu.memref_slice %arg12[%dma_wait3A_234, %dma_wait3A_235] : memref<128x128xf32, #tpu.memory_space<vmem>> -> memref<64x128xf32, #tpu.memory_space<vmem>>
      %dma_wait3A_237 = arith.constant 0 : i32
      %dma_wait3A_238 = tpu.memref_slice %arg8[%arg0, %add3A_220, %dma_wait3A_237] : memref<2x4096x128xf32, #tpu.memory_space<hbm>> -> memref<1x64x128xf32, #tpu.memory_space<hbm>>
      %dma_wait3A_239 = tpu.memref_squeeze %dma_wait3A_238 : memref<1x64x128xf32, #tpu.memory_space<hbm>> -> memref<64x128xf32, #tpu.memory_space<hbm>>
      %dma_wait3A_240 = arith.constant 0 : i32
      %dma_wait3A_241 = tpu.memref_slice %arg8[%arg0, %add3A_220, %dma_wait3A_240] : memref<2x4096x128xf32, #tpu.memory_space<hbm>> -> memref<1x64x128xf32, #tpu.memory_space<hbm>>
      %dma_wait3A_242 = tpu.memref_squeeze %dma_wait3A_241 : memref<1x64x128xf32, #tpu.memory_space<hbm>> -> memref<64x128xf32, #tpu.memory_space<hbm>>
      %dma_wait3A_243 = arith.constant 0 : i32
      %dma_wait3A_244 = arith.constant 0 : i32
      %dma_wait3A_245 = tpu.memref_slice %arg12[%dma_wait3A_243, %dma_wait3A_244] : memref<128x128xf32, #tpu.memory_space<vmem>> -> memref<64x128xf32, #tpu.memory_space<vmem>>
      tpu.wait_dma2 semaphore(%run_scoped3A_221 : memref<!tpu.dma_semaphore, #tpu.memory_space<semaphore_mem>>) src(%dma_wait3A_245 : memref<64x128xf32, #tpu.memory_space<vmem>>) dst(%dma_wait3A_242 : memref<64x128xf32, #tpu.memory_space<hbm>>)
      tpu.yield
    }) : () -> ()
    return
  }
}

module attributes {stable_mosaic.version = 14 : i64} {
  func.func @_mm1_body(%arg0: i32, %arg1: memref<1024x256xf32, #tpu.memory_space<vmem>>, %arg2: memref<1024x1xf32, #tpu.memory_space<vmem>>, %arg3: memref<256x256xf32, #tpu.memory_space<vmem>>, %arg4: memref<2x1024x128xf32, #tpu.memory_space<vmem>>) attributes {dimension_semantics = [#tpu.dimension_semantics<arbitrary>], iteration_bounds = array<i64: 10>, scalar_prefetch = 0 : i64, scratch_operands = 0 : i64, tpu.core_type = #tpu.core_type<tc>, window_params = [{transform_indices = @transform_0, window_bounds = array<i64: 1024, 256>}, {transform_indices = @transform_1, window_bounds = array<i64: 1024, 1>}, {pipeline_mode = #tpu.pipeline_mode<synchronous>, transform_indices = @transform_2, window_bounds = array<i64: 256, 256>}, {transform_indices = @transform_3, window_bounds = array<i64: 2, 1024, 128>}]} {
    %get3A = arith.constant 0 : index
    %get3A_0 = arith.constant 0 : index
    %get3A_1 = vector.load %arg2[%get3A, %get3A_0] : memref<1024x1xf32, #tpu.memory_space<vmem>>, vector<1024x1xf32>
    %rsqrt3A = math.rsqrt %get3A_1 : vector<1024x1xf32>
    %get3A_2 = arith.constant 0 : index
    %get3A_3 = arith.constant 0 : index
    %get3A_4 = vector.load %arg1[%get3A_2, %get3A_3] : memref<1024x256xf32, #tpu.memory_space<vmem>>, vector<1024x256xf32>
    %get3A_5 = arith.constant 0 : index
    %get3A_6 = arith.constant 0 : index
    %get3A_7 = vector.load %arg3[%get3A_5, %get3A_6] : memref<256x256xf32, #tpu.memory_space<vmem>>, vector<256x256xf32>
    %dot_general3A = arith.constant dense<0.000000e+00> : vector<1024x256xf32>
    %dot_general3A_8 = tpu.matmul %get3A_4, %get3A_7, %dot_general3A {dimension_numbers = #tpu.dot_dimension_numbers<[1], [0], [0], [1], [0, 0, 1, 1], [], []>, transpose_lhs_hint = false} : vector<1024x256xf32>, vector<256x256xf32>, vector<1024x256xf32> -> vector<1024x256xf32>
    %mul3A = vector.broadcast %rsqrt3A : vector<1024x1xf32> to vector<1024x256xf32>
    %mul3A_9 = arith.mulf %dot_general3A_8, %mul3A : vector<1024x256xf32>
    %mul3A_10 = arith.constant 1024 : i32
    %mul3A_11 = arith.muli %arg0, %mul3A_10 : i32
    %iota3A = tpu.iota {dimensions = array<i32: 0>} : vector<1024x1xi32>
    %add3A = vector.broadcast %mul3A_11 : i32 to vector<1024x1xi32>
    %add3A_12 = arith.addi %add3A, %iota3A : vector<1024x1xi32>
    %lt3A = arith.constant 10000 : i32
    %lt3A_13 = vector.broadcast %lt3A : i32 to vector<1024x1xi32>
    %lt3A_14 = arith.cmpi slt, %add3A_12, %lt3A_13 : vector<1024x1xi32>
    %jit3A = arith.constant 0.000000e+00 : f32
    %broadcast_in_dim3A = vector.shape_cast %lt3A_14 : vector<1024x1xi1> to vector<1024x1xi1>
    %broadcast_in_dim3A_15 = vector.broadcast %broadcast_in_dim3A : vector<1024x1xi1> to vector<1024x256xi1>
    %broadcast_in_dim3A_16 = vector.broadcast %jit3A : f32 to vector<1024x256xf32>
    %select_n3A = arith.select %broadcast_in_dim3A_15, %mul3A_9, %broadcast_in_dim3A_16 : vector<1024x256xi1>, vector<1024x256xf32>
    %slice3A = vector.extract_strided_slice %select_n3A {offsets = [0, 0], sizes = [1024, 128], strides = [1, 1]} : vector<1024x256xf32> to vector<1024x128xf32>
    %swap3A = arith.constant 0 : index
    %swap3A_17 = arith.constant 0 : index
    %swap3A_18 = arith.constant 0 : index
    %swap3A_19 = vector.load %arg4[%swap3A, %swap3A_17, %swap3A_18] : memref<2x1024x128xf32, #tpu.memory_space<vmem>>, vector<1x1024x128xf32>
    %swap3A_20 = vector.shape_cast %swap3A_19 : vector<1x1024x128xf32> to vector<1024x128xf32>
    %swap3A_21 = vector.shape_cast %slice3A : vector<1024x128xf32> to vector<1x1024x128xf32>
    tpu.vector_store %arg4[%swap3A, %swap3A_17, %swap3A_18], %swap3A_21 {strides = array<i32>} : memref<2x1024x128xf32, #tpu.memory_space<vmem>>, vector<1x1024x128xf32>,
    %slice3A_22 = vector.extract_strided_slice %select_n3A {offsets = [0, 128], sizes = [1024, 128], strides = [1, 1]} : vector<1024x256xf32> to vector<1024x128xf32>
    %swap3A_23 = arith.constant 1 : index
    %swap3A_24 = arith.constant 0 : index
    %swap3A_25 = arith.constant 0 : index
    %swap3A_26 = vector.load %arg4[%swap3A_23, %swap3A_24, %swap3A_25] : memref<2x1024x128xf32, #tpu.memory_space<vmem>>, vector<1x1024x128xf32>
    %swap3A_27 = vector.shape_cast %swap3A_26 : vector<1x1024x128xf32> to vector<1024x128xf32>
    %swap3A_28 = vector.shape_cast %slice3A_22 : vector<1024x128xf32> to vector<1x1024x128xf32>
    tpu.vector_store %arg4[%swap3A_23, %swap3A_24, %swap3A_25], %swap3A_28 {strides = array<i32>} : memref<2x1024x128xf32, #tpu.memory_space<vmem>>, vector<1x1024x128xf32>,
    return
  }
  func.func @transform_0(%arg0: i32) -> (i32, i32) {
    %c0_i32 = arith.constant 0 : i32
    %c0_i32_0 = arith.constant 0 : i32
    return %arg0, %c0_i32 : i32, i32
  }
  func.func @transform_1(%arg0: i32) -> (i32, i32) {
    %c0_i32 = arith.constant 0 : i32
    %c0_i32_0 = arith.constant 0 : i32
    return %arg0, %c0_i32 : i32, i32
  }
  func.func @transform_2(%arg0: i32) -> (i32, i32) {
    %c0_i32 = arith.constant 0 : i32
    %c0_i32_0 = arith.constant 0 : i32
    %c0_i32_1 = arith.constant 0 : i32
    return %c0_i32, %c0_i32_0 : i32, i32
  }
  func.func @transform_3(%arg0: i32) -> (i32, i32, i32) {
    %c0_i32 = arith.constant 0 : i32
    %c0_i32_0 = arith.constant 0 : i32
    %c0_i32_1 = arith.constant 0 : i32
    return %c0_i32, %arg0, %c0_i32_0 : i32, i32, i32
  }
}

module attributes {stable_mosaic.version = 14 : i64} {
  func.func @_mm2_body(%arg0: i32, %arg1: memref<2x1024x128xf32, #tpu.memory_space<vmem>>, %arg2: memref<1024x1xf32, #tpu.memory_space<vmem>>, %arg3: memref<256x256xf32, #tpu.memory_space<vmem>>, %arg4: memref<1x256xf32, #tpu.memory_space<vmem>>, %arg5: memref<2x1024x128xf32, #tpu.memory_space<vmem>>) attributes {dimension_semantics = [#tpu.dimension_semantics<arbitrary>], iteration_bounds = array<i64: 10>, scalar_prefetch = 0 : i64, scratch_operands = 0 : i64, tpu.core_type = #tpu.core_type<tc>, window_params = [{transform_indices = @transform_0, window_bounds = array<i64: 2, 1024, 128>}, {transform_indices = @transform_1, window_bounds = array<i64: 1024, 1>}, {pipeline_mode = #tpu.pipeline_mode<synchronous>, transform_indices = @transform_2, window_bounds = array<i64: 256, 256>}, {pipeline_mode = #tpu.pipeline_mode<synchronous>, transform_indices = @transform_3, window_bounds = array<i64: 1, 256>}, {transform_indices = @transform_4, window_bounds = array<i64: 2, 1024, 128>}]} {
    %get3A = arith.constant 0 : index
    %get3A_0 = arith.constant 0 : index
    %get3A_1 = vector.load %arg2[%get3A, %get3A_0] : memref<1024x1xf32, #tpu.memory_space<vmem>>, vector<1024x1xf32>
    %rsqrt3A = math.rsqrt %get3A_1 : vector<1024x1xf32>
    %get3A_2 = arith.constant 0 : index
    %get3A_3 = arith.constant 0 : index
    %get3A_4 = arith.constant 0 : index
    %get3A_5 = vector.load %arg1[%get3A_2, %get3A_3, %get3A_4] : memref<2x1024x128xf32, #tpu.memory_space<vmem>>, vector<1x1024x128xf32>
    %get3A_6 = vector.shape_cast %get3A_5 : vector<1x1024x128xf32> to vector<1024x128xf32>
    %get3A_7 = arith.constant 1 : index
    %get3A_8 = arith.constant 0 : index
    %get3A_9 = arith.constant 0 : index
    %get3A_10 = vector.load %arg1[%get3A_7, %get3A_8, %get3A_9] : memref<2x1024x128xf32, #tpu.memory_space<vmem>>, vector<1x1024x128xf32>
    %get3A_11 = vector.shape_cast %get3A_10 : vector<1x1024x128xf32> to vector<1024x128xf32>
    %concatenate3A = tpu.concatenate %get3A_6, %get3A_11 in 1 : vector<1024x128xf32>, vector<1024x128xf32> -> vector<1024x256xf32>
    %mul3A = vector.broadcast %rsqrt3A : vector<1024x1xf32> to vector<1024x256xf32>
    %mul3A_12 = arith.mulf %concatenate3A, %mul3A : vector<1024x256xf32>
    %get3A_13 = arith.constant 0 : index
    %get3A_14 = arith.constant 0 : index
    %get3A_15 = vector.load %arg4[%get3A_13, %get3A_14] : memref<1x256xf32, #tpu.memory_space<vmem>>, vector<1x256xf32>
    %add3A = vector.broadcast %get3A_15 : vector<1x256xf32> to vector<1024x256xf32>
    %add3A_16 = arith.addf %mul3A_12, %add3A : vector<1024x256xf32>
    %max3A = arith.constant 0.000000e+00 : f32
    %max3A_17 = vector.broadcast %max3A : f32 to vector<1024x256xf32>
    %max3A_18 = arith.maximumf %add3A_16, %max3A_17 : vector<1024x256xf32>
    %get3A_19 = arith.constant 0 : index
    %get3A_20 = arith.constant 0 : index
    %get3A_21 = vector.load %arg3[%get3A_19, %get3A_20] : memref<256x256xf32, #tpu.memory_space<vmem>>, vector<256x256xf32>
    %dot_general3A = arith.constant dense<0.000000e+00> : vector<1024x256xf32>
    %dot_general3A_22 = tpu.matmul %max3A_18, %get3A_21, %dot_general3A {dimension_numbers = #tpu.dot_dimension_numbers<[1], [0], [0], [1], [0, 0, 1, 1], [], []>, transpose_lhs_hint = false} : vector<1024x256xf32>, vector<256x256xf32>, vector<1024x256xf32> -> vector<1024x256xf32>
    %mul3A_23 = vector.broadcast %rsqrt3A : vector<1024x1xf32> to vector<1024x256xf32>
    %mul3A_24 = arith.mulf %dot_general3A_22, %mul3A_23 : vector<1024x256xf32>
    %mul3A_25 = arith.constant 1024 : i32
    %mul3A_26 = arith.muli %arg0, %mul3A_25 : i32
    %iota3A = tpu.iota {dimensions = array<i32: 0>} : vector<1024x1xi32>
    %add3A_27 = vector.broadcast %mul3A_26 : i32 to vector<1024x1xi32>
    %add3A_28 = arith.addi %add3A_27, %iota3A : vector<1024x1xi32>
    %lt3A = arith.constant 10000 : i32
    %lt3A_29 = vector.broadcast %lt3A : i32 to vector<1024x1xi32>
    %lt3A_30 = arith.cmpi slt, %add3A_28, %lt3A_29 : vector<1024x1xi32>
    %jit3A = arith.constant 0.000000e+00 : f32
    %broadcast_in_dim3A = vector.shape_cast %lt3A_30 : vector<1024x1xi1> to vector<1024x1xi1>
    %broadcast_in_dim3A_31 = vector.broadcast %broadcast_in_dim3A : vector<1024x1xi1> to vector<1024x256xi1>
    %broadcast_in_dim3A_32 = vector.broadcast %jit3A : f32 to vector<1024x256xf32>
    %select_n3A = arith.select %broadcast_in_dim3A_31, %mul3A_24, %broadcast_in_dim3A_32 : vector<1024x256xi1>, vector<1024x256xf32>
    %slice3A = vector.extract_strided_slice %select_n3A {offsets = [0, 0], sizes = [1024, 128], strides = [1, 1]} : vector<1024x256xf32> to vector<1024x128xf32>
    %swap3A = arith.constant 0 : index
    %swap3A_33 = arith.constant 0 : index
    %swap3A_34 = arith.constant 0 : index
    %swap3A_35 = vector.load %arg5[%swap3A, %swap3A_33, %swap3A_34] : memref<2x1024x128xf32, #tpu.memory_space<vmem>>, vector<1x1024x128xf32>
    %swap3A_36 = vector.shape_cast %swap3A_35 : vector<1x1024x128xf32> to vector<1024x128xf32>
    %swap3A_37 = vector.shape_cast %slice3A : vector<1024x128xf32> to vector<1x1024x128xf32>
    tpu.vector_store %arg5[%swap3A, %swap3A_33, %swap3A_34], %swap3A_37 {strides = array<i32>} : memref<2x1024x128xf32, #tpu.memory_space<vmem>>, vector<1x1024x128xf32>,
    %slice3A_38 = vector.extract_strided_slice %select_n3A {offsets = [0, 128], sizes = [1024, 128], strides = [1, 1]} : vector<1024x256xf32> to vector<1024x128xf32>
    %swap3A_39 = arith.constant 1 : index
    %swap3A_40 = arith.constant 0 : index
    %swap3A_41 = arith.constant 0 : index
    %swap3A_42 = vector.load %arg5[%swap3A_39, %swap3A_40, %swap3A_41] : memref<2x1024x128xf32, #tpu.memory_space<vmem>>, vector<1x1024x128xf32>
    %swap3A_43 = vector.shape_cast %swap3A_42 : vector<1x1024x128xf32> to vector<1024x128xf32>
    %swap3A_44 = vector.shape_cast %slice3A_38 : vector<1024x128xf32> to vector<1x1024x128xf32>
    tpu.vector_store %arg5[%swap3A_39, %swap3A_40, %swap3A_41], %swap3A_44 {strides = array<i32>} : memref<2x1024x128xf32, #tpu.memory_space<vmem>>, vector<1x1024x128xf32>,
    return
  }
  func.func @transform_0(%arg0: i32) -> (i32, i32, i32) {
    %c0_i32 = arith.constant 0 : i32
    %c0_i32_0 = arith.constant 0 : i32
    %c0_i32_1 = arith.constant 0 : i32
    return %c0_i32, %arg0, %c0_i32_0 : i32, i32, i32
  }
  func.func @transform_1(%arg0: i32) -> (i32, i32) {
    %c0_i32 = arith.constant 0 : i32
    %c0_i32_0 = arith.constant 0 : i32
    return %arg0, %c0_i32 : i32, i32
  }
  func.func @transform_2(%arg0: i32) -> (i32, i32) {
    %c0_i32 = arith.constant 0 : i32
    %c0_i32_0 = arith.constant 0 : i32
    %c0_i32_1 = arith.constant 0 : i32
    return %c0_i32, %c0_i32_0 : i32, i32
  }
  func.func @transform_3(%arg0: i32) -> (i32, i32) {
    %c0_i32 = arith.constant 0 : i32
    %c0_i32_0 = arith.constant 0 : i32
    %c0_i32_1 = arith.constant 0 : i32
    return %c0_i32, %c0_i32_0 : i32, i32
  }
  func.func @transform_4(%arg0: i32) -> (i32, i32, i32) {
    %c0_i32 = arith.constant 0 : i32
    %c0_i32_0 = arith.constant 0 : i32
    %c0_i32_1 = arith.constant 0 : i32
    return %c0_i32, %arg0, %c0_i32_0 : i32, i32, i32
  }
}

module attributes {stable_mosaic.version = 14 : i64} {
  func.func @_head_body(%arg0: i32, %arg1: memref<2x1024x128xf32, #tpu.memory_space<vmem>>, %arg2: memref<2x1024x128xf32, #tpu.memory_space<vmem>>, %arg3: memref<1024x1xf32, #tpu.memory_space<vmem>>, %arg4: memref<1024x1xf32, #tpu.memory_space<vmem>>, %arg5: memref<1x256xf32, #tpu.memory_space<vmem>>, %arg6: memref<256x256xf32, #tpu.memory_space<vmem>>, %arg7: memref<1x256xf32, #tpu.memory_space<vmem>>, %arg8: memref<256x256xf32, #tpu.memory_space<vmem>>, %arg9: memref<1x256xf32, #tpu.memory_space<vmem>>, %arg10: memref<256x256xf32, #tpu.memory_space<vmem>>, %arg11: memref<1x256xf32, #tpu.memory_space<vmem>>, %arg12: memref<256x128xf32, #tpu.memory_space<vmem>>, %arg13: memref<1x128xf32, #tpu.memory_space<vmem>>, %arg14: memref<1024x128xf32, #tpu.memory_space<vmem>>) attributes {dimension_semantics = [#tpu.dimension_semantics<arbitrary>], iteration_bounds = array<i64: 4>, scalar_prefetch = 0 : i64, scratch_operands = 0 : i64, tpu.core_type = #tpu.core_type<tc>, window_params = [{transform_indices = @transform_0, window_bounds = array<i64: 2, 1024, 128>}, {transform_indices = @transform_1, window_bounds = array<i64: 2, 1024, 128>}, {transform_indices = @transform_2, window_bounds = array<i64: 1024, 1>}, {transform_indices = @transform_3, window_bounds = array<i64: 1024, 1>}, {pipeline_mode = #tpu.pipeline_mode<synchronous>, transform_indices = @transform_4, window_bounds = array<i64: 1, 256>}, {pipeline_mode = #tpu.pipeline_mode<synchronous>, transform_indices = @transform_5, window_bounds = array<i64: 256, 256>}, {pipeline_mode = #tpu.pipeline_mode<synchronous>, transform_indices = @transform_6, window_bounds = array<i64: 1, 256>}, {pipeline_mode = #tpu.pipeline_mode<synchronous>, transform_indices = @transform_7, window_bounds = array<i64: 256, 256>}, {pipeline_mode = #tpu.pipeline_mode<synchronous>, transform_indices = @transform_8, window_bounds = array<i64: 1, 256>}, {pipeline_mode = #tpu.pipeline_mode<synchronous>, transform_indices = @transform_9, window_bounds = array<i64: 256, 256>}, {pipeline_mode = #tpu.pipeline_mode<synchronous>, transform_indices = @transform_10, window_bounds = array<i64: 1, 256>}, {pipeline_mode = #tpu.pipeline_mode<synchronous>, transform_indices = @transform_11, window_bounds = array<i64: 256, 128>}, {pipeline_mode = #tpu.pipeline_mode<synchronous>, transform_indices = @transform_12, window_bounds = array<i64: 1, 128>}, {transform_indices = @transform_13, window_bounds = array<i64: 1024, 128>}]} {
    %get3A = arith.constant 0 : index
    %get3A_0 = arith.constant 0 : index
    %get3A_1 = arith.constant 0 : index
    %get3A_2 = vector.load %arg1[%get3A, %get3A_0, %get3A_1] : memref<2x1024x128xf32, #tpu.memory_space<vmem>>, vector<1x1024x128xf32>
    %get3A_3 = vector.shape_cast %get3A_2 : vector<1x1024x128xf32> to vector<1024x128xf32>
    %get3A_4 = arith.constant 1 : index
    %get3A_5 = arith.constant 0 : index
    %get3A_6 = arith.constant 0 : index
    %get3A_7 = vector.load %arg1[%get3A_4, %get3A_5, %get3A_6] : memref<2x1024x128xf32, #tpu.memory_space<vmem>>, vector<1x1024x128xf32>
    %get3A_8 = vector.shape_cast %get3A_7 : vector<1x1024x128xf32> to vector<1024x128xf32>
    %concatenate3A = tpu.concatenate %get3A_3, %get3A_8 in 1 : vector<1024x128xf32>, vector<1024x128xf32> -> vector<1024x256xf32>
    %get3A_9 = arith.constant 0 : index
    %get3A_10 = arith.constant 0 : index
    %get3A_11 = vector.load %arg3[%get3A_9, %get3A_10] : memref<1024x1xf32, #tpu.memory_space<vmem>>, vector<1024x1xf32>
    %rsqrt3A = math.rsqrt %get3A_11 : vector<1024x1xf32>
    %mul3A = vector.broadcast %rsqrt3A : vector<1024x1xf32> to vector<1024x256xf32>
    %mul3A_12 = arith.mulf %concatenate3A, %mul3A : vector<1024x256xf32>
    %get3A_13 = arith.constant 0 : index
    %get3A_14 = arith.constant 0 : index
    %get3A_15 = vector.load %arg5[%get3A_13, %get3A_14] : memref<1x256xf32, #tpu.memory_space<vmem>>, vector<1x256xf32>
    %add3A = vector.broadcast %get3A_15 : vector<1x256xf32> to vector<1024x256xf32>
    %add3A_16 = arith.addf %mul3A_12, %add3A : vector<1024x256xf32>
    %get3A_17 = arith.constant 0 : index
    %get3A_18 = arith.constant 0 : index
    %get3A_19 = vector.load %arg6[%get3A_17, %get3A_18] : memref<256x256xf32, #tpu.memory_space<vmem>>, vector<256x256xf32>
    %dot_general3A = arith.constant dense<0.000000e+00> : vector<1024x256xf32>
    %dot_general3A_20 = tpu.matmul %add3A_16, %get3A_19, %dot_general3A {dimension_numbers = #tpu.dot_dimension_numbers<[1], [0], [0], [1], [0, 0, 1, 1], [], []>, transpose_lhs_hint = false} : vector<1024x256xf32>, vector<256x256xf32>, vector<1024x256xf32> -> vector<1024x256xf32>
    %get3A_21 = arith.constant 0 : index
    %get3A_22 = arith.constant 0 : index
    %get3A_23 = vector.load %arg7[%get3A_21, %get3A_22] : memref<1x256xf32, #tpu.memory_space<vmem>>, vector<1x256xf32>
    %add3A_24 = vector.broadcast %get3A_23 : vector<1x256xf32> to vector<1024x256xf32>
    %add3A_25 = arith.addf %dot_general3A_20, %add3A_24 : vector<1024x256xf32>
    %max3A = arith.constant 0.000000e+00 : f32
    %max3A_26 = vector.broadcast %max3A : f32 to vector<1024x256xf32>
    %max3A_27 = arith.maximumf %add3A_25, %max3A_26 : vector<1024x256xf32>
    %get3A_28 = arith.constant 0 : index
    %get3A_29 = arith.constant 0 : index
    %get3A_30 = vector.load %arg8[%get3A_28, %get3A_29] : memref<256x256xf32, #tpu.memory_space<vmem>>, vector<256x256xf32>
    %dot_general3A_31 = arith.constant dense<0.000000e+00> : vector<1024x256xf32>
    %dot_general3A_32 = tpu.matmul %max3A_27, %get3A_30, %dot_general3A_31 {dimension_numbers = #tpu.dot_dimension_numbers<[1], [0], [0], [1], [0, 0, 1, 1], [], []>, transpose_lhs_hint = false} : vector<1024x256xf32>, vector<256x256xf32>, vector<1024x256xf32> -> vector<1024x256xf32>
    %get3A_33 = arith.constant 0 : index
    %get3A_34 = arith.constant 0 : index
    %get3A_35 = vector.load %arg9[%get3A_33, %get3A_34] : memref<1x256xf32, #tpu.memory_space<vmem>>, vector<1x256xf32>
    %add3A_36 = vector.broadcast %get3A_35 : vector<1x256xf32> to vector<1024x256xf32>
    %add3A_37 = arith.addf %dot_general3A_32, %add3A_36 : vector<1024x256xf32>
    %get3A_38 = arith.constant 0 : index
    %get3A_39 = arith.constant 0 : index
    %get3A_40 = arith.constant 0 : index
    %get3A_41 = vector.load %arg2[%get3A_38, %get3A_39, %get3A_40] : memref<2x1024x128xf32, #tpu.memory_space<vmem>>, vector<1x1024x128xf32>
    %get3A_42 = vector.shape_cast %get3A_41 : vector<1x1024x128xf32> to vector<1024x128xf32>
    %get3A_43 = arith.constant 1 : index
    %get3A_44 = arith.constant 0 : index
    %get3A_45 = arith.constant 0 : index
    %get3A_46 = vector.load %arg2[%get3A_43, %get3A_44, %get3A_45] : memref<2x1024x128xf32, #tpu.memory_space<vmem>>, vector<1x1024x128xf32>
    %get3A_47 = vector.shape_cast %get3A_46 : vector<1x1024x128xf32> to vector<1024x128xf32>
    %concatenate3A_48 = tpu.concatenate %get3A_42, %get3A_47 in 1 : vector<1024x128xf32>, vector<1024x128xf32> -> vector<1024x256xf32>
    %get3A_49 = arith.constant 0 : index
    %get3A_50 = arith.constant 0 : index
    %get3A_51 = vector.load %arg4[%get3A_49, %get3A_50] : memref<1024x1xf32, #tpu.memory_space<vmem>>, vector<1024x1xf32>
    %rsqrt3A_52 = math.rsqrt %get3A_51 : vector<1024x1xf32>
    %mul3A_53 = vector.broadcast %rsqrt3A_52 : vector<1024x1xf32> to vector<1024x256xf32>
    %mul3A_54 = arith.mulf %concatenate3A_48, %mul3A_53 : vector<1024x256xf32>
    %get3A_55 = arith.constant 0 : index
    %get3A_56 = arith.constant 0 : index
    %get3A_57 = vector.load %arg5[%get3A_55, %get3A_56] : memref<1x256xf32, #tpu.memory_space<vmem>>, vector<1x256xf32>
    %add3A_58 = vector.broadcast %get3A_57 : vector<1x256xf32> to vector<1024x256xf32>
    %add3A_59 = arith.addf %mul3A_54, %add3A_58 : vector<1024x256xf32>
    %get3A_60 = arith.constant 0 : index
    %get3A_61 = arith.constant 0 : index
    %get3A_62 = vector.load %arg6[%get3A_60, %get3A_61] : memref<256x256xf32, #tpu.memory_space<vmem>>, vector<256x256xf32>
    %dot_general3A_63 = arith.constant dense<0.000000e+00> : vector<1024x256xf32>
    %dot_general3A_64 = tpu.matmul %add3A_59, %get3A_62, %dot_general3A_63 {dimension_numbers = #tpu.dot_dimension_numbers<[1], [0], [0], [1], [0, 0, 1, 1], [], []>, transpose_lhs_hint = false} : vector<1024x256xf32>, vector<256x256xf32>, vector<1024x256xf32> -> vector<1024x256xf32>
    %get3A_65 = arith.constant 0 : index
    %get3A_66 = arith.constant 0 : index
    %get3A_67 = vector.load %arg7[%get3A_65, %get3A_66] : memref<1x256xf32, #tpu.memory_space<vmem>>, vector<1x256xf32>
    %add3A_68 = vector.broadcast %get3A_67 : vector<1x256xf32> to vector<1024x256xf32>
    %add3A_69 = arith.addf %dot_general3A_64, %add3A_68 : vector<1024x256xf32>
    %max3A_70 = arith.constant 0.000000e+00 : f32
    %max3A_71 = vector.broadcast %max3A_70 : f32 to vector<1024x256xf32>
    %max3A_72 = arith.maximumf %add3A_69, %max3A_71 : vector<1024x256xf32>
    %get3A_73 = arith.constant 0 : index
    %get3A_74 = arith.constant 0 : index
    %get3A_75 = vector.load %arg8[%get3A_73, %get3A_74] : memref<256x256xf32, #tpu.memory_space<vmem>>, vector<256x256xf32>
    %dot_general3A_76 = arith.constant dense<0.000000e+00> : vector<1024x256xf32>
    %dot_general3A_77 = tpu.matmul %max3A_72, %get3A_75, %dot_general3A_76 {dimension_numbers = #tpu.dot_dimension_numbers<[1], [0], [0], [1], [0, 0, 1, 1], [], []>, transpose_lhs_hint = false} : vector<1024x256xf32>, vector<256x256xf32>, vector<1024x256xf32> -> vector<1024x256xf32>
    %get3A_78 = arith.constant 0 : index
    %get3A_79 = arith.constant 0 : index
    %get3A_80 = vector.load %arg9[%get3A_78, %get3A_79] : memref<1x256xf32, #tpu.memory_space<vmem>>, vector<1x256xf32>
    %add3A_81 = vector.broadcast %get3A_80 : vector<1x256xf32> to vector<1024x256xf32>
    %add3A_82 = arith.addf %dot_general3A_77, %add3A_81 : vector<1024x256xf32>
    %mul3A_83 = arith.mulf %add3A_37, %add3A_82 : vector<1024x256xf32>
    %get3A_84 = arith.constant 0 : index
    %get3A_85 = arith.constant 0 : index
    %get3A_86 = vector.load %arg10[%get3A_84, %get3A_85] : memref<256x256xf32, #tpu.memory_space<vmem>>, vector<256x256xf32>
    %dot_general3A_87 = arith.constant dense<0.000000e+00> : vector<1024x256xf32>
    %dot_general3A_88 = tpu.matmul %mul3A_83, %get3A_86, %dot_general3A_87 {dimension_numbers = #tpu.dot_dimension_numbers<[1], [0], [0], [1], [0, 0, 1, 1], [], []>, transpose_lhs_hint = false} : vector<1024x256xf32>, vector<256x256xf32>, vector<1024x256xf32> -> vector<1024x256xf32>
    %get3A_89 = arith.constant 0 : index
    %get3A_90 = arith.constant 0 : index
    %get3A_91 = vector.load %arg11[%get3A_89, %get3A_90] : memref<1x256xf32, #tpu.memory_space<vmem>>, vector<1x256xf32>
    %add3A_92 = vector.broadcast %get3A_91 : vector<1x256xf32> to vector<1024x256xf32>
    %add3A_93 = arith.addf %dot_general3A_88, %add3A_92 : vector<1024x256xf32>
    %max3A_94 = arith.constant 0.000000e+00 : f32
    %max3A_95 = vector.broadcast %max3A_94 : f32 to vector<1024x256xf32>
    %max3A_96 = arith.maximumf %add3A_93, %max3A_95 : vector<1024x256xf32>
    %get3A_97 = arith.constant 0 : index
    %get3A_98 = arith.constant 0 : index
    %get3A_99 = vector.load %arg12[%get3A_97, %get3A_98] : memref<256x128xf32, #tpu.memory_space<vmem>>, vector<256x128xf32>
    %dot_general3A_100 = arith.constant dense<0.000000e+00> : vector<1024x128xf32>
    %dot_general3A_101 = tpu.matmul %max3A_96, %get3A_99, %dot_general3A_100 {dimension_numbers = #tpu.dot_dimension_numbers<[1], [0], [0], [1], [0, 0, 1, 1], [], []>, transpose_lhs_hint = false} : vector<1024x256xf32>, vector<256x128xf32>, vector<1024x128xf32> -> vector<1024x128xf32>
    %get3A_102 = arith.constant 0 : index
    %get3A_103 = arith.constant 0 : index
    %get3A_104 = vector.load %arg13[%get3A_102, %get3A_103] : memref<1x128xf32, #tpu.memory_space<vmem>>, vector<1x128xf32>
    %add3A_105 = vector.broadcast %get3A_104 : vector<1x128xf32> to vector<1024x128xf32>
    %add3A_106 = arith.addf %dot_general3A_101, %add3A_105 : vector<1024x128xf32>
    %swap3A = arith.constant 0 : index
    %swap3A_107 = arith.constant 0 : index
    %swap3A_108 = vector.load %arg14[%swap3A, %swap3A_107] : memref<1024x128xf32, #tpu.memory_space<vmem>>, vector<1024x128xf32>
    tpu.vector_store %arg14[%swap3A, %swap3A_107], %add3A_106 {strides = array<i32>} : memref<1024x128xf32, #tpu.memory_space<vmem>>, vector<1024x128xf32>,
    return
  }
  func.func @transform_0(%arg0: i32) -> (i32, i32, i32) {
    %c0_i32 = arith.constant 0 : i32
    %c0_i32_0 = arith.constant 0 : i32
    %c0_i32_1 = arith.constant 0 : i32
    return %c0_i32, %arg0, %c0_i32_0 : i32, i32, i32
  }
  func.func @transform_1(%arg0: i32) -> (i32, i32, i32) {
    %c0_i32 = arith.constant 0 : i32
    %c0_i32_0 = arith.constant 0 : i32
    %c0_i32_1 = arith.constant 0 : i32
    return %c0_i32, %arg0, %c0_i32_0 : i32, i32, i32
  }
  func.func @transform_2(%arg0: i32) -> (i32, i32) {
    %c0_i32 = arith.constant 0 : i32
    %c0_i32_0 = arith.constant 0 : i32
    return %arg0, %c0_i32 : i32, i32
  }
  func.func @transform_3(%arg0: i32) -> (i32, i32) {
    %c0_i32 = arith.constant 0 : i32
    %c0_i32_0 = arith.constant 0 : i32
    return %arg0, %c0_i32 : i32, i32
  }
  func.func @transform_4(%arg0: i32) -> (i32, i32) {
    %c0_i32 = arith.constant 0 : i32
    %c0_i32_0 = arith.constant 0 : i32
    %c0_i32_1 = arith.constant 0 : i32
    return %c0_i32, %c0_i32_0 : i32, i32
  }
  func.func @transform_5(%arg0: i32) -> (i32, i32) {
    %c0_i32 = arith.constant 0 : i32
    %c0_i32_0 = arith.constant 0 : i32
    %c0_i32_1 = arith.constant 0 : i32
    return %c0_i32, %c0_i32_0 : i32, i32
  }
  func.func @transform_6(%arg0: i32) -> (i32, i32) {
    %c0_i32 = arith.constant 0 : i32
    %c0_i32_0 = arith.constant 0 : i32
    %c0_i32_1 = arith.constant 0 : i32
    return %c0_i32, %c0_i32_0 : i32, i32
  }
  func.func @transform_7(%arg0: i32) -> (i32, i32) {
    %c0_i32 = arith.constant 0 : i32
    %c0_i32_0 = arith.constant 0 : i32
    %c0_i32_1 = arith.constant 0 : i32
    return %c0_i32, %c0_i32_0 : i32, i32
  }
  func.func @transform_8(%arg0: i32) -> (i32, i32) {
    %c0_i32 = arith.constant 0 : i32
    %c0_i32_0 = arith.constant 0 : i32
    %c0_i32_1 = arith.constant 0 : i32
    return %c0_i32, %c0_i32_0 : i32, i32
  }
  func.func @transform_9(%arg0: i32) -> (i32, i32) {
    %c0_i32 = arith.constant 0 : i32
    %c0_i32_0 = arith.constant 0 : i32
    %c0_i32_1 = arith.constant 0 : i32
    return %c0_i32, %c0_i32_0 : i32, i32
  }
  func.func @transform_10(%arg0: i32) -> (i32, i32) {
    %c0_i32 = arith.constant 0 : i32
    %c0_i32_0 = arith.constant 0 : i32
    %c0_i32_1 = arith.constant 0 : i32
    return %c0_i32, %c0_i32_0 : i32, i32
  }
  func.func @transform_11(%arg0: i32) -> (i32, i32) {
    %c0_i32 = arith.constant 0 : i32
    %c0_i32_0 = arith.constant 0 : i32
    %c0_i32_1 = arith.constant 0 : i32
    return %c0_i32, %c0_i32_0 : i32, i32
  }
  func.func @transform_12(%arg0: i32) -> (i32, i32) {
    %c0_i32 = arith.constant 0 : i32
    %c0_i32_0 = arith.constant 0 : i32
    %c0_i32_1 = arith.constant 0 : i32
    return %c0_i32, %c0_i32_0 : i32, i32
  }
  func.func @transform_13(%arg0: i32) -> (i32, i32) {
    %c0_i32 = arith.constant 0 : i32
    %c0_i32_0 = arith.constant 0 : i32
    return %arg0, %c0_i32 : i32, i32
  }
}

</mosaic_0001>

<sc_bundles>
// kernel: kernel.11.cloned.1.call-start
scs
__scs_entry_jumppad:
0x0: {  	(pc) =	sbr.rel $0x88, $3  }
0x1: {  	(tag) =	ssettag $0x0;
	lr =	simm.s32 $0x1  }
0x2: {  	[smem:$0x3F8C] =	sst lr;
	_ =	strace $0xD0000000  }
0x3: {  	_ = 	snop  }
0x4: {  	_ = 	snop  }
0x5: {  	_ = 	snop  }
0x6: {  	_ = 	snop  }
0x7: {  	_ = 	snop  }
__scs_overlays_trampoline_lowered:
0x8: {  	[smem:$0x3F9B] =	sst s0  }
0x9: {  	[smem:$0x3F9C] =	sst s1  }
0xa: {  	[smem:$0x3F9D] =	sst s2  }
0xb: {  	[smem:$0x3F9E] =	sst s3  }
0xc: {  	[smem:$0x3F9F] =	sst s4  }
0xd: {  	[smem:$0x3FA0] =	sst s5  }
0xe: {  	[smem:$0x3FA1] =	sst s6  }
0xf: {  	[smem:$0x3FA2] =	sst s7  }
0x10: {  	[smem:$0x3FA3] =	sst s8  }
0x11: {  	[smem:$0x3FA4] =	sst s9;
	s0 =	simm.s32 @!p0 $0x0  }
0x12: {  	s1 =	sld [smem:$0x3F8A];
	s0 =	simm.s32 @p0 $0x1  }
0x13: {  	[smem:$0x3FA5] =	sst s0;
	s0 =	simm.s32 @!p1 $0x0  }
0x14: {  	s2 =	sld [smem:$0x3F89];
	s0 =	simm.s32 @p1 $0x1  }
0x15: {  	[smem:$0x3FA6] =	sst s0;
	s0 =	simm.s32 @!p2 $0x0  }
0x16: {  	s3 =	sld [smem:$0x3FDB];
	s0 =	simm.s32 @p2 $0x1  }
0x17: {  	s4 =	simm.s32 $0x1BF5;
	[smem:$0x3FA8] =	sst s0  }
0x18: {  	s0 =	sld [smem:$0x3F8B];
	_ =	swait.ge [sflag:s4], $0x0  }
0x19: {  	s7 =	sld [smem:$0x3F8C]  }
0x1a: {  	s8 =	sadd.s32 $0xFFFFE003, lr  }
0x1b: {  	s9 =	sadd.s32 $0xFFFFFEF7, lr;
	s5 =	simm.s32 $0xFFFFFFFF;
	p2 =	slt.u32 s8, $0xFFFFF086  }
0x1c: {  	p1 =	slt.u32 s9, $0xF7A;
	s5 =	simm.s32 @!p2 $0x0  }
0x1d: {  	s5 =	simm.s32 @p1 $0x1;
	p0 =	seq.s32 s7, s2  }
0x1e: {  	s7 =	smul.u32 @!p0 $0xF7A, s2;
	p2 =	seq.s32 @!p0 s5, $0x0  }
0x1f: {  	s9 =	smul.u32 $0xF7A, s1;
	s8 =	simm.s32 @!p0 $0x1BF5;
	p2 =	por !p2, p0  }
0x20: {  	[sflag:s8] =	ssyncset.s32 @!p0 $0xFFFFF086;
	s6 =	sadd.s32 @!p0 s3, s7;
	s7 =	simm.s32 @!p0 $0x108  }
0x21: {  	s3 =	sadd.s32 s3, s9;
	s6 =	sadd.s32 @!p0 $0x88, s6;
	s7 =	simm.s32 @p2 $0x1082  }
0x22: {  	[simem:s7], [sflag:s8] =	dma.local @!p0 [hbm:s6], $0xF7A  }
0x23: {  	s9 =	sor.u32 $0xD0000000, s2;
	s6 =	simm.s32 $0x108;
	_ =	swait.ge @!p0 [sflag:s8], $0x0  }
0x24: {  	s3 =	sadd.s32 $0x88, s3;
	s6 =	simm.s32 @!p1 $0x1082;
	[sflag:s4] =	ssyncset.s32 $0xFFFFF086  }
0x25: {  	[simem:s6], [sflag:s4] =	dma.local [hbm:s3], $0xF7A  }
0x26: {  	[smem:$0x3F8C] =	sst s1;
	(tag) =	ssettag s2;
	_ =	strace s9  }
0x27: {  	s1 =	sld [smem:$0x3F9C]  }
0x28: {  	s2 =	sld [smem:$0x3F9D]  }
0x29: {  	s4 =	sld [smem:$0x3F9F]  }
0x2a: {  	p0 =	seq.s32 s5, $0x0;
	s5 =	sld [smem:$0x3FA0]  }
0x2b: {  	s6 =	sld [smem:$0x3FA1]  }
0x2c: {  	s7 =	sld [smem:$0x3FA2]  }
0x2d: {  	s3 =	simm.s32 $0x108;
	s8 =	sld [smem:$0x3FA3]  }
0x2e: {  	s3 =	simm.s32 @!p0 $0x1082;
	s9 =	sld [smem:$0x3FA4]  }
0x2f: {  	lr =	sadd.s32 s0, s3;
	s0 =	sld [smem:$0x3F9B]  }
0x30: {  	s3 =	sld [smem:$0x3F9E]  }
0x31: {  	[smem:$0x3FA7] =	sst s10  }
0x32: {  	s10 =	sld [smem:$0x3FA5];
	_ =	sdelay $0x3  }
0x33: {  	p0 =	seq.s32 s10, $0x1;
	s10 =	sld [smem:$0x3FA7];
	_ =	sdelay $0x3  }
0x34: {  	[smem:$0x3FA7] =	sst s10  }
0x35: {  	s10 =	sld [smem:$0x3FA6];
	_ =	sdelay $0x3  }
0x36: {  	p1 =	seq.s32 s10, $0x1;
	s10 =	sld [smem:$0x3FA7];
	_ =	sdelay $0x3  }
0x37: {  	[smem:$0x3FA7] =	sst s10  }
0x38: {  	s10 =	sld [smem:$0x3FA8]  }
0x39: {  	_ = 	snop;
	(pc) =	sbr.ind lr, $3  }
0x3a: {  	_ = 	snop  }
0x3b: {  	_ = 	snop  }
0x3c: {  	p2 =	seq.s32 s10, $0x1;
	s10 =	sld [smem:$0x3FA7]  }
0x3d: {  	_ =	shalt  }
0x3e: {  	_ =	shalt  }
0x3f: {  	_ =	shalt  }
0x40: {  	_ =	shalt  }
0x41: {  	_ =	shalt  }
0x42: {  	_ =	shalt  }
0x43: {  	_ =	shalt  }
0x44: {  	_ =	shalt  }
0x45: {  	_ =	shalt  }
0x46: {  	_ =	shalt  }
0x47: {  	_ =	shalt  }
0x48: {  	_ =	shalt  }
0x49: {  	_ =	shalt  }
0x4a: {  	_ =	shalt  }
0x4b: {  	_ =	shalt  }
0x4c: {  	_ =	shalt  }
0x4d: {  	_ =	shalt  }
0x4e: {  	_ =	shalt  }
0x4f: {  	_ =	shalt  }
0x50: {  	_ =	shalt  }
0x51: {  	_ =	shalt  }
0x52: {  	_ =	shalt  }
0x53: {  	_ =	shalt  }
0x54: {  	_ =	shalt  }
0x55: {  	_ =	shalt  }
0x56: {  	_ =	shalt  }
0x57: {  	_ =	shalt  }
0x58: {  	_ =	shalt  }
0x59: {  	_ =	shalt  }
0x5a: {  	_ =	shalt  }
0x5b: {  	_ =	shalt  }
0x5c: {  	_ =	shalt  }
0x5d: {  	_ =	shalt  }
0x5e: {  	_ =	shalt  }
0x5f: {  	_ =	shalt  }
0x60: {  	_ =	shalt  }
0x61: {  	_ =	shalt  }
0x62: {  	_ =	shalt  }
0x63: {  	_ =	shalt  }
0x64: {  	_ =	shalt  }
0x65: {  	_ =	shalt  }
0x66: {  	_ =	shalt  }
0x67: {  	_ =	shalt  }
0x68: {  	_ =	shalt  }
0x69: {  	_ =	shalt  }
0x6a: {  	_ =	shalt  }
0x6b: {  	_ =	shalt  }
0x6c: {  	_ =	shalt  }
0x6d: {  	_ =	shalt  }
0x6e: {  	_ =	shalt  }
0x6f: {  	_ =	shalt  }
0x70: {  	_ =	shalt  }
0x71: {  	_ =	shalt  }
0x72: {  	_ =	shalt  }
0x73: {  	_ =	shalt  }
0x74: {  	_ =	shalt  }
0x75: {  	_ =	shalt  }
0x76: {  	_ =	shalt  }
0x77: {  	_ =	shalt  }
0x78: {  	_ =	shalt  }
0x79: {  	_ =	shalt  }
0x7a: {  	_ =	shalt  }
0x7b: {  	_ =	shalt  }
0x7c: {  	_ =	shalt  }
0x7d: {  	_ =	shalt  }
0x7e: {  	_ =	shalt  }
0x7f: {  	_ =	shalt  }
0x80: {  	_ =	shalt  }
0x81: {  	_ =	shalt  }
0x82: {  	_ =	shalt  }
0x83: {  	_ =	shalt  }
0x84: {  	_ =	shalt  }
0x85: {  	_ =	shalt  }
0x86: {  	_ =	shalt  }
0x87: {  	_ =	shalt  }
.Lfunc_end0:
.L_simem_size_0:
called_computation.1_lowered:
.L_overlay_start_0:
0x88: {  	s2 =	sld [smem:$0x3FD9]  }
0x89: {  	s3 =	sld [smem:$0x3FFE];
	_ =	sdelay $0x1  }
0x8a: {  	s1 =	srdreg.scid  }
0x8b: {  	s0 =	sand.u32 $0x1, s1  }
0x8c: {  	s16 =	sshll.u32 s0, $0xA;
	s2 =	sadd.s32 s3, s2  }
0x8d: {  	s2 =	sadd.s32 s2, s16  }
0x8e: {  	[smem:$0x3FB3] =	sst s2  }
0x8f: {  	_ = 	snop  }
0x90: {  	(tm) =	ssettm $0x1  }
0x91: {  	s17 =	sld [smem:$0x3FFB];
	_ =	sdelay $0x3  }
0x92: {  	_ =	strace s17  }
0x93: {  	s2 =	sld [smem:$0x3FFC];
	_ =	sdelay $0x3  }
0x94: {  	_ =	strace s2  }
0x95: {  	s2 =	sld [smem:$0x3FFD];
	_ =	sdelay $0x3  }
0x96: {  	_ =	strace s2  }
0x97: {  	_ =	strace $0x8FFFFFFF  }
0x98: {  	s18 =	sld [smem:$0x3FDB];
	_ =	sdelay $0x1  }
0x99: {  	s19 =	simm.s32 $_scs_section_size  }
0x9a: {  	s4 =	simm.s32 $_size__tile_overlayer_lowered;
	s5 =	simm.s32 $_tile_overlayer_lowered  }
0x9b: {  	s22 =	simm.s32 $0x1BFF;
	s21 =	sshll.u32 s5, $0x1;
	s2 =	sadd.s32 s19, s18  }
0x9c: {  	s6 =	simm.s32 $0x0;
	s20 =	sshll.u32 s4, $0x1;
	s4 =	sadd.s32 s21, s2  }
0x9d: {  	[timem:s6], [sflag:s22] =	dma.local [hbm:s4], s20  }
0x9e: {  	_ =	swait.ge [sflag:s22], s20  }
0x9f: {  	s3 =	ssub.s32 $0x0, s20;
	[sflag:s22] =	ssyncset.done $0x0  }
0xa0: {  	[sflag:s22] =	ssyncadd.s32 s3;
	_ =	sdelay $0x1  }
0xa1: {  	s23 =	simm.s32 $0x1B8B  }
0xa2: {  	_ =	swait.ge [sflag:s23], $0x1  }
0xa3: {  	[sflag:s23] =	ssyncset.done $0x0  }
0xa4: {  	s25 =	simm.s32 $0x1B8E;
	s24 =	sld [smem:$0x3FFE];
	[sflag:s23] =	ssyncadd.s32 $0xFFFFFFFF  }
0xa5: {  	s26 =	simm.s32 $execute0_lowered;
	[smem:$0x3FD2] =	sst s25  }
0xa6: {  	s4 =	sshll.u32 s26, $0x1;
	_ =	strace $0x80000049;
	[dreg:$0x1] =	wrdreg $0xFFFFFFFF  }
0xa7: {  	s28 =	simm.s32 $_size_execute0_lowered;
	s2 =	sadd.s32 s2, s4;
	[dreg:$0x0] =	wrdreg $0x0  }
0xa8: {  	s4 =	sshll.u32 s28, $0x1;
	[dreg:$0x2] =	wrdreg s2  }
0xa9: {  	[dreg:$0x3] =	wrdreg s4  }
0xaa: {  	[dreg:$0x4] =	wrdreg $0xC0  }
0xab: {  	_ =	task [dreg:s6], $0x5FFFF  }
0xac: {  	[dreg:$0x1] =	wrdreg $0xFFFFFFFF  }
0xad: {  	[dreg:$0x0] =	wrdreg $0x60  }
0xae: {  	[dreg:$0x2] =	wrdreg s24  }
0xaf: {  	[dreg:$0x3] =	wrdreg $0x90000  }
0xb0: {  	[dreg:$0x4] =	wrdreg $0x9  }
0xb1: {  	_ =	task.clear_ibuf [dreg:s6], $0x5FFFF;
	_ =	strace $0x90000049  }
0xb2: {  	s29 =	simm.s32 $0x9;
	_ =	strace $0x8000004B  }
0xb3: {  	_ =	swait.ge [sflag:s29], $0x1  }
0xb4: {  	[sflag:s29] =	ssyncadd.s32 $0xFFFFFFFF  }
0xb5: {  	_ =	strace $0x9000004B  }
0xb6: {  	_ =	sfence  }
0xb7: {  	s30 =	sld [smem:$0x0];
	_ =	sdelay $0x2  }
0xb8: {  	s31 =	sshll.u32 s1, $0xD;
	s1 =	sshrl.u32 s1, $0x2  }
0xb9: {  	s3 =	sand.u32 $0x4000, s31;
	s1 =	sadd.s32 s1, s30  }
0xba: {  	s0 =	sor.u32 s3, s0;
	s1 =	sshll.u32 s1, $0x11  }
0xbb: {  	s0 =	sor.u32 s1, s0  }
0xbc: {  	s0 =	sadd.s32 $0x8F2B, s0  }
0xbd: {  	[sflag:s0] =	ssyncadd.remote.s32 $0x1  }
0xbe: {  	_ =	sfence.sel $0xFFFF  }
0xbf: {  	[dreg:$0x0] =	wrdreg $0xFFFFFFFF;
	(pc) =	sbr.abs _section_cstart, $3  }
0xc0: {  	[dreg:$0x1] =	wrdreg $0xFFFFFFFF  }
0xc1: {  	_ =	task.clear_ibuf [dreg:s6], $0x2FFFF;
	_ =	strace $0x9FFFFFFF  }
0xc2: {  	(tm) =	ssettm $0x7FFFFFFF  }
0xc3: {  	_ =	shalt  }
tec
execute0_lowered:
.L_overlay_start_1:
0x0: {  	(tag) =	ssettag $0x1  }
0x1: {  	s0 =	rddreg [dreg:$0x0]  }
0x2: {  	s1 =	rddreg [dreg:$0x1];
	s3 =	simm.s32 $0x0  }
0x3: {  	s2 =	srdreg.scid;
	s11 =	stileid.u32;
	s16 =	simm.s32 $0x6  }
0x4: {  	s18 =	simm.s32 $0x80;
	s19 =	simm.s32 $0x1000;
	s20 =	simm.s32 $0x5000  }
0x5: {  	s21 =	simm.s32 $0x3;
	s22 =	simm.s32 $0x5;
	s23 =	simm.s32 $0x4  }
0x6: {  	[smem:$0x7FF] =	sst s3;
	s2 =	sand.u32 $0x1, s2;
	s8 =	smul.u32 $0x14000, s11  }
0x7: {  	s4 =	sadd.s32 $0x14000, s0;
	s5 =	sadd.s32 $0xA000, s0;
	s9 =	smul.u32 $0x50000, s11  }
0x8: {  	s6 =	sadd.s32 $0x3E00, s0;
	s28 =	sshll.u32 s11, $0x6;
	s7 =	smul.u32 $0x140000, s2  }
0x9: {  	_ =	strace $0x8000004A;
	s24 =	smul.u32 $0x28000, s2;
	s2 =	ssub.s32 $0x2, s2  }
0xa: {  	s25 =	sshrl.u32 s2, $0x1;
	s9 =	sshrl.u32 s9, $0x2;
	s7 =	sadd.s32 s8, s7  }
0xb: {  	s2 =	ssub.s32 s2, s25;
	s10 =	sshrl.u32 s7, $0x3;
	s7 =	smul.u32 $0x2800, s11  }
0xc: {  	s15 =	sadd.s32 s9, s1;
	s25 =	simm.s32 $0x2;
	s14 =	smax.u32 s2, $0x1  }
0xd: {  	s15 =	sshrl.u32 s15, $0x3;
	s0 =	sadd.s32 s10, s0;
	s8 =	sadd.s32 s7, s24  }
0xe: {  	s10 =	sor.u32 $0x1C06, s28;
	s12 =	sshrl.u32 s7, $0x3;
	s26 =	sadd.s32 s4, s8  }
0xf: {  	s29 =	sshrl.u32 s8, $0x3;
	s31 =	sadd.s32 s6, s12;
	[dreg:$0x3] =	wrdreg s26  }
0x10: {  	s13 =	sadd.s32 $0x64000, s0;
	s30 =	sadd.s32 s5, s29;
	[dreg:$0x5] =	wrdreg s31  }
0x11: {  	s24 =	simm.s32 $0x1;
	s26 =	simm.s32 $0x0;
	[dreg:$0x4] =	wrdreg s30  }
.LBB2_1:
0x12: {  	s0 =	rddreg [dreg:$0x3]  }
0x13: {  	[spmem:s15], [sflag:s10] =	dma.local [hbm:s0], $0x2800  }
0x14: {  	_ =	swait.ge [sflag:s16], $0x2800  }
0x15: {  	[sflag:s16] =	ssyncset.done $0x0  }
0x16: {  	s12 =	rddreg [dreg:$0x4];
	[sflag:s16] =	ssyncadd.s32 $0xFFFFD800  }
0x17: {  	[tilespmem:s3], [sflag:$0x6] =	stream.linear.gather [hbm4b:s12+s3], $0x400, $0x38;
	[tilespmem:$0x1D000] =	vst v63  }
0x18: {  	s2 =	simm.s32 $0x800;
	p0 =	por $0x0, $0x0;
	_ =	swait.ge [sflag:s16], $0x400  }
0x19: {  	s11 =	sand.u32 $0x1, s3;
	s0 =	simm.s32 $0x400;
	[sflag:s16] =	ssyncset.done $0x0  }
0x1a: {  	s0 =	simm.s32 @p0 $0x0;
	s17 =	rddreg [dreg:$0x5];
	[sflag:s16] =	ssyncadd.s32 $0xFFFFFC00  }
0x1b: {  	[tilespmem:s2], [sflag:$0x6] =	stream.linear.gather [hbm4b:s17+s3], $0x400, $0x38;
	[tilespmem:$0x1D000] =	vst v63  }
0x1c: {  	p0 =	por $0x1, $0x1;
	s9 =	sadd.s32 s8, s0;
	_ =	swait.ge [sflag:s16], $0x400  }
0x1d: {  	s17 =	sadd.s32 s7, s0;
	s2 =	sshrl.u32 s9, $0x3;
	[sflag:s16] =	ssyncset.done $0x0  }
0x1e: {  	s0 =	sshll.u32 s11, $0xA;
	s17 =	sshrl.u32 s17, $0x3;
	[sflag:s16] =	ssyncadd.s32 $0xFFFFFC00  }
0x1f: {  	[tilespmem:s19], [sflag:$0x3] =	stream.indirect.gather [hbm4b:s4+s18], $0x80, s3, s18, $0xb8;
	[tilespmem:$0x1D000] =	vst v63  }
0x20: {  	s28 =	sxor.u32 $0x400, s0;
	s2 =	sadd.s32 s5, s2;
	[bflag:$0x0] =	sbarrier.arrive $0xFFFF  }
0x21: {  	[tilespmem:s28], [sflag:$0x1] =	stream.linear.gather [hbm4b:s2+s3], $0x400, $0x38;
	[tilespmem:$0x1D000] =	vst v63  }
0x22: {  	s29 =	sxor.u32 $0xC00, s0;
	s17 =	sadd.s32 s6, s17;
	s2 =	simm.s32 @!p0 $0x5  }
0x23: {  	[tilespmem:s29], [sflag:$0x2] =	stream.linear.gather [hbm4b:s17+s3], $0x400, $0x38;
	[tilespmem:$0x1D000] =	vst v63  }
0x24: {  	_ =	swait.ge @!p0 [sflag:s2], $0x4000  }
0x25: {  	[sflag:s2] =	ssyncset.done @!p0 $0x0  }
0x26: {  	s12 =	sor.u32 $0x80, s0;
	[sflag:s2] =	ssyncadd.s32 @!p0 $0xFFFFC000  }
0x27: {  	[tilespmem:s20], [sflag:$0x4] =	stream.indirect.gather [hbm4b:s4+s18], $0x80, s12, s18, $0xb8;
	[tilespmem:$0x1D000] =	vst v63  }
0x28: {  	_ =	swait.ge [sflag:s21], $0x4000  }
0x29: {  	[sflag:s21] =	ssyncset.done $0x0  }
0x2a: {  	s17 =	sor.u32 $0x800, s0;
	[sflag:s21] =	ssyncadd.s32 $0xFFFFC000  }
0x2b: {  	[spmem:s1] =	stream.indirect.scatter.add.f32 [tilespmem:s19], [sflag:$0x5], $0x80, s17, s18, $0xb8;
	[tilespmem:$0x1D000] =	vst v63  }
0x2c: {  	_ =	swait.ge [sflag:s22], $0x4000  }
0x2d: {  	[sflag:s22] =	ssyncset.done $0x0  }
0x2e: {  	s9 =	sor.u32 $0x100, s0;
	[sflag:s22] =	ssyncadd.s32 $0xFFFFC000  }
0x2f: {  	[tilespmem:s19], [sflag:$0x3] =	stream.indirect.gather [hbm4b:s4+s18], $0x80, s9, s18, $0xb8;
	[tilespmem:$0x1D000] =	vst v63  }
0x30: {  	_ =	swait.ge [sflag:s23], $0x4000  }
0x31: {  	[sflag:s23] =	ssyncset.done $0x0  }
0x32: {  	s11 =	sor.u32 $0x880, s0;
	[sflag:s23] =	ssyncadd.s32 $0xFFFFC000  }
0x33: {  	[spmem:s1] =	stream.indirect.scatter.add.f32 [tilespmem:s20], [sflag:$0x5], $0x80, s11, s18, $0xb8;
	[tilespmem:$0x1D000] =	vst v63  }
0x34: {  	_ =	swait.ge [sflag:s22], $0x4000  }
0x35: {  	[sflag:s22] =	ssyncset.done $0x0  }
0x36: {  	s12 =	sor.u32 $0x180, s0;
	[sflag:s22] =	ssyncadd.s32 $0xFFFFC000  }
0x37: {  	[tilespmem:s20], [sflag:$0x4] =	stream.indirect.gather [hbm4b:s4+s18], $0x80, s12, s18, $0xb8;
	[tilespmem:$0x1D000] =	vst v63  }
0x38: {  	_ =	swait.ge [sflag:s21], $0x4000  }
0x39: {  	[sflag:s21] =	ssyncset.done $0x0  }
0x3a: {  	s17 =	sor.u32 $0x900, s0;
	[sflag:s21] =	ssyncadd.s32 $0xFFFFC000  }
0x3b: {  	[spmem:s1] =	stream.indirect.scatter.add.f32 [tilespmem:s19], [sflag:$0x5], $0x80, s17, s18, $0xb8;
	[tilespmem:$0x1D000] =	vst v63  }
0x3c: {  	_ =	swait.ge [sflag:s22], $0x4000  }
0x3d: {  	[sflag:s22] =	ssyncset.done $0x0  }
0x3e: {  	s9 =	sor.u32 $0x200, s0;
	[sflag:s22] =	ssyncadd.s32 $0xFFFFC000  }
0x3f: {  	[tilespmem:s19], [sflag:$0x3] =	stream.indirect.gather [hbm4b:s4+s18], $0x80, s9, s18, $0xb8;
	[tilespmem:$0x1D000] =	vst v63  }
0x40: {  	_ =	swait.ge [sflag:s23], $0x4000  }
0x41: {  	[sflag:s23] =	ssyncset.done $0x0  }
0x42: {  	s11 =	sor.u32 $0x980, s0;
	[sflag:s23] =	ssyncadd.s32 $0xFFFFC000  }
0x43: {  	[spmem:s1] =	stream.indirect.scatter.add.f32 [tilespmem:s20], [sflag:$0x5], $0x80, s11, s18, $0xb8;
	[tilespmem:$0x1D000] =	vst v63  }
0x44: {  	_ =	swait.ge [sflag:s22], $0x4000  }
0x45: {  	[sflag:s22] =	ssyncset.done $0x0  }
0x46: {  	s12 =	sor.u32 $0x280, s0;
	[sflag:s22] =	ssyncadd.s32 $0xFFFFC000  }
0x47: {  	[tilespmem:s20], [sflag:$0x4] =	stream.indirect.gather [hbm4b:s4+s18], $0x80, s12, s18, $0xb8;
	[tilespmem:$0x1D000] =	vst v63  }
0x48: {  	_ =	swait.ge [sflag:s21], $0x4000  }
0x49: {  	[sflag:s21] =	ssyncset.done $0x0  }
0x4a: {  	s17 =	sor.u32 $0xA00, s0;
	[sflag:s21] =	ssyncadd.s32 $0xFFFFC000  }
0x4b: {  	[spmem:s1] =	stream.indirect.scatter.add.f32 [tilespmem:s19], [sflag:$0x5], $0x80, s17, s18, $0xb8;
	[tilespmem:$0x1D000] =	vst v63  }
0x4c: {  	_ =	swait.ge [sflag:s22], $0x4000  }
0x4d: {  	[sflag:s22] =	ssyncset.done $0x0  }
0x4e: {  	s9 =	sor.u32 $0x300, s0;
	[sflag:s22] =	ssyncadd.s32 $0xFFFFC000  }
0x4f: {  	[tilespmem:s19], [sflag:$0x3] =	stream.indirect.gather [hbm4b:s4+s18], $0x80, s9, s18, $0xb8;
	[tilespmem:$0x1D000] =	vst v63  }
0x50: {  	_ =	swait.ge [sflag:s23], $0x4000  }
0x51: {  	[sflag:s23] =	ssyncset.done $0x0  }
0x52: {  	s11 =	sor.u32 $0xA80, s0;
	[sflag:s23] =	ssyncadd.s32 $0xFFFFC000  }
0x53: {  	[spmem:s1] =	stream.indirect.scatter.add.f32 [tilespmem:s20], [sflag:$0x5], $0x80, s11, s18, $0xb8;
	[tilespmem:$0x1D000] =	vst v63  }
0x54: {  	_ =	swait.ge [sflag:s22], $0x4000  }
0x55: {  	[sflag:s22] =	ssyncset.done $0x0  }
0x56: {  	s12 =	sor.u32 $0x380, s0;
	[sflag:s22] =	ssyncadd.s32 $0xFFFFC000  }
0x57: {  	[tilespmem:s20], [sflag:$0x4] =	stream.indirect.gather [hbm4b:s4+s18], $0x80, s12, s18, $0xb8;
	[tilespmem:$0x1D000] =	vst v63  }
0x58: {  	_ =	swait.ge [sflag:s21], $0x4000  }
0x59: {  	[sflag:s21] =	ssyncset.done $0x0  }
0x5a: {  	s17 =	sor.u32 $0xB00, s0;
	[sflag:s21] =	ssyncadd.s32 $0xFFFFC000  }
0x5b: {  	[spmem:s1] =	stream.indirect.scatter.add.f32 [tilespmem:s19], [sflag:$0x5], $0x80, s17, s18, $0xb8;
	[tilespmem:$0x1D000] =	vst v63  }
0x5c: {  	_ =	swait.ge [sflag:s24], $0x400  }
0x5d: {  	[sflag:s24] =	ssyncset.done $0x0  }
0x5e: {  	[sflag:s24] =	ssyncadd.s32 $0xFFFFFC00  }
0x5f: {  	_ =	swait.ge [sflag:s25], $0x400  }
0x60: {  	[sflag:s25] =	ssyncset.done $0x0  }
0x61: {  	[sflag:s25] =	ssyncadd.s32 $0xFFFFFC00  }
0x62: {  	s30 =	simm.s32 $0x1;
	s29 =	simm.s32 $0x800;
	_ =	swait.ge [sflag:s22], $0x4000  }
0x63: {  	p0 =	por $0x0, $0x0;
	s17 =	simm.s32 $0x800;
	[sflag:s22] =	ssyncset.done $0x0  }
0x64: {  	s2 =	sor.u32 $0xB80, s0;
	s17 =	simm.s32 @p0 $0x0;
	[sflag:s22] =	ssyncadd.s32 $0xFFFFC000  }
0x65: {  	[tilespmem:s19], [sflag:$0x3] =	stream.indirect.gather [hbm4b:s4+s18], $0x80, s28, s18, $0xb8;
	[tilespmem:$0x1D000] =	vst v63  }
0x66: {  	s31 =	sadd.s32 s8, s17;
	s17 =	sadd.s32 s7, s17;
	s28 =	simm.s32 $0x2  }
.LBB2_2:
0x67: {  	s0 =	sand.u32 $0x1, s30  }
0x68: {  	s9 =	sshrl.u32 s31, $0x3;
	_ =	swait.ge [sflag:s23], $0x4000;
	s11 =	smov.u32 s28  }
0x69: {  	p1 =	seq.s32 s30, $0x0;
	s31 =	sshll.u32 s0, $0xA;
	[sflag:s23] =	ssyncset.done $0x0  }
0x6a: {  	s17 =	sshrl.u32 s17, $0x3;
	s12 =	simm.s32 @!p1 $0x5;
	[sflag:s23] =	ssyncadd.s32 $0xFFFFC000  }
0x6b: {  	[spmem:s1] =	stream.indirect.scatter.add.f32 [tilespmem:s20], [sflag:$0x5], $0x80, s2, s18, $0xb8;
	[tilespmem:$0x1D000] =	vst v63  }
0x6c: {  	s28 =	sadd.s32 $0x1, s28;
	s0 =	sxor.u32 $0x400, s31;
	s2 =	sadd.s32 s5, s9  }
0x6d: {  	[tilespmem:s0], [sflag:$0x1] =	stream.linear.gather [hbm4b:s2+s3], $0x400, $0x38;
	[tilespmem:$0x1D000] =	vst v63  }
0x6e: {  	p0 =	sne.s32 s28, $0xA;
	s9 =	sadd.s32 s6, s17;
	s2 =	sxor.u32 $0xC00, s31  }
0x6f: {  	[tilespmem:s2], [sflag:$0x2] =	stream.linear.gather [hbm4b:s9+s3], $0x400, $0x38;
	[tilespmem:$0x1D000] =	vst v63  }
0x70: {  	s30 =	smov.u32 s11;
	_ =	swait.ge @!p1 [sflag:s12], $0x4000  }
0x71: {  	s2 =	sor.u32 $0x80, s31;
	[sflag:s12] =	ssyncset.done @!p1 $0x0  }
0x72: {  	[sflag:s12] =	ssyncadd.s32 @!p1 $0xFFFFC000  }
0x73: {  	[tilespmem:s20], [sflag:$0x4] =	stream.indirect.gather [hbm4b:s4+s18], $0x80, s2, s18, $0xb8;
	[tilespmem:$0x1D000] =	vst v63  }
0x74: {  	_ =	swait.ge [sflag:s21], $0x4000  }
0x75: {  	s2 =	sor.u32 $0x800, s31;
	[sflag:s21] =	ssyncset.done $0x0  }
0x76: {  	[sflag:s21] =	ssyncadd.s32 $0xFFFFC000  }
0x77: {  	[spmem:s1] =	stream.indirect.scatter.add.f32 [tilespmem:s19], [sflag:$0x5], $0x80, s2, s18, $0xb8;
	[tilespmem:$0x1D000] =	vst v63  }
0x78: {  	_ =	swait.ge [sflag:s22], $0x4000  }
0x79: {  	s2 =	sor.u32 $0x100, s31;
	[sflag:s22] =	ssyncset.done $0x0  }
0x7a: {  	[sflag:s22] =	ssyncadd.s32 $0xFFFFC000  }
0x7b: {  	[tilespmem:s19], [sflag:$0x3] =	stream.indirect.gather [hbm4b:s4+s18], $0x80, s2, s18, $0xb8;
	[tilespmem:$0x1D000] =	vst v63  }
0x7c: {  	_ =	swait.ge [sflag:s23], $0x4000  }
0x7d: {  	s2 =	sor.u32 $0x880, s31;
	[sflag:s23] =	ssyncset.done $0x0  }
0x7e: {  	[sflag:s23] =	ssyncadd.s32 $0xFFFFC000  }
0x7f: {  	[spmem:s1] =	stream.indirect.scatter.add.f32 [tilespmem:s20], [sflag:$0x5], $0x80, s2, s18, $0xb8;
	[tilespmem:$0x1D000] =	vst v63  }
0x80: {  	_ =	swait.ge [sflag:s22], $0x4000  }
0x81: {  	s2 =	sor.u32 $0x180, s31;
	[sflag:s22] =	ssyncset.done $0x0  }
0x82: {  	[sflag:s22] =	ssyncadd.s32 $0xFFFFC000  }
0x83: {  	[tilespmem:s20], [sflag:$0x4] =	stream.indirect.gather [hbm4b:s4+s18], $0x80, s2, s18, $0xb8;
	[tilespmem:$0x1D000] =	vst v63  }
0x84: {  	_ =	swait.ge [sflag:s21], $0x4000  }
0x85: {  	s2 =	sor.u32 $0x900, s31;
	[sflag:s21] =	ssyncset.done $0x0  }
0x86: {  	[sflag:s21] =	ssyncadd.s32 $0xFFFFC000  }
0x87: {  	[spmem:s1] =	stream.indirect.scatter.add.f32 [tilespmem:s19], [sflag:$0x5], $0x80, s2, s18, $0xb8;
	[tilespmem:$0x1D000] =	vst v63  }
0x88: {  	_ =	swait.ge [sflag:s22], $0x4000  }
0x89: {  	s2 =	sor.u32 $0x200, s31;
	[sflag:s22] =	ssyncset.done $0x0  }
0x8a: {  	[sflag:s22] =	ssyncadd.s32 $0xFFFFC000  }
0x8b: {  	[tilespmem:s19], [sflag:$0x3] =	stream.indirect.gather [hbm4b:s4+s18], $0x80, s2, s18, $0xb8;
	[tilespmem:$0x1D000] =	vst v63  }
0x8c: {  	_ =	swait.ge [sflag:s23], $0x4000  }
0x8d: {  	s2 =	sor.u32 $0x980, s31;
	[sflag:s23] =	ssyncset.done $0x0  }
0x8e: {  	[sflag:s23] =	ssyncadd.s32 $0xFFFFC000  }
0x8f: {  	[spmem:s1] =	stream.indirect.scatter.add.f32 [tilespmem:s20], [sflag:$0x5], $0x80, s2, s18, $0xb8;
	[tilespmem:$0x1D000] =	vst v63  }
0x90: {  	_ =	swait.ge [sflag:s22], $0x4000  }
0x91: {  	s2 =	sor.u32 $0x280, s31;
	[sflag:s22] =	ssyncset.done $0x0  }
0x92: {  	[sflag:s22] =	ssyncadd.s32 $0xFFFFC000  }
0x93: {  	[tilespmem:s20], [sflag:$0x4] =	stream.indirect.gather [hbm4b:s4+s18], $0x80, s2, s18, $0xb8;
	[tilespmem:$0x1D000] =	vst v63  }
0x94: {  	_ =	swait.ge [sflag:s21], $0x4000  }
0x95: {  	s2 =	sor.u32 $0xA00, s31;
	[sflag:s21] =	ssyncset.done $0x0  }
0x96: {  	[sflag:s21] =	ssyncadd.s32 $0xFFFFC000  }
0x97: {  	[spmem:s1] =	stream.indirect.scatter.add.f32 [tilespmem:s19], [sflag:$0x5], $0x80, s2, s18, $0xb8;
	[tilespmem:$0x1D000] =	vst v63  }
0x98: {  	_ =	swait.ge [sflag:s22], $0x4000  }
0x99: {  	s2 =	sor.u32 $0x300, s31;
	[sflag:s22] =	ssyncset.done $0x0  }
0x9a: {  	[sflag:s22] =	ssyncadd.s32 $0xFFFFC000  }
0x9b: {  	[tilespmem:s19], [sflag:$0x3] =	stream.indirect.gather [hbm4b:s4+s18], $0x80, s2, s18, $0xb8;
	[tilespmem:$0x1D000] =	vst v63  }
0x9c: {  	_ =	swait.ge [sflag:s23], $0x4000  }
0x9d: {  	s2 =	sor.u32 $0xA80, s31;
	[sflag:s23] =	ssyncset.done $0x0  }
0x9e: {  	[sflag:s23] =	ssyncadd.s32 $0xFFFFC000  }
0x9f: {  	[spmem:s1] =	stream.indirect.scatter.add.f32 [tilespmem:s20], [sflag:$0x5], $0x80, s2, s18, $0xb8;
	[tilespmem:$0x1D000] =	vst v63  }
0xa0: {  	_ =	swait.ge [sflag:s22], $0x4000  }
0xa1: {  	s2 =	sor.u32 $0x380, s31;
	[sflag:s22] =	ssyncset.done $0x0  }
0xa2: {  	[sflag:s22] =	ssyncadd.s32 $0xFFFFC000  }
0xa3: {  	[tilespmem:s20], [sflag:$0x4] =	stream.indirect.gather [hbm4b:s4+s18], $0x80, s2, s18, $0xb8;
	[tilespmem:$0x1D000] =	vst v63  }
0xa4: {  	_ =	swait.ge [sflag:s21], $0x4000  }
0xa5: {  	s2 =	sor.u32 $0xB00, s31;
	[sflag:s21] =	ssyncset.done $0x0  }
0xa6: {  	[sflag:s21] =	ssyncadd.s32 $0xFFFFC000  }
0xa7: {  	[spmem:s1] =	stream.indirect.scatter.add.f32 [tilespmem:s19], [sflag:$0x5], $0x80, s2, s18, $0xb8;
	[tilespmem:$0x1D000] =	vst v63  }
0xa8: {  	_ =	swait.ge [sflag:s24], $0x400  }
0xa9: {  	[sflag:s24] =	ssyncset.done $0x0  }
0xaa: {  	[sflag:s24] =	ssyncadd.s32 $0xFFFFFC00  }
0xab: {  	_ =	swait.ge [sflag:s25], $0x400  }
0xac: {  	[sflag:s25] =	ssyncset.done $0x0  }
.Ltmp0:
0xad: {  	s29 =	sadd.s32 $0x400, s29;
	[sflag:s25] =	ssyncadd.s32 $0xFFFFFC00;
	(pc) =	sbr.rel @p0 .LBB2_2-.Ltmp0, $4  }
0xae: {  	s9 =	smov.u32 s29;
	p1 =	seq.s32 s29, $0x2800;
	_ =	swait.ge [sflag:s22], $0x4000  }
0xaf: {  	s9 =	simm.s32 @p1 $0x0;
	s2 =	sor.u32 $0xB80, s31;
	[sflag:s22] =	ssyncset.done $0x0  }
0xb0: {  	s17 =	sadd.s32 s7, s9;
	s31 =	sadd.s32 s8, s9;
	[sflag:s22] =	ssyncadd.s32 $0xFFFFC000  }
0xb1: {  	[tilespmem:s19], [sflag:$0x3] =	stream.indirect.gather [hbm4b:s4+s18], $0x80, s0, s18, $0xb8;
	[tilespmem:$0x1D000] =	vst v63  }
0xb2: {  	_ =	swait.ge [sflag:s23], $0x4000  }
0xb3: {  	s0 =	sand.u32 $0x1, s30;
	s9 =	sshrl.u32 s31, $0x3;
	[sflag:s23] =	ssyncset.done $0x0  }
0xb4: {  	p0 =	seq.s32 s30, $0x0;
	s0 =	sshll.u32 s0, $0xA;
	[sflag:s23] =	ssyncadd.s32 $0xFFFFC000  }
0xb5: {  	[spmem:s1] =	stream.indirect.scatter.add.f32 [tilespmem:s20], [sflag:$0x5], $0x80, s2, s18, $0xb8;
	[tilespmem:$0x1D000] =	vst v63  }
0xb6: {  	s30 =	sshrl.u32 s17, $0x3;
	s9 =	sadd.s32 s5, s9;
	s28 =	sxor.u32 $0x400, s0  }
0xb7: {  	[tilespmem:s28], [sflag:$0x1] =	stream.linear.gather [hbm4b:s9+s3], $0x400, $0x38;
	[tilespmem:$0x1D000] =	vst v63  }
0xb8: {  	s11 =	sxor.u32 $0xC00, s0;
	s2 =	sadd.s32 s6, s30;
	s9 =	simm.s32 @!p0 $0x5  }
0xb9: {  	[tilespmem:s11], [sflag:$0x2] =	stream.linear.gather [hbm4b:s2+s3], $0x400, $0x38;
	[tilespmem:$0x1D000] =	vst v63  }
0xba: {  	_ =	swait.ge @!p0 [sflag:s9], $0x4000  }
0xbb: {  	[sflag:s9] =	ssyncset.done @!p0 $0x0  }
0xbc: {  	s31 =	sor.u32 $0x80, s0;
	[sflag:s9] =	ssyncadd.s32 @!p0 $0xFFFFC000  }
0xbd: {  	[tilespmem:s20], [sflag:$0x4] =	stream.indirect.gather [hbm4b:s4+s18], $0x80, s31, s18, $0xb8;
	[tilespmem:$0x1D000] =	vst v63  }
0xbe: {  	_ =	swait.ge [sflag:s21], $0x4000  }
0xbf: {  	[sflag:s21] =	ssyncset.done $0x0  }
0xc0: {  	s11 =	sor.u32 $0x800, s0;
	[sflag:s21] =	ssyncadd.s32 $0xFFFFC000  }
0xc1: {  	[spmem:s1] =	stream.indirect.scatter.add.f32 [tilespmem:s19], [sflag:$0x5], $0x80, s11, s18, $0xb8;
	[tilespmem:$0x1D000] =	vst v63  }
0xc2: {  	_ =	swait.ge [sflag:s22], $0x4000  }
0xc3: {  	[sflag:s22] =	ssyncset.done $0x0  }
0xc4: {  	s12 =	sor.u32 $0x100, s0;
	[sflag:s22] =	ssyncadd.s32 $0xFFFFC000  }
0xc5: {  	[tilespmem:s19], [sflag:$0x3] =	stream.indirect.gather [hbm4b:s4+s18], $0x80, s12, s18, $0xb8;
	[tilespmem:$0x1D000] =	vst v63  }
0xc6: {  	_ =	swait.ge [sflag:s23], $0x4000  }
0xc7: {  	[sflag:s23] =	ssyncset.done $0x0  }
0xc8: {  	s17 =	sor.u32 $0x880, s0;
	[sflag:s23] =	ssyncadd.s32 $0xFFFFC000  }
0xc9: {  	[spmem:s1] =	stream.indirect.scatter.add.f32 [tilespmem:s20], [sflag:$0x5], $0x80, s17, s18, $0xb8;
	[tilespmem:$0x1D000] =	vst v63  }
0xca: {  	_ =	swait.ge [sflag:s22], $0x4000  }
0xcb: {  	[sflag:s22] =	ssyncset.done $0x0  }
0xcc: {  	s29 =	sor.u32 $0x180, s0;
	[sflag:s22] =	ssyncadd.s32 $0xFFFFC000  }
0xcd: {  	[tilespmem:s20], [sflag:$0x4] =	stream.indirect.gather [hbm4b:s4+s18], $0x80, s29, s18, $0xb8;
	[tilespmem:$0x1D000] =	vst v63  }
0xce: {  	_ =	swait.ge [sflag:s21], $0x4000  }
0xcf: {  	[sflag:s21] =	ssyncset.done $0x0  }
0xd0: {  	s30 =	sor.u32 $0x900, s0;
	[sflag:s21] =	ssyncadd.s32 $0xFFFFC000  }
0xd1: {  	[spmem:s1] =	stream.indirect.scatter.add.f32 [tilespmem:s19], [sflag:$0x5], $0x80, s30, s18, $0xb8;
	[tilespmem:$0x1D000] =	vst v63  }
0xd2: {  	_ =	swait.ge [sflag:s22], $0x4000  }
0xd3: {  	[sflag:s22] =	ssyncset.done $0x0  }
0xd4: {  	s31 =	sor.u32 $0x200, s0;
	[sflag:s22] =	ssyncadd.s32 $0xFFFFC000  }
0xd5: {  	[tilespmem:s19], [sflag:$0x3] =	stream.indirect.gather [hbm4b:s4+s18], $0x80, s31, s18, $0xb8;
	[tilespmem:$0x1D000] =	vst v63  }
0xd6: {  	_ =	swait.ge [sflag:s23], $0x4000  }
0xd7: {  	[sflag:s23] =	ssyncset.done $0x0  }
0xd8: {  	s9 =	sor.u32 $0x980, s0;
	[sflag:s23] =	ssyncadd.s32 $0xFFFFC000  }
0xd9: {  	[spmem:s1] =	stream.indirect.scatter.add.f32 [tilespmem:s20], [sflag:$0x5], $0x80, s9, s18, $0xb8;
	[tilespmem:$0x1D000] =	vst v63  }
0xda: {  	_ =	swait.ge [sflag:s22], $0x4000  }
0xdb: {  	[sflag:s22] =	ssyncset.done $0x0  }
0xdc: {  	s11 =	sor.u32 $0x280, s0;
	[sflag:s22] =	ssyncadd.s32 $0xFFFFC000  }
0xdd: {  	[tilespmem:s20], [sflag:$0x4] =	stream.indirect.gather [hbm4b:s4+s18], $0x80, s11, s18, $0xb8;
	[tilespmem:$0x1D000] =	vst v63  }
0xde: {  	_ =	swait.ge [sflag:s21], $0x4000  }
0xdf: {  	[sflag:s21] =	ssyncset.done $0x0  }
0xe0: {  	s12 =	sor.u32 $0xA00, s0;
	[sflag:s21] =	ssyncadd.s32 $0xFFFFC000  }
0xe1: {  	[spmem:s1] =	stream.indirect.scatter.add.f32 [tilespmem:s19], [sflag:$0x5], $0x80, s12, s18, $0xb8;
	[tilespmem:$0x1D000] =	vst v63  }
0xe2: {  	_ =	swait.ge [sflag:s22], $0x4000  }
0xe3: {  	[sflag:s22] =	ssyncset.done $0x0  }
0xe4: {  	s17 =	sor.u32 $0x300, s0;
	[sflag:s22] =	ssyncadd.s32 $0xFFFFC000  }
0xe5: {  	[tilespmem:s19], [sflag:$0x3] =	stream.indirect.gather [hbm4b:s4+s18], $0x80, s17, s18, $0xb8;
	[tilespmem:$0x1D000] =	vst v63  }
0xe6: {  	_ =	swait.ge [sflag:s23], $0x4000  }
0xe7: {  	[sflag:s23] =	ssyncset.done $0x0  }
0xe8: {  	s29 =	sor.u32 $0xA80, s0;
	[sflag:s23] =	ssyncadd.s32 $0xFFFFC000  }
0xe9: {  	[spmem:s1] =	stream.indirect.scatter.add.f32 [tilespmem:s20], [sflag:$0x5], $0x80, s29, s18, $0xb8;
	[tilespmem:$0x1D000] =	vst v63  }
0xea: {  	_ =	swait.ge [sflag:s22], $0x4000  }
0xeb: {  	[sflag:s22] =	ssyncset.done $0x0  }
0xec: {  	s30 =	sor.u32 $0x380, s0;
	[sflag:s22] =	ssyncadd.s32 $0xFFFFC000  }
0xed: {  	[tilespmem:s20], [sflag:$0x4] =	stream.indirect.gather [hbm4b:s4+s18], $0x80, s30, s18, $0xb8;
	[tilespmem:$0x1D000] =	vst v63  }
0xee: {  	_ =	swait.ge [sflag:s21], $0x4000  }
0xef: {  	[sflag:s21] =	ssyncset.done $0x0  }
0xf0: {  	s31 =	sor.u32 $0xB00, s0;
	[sflag:s21] =	ssyncadd.s32 $0xFFFFC000  }
0xf1: {  	[spmem:s1] =	stream.indirect.scatter.add.f32 [tilespmem:s19], [sflag:$0x5], $0x80, s31, s18, $0xb8;
	[tilespmem:$0x1D000] =	vst v63  }
0xf2: {  	_ =	swait.ge [sflag:s24], $0x400  }
0xf3: {  	[sflag:s24] =	ssyncset.done $0x0  }
0xf4: {  	[sflag:s24] =	ssyncadd.s32 $0xFFFFFC00  }
0xf5: {  	_ =	swait.ge [sflag:s25], $0x400  }
0xf6: {  	[sflag:s25] =	ssyncset.done $0x0  }
0xf7: {  	[sflag:s25] =	ssyncadd.s32 $0xFFFFFC00  }
0xf8: {  	_ =	swait.ge [sflag:s22], $0x4000  }
0xf9: {  	[sflag:s22] =	ssyncset.done $0x0  }
0xfa: {  	[sflag:s22] =	ssyncadd.s32 $0xFFFFC000  }
0xfb: {  	[tilespmem:s19], [sflag:$0x3] =	stream.indirect.gather [hbm4b:s4+s18], $0x80, s28, s18, $0xb8;
	[tilespmem:$0x1D000] =	vst v63  }
0xfc: {  	_ =	swait.ge [sflag:s23], $0x4000  }
0xfd: {  	[sflag:s23] =	ssyncset.done $0x0  }
0xfe: {  	s0 =	sor.u32 $0xB80, s0;
	[sflag:s23] =	ssyncadd.s32 $0xFFFFC000  }
0xff: {  	[spmem:s1] =	stream.indirect.scatter.add.f32 [tilespmem:s20], [sflag:$0x5], $0x80, s0, s18, $0xb8;
	[tilespmem:$0x1D000] =	vst v63  }
0x100: {  	_ =	swait.ge [sflag:s22], $0x4000  }
0x101: {  	[sflag:s22] =	ssyncset.done $0x0  }
0x102: {  	[sflag:s22] =	ssyncadd.s32 $0xFFFFC000  }
0x103: {  	_ =	swait.ge [sflag:s21], $0x4000  }
0x104: {  	s26 =	sadd.s32 $0x1, s26;
	[sflag:s21] =	ssyncset.done $0x0  }
0x105: {  	p0 =	sne.s32 s26, s14;
	[sflag:s21] =	ssyncadd.s32 $0xFFFFC000  }
.Ltmp1:
0x106: {  	[bflag:$0x0] =	sbarrier.arrive $0xFFFF;
	(pc) =	sbr.rel @p0 .LBB2_1-.Ltmp1, $4  }
0x107: {  	[hbm:s13], [sflag:s10] =	dma.local [spmem:s15], $0x2800  }
0x108: {  	_ =	swait.ge [sflag:s16], $0x2800  }
0x109: {  	[sflag:s16] =	ssyncset.done $0x0  }
0x10a: {  	[sflag:s16] =	ssyncadd.s32 $0xFFFFD800  }
0x10b: {  	_ =	sfence.sel $0x180000  }
0x10c: {  	[bflag:$0x0] =	sbarrier.arrive $0xFFFF  }
0x10d: {  	_ =	strace $0x9000004A  }
0x10e: {  	s0 =	stileid.u32;
	[bflag:$0x2] =	sbarrier.arrive $0xFFFF  }
0x10f: {  	p0 =	sne.s32 s0, $0x0;
	s0 =	rddreg [dreg:$0x2]  }
0x110: {  	s0 =	sadd.s32 @!p0 $0x100000, s0  }
0x111: {  	[sflag:s0] =	ssyncadd.tile.s32 @!p0 $0x1;
	_ =	shalt  }
.Lfunc_end2:
_tile_overlayer_lowered:
.L_overlay_start_2:
0x112: {  	(tag) =	ssettag $0x2  }
0x113: {  	s0 =	rddreg [dreg:$0x0];
	s2 =	stileid.u32  }
0x114: {  	s1 =	rddreg [dreg:$0x1];
	p0 =	sne.s32 s2, $0x0  }
0x115: {  	s3 =	rddreg [dreg:$0x2];
	[bflag:$0x3] =	sbarrier.arrive $0xFFFF;
	s2 =	simm.s32 @!p0 $0x1C06  }
0x116: {  	[timem:s3], [sflag:s2] =	dma.local @!p0 [hbm:s0], s1  }
0x117: {  	s0 =	simm.s32 @!p0 $0x6  }
0x118: {  	_ =	swait.ge @!p0 [sflag:s0], s1  }
0x119: {  	s1 =	ssub.s32 @!p0 $0x0, s1;
	[sflag:s0] =	ssyncset.done @!p0 $0x0  }
0x11a: {  	[sflag:s0] =	ssyncadd.s32 @!p0 s1  }
0x11b: {  	[bflag:$0x3] =	sbarrier.arrive $0xFFFF  }
0x11c: {  	_ =	shalt  }

// kernel: kernel.14.cloned.1.call-start
scs
__scs_entry_jumppad:
0x0: {  	(pc) =	sbr.rel $0x88, $3  }
0x1: {  	(tag) =	ssettag $0x0;
	lr =	simm.s32 $0x1  }
0x2: {  	[smem:$0x3F8C] =	sst lr;
	_ =	strace $0xD0000000  }
0x3: {  	_ = 	snop  }
0x4: {  	_ = 	snop  }
0x5: {  	_ = 	snop  }
0x6: {  	_ = 	snop  }
0x7: {  	_ = 	snop  }
__scs_overlays_trampoline_lowered:
0x8: {  	[smem:$0x3F9B] =	sst s0  }
0x9: {  	[smem:$0x3F9C] =	sst s1  }
0xa: {  	[smem:$0x3F9D] =	sst s2  }
0xb: {  	[smem:$0x3F9E] =	sst s3  }
0xc: {  	[smem:$0x3F9F] =	sst s4  }
0xd: {  	[smem:$0x3FA0] =	sst s5  }
0xe: {  	[smem:$0x3FA1] =	sst s6  }
0xf: {  	[smem:$0x3FA2] =	sst s7  }
0x10: {  	[smem:$0x3FA3] =	sst s8  }
0x11: {  	[smem:$0x3FA4] =	sst s9;
	s0 =	simm.s32 @!p0 $0x0  }
0x12: {  	s1 =	sld [smem:$0x3F8A];
	s0 =	simm.s32 @p0 $0x1  }
0x13: {  	[smem:$0x3FA5] =	sst s0;
	s0 =	simm.s32 @!p1 $0x0  }
0x14: {  	s2 =	sld [smem:$0x3F89];
	s0 =	simm.s32 @p1 $0x1  }
0x15: {  	[smem:$0x3FA6] =	sst s0;
	s0 =	simm.s32 @!p2 $0x0  }
0x16: {  	s3 =	sld [smem:$0x3FDB];
	s0 =	simm.s32 @p2 $0x1  }
0x17: {  	s4 =	simm.s32 $0x1BF5;
	[smem:$0x3FA8] =	sst s0  }
0x18: {  	s0 =	sld [smem:$0x3F8B];
	_ =	swait.ge [sflag:s4], $0x0  }
0x19: {  	s7 =	sld [smem:$0x3F8C]  }
0x1a: {  	s8 =	sadd.s32 $0xFFFFE003, lr  }
0x1b: {  	s9 =	sadd.s32 $0xFFFFFEF7, lr;
	s5 =	simm.s32 $0xFFFFFFFF;
	p2 =	slt.u32 s8, $0xFFFFF086  }
0x1c: {  	p1 =	slt.u32 s9, $0xF7A;
	s5 =	simm.s32 @!p2 $0x0  }
0x1d: {  	s5 =	simm.s32 @p1 $0x1;
	p0 =	seq.s32 s7, s2  }
0x1e: {  	s7 =	smul.u32 @!p0 $0xF7A, s2;
	p2 =	seq.s32 @!p0 s5, $0x0  }
0x1f: {  	s9 =	smul.u32 $0xF7A, s1;
	s8 =	simm.s32 @!p0 $0x1BF5;
	p2 =	por !p2, p0  }
0x20: {  	[sflag:s8] =	ssyncset.s32 @!p0 $0xFFFFF086;
	s6 =	sadd.s32 @!p0 s3, s7;
	s7 =	simm.s32 @!p0 $0x108  }
0x21: {  	s3 =	sadd.s32 s3, s9;
	s6 =	sadd.s32 @!p0 $0x88, s6;
	s7 =	simm.s32 @p2 $0x1082  }
0x22: {  	[simem:s7], [sflag:s8] =	dma.local @!p0 [hbm:s6], $0xF7A  }
0x23: {  	s9 =	sor.u32 $0xD0000000, s2;
	s6 =	simm.s32 $0x108;
	_ =	swait.ge @!p0 [sflag:s8], $0x0  }
0x24: {  	s3 =	sadd.s32 $0x88, s3;
	s6 =	simm.s32 @!p1 $0x1082;
	[sflag:s4] =	ssyncset.s32 $0xFFFFF086  }
0x25: {  	[simem:s6], [sflag:s4] =	dma.local [hbm:s3], $0xF7A  }
0x26: {  	[smem:$0x3F8C] =	sst s1;
	(tag) =	ssettag s2;
	_ =	strace s9  }
0x27: {  	s1 =	sld [smem:$0x3F9C]  }
0x28: {  	s2 =	sld [smem:$0x3F9D]  }
0x29: {  	s4 =	sld [smem:$0x3F9F]  }
0x2a: {  	p0 =	seq.s32 s5, $0x0;
	s5 =	sld [smem:$0x3FA0]  }
0x2b: {  	s6 =	sld [smem:$0x3FA1]  }
0x2c: {  	s7 =	sld [smem:$0x3FA2]  }
0x2d: {  	s3 =	simm.s32 $0x108;
	s8 =	sld [smem:$0x3FA3]  }
0x2e: {  	s3 =	simm.s32 @!p0 $0x1082;
	s9 =	sld [smem:$0x3FA4]  }
0x2f: {  	lr =	sadd.s32 s0, s3;
	s0 =	sld [smem:$0x3F9B]  }
0x30: {  	s3 =	sld [smem:$0x3F9E]  }
0x31: {  	[smem:$0x3FA7] =	sst s10  }
0x32: {  	s10 =	sld [smem:$0x3FA5];
	_ =	sdelay $0x3  }
0x33: {  	p0 =	seq.s32 s10, $0x1;
	s10 =	sld [smem:$0x3FA7];
	_ =	sdelay $0x3  }
0x34: {  	[smem:$0x3FA7] =	sst s10  }
0x35: {  	s10 =	sld [smem:$0x3FA6];
	_ =	sdelay $0x3  }
0x36: {  	p1 =	seq.s32 s10, $0x1;
	s10 =	sld [smem:$0x3FA7];
	_ =	sdelay $0x3  }
0x37: {  	[smem:$0x3FA7] =	sst s10  }
0x38: {  	s10 =	sld [smem:$0x3FA8]  }
0x39: {  	_ = 	snop;
	(pc) =	sbr.ind lr, $3  }
0x3a: {  	_ = 	snop  }
0x3b: {  	_ = 	snop  }
0x3c: {  	p2 =	seq.s32 s10, $0x1;
	s10 =	sld [smem:$0x3FA7]  }
0x3d: {  	_ =	shalt  }
0x3e: {  	_ =	shalt  }
0x3f: {  	_ =	shalt  }
0x40: {  	_ =	shalt  }
0x41: {  	_ =	shalt  }
0x42: {  	_ =	shalt  }
0x43: {  	_ =	shalt  }
0x44: {  	_ =	shalt  }
0x45: {  	_ =	shalt  }
0x46: {  	_ =	shalt  }
0x47: {  	_ =	shalt  }
0x48: {  	_ =	shalt  }
0x49: {  	_ =	shalt  }
0x4a: {  	_ =	shalt  }
0x4b: {  	_ =	shalt  }
0x4c: {  	_ =	shalt  }
0x4d: {  	_ =	shalt  }
0x4e: {  	_ =	shalt  }
0x4f: {  	_ =	shalt  }
0x50: {  	_ =	shalt  }
0x51: {  	_ =	shalt  }
0x52: {  	_ =	shalt  }
0x53: {  	_ =	shalt  }
0x54: {  	_ =	shalt  }
0x55: {  	_ =	shalt  }
0x56: {  	_ =	shalt  }
0x57: {  	_ =	shalt  }
0x58: {  	_ =	shalt  }
0x59: {  	_ =	shalt  }
0x5a: {  	_ =	shalt  }
0x5b: {  	_ =	shalt  }
0x5c: {  	_ =	shalt  }
0x5d: {  	_ =	shalt  }
0x5e: {  	_ =	shalt  }
0x5f: {  	_ =	shalt  }
0x60: {  	_ =	shalt  }
0x61: {  	_ =	shalt  }
0x62: {  	_ =	shalt  }
0x63: {  	_ =	shalt  }
0x64: {  	_ =	shalt  }
0x65: {  	_ =	shalt  }
0x66: {  	_ =	shalt  }
0x67: {  	_ =	shalt  }
0x68: {  	_ =	shalt  }
0x69: {  	_ =	shalt  }
0x6a: {  	_ =	shalt  }
0x6b: {  	_ =	shalt  }
0x6c: {  	_ =	shalt  }
0x6d: {  	_ =	shalt  }
0x6e: {  	_ =	shalt  }
0x6f: {  	_ =	shalt  }
0x70: {  	_ =	shalt  }
0x71: {  	_ =	shalt  }
0x72: {  	_ =	shalt  }
0x73: {  	_ =	shalt  }
0x74: {  	_ =	shalt  }
0x75: {  	_ =	shalt  }
0x76: {  	_ =	shalt  }
0x77: {  	_ =	shalt  }
0x78: {  	_ =	shalt  }
0x79: {  	_ =	shalt  }
0x7a: {  	_ =	shalt  }
0x7b: {  	_ =	shalt  }
0x7c: {  	_ =	shalt  }
0x7d: {  	_ =	shalt  }
0x7e: {  	_ =	shalt  }
0x7f: {  	_ =	shalt  }
0x80: {  	_ =	shalt  }
0x81: {  	_ =	shalt  }
0x82: {  	_ =	shalt  }
0x83: {  	_ =	shalt  }
0x84: {  	_ =	shalt  }
0x85: {  	_ =	shalt  }
0x86: {  	_ =	shalt  }
0x87: {  	_ =	shalt  }
.Lfunc_end0:
.L_simem_size_0:
called_computation.2_lowered:
.L_overlay_start_0:
0x88: {  	s2 =	sld [smem:$0x3FD9]  }
0x89: {  	s3 =	sld [smem:$0x3FFE];
	_ =	sdelay $0x1  }
0x8a: {  	s1 =	srdreg.scid  }
0x8b: {  	s0 =	sand.u32 $0x1, s1  }
0x8c: {  	s16 =	sshll.u32 s0, $0xA;
	s2 =	sadd.s32 s3, s2  }
0x8d: {  	s2 =	sadd.s32 s2, s16  }
0x8e: {  	[smem:$0x3FB3] =	sst s2  }
0x8f: {  	_ = 	snop  }
0x90: {  	(tm) =	ssettm $0x1  }
0x91: {  	s17 =	sld [smem:$0x3FFB];
	_ =	sdelay $0x3  }
0x92: {  	_ =	strace s17  }
0x93: {  	s2 =	sld [smem:$0x3FFC];
	_ =	sdelay $0x3  }
0x94: {  	_ =	strace s2  }
0x95: {  	s2 =	sld [smem:$0x3FFD];
	_ =	sdelay $0x3  }
0x96: {  	_ =	strace s2  }
0x97: {  	_ =	strace $0x8FFFFFFF  }
0x98: {  	s18 =	sld [smem:$0x3FDB];
	_ =	sdelay $0x1  }
0x99: {  	s19 =	simm.s32 $_scs_section_size  }
0x9a: {  	s4 =	simm.s32 $_size__tile_overlayer_lowered;
	s5 =	simm.s32 $_tile_overlayer_lowered  }
0x9b: {  	s22 =	simm.s32 $0x1BFF;
	s21 =	sshll.u32 s5, $0x1;
	s2 =	sadd.s32 s19, s18  }
0x9c: {  	s6 =	simm.s32 $0x0;
	s20 =	sshll.u32 s4, $0x1;
	s4 =	sadd.s32 s21, s2  }
0x9d: {  	[timem:s6], [sflag:s22] =	dma.local [hbm:s4], s20  }
0x9e: {  	_ =	swait.ge [sflag:s22], s20  }
0x9f: {  	s3 =	ssub.s32 $0x0, s20;
	[sflag:s22] =	ssyncset.done $0x0  }
0xa0: {  	[sflag:s22] =	ssyncadd.s32 s3;
	_ =	sdelay $0x1  }
0xa1: {  	s23 =	simm.s32 $0x1B8B  }
0xa2: {  	_ =	swait.ge [sflag:s23], $0x1  }
0xa3: {  	[sflag:s23] =	ssyncset.done $0x0  }
0xa4: {  	s25 =	simm.s32 $0x1B8E;
	s24 =	sld [smem:$0x3FFE];
	[sflag:s23] =	ssyncadd.s32 $0xFFFFFFFF  }
0xa5: {  	s26 =	simm.s32 $execute0_lowered;
	[smem:$0x3FD2] =	sst s25  }
0xa6: {  	s4 =	sshll.u32 s26, $0x1;
	_ =	strace $0x8000004C;
	[dreg:$0x1] =	wrdreg $0xFFFFFFFF  }
0xa7: {  	s28 =	simm.s32 $_size_execute0_lowered;
	s2 =	sadd.s32 s2, s4;
	[dreg:$0x0] =	wrdreg $0x0  }
0xa8: {  	s4 =	sshll.u32 s28, $0x1;
	[dreg:$0x2] =	wrdreg s2  }
0xa9: {  	[dreg:$0x3] =	wrdreg s4  }
0xaa: {  	[dreg:$0x4] =	wrdreg $0xC0  }
0xab: {  	_ =	task [dreg:s6], $0x5FFFF  }
0xac: {  	[dreg:$0x1] =	wrdreg $0xFFFFFFFF  }
0xad: {  	[dreg:$0x0] =	wrdreg $0x60  }
0xae: {  	[dreg:$0x2] =	wrdreg s24  }
0xaf: {  	[dreg:$0x3] =	wrdreg $0x92000  }
0xb0: {  	[dreg:$0x4] =	wrdreg $0x9  }
0xb1: {  	_ =	task.clear_ibuf [dreg:s6], $0x5FFFF;
	_ =	strace $0x9000004C  }
0xb2: {  	s29 =	simm.s32 $0x9;
	_ =	strace $0x8000004E  }
0xb3: {  	_ =	swait.ge [sflag:s29], $0x1  }
0xb4: {  	[sflag:s29] =	ssyncadd.s32 $0xFFFFFFFF  }
0xb5: {  	_ =	strace $0x9000004E  }
0xb6: {  	_ =	sfence  }
0xb7: {  	s30 =	sld [smem:$0x0];
	_ =	sdelay $0x2  }
0xb8: {  	s31 =	sshll.u32 s1, $0xD;
	s1 =	sshrl.u32 s1, $0x2  }
0xb9: {  	s3 =	sand.u32 $0x4000, s31;
	s1 =	sadd.s32 s1, s30  }
0xba: {  	s0 =	sor.u32 s3, s0;
	s1 =	sshll.u32 s1, $0x11  }
0xbb: {  	s0 =	sor.u32 s1, s0  }
0xbc: {  	s0 =	sadd.s32 $0x8F2B, s0  }
0xbd: {  	[sflag:s0] =	ssyncadd.remote.s32 $0x1  }
0xbe: {  	_ =	sfence.sel $0xFFFF  }
0xbf: {  	[dreg:$0x0] =	wrdreg $0xFFFFFFFF;
	(pc) =	sbr.abs _section_cstart, $3  }
0xc0: {  	[dreg:$0x1] =	wrdreg $0xFFFFFFFF  }
0xc1: {  	_ =	task.clear_ibuf [dreg:s6], $0x2FFFF;
	_ =	strace $0x9FFFFFFF  }
0xc2: {  	(tm) =	ssettm $0x7FFFFFFF  }
0xc3: {  	_ =	shalt  }
tec
execute0_lowered:
.L_overlay_start_1:
0x0: {  	(tag) =	ssettag $0x1  }
0x1: {  	s0 =	rddreg [dreg:$0x0]  }
0x2: {  	s1 =	rddreg [dreg:$0x1];
	s3 =	simm.s32 $0x0;
	s16 =	stileid.u32  }
0x3: {  	s2 =	srdreg.scid;
	s28 =	simm.s32 $0x80;
	s29 =	simm.s32 $0x1200  }
0x4: {  	s30 =	simm.s32 $0x5200;
	s31 =	simm.s32 $0x3;
	[smem:$0x7FF] =	sst s3  }
0x5: {  	s4 =	sadd.s32 $0x14000, s0;
	s2 =	sand.u32 $0x1, s2;
	s8 =	smul.u32 $0x50000, s16  }
0x6: {  	s5 =	sadd.s32 $0xA000, s0;
	s9 =	sshll.u32 s16, $0x6;
	s6 =	sadd.s32 $0x3E00, s0  }
0x7: {  	s7 =	smul.u32 $0x2800, s16;
	s12 =	sadd.s32 $0x64000, s0;
	s16 =	sshll.u32 s16, $0xC  }
0x8: {  	_ =	strace $0x8000004D;
	s10 =	smul.u32 $0x28000, s2;
	s11 =	sadd.s32 s9, s0  }
0x9: {  	s0 =	sadd.s32 $0x84000, s0;
	s13 =	ssub.s32 $0x2, s2;
	s9 =	sor.u32 $0x1C06, s9  }
0xa: {  	s2 =	sshll.u32 s2, $0x10;
	s14 =	sshrl.u32 s13, $0x1;
	s15 =	sshrl.u32 s8, $0x2  }
0xb: {  	[dreg:$0x4] =	wrdreg s9;
	s17 =	sadd.s32 $0x9800, s11;
	s2 =	sor.u32 s16, s2  }
0xc: {  	s11 =	sadd.s32 $0x9C00, s11;
	s8 =	sadd.s32 s7, s10;
	s10 =	ssub.s32 s13, s14  }
0xd: {  	s13 =	sadd.s32 s15, s1;
	s15 =	sshrl.u32 s7, $0x3;
	[dreg:$0x7] =	wrdreg s17  }
0xe: {  	s18 =	sadd.s32 s12, s2;
	s19 =	sor.u32 $0x400, s2;
	[dreg:$0xc] =	wrdreg s11  }
0xf: {  	s22 =	sor.u32 $0xC00, s2;
	s26 =	sadd.s32 s4, s8;
	[dreg:$0x8] =	wrdreg s18  }
0x10: {  	s11 =	simm.s32 $0x40;
	s9 =	sadd.s32 s6, s15;
	[dreg:$0x3] =	wrdreg s26  }
0x11: {  	s25 =	sshrl.u32 s8, $0x3;
	s20 =	sadd.s32 s12, s19;
	[dreg:$0x6] =	wrdreg s9  }
0x12: {  	s23 =	sadd.s32 s0, s19;
	s15 =	simm.s32 $0x0;
	[dreg:$0x9] =	wrdreg s20  }
0x13: {  	s14 =	sadd.s32 s5, s25;
	[dreg:$0xe] =	wrdreg s23;
	s25 =	smax.u32 s10, $0x1  }
0x14: {  	s26 =	sshrl.u32 s13, $0x3;
	s9 =	simm.s32 $0x2;
	[dreg:$0x5] =	wrdreg s14  }
0x15: {  	s10 =	simm.s32 $0x1000;
	s13 =	simm.s32 $0x1100;
	[dreg:$0x11] =	wrdreg s25  }
0x16: {  	s14 =	sor.u32 $0x800, s2;
	s2 =	sadd.s32 s0, s2;
	[dreg:$0x12] =	wrdreg s26  }
0x17: {  	s25 =	simm.s32 $0x6;
	s21 =	sadd.s32 s12, s14;
	[dreg:$0xd] =	wrdreg s2  }
0x18: {  	s26 =	simm.s32 $0x1;
	s12 =	sadd.s32 s12, s22;
	[dreg:$0xa] =	wrdreg s21  }
0x19: {  	s24 =	sadd.s32 s0, s14;
	s0 =	sadd.s32 s0, s22;
	[dreg:$0xb] =	wrdreg s12  }
0x1a: {  	s2 =	simm.s32 $0x4;
	s14 =	simm.s32 $0x1180;
	[dreg:$0xf] =	wrdreg s24  }
0x1b: {  	[dreg:$0x10] =	wrdreg s0;
	s0 =	simm.s32 $0x5;
	s12 =	simm.s32 $0x1080  }
.LBB2_1:
0x1c: {  	s16 =	rddreg [dreg:$0x3]  }
0x1d: {  	s17 =	rddreg [dreg:$0x4]  }
0x1e: {  	s18 =	rddreg [dreg:$0x12]  }
0x1f: {  	[spmem:s18], [sflag:s17] =	dma.local [hbm:s16], $0x2800  }
0x20: {  	_ =	swait.ge [sflag:s25], $0x2800  }
0x21: {  	[sflag:s25] =	ssyncset.done $0x0  }
0x22: {  	s17 =	rddreg [dreg:$0x5];
	[sflag:s25] =	ssyncadd.s32 $0xFFFFD800  }
0x23: {  	[tilespmem:s3], [sflag:$0x6] =	stream.linear.gather [hbm4b:s17+s3], $0x400, $0x38;
	[tilespmem:$0x1D200] =	vst v63  }
0x24: {  	s19 =	simm.s32 $0x800;
	p0 =	por $0x0, $0x0;
	_ =	swait.ge [sflag:s25], $0x400  }
0x25: {  	s21 =	sand.u32 $0x1, s3;
	s16 =	simm.s32 $0x400;
	[sflag:s25] =	ssyncset.done $0x0  }
0x26: {  	s16 =	simm.s32 @p0 $0x0;
	s18 =	rddreg [dreg:$0x6];
	[sflag:s25] =	ssyncadd.s32 $0xFFFFFC00  }
0x27: {  	[tilespmem:s19], [sflag:$0x6] =	stream.linear.gather [hbm4b:s18+s3], $0x400, $0x38;
	[tilespmem:$0x1D200] =	vst v63  }
0x28: {  	s20 =	sadd.s32 s8, s16;
	s16 =	sadd.s32 s7, s16;
	_ =	swait.ge [sflag:s25], $0x400  }
0x29: {  	p0 =	por $0x1, $0x1;
	s22 =	sshrl.u32 s16, $0x3;
	[sflag:s25] =	ssyncset.done $0x0  }
0x2a: {  	s17 =	sshrl.u32 s20, $0x3;
	s19 =	sshll.u32 s21, $0xA;
	[sflag:s25] =	ssyncadd.s32 $0xFFFFFC00  }
0x2b: {  	[tilespmem:s29], [sflag:$0x3] =	stream.indirect.gather [hbm4b:s4+s28], $0x80, s3, s28, $0xb8;
	[tilespmem:$0x1D200] =	vst v63  }
0x2c: {  	s17 =	sadd.s32 s5, s17;
	s16 =	sxor.u32 $0x400, s19;
	[bflag:$0x0] =	sbarrier.arrive $0xFFFF  }
0x2d: {  	[tilespmem:s16], [sflag:$0x1] =	stream.linear.gather [hbm4b:s17+s3], $0x400, $0x38;
	[tilespmem:$0x1D200] =	vst v63  }
0x2e: {  	s18 =	sadd.s32 s6, s22;
	s20 =	sxor.u32 $0xC00, s19;
	s17 =	simm.s32 @!p0 $0x5  }
0x2f: {  	[tilespmem:s20], [sflag:$0x2] =	stream.linear.gather [hbm4b:s18+s3], $0x400, $0x38;
	[tilespmem:$0x1D200] =	vst v63  }
0x30: {  	_ =	swait.ge @!p0 [sflag:s17], $0x4000  }
0x31: {  	[sflag:s17] =	ssyncset.done @!p0 $0x0  }
0x32: {  	s23 =	sor.u32 $0x80, s19;
	[sflag:s17] =	ssyncadd.s32 @!p0 $0xFFFFC000  }
0x33: {  	[tilespmem:s30], [sflag:$0x4] =	stream.indirect.gather [hbm4b:s4+s28], $0x80, s23, s28, $0xb8;
	[tilespmem:$0x1D200] =	vst v63  }
0x34: {  	_ =	swait.ge [sflag:s31], $0x4000  }
0x35: {  	[sflag:s31] =	ssyncset.done $0x0  }
0x36: {  	s24 =	sor.u32 $0x800, s19;
	[sflag:s31] =	ssyncadd.s32 $0xFFFFC000  }
0x37: {  	[spmem:s1] =	stream.indirect.scatter.add.f32 [tilespmem:s29], [sflag:$0x5], $0x80, s24, s28, $0xb8;
	[tilespmem:$0x1D200] =	vst v63  }
0x38: {  	_ =	swait.ge [sflag:s0], $0x4000  }
0x39: {  	[sflag:s0] =	ssyncset.done $0x0  }
0x3a: {  	s18 =	sor.u32 $0x100, s19;
	[sflag:s0] =	ssyncadd.s32 $0xFFFFC000  }
0x3b: {  	[tilespmem:s29], [sflag:$0x3] =	stream.indirect.gather [hbm4b:s4+s28], $0x80, s18, s28, $0xb8;
	[tilespmem:$0x1D200] =	vst v63  }
0x3c: {  	_ =	swait.ge [sflag:s2], $0x4000  }
0x3d: {  	[sflag:s2] =	ssyncset.done $0x0  }
0x3e: {  	s20 =	sor.u32 $0x880, s19;
	[sflag:s2] =	ssyncadd.s32 $0xFFFFC000  }
0x3f: {  	[spmem:s1] =	stream.indirect.scatter.add.f32 [tilespmem:s30], [sflag:$0x5], $0x80, s20, s28, $0xb8;
	[tilespmem:$0x1D200] =	vst v63  }
0x40: {  	_ =	swait.ge [sflag:s0], $0x4000  }
0x41: {  	[sflag:s0] =	ssyncset.done $0x0  }
0x42: {  	s21 =	sor.u32 $0x180, s19;
	[sflag:s0] =	ssyncadd.s32 $0xFFFFC000  }
0x43: {  	[tilespmem:s30], [sflag:$0x4] =	stream.indirect.gather [hbm4b:s4+s28], $0x80, s21, s28, $0xb8;
	[tilespmem:$0x1D200] =	vst v63  }
0x44: {  	_ =	swait.ge [sflag:s31], $0x4000  }
0x45: {  	[sflag:s31] =	ssyncset.done $0x0  }
0x46: {  	s22 =	sor.u32 $0x900, s19;
	[sflag:s31] =	ssyncadd.s32 $0xFFFFC000  }
0x47: {  	[spmem:s1] =	stream.indirect.scatter.add.f32 [tilespmem:s29], [sflag:$0x5], $0x80, s22, s28, $0xb8;
	[tilespmem:$0x1D200] =	vst v63  }
0x48: {  	_ =	swait.ge [sflag:s0], $0x4000  }
0x49: {  	[sflag:s0] =	ssyncset.done $0x0  }
0x4a: {  	s23 =	sor.u32 $0x200, s19;
	[sflag:s0] =	ssyncadd.s32 $0xFFFFC000  }
0x4b: {  	[tilespmem:s29], [sflag:$0x3] =	stream.indirect.gather [hbm4b:s4+s28], $0x80, s23, s28, $0xb8;
	[tilespmem:$0x1D200] =	vst v63  }
0x4c: {  	_ =	swait.ge [sflag:s2], $0x4000  }
0x4d: {  	[sflag:s2] =	ssyncset.done $0x0  }
0x4e: {  	s24 =	sor.u32 $0x980, s19;
	[sflag:s2] =	ssyncadd.s32 $0xFFFFC000  }
0x4f: {  	[spmem:s1] =	stream.indirect.scatter.add.f32 [tilespmem:s30], [sflag:$0x5], $0x80, s24, s28, $0xb8;
	[tilespmem:$0x1D200] =	vst v63  }
0x50: {  	_ =	swait.ge [sflag:s0], $0x4000  }
0x51: {  	[sflag:s0] =	ssyncset.done $0x0  }
0x52: {  	s18 =	sor.u32 $0x280, s19;
	[sflag:s0] =	ssyncadd.s32 $0xFFFFC000  }
0x53: {  	[tilespmem:s30], [sflag:$0x4] =	stream.indirect.gather [hbm4b:s4+s28], $0x80, s18, s28, $0xb8;
	[tilespmem:$0x1D200] =	vst v63  }
0x54: {  	_ =	swait.ge [sflag:s31], $0x4000  }
0x55: {  	[sflag:s31] =	ssyncset.done $0x0  }
0x56: {  	s20 =	sor.u32 $0xA00, s19;
	[sflag:s31] =	ssyncadd.s32 $0xFFFFC000  }
0x57: {  	[spmem:s1] =	stream.indirect.scatter.add.f32 [tilespmem:s29], [sflag:$0x5], $0x80, s20, s28, $0xb8;
	[tilespmem:$0x1D200] =	vst v63  }
0x58: {  	_ =	swait.ge [sflag:s0], $0x4000  }
0x59: {  	[sflag:s0] =	ssyncset.done $0x0  }
0x5a: {  	s21 =	sor.u32 $0x300, s19;
	[sflag:s0] =	ssyncadd.s32 $0xFFFFC000  }
0x5b: {  	[tilespmem:s29], [sflag:$0x3] =	stream.indirect.gather [hbm4b:s4+s28], $0x80, s21, s28, $0xb8;
	[tilespmem:$0x1D200] =	vst v63  }
0x5c: {  	_ =	swait.ge [sflag:s2], $0x4000  }
0x5d: {  	[sflag:s2] =	ssyncset.done $0x0  }
0x5e: {  	s22 =	sor.u32 $0xA80, s19;
	[sflag:s2] =	ssyncadd.s32 $0xFFFFC000  }
0x5f: {  	[spmem:s1] =	stream.indirect.scatter.add.f32 [tilespmem:s30], [sflag:$0x5], $0x80, s22, s28, $0xb8;
	[tilespmem:$0x1D200] =	vst v63  }
0x60: {  	_ =	swait.ge [sflag:s0], $0x4000  }
0x61: {  	[sflag:s0] =	ssyncset.done $0x0  }
0x62: {  	s23 =	sor.u32 $0x380, s19;
	[sflag:s0] =	ssyncadd.s32 $0xFFFFC000  }
0x63: {  	[tilespmem:s30], [sflag:$0x4] =	stream.indirect.gather [hbm4b:s4+s28], $0x80, s23, s28, $0xb8;
	[tilespmem:$0x1D200] =	vst v63  }
0x64: {  	_ =	swait.ge [sflag:s31], $0x4000  }
0x65: {  	[sflag:s31] =	ssyncset.done $0x0  }
0x66: {  	s24 =	sor.u32 $0xB00, s19;
	[sflag:s31] =	ssyncadd.s32 $0xFFFFC000  }
0x67: {  	[spmem:s1] =	stream.indirect.scatter.add.f32 [tilespmem:s29], [sflag:$0x5], $0x80, s24, s28, $0xb8;
	[tilespmem:$0x1D200] =	vst v63  }
0x68: {  	_ =	swait.ge [sflag:s26], $0x400  }
0x69: {  	[sflag:s26] =	ssyncset.done $0x0  }
0x6a: {  	[sflag:s26] =	ssyncadd.s32 $0xFFFFFC00  }
0x6b: {  	_ =	swait.ge [sflag:s9], $0x400  }
0x6c: {  	[sflag:s9] =	ssyncset.done $0x0  }
0x6d: {  	[sflag:s9] =	ssyncadd.s32 $0xFFFFFC00  }
0x6e: {  	s17 =	simm.s32 $0x1;
	p0 =	por $0x0, $0x0;
	_ =	swait.ge [sflag:s0], $0x4000  }
0x6f: {  	s18 =	simm.s32 $0x800;
	s20 =	simm.s32 $0x800;
	[sflag:s0] =	ssyncset.done $0x0  }
0x70: {  	s20 =	simm.s32 @p0 $0x0;
	s21 =	sor.u32 $0xB80, s19;
	[sflag:s0] =	ssyncadd.s32 $0xFFFFC000  }
0x71: {  	[tilespmem:s29], [sflag:$0x3] =	stream.indirect.gather [hbm4b:s4+s28], $0x80, s16, s28, $0xb8;
	[tilespmem:$0x1D200] =	vst v63  }
0x72: {  	s19 =	sadd.s32 s8, s20;
	s22 =	sadd.s32 s7, s20;
	s16 =	simm.s32 $0x2  }
.LBB2_2:
0x73: {  	s20 =	sand.u32 $0x1, s17  }
0x74: {  	s23 =	sshrl.u32 s19, $0x3;
	_ =	swait.ge [sflag:s2], $0x4000;
	s24 =	smov.u32 s16  }
0x75: {  	p1 =	seq.s32 s17, $0x0;
	s19 =	sshll.u32 s20, $0xA;
	[sflag:s2] =	ssyncset.done $0x0  }
0x76: {  	s17 =	sshrl.u32 s22, $0x3;
	s22 =	simm.s32 @!p1 $0x5;
	[sflag:s2] =	ssyncadd.s32 $0xFFFFC000  }
0x77: {  	[spmem:s1] =	stream.indirect.scatter.add.f32 [tilespmem:s30], [sflag:$0x5], $0x80, s21, s28, $0xb8;
	[tilespmem:$0x1D200] =	vst v63  }
0x78: {  	s16 =	sadd.s32 $0x1, s16;
	s20 =	sxor.u32 $0x400, s19;
	s21 =	sadd.s32 s5, s23  }
0x79: {  	[tilespmem:s20], [sflag:$0x1] =	stream.linear.gather [hbm4b:s21+s3], $0x400, $0x38;
	[tilespmem:$0x1D200] =	vst v63  }
0x7a: {  	p0 =	sne.s32 s16, $0xA;
	s17 =	sadd.s32 s6, s17;
	s21 =	sxor.u32 $0xC00, s19  }
0x7b: {  	[tilespmem:s21], [sflag:$0x2] =	stream.linear.gather [hbm4b:s17+s3], $0x400, $0x38;
	[tilespmem:$0x1D200] =	vst v63  }
0x7c: {  	s17 =	smov.u32 s24;
	_ =	swait.ge @!p1 [sflag:s22], $0x4000  }
0x7d: {  	s21 =	sor.u32 $0x80, s19;
	[sflag:s22] =	ssyncset.done @!p1 $0x0  }
0x7e: {  	[sflag:s22] =	ssyncadd.s32 @!p1 $0xFFFFC000  }
0x7f: {  	[tilespmem:s30], [sflag:$0x4] =	stream.indirect.gather [hbm4b:s4+s28], $0x80, s21, s28, $0xb8;
	[tilespmem:$0x1D200] =	vst v63  }
0x80: {  	_ =	swait.ge [sflag:s31], $0x4000  }
0x81: {  	s21 =	sor.u32 $0x800, s19;
	[sflag:s31] =	ssyncset.done $0x0  }
0x82: {  	[sflag:s31] =	ssyncadd.s32 $0xFFFFC000  }
0x83: {  	[spmem:s1] =	stream.indirect.scatter.add.f32 [tilespmem:s29], [sflag:$0x5], $0x80, s21, s28, $0xb8;
	[tilespmem:$0x1D200] =	vst v63  }
0x84: {  	_ =	swait.ge [sflag:s0], $0x4000  }
0x85: {  	s21 =	sor.u32 $0x100, s19;
	[sflag:s0] =	ssyncset.done $0x0  }
0x86: {  	[sflag:s0] =	ssyncadd.s32 $0xFFFFC000  }
0x87: {  	[tilespmem:s29], [sflag:$0x3] =	stream.indirect.gather [hbm4b:s4+s28], $0x80, s21, s28, $0xb8;
	[tilespmem:$0x1D200] =	vst v63  }
0x88: {  	_ =	swait.ge [sflag:s2], $0x4000  }
0x89: {  	s21 =	sor.u32 $0x880, s19;
	[sflag:s2] =	ssyncset.done $0x0  }
0x8a: {  	[sflag:s2] =	ssyncadd.s32 $0xFFFFC000  }
0x8b: {  	[spmem:s1] =	stream.indirect.scatter.add.f32 [tilespmem:s30], [sflag:$0x5], $0x80, s21, s28, $0xb8;
	[tilespmem:$0x1D200] =	vst v63  }
0x8c: {  	_ =	swait.ge [sflag:s0], $0x4000  }
0x8d: {  	s21 =	sor.u32 $0x180, s19;
	[sflag:s0] =	ssyncset.done $0x0  }
0x8e: {  	[sflag:s0] =	ssyncadd.s32 $0xFFFFC000  }
0x8f: {  	[tilespmem:s30], [sflag:$0x4] =	stream.indirect.gather [hbm4b:s4+s28], $0x80, s21, s28, $0xb8;
	[tilespmem:$0x1D200] =	vst v63  }
0x90: {  	_ =	swait.ge [sflag:s31], $0x4000  }
0x91: {  	s21 =	sor.u32 $0x900, s19;
	[sflag:s31] =	ssyncset.done $0x0  }
0x92: {  	[sflag:s31] =	ssyncadd.s32 $0xFFFFC000  }
0x93: {  	[spmem:s1] =	stream.indirect.scatter.add.f32 [tilespmem:s29], [sflag:$0x5], $0x80, s21, s28, $0xb8;
	[tilespmem:$0x1D200] =	vst v63  }
0x94: {  	_ =	swait.ge [sflag:s0], $0x4000  }
0x95: {  	s21 =	sor.u32 $0x200, s19;
	[sflag:s0] =	ssyncset.done $0x0  }
0x96: {  	[sflag:s0] =	ssyncadd.s32 $0xFFFFC000  }
0x97: {  	[tilespmem:s29], [sflag:$0x3] =	stream.indirect.gather [hbm4b:s4+s28], $0x80, s21, s28, $0xb8;
	[tilespmem:$0x1D200] =	vst v63  }
0x98: {  	_ =	swait.ge [sflag:s2], $0x4000  }
0x99: {  	s21 =	sor.u32 $0x980, s19;
	[sflag:s2] =	ssyncset.done $0x0  }
0x9a: {  	[sflag:s2] =	ssyncadd.s32 $0xFFFFC000  }
0x9b: {  	[spmem:s1] =	stream.indirect.scatter.add.f32 [tilespmem:s30], [sflag:$0x5], $0x80, s21, s28, $0xb8;
	[tilespmem:$0x1D200] =	vst v63  }
0x9c: {  	_ =	swait.ge [sflag:s0], $0x4000  }
0x9d: {  	s21 =	sor.u32 $0x280, s19;
	[sflag:s0] =	ssyncset.done $0x0  }
0x9e: {  	[sflag:s0] =	ssyncadd.s32 $0xFFFFC000  }
0x9f: {  	[tilespmem:s30], [sflag:$0x4] =	stream.indirect.gather [hbm4b:s4+s28], $0x80, s21, s28, $0xb8;
	[tilespmem:$0x1D200] =	vst v63  }
0xa0: {  	_ =	swait.ge [sflag:s31], $0x4000  }
0xa1: {  	s21 =	sor.u32 $0xA00, s19;
	[sflag:s31] =	ssyncset.done $0x0  }
0xa2: {  	[sflag:s31] =	ssyncadd.s32 $0xFFFFC000  }
0xa3: {  	[spmem:s1] =	stream.indirect.scatter.add.f32 [tilespmem:s29], [sflag:$0x5], $0x80, s21, s28, $0xb8;
	[tilespmem:$0x1D200] =	vst v63  }
0xa4: {  	_ =	swait.ge [sflag:s0], $0x4000  }
0xa5: {  	s21 =	sor.u32 $0x300, s19;
	[sflag:s0] =	ssyncset.done $0x0  }
0xa6: {  	[sflag:s0] =	ssyncadd.s32 $0xFFFFC000  }
0xa7: {  	[tilespmem:s29], [sflag:$0x3] =	stream.indirect.gather [hbm4b:s4+s28], $0x80, s21, s28, $0xb8;
	[tilespmem:$0x1D200] =	vst v63  }
0xa8: {  	_ =	swait.ge [sflag:s2], $0x4000  }
0xa9: {  	s21 =	sor.u32 $0xA80, s19;
	[sflag:s2] =	ssyncset.done $0x0  }
0xaa: {  	[sflag:s2] =	ssyncadd.s32 $0xFFFFC000  }
0xab: {  	[spmem:s1] =	stream.indirect.scatter.add.f32 [tilespmem:s30], [sflag:$0x5], $0x80, s21, s28, $0xb8;
	[tilespmem:$0x1D200] =	vst v63  }
0xac: {  	_ =	swait.ge [sflag:s0], $0x4000  }
0xad: {  	s21 =	sor.u32 $0x380, s19;
	[sflag:s0] =	ssyncset.done $0x0  }
0xae: {  	[sflag:s0] =	ssyncadd.s32 $0xFFFFC000  }
0xaf: {  	[tilespmem:s30], [sflag:$0x4] =	stream.indirect.gather [hbm4b:s4+s28], $0x80, s21, s28, $0xb8;
	[tilespmem:$0x1D200] =	vst v63  }
0xb0: {  	_ =	swait.ge [sflag:s31], $0x4000  }
0xb1: {  	s21 =	sor.u32 $0xB00, s19;
	[sflag:s31] =	ssyncset.done $0x0  }
0xb2: {  	[sflag:s31] =	ssyncadd.s32 $0xFFFFC000  }
0xb3: {  	[spmem:s1] =	stream.indirect.scatter.add.f32 [tilespmem:s29], [sflag:$0x5], $0x80, s21, s28, $0xb8;
	[tilespmem:$0x1D200] =	vst v63  }
0xb4: {  	_ =	swait.ge [sflag:s26], $0x400  }
0xb5: {  	[sflag:s26] =	ssyncset.done $0x0  }
0xb6: {  	[sflag:s26] =	ssyncadd.s32 $0xFFFFFC00  }
0xb7: {  	_ =	swait.ge [sflag:s9], $0x400  }
0xb8: {  	[sflag:s9] =	ssyncset.done $0x0  }
.Ltmp0:
0xb9: {  	s18 =	sadd.s32 $0x400, s18;
	[sflag:s9] =	ssyncadd.s32 $0xFFFFFC00;
	(pc) =	sbr.rel @p0 .LBB2_2-.Ltmp0, $4  }
0xba: {  	p1 =	seq.s32 s18, $0x2800;
	s22 =	smov.u32 s18;
	_ =	swait.ge [sflag:s0], $0x4000  }
0xbb: {  	s22 =	simm.s32 @p1 $0x0;
	s21 =	sor.u32 $0xB80, s19;
	[sflag:s0] =	ssyncset.done $0x0  }
0xbc: {  	s19 =	sadd.s32 s8, s22;
	s22 =	sadd.s32 s7, s22;
	[sflag:s0] =	ssyncadd.s32 $0xFFFFC000  }
0xbd: {  	[tilespmem:s29], [sflag:$0x3] =	stream.indirect.gather [hbm4b:s4+s28], $0x80, s20, s28, $0xb8;
	[tilespmem:$0x1D200] =	vst v63  }
0xbe: {  	_ =	swait.ge [sflag:s2], $0x4000  }
0xbf: {  	s16 =	sand.u32 $0x1, s17;
	s19 =	sshrl.u32 s19, $0x3;
	[sflag:s2] =	ssyncset.done $0x0  }
0xc0: {  	s20 =	sshrl.u32 s22, $0x3;
	s16 =	sshll.u32 s16, $0xA;
	[sflag:s2] =	ssyncadd.s32 $0xFFFFC000  }
0xc1: {  	[spmem:s1] =	stream.indirect.scatter.add.f32 [tilespmem:s30], [sflag:$0x5], $0x80, s21, s28, $0xb8;
	[tilespmem:$0x1D200] =	vst v63  }
0xc2: {  	p0 =	seq.s32 s17, $0x0;
	s19 =	sadd.s32 s5, s19;
	s18 =	sxor.u32 $0x400, s16  }
0xc3: {  	[tilespmem:s18], [sflag:$0x1] =	stream.linear.gather [hbm4b:s19+s3], $0x400, $0x38;
	[tilespmem:$0x1D200] =	vst v63  }
0xc4: {  	s20 =	sadd.s32 s6, s20;
	s17 =	simm.s32 @!p0 $0x5;
	s24 =	sxor.u32 $0xC00, s16  }
0xc5: {  	[tilespmem:s24], [sflag:$0x2] =	stream.linear.gather [hbm4b:s20+s3], $0x400, $0x38;
	[tilespmem:$0x1D200] =	vst v63  }
0xc6: {  	_ =	swait.ge @!p0 [sflag:s17], $0x4000  }
0xc7: {  	[sflag:s17] =	ssyncset.done @!p0 $0x0  }
0xc8: {  	s20 =	sor.u32 $0x80, s16;
	[sflag:s17] =	ssyncadd.s32 @!p0 $0xFFFFC000  }
0xc9: {  	[tilespmem:s30], [sflag:$0x4] =	stream.indirect.gather [hbm4b:s4+s28], $0x80, s20, s28, $0xb8;
	[tilespmem:$0x1D200] =	vst v63  }
0xca: {  	_ =	swait.ge [sflag:s31], $0x4000  }
0xcb: {  	[sflag:s31] =	ssyncset.done $0x0  }
0xcc: {  	s21 =	sor.u32 $0x800, s16;
	[sflag:s31] =	ssyncadd.s32 $0xFFFFC000  }
0xcd: {  	[spmem:s1] =	stream.indirect.scatter.add.f32 [tilespmem:s29], [sflag:$0x5], $0x80, s21, s28, $0xb8;
	[tilespmem:$0x1D200] =	vst v63  }
0xce: {  	_ =	swait.ge [sflag:s0], $0x4000  }
0xcf: {  	[sflag:s0] =	ssyncset.done $0x0  }
0xd0: {  	s22 =	sor.u32 $0x100, s16;
	[sflag:s0] =	ssyncadd.s32 $0xFFFFC000  }
0xd1: {  	[tilespmem:s29], [sflag:$0x3] =	stream.indirect.gather [hbm4b:s4+s28], $0x80, s22, s28, $0xb8;
	[tilespmem:$0x1D200] =	vst v63  }
0xd2: {  	_ =	swait.ge [sflag:s2], $0x4000  }
0xd3: {  	[sflag:s2] =	ssyncset.done $0x0  }
0xd4: {  	s23 =	sor.u32 $0x880, s16;
	[sflag:s2] =	ssyncadd.s32 $0xFFFFC000  }
0xd5: {  	[spmem:s1] =	stream.indirect.scatter.add.f32 [tilespmem:s30], [sflag:$0x5], $0x80, s23, s28, $0xb8;
	[tilespmem:$0x1D200] =	vst v63  }
0xd6: {  	_ =	swait.ge [sflag:s0], $0x4000  }
0xd7: {  	[sflag:s0] =	ssyncset.done $0x0  }
0xd8: {  	s24 =	sor.u32 $0x180, s16;
	[sflag:s0] =	ssyncadd.s32 $0xFFFFC000  }
0xd9: {  	[tilespmem:s30], [sflag:$0x4] =	stream.indirect.gather [hbm4b:s4+s28], $0x80, s24, s28, $0xb8;
	[tilespmem:$0x1D200] =	vst v63  }
0xda: {  	_ =	swait.ge [sflag:s31], $0x4000  }
0xdb: {  	[sflag:s31] =	ssyncset.done $0x0  }
0xdc: {  	s19 =	sor.u32 $0x900, s16;
	[sflag:s31] =	ssyncadd.s32 $0xFFFFC000  }
0xdd: {  	[spmem:s1] =	stream.indirect.scatter.add.f32 [tilespmem:s29], [sflag:$0x5], $0x80, s19, s28, $0xb8;
	[tilespmem:$0x1D200] =	vst v63  }
0xde: {  	_ =	swait.ge [sflag:s0], $0x4000  }
0xdf: {  	[sflag:s0] =	ssyncset.done $0x0  }
0xe0: {  	s20 =	sor.u32 $0x200, s16;
	[sflag:s0] =	ssyncadd.s32 $0xFFFFC000  }
0xe1: {  	[tilespmem:s29], [sflag:$0x3] =	stream.indirect.gather [hbm4b:s4+s28], $0x80, s20, s28, $0xb8;
	[tilespmem:$0x1D200] =	vst v63  }
0xe2: {  	_ =	swait.ge [sflag:s2], $0x4000  }
0xe3: {  	[sflag:s2] =	ssyncset.done $0x0  }
0xe4: {  	s21 =	sor.u32 $0x980, s16;
	[sflag:s2] =	ssyncadd.s32 $0xFFFFC000  }
0xe5: {  	[spmem:s1] =	stream.indirect.scatter.add.f32 [tilespmem:s30], [sflag:$0x5], $0x80, s21, s28, $0xb8;
	[tilespmem:$0x1D200] =	vst v63  }
0xe6: {  	_ =	swait.ge [sflag:s0], $0x4000  }
0xe7: {  	[sflag:s0] =	ssyncset.done $0x0  }
0xe8: {  	s22 =	sor.u32 $0x280, s16;
	[sflag:s0] =	ssyncadd.s32 $0xFFFFC000  }
0xe9: {  	[tilespmem:s30], [sflag:$0x4] =	stream.indirect.gather [hbm4b:s4+s28], $0x80, s22, s28, $0xb8;
	[tilespmem:$0x1D200] =	vst v63  }
0xea: {  	_ =	swait.ge [sflag:s31], $0x4000  }
0xeb: {  	[sflag:s31] =	ssyncset.done $0x0  }
0xec: {  	s23 =	sor.u32 $0xA00, s16;
	[sflag:s31] =	ssyncadd.s32 $0xFFFFC000  }
0xed: {  	[spmem:s1] =	stream.indirect.scatter.add.f32 [tilespmem:s29], [sflag:$0x5], $0x80, s23, s28, $0xb8;
	[tilespmem:$0x1D200] =	vst v63  }
0xee: {  	_ =	swait.ge [sflag:s0], $0x4000  }
0xef: {  	[sflag:s0] =	ssyncset.done $0x0  }
0xf0: {  	s24 =	sor.u32 $0x300, s16;
	[sflag:s0] =	ssyncadd.s32 $0xFFFFC000  }
0xf1: {  	[tilespmem:s29], [sflag:$0x3] =	stream.indirect.gather [hbm4b:s4+s28], $0x80, s24, s28, $0xb8;
	[tilespmem:$0x1D200] =	vst v63  }
0xf2: {  	_ =	swait.ge [sflag:s2], $0x4000  }
0xf3: {  	[sflag:s2] =	ssyncset.done $0x0  }
0xf4: {  	s19 =	sor.u32 $0xA80, s16;
	[sflag:s2] =	ssyncadd.s32 $0xFFFFC000  }
0xf5: {  	[spmem:s1] =	stream.indirect.scatter.add.f32 [tilespmem:s30], [sflag:$0x5], $0x80, s19, s28, $0xb8;
	[tilespmem:$0x1D200] =	vst v63  }
0xf6: {  	_ =	swait.ge [sflag:s0], $0x4000  }
0xf7: {  	[sflag:s0] =	ssyncset.done $0x0  }
0xf8: {  	s20 =	sor.u32 $0x380, s16;
	[sflag:s0] =	ssyncadd.s32 $0xFFFFC000  }
0xf9: {  	[tilespmem:s30], [sflag:$0x4] =	stream.indirect.gather [hbm4b:s4+s28], $0x80, s20, s28, $0xb8;
	[tilespmem:$0x1D200] =	vst v63  }
0xfa: {  	_ =	swait.ge [sflag:s31], $0x4000  }
0xfb: {  	[sflag:s31] =	ssyncset.done $0x0  }
0xfc: {  	s21 =	sor.u32 $0xB00, s16;
	[sflag:s31] =	ssyncadd.s32 $0xFFFFC000  }
0xfd: {  	[spmem:s1] =	stream.indirect.scatter.add.f32 [tilespmem:s29], [sflag:$0x5], $0x80, s21, s28, $0xb8;
	[tilespmem:$0x1D200] =	vst v63  }
0xfe: {  	_ =	swait.ge [sflag:s26], $0x400  }
0xff: {  	[sflag:s26] =	ssyncset.done $0x0  }
0x100: {  	[sflag:s26] =	ssyncadd.s32 $0xFFFFFC00  }
0x101: {  	_ =	swait.ge [sflag:s9], $0x400  }
0x102: {  	[sflag:s9] =	ssyncset.done $0x0  }
0x103: {  	[sflag:s9] =	ssyncadd.s32 $0xFFFFFC00  }
0x104: {  	_ =	swait.ge [sflag:s0], $0x4000  }
0x105: {  	[sflag:s0] =	ssyncset.done $0x0  }
0x106: {  	[sflag:s0] =	ssyncadd.s32 $0xFFFFC000  }
0x107: {  	[tilespmem:s29], [sflag:$0x3] =	stream.indirect.gather [hbm4b:s4+s28], $0x80, s18, s28, $0xb8;
	[tilespmem:$0x1D200] =	vst v63  }
0x108: {  	_ =	swait.ge [sflag:s2], $0x4000  }
0x109: {  	[sflag:s2] =	ssyncset.done $0x0  }
0x10a: {  	s16 =	sor.u32 $0xB80, s16;
	[sflag:s2] =	ssyncadd.s32 $0xFFFFC000  }
0x10b: {  	[spmem:s1] =	stream.indirect.scatter.add.f32 [tilespmem:s30], [sflag:$0x5], $0x80, s16, s28, $0xb8;
	[tilespmem:$0x1D200] =	vst v63  }
0x10c: {  	_ =	swait.ge [sflag:s0], $0x4000  }
0x10d: {  	[sflag:s0] =	ssyncset.done $0x0  }
0x10e: {  	[sflag:s0] =	ssyncadd.s32 $0xFFFFC000  }
0x10f: {  	_ =	swait.ge [sflag:s31], $0x4000  }
0x110: {  	[sflag:s31] =	ssyncset.done $0x0  }
0x111: {  	[sflag:s31] =	ssyncadd.s32 $0xFFFFC000  }
0x112: {  	[bflag:$0x0] =	sbarrier.arrive $0xFFFF  }
0x113: {  	s22 =	rddreg [dreg:$0x7]  }
0x114: {  	[tilespmem:s10], [sflag:$0x6] =	stream.linear.gather [hbm4b:s22+s3], $0x200, $0x38;
	[tilespmem:$0x1D200] =	vst v63  }
0x115: {  	_ =	swait.ge [sflag:s25], $0x200  }
0x116: {  	[sflag:s25] =	ssyncset.done $0x0  }
0x117: {  	[sflag:s25] =	ssyncadd.s32 $0xFFFFFE00  }
0x118: {  	[tilespmem:s29], [sflag:$0x3] =	stream.indirect.gather [spmem:s1], $0x80, s10, s11, $0xb8;
	[tilespmem:$0x1D200] =	vst v63  }
0x119: {  	_ =	swait.ge [sflag:s31], $0x2000  }
0x11a: {  	[sflag:s31] =	ssyncset.done $0x0  }
0x11b: {  	s23 =	rddreg [dreg:$0x8];
	[sflag:s31] =	ssyncadd.s32 $0xFFFFE000  }
0x11c: {  	[hbm4b:s23+s3] =	stream.linear.scatter [tilespmem:s29], [sflag:$0x6], $0x2000, $0x38;
	[tilespmem:$0x1D200] =	vst v63  }
0x11d: {  	_ =	swait.ge [sflag:s25], $0x2000  }
0x11e: {  	[sflag:s25] =	ssyncset.done $0x0  }
0x11f: {  	[sflag:s25] =	ssyncadd.s32 $0xFFFFE000  }
0x120: {  	[tilespmem:s29], [sflag:$0x3] =	stream.indirect.gather [spmem:s1], $0x80, s12, s11, $0xb8;
	[tilespmem:$0x1D200] =	vst v63  }
0x121: {  	_ =	swait.ge [sflag:s31], $0x2000  }
0x122: {  	[sflag:s31] =	ssyncset.done $0x0  }
0x123: {  	s24 =	rddreg [dreg:$0x9];
	[sflag:s31] =	ssyncadd.s32 $0xFFFFE000  }
0x124: {  	[hbm4b:s24+s3] =	stream.linear.scatter [tilespmem:s29], [sflag:$0x6], $0x2000, $0x38;
	[tilespmem:$0x1D200] =	vst v63  }
0x125: {  	_ =	swait.ge [sflag:s25], $0x2000  }
0x126: {  	[sflag:s25] =	ssyncset.done $0x0  }
0x127: {  	[sflag:s25] =	ssyncadd.s32 $0xFFFFE000  }
0x128: {  	[tilespmem:s29], [sflag:$0x3] =	stream.indirect.gather [spmem:s1], $0x80, s13, s11, $0xb8;
	[tilespmem:$0x1D200] =	vst v63  }
0x129: {  	_ =	swait.ge [sflag:s31], $0x2000  }
0x12a: {  	[sflag:s31] =	ssyncset.done $0x0  }
0x12b: {  	s17 =	rddreg [dreg:$0xa];
	[sflag:s31] =	ssyncadd.s32 $0xFFFFE000  }
0x12c: {  	[hbm4b:s17+s3] =	stream.linear.scatter [tilespmem:s29], [sflag:$0x6], $0x2000, $0x38;
	[tilespmem:$0x1D200] =	vst v63  }
0x12d: {  	_ =	swait.ge [sflag:s25], $0x2000  }
0x12e: {  	[sflag:s25] =	ssyncset.done $0x0  }
0x12f: {  	[sflag:s25] =	ssyncadd.s32 $0xFFFFE000  }
0x130: {  	[tilespmem:s29], [sflag:$0x3] =	stream.indirect.gather [spmem:s1], $0x80, s14, s11, $0xb8;
	[tilespmem:$0x1D200] =	vst v63  }
0x131: {  	_ =	swait.ge [sflag:s31], $0x2000  }
0x132: {  	[sflag:s31] =	ssyncset.done $0x0  }
0x133: {  	s18 =	rddreg [dreg:$0xb];
	[sflag:s31] =	ssyncadd.s32 $0xFFFFE000  }
0x134: {  	[hbm4b:s18+s3] =	stream.linear.scatter [tilespmem:s29], [sflag:$0x6], $0x2000, $0x38;
	[tilespmem:$0x1D200] =	vst v63  }
0x135: {  	_ =	swait.ge [sflag:s25], $0x2000  }
0x136: {  	[sflag:s25] =	ssyncset.done $0x0  }
0x137: {  	s19 =	rddreg [dreg:$0xc];
	[sflag:s25] =	ssyncadd.s32 $0xFFFFE000  }
0x138: {  	[tilespmem:s10], [sflag:$0x6] =	stream.linear.gather [hbm4b:s19+s3], $0x200, $0x38;
	[tilespmem:$0x1D200] =	vst v63  }
0x139: {  	_ =	swait.ge [sflag:s25], $0x200  }
0x13a: {  	[sflag:s25] =	ssyncset.done $0x0  }
0x13b: {  	[sflag:s25] =	ssyncadd.s32 $0xFFFFFE00  }
0x13c: {  	[tilespmem:s29], [sflag:$0x3] =	stream.indirect.gather [spmem:s1], $0x80, s10, s11, $0xb8;
	[tilespmem:$0x1D200] =	vst v63  }
0x13d: {  	_ =	swait.ge [sflag:s31], $0x2000  }
0x13e: {  	[sflag:s31] =	ssyncset.done $0x0  }
0x13f: {  	s20 =	rddreg [dreg:$0xd];
	[sflag:s31] =	ssyncadd.s32 $0xFFFFE000  }
0x140: {  	[hbm4b:s20+s3] =	stream.linear.scatter [tilespmem:s29], [sflag:$0x6], $0x2000, $0x38;
	[tilespmem:$0x1D200] =	vst v63  }
0x141: {  	_ =	swait.ge [sflag:s25], $0x2000  }
0x142: {  	[sflag:s25] =	ssyncset.done $0x0  }
0x143: {  	[sflag:s25] =	ssyncadd.s32 $0xFFFFE000  }
0x144: {  	[tilespmem:s29], [sflag:$0x3] =	stream.indirect.gather [spmem:s1], $0x80, s12, s11, $0xb8;
	[tilespmem:$0x1D200] =	vst v63  }
0x145: {  	_ =	swait.ge [sflag:s31], $0x2000  }
0x146: {  	[sflag:s31] =	ssyncset.done $0x0  }
0x147: {  	s21 =	rddreg [dreg:$0xe];
	[sflag:s31] =	ssyncadd.s32 $0xFFFFE000  }
0x148: {  	[hbm4b:s21+s3] =	stream.linear.scatter [tilespmem:s29], [sflag:$0x6], $0x2000, $0x38;
	[tilespmem:$0x1D200] =	vst v63  }
0x149: {  	_ =	swait.ge [sflag:s25], $0x2000  }
0x14a: {  	[sflag:s25] =	ssyncset.done $0x0  }
0x14b: {  	[sflag:s25] =	ssyncadd.s32 $0xFFFFE000  }
0x14c: {  	[tilespmem:s29], [sflag:$0x3] =	stream.indirect.gather [spmem:s1], $0x80, s13, s11, $0xb8;
	[tilespmem:$0x1D200] =	vst v63  }
0x14d: {  	_ =	swait.ge [sflag:s31], $0x2000  }
0x14e: {  	[sflag:s31] =	ssyncset.done $0x0  }
0x14f: {  	s22 =	rddreg [dreg:$0xf];
	[sflag:s31] =	ssyncadd.s32 $0xFFFFE000  }
0x150: {  	[hbm4b:s22+s3] =	stream.linear.scatter [tilespmem:s29], [sflag:$0x6], $0x2000, $0x38;
	[tilespmem:$0x1D200] =	vst v63  }
0x151: {  	_ =	swait.ge [sflag:s25], $0x2000  }
0x152: {  	[sflag:s25] =	ssyncset.done $0x0  }
0x153: {  	[sflag:s25] =	ssyncadd.s32 $0xFFFFE000  }
0x154: {  	[tilespmem:s29], [sflag:$0x3] =	stream.indirect.gather [spmem:s1], $0x80, s14, s11, $0xb8;
	[tilespmem:$0x1D200] =	vst v63  }
0x155: {  	_ =	swait.ge [sflag:s31], $0x2000  }
0x156: {  	[sflag:s31] =	ssyncset.done $0x0  }
0x157: {  	s23 =	rddreg [dreg:$0x10];
	[sflag:s31] =	ssyncadd.s32 $0xFFFFE000  }
0x158: {  	[hbm4b:s23+s3] =	stream.linear.scatter [tilespmem:s29], [sflag:$0x6], $0x2000, $0x38;
	[tilespmem:$0x1D200] =	vst v63  }
0x159: {  	_ =	swait.ge [sflag:s25], $0x2000  }
0x15a: {  	s15 =	sadd.s32 $0x1, s15;
	s24 =	rddreg [dreg:$0x11]  }
0x15b: {  	p0 =	sne.s32 s15, s24  }
.Ltmp1:
0x15c: {  	_ = 	snop;
	(pc) =	sbr.rel @p0 .LBB2_1-.Ltmp1, $3  }
0x15d: {  	_ =	sdelay $0x1  }
0x15e: {  	[sflag:s25] =	ssyncset.done $0x0  }
0x15f: {  	[sflag:s25] =	ssyncadd.s32 $0xFFFFE000  }
0x160: {  	_ =	sfence.sel $0x180000  }
0x161: {  	[bflag:$0x0] =	sbarrier.arrive $0xFFFF  }
0x162: {  	_ =	strace $0x9000004D  }
0x163: {  	s0 =	stileid.u32;
	[bflag:$0x2] =	sbarrier.arrive $0xFFFF  }
0x164: {  	p0 =	sne.s32 s0, $0x0;
	s0 =	rddreg [dreg:$0x2]  }
0x165: {  	s0 =	sadd.s32 @!p0 $0x100000, s0  }
0x166: {  	[sflag:s0] =	ssyncadd.tile.s32 @!p0 $0x1;
	_ =	shalt  }
.Lfunc_end2:
_tile_overlayer_lowered:
.L_overlay_start_2:
0x167: {  	(tag) =	ssettag $0x2  }
0x168: {  	s0 =	rddreg [dreg:$0x0];
	s2 =	stileid.u32  }
0x169: {  	s1 =	rddreg [dreg:$0x1];
	p0 =	sne.s32 s2, $0x0  }
0x16a: {  	s3 =	rddreg [dreg:$0x2];
	[bflag:$0x3] =	sbarrier.arrive $0xFFFF;
	s2 =	simm.s32 @!p0 $0x1C06  }
0x16b: {  	[timem:s3], [sflag:s2] =	dma.local @!p0 [hbm:s0], s1  }
0x16c: {  	s0 =	simm.s32 @!p0 $0x6  }
0x16d: {  	_ =	swait.ge @!p0 [sflag:s0], s1  }
0x16e: {  	s1 =	ssub.s32 @!p0 $0x0, s1;
	[sflag:s0] =	ssyncset.done @!p0 $0x0  }
0x16f: {  	[sflag:s0] =	ssyncadd.s32 @!p0 s1  }
0x170: {  	[bflag:$0x3] =	sbarrier.arrive $0xFFFF  }
0x171: {  	_ =	shalt  }

// kernel: kernel.8.cloned.1.call-start
scs
__scs_entry_jumppad:
0x0: {  	(pc) =	sbr.rel $0x88, $3  }
0x1: {  	(tag) =	ssettag $0x0;
	lr =	simm.s32 $0x1  }
0x2: {  	[smem:$0x3F8C] =	sst lr;
	_ =	strace $0xD0000000  }
0x3: {  	_ = 	snop  }
0x4: {  	_ = 	snop  }
0x5: {  	_ = 	snop  }
0x6: {  	_ = 	snop  }
0x7: {  	_ = 	snop  }
__scs_overlays_trampoline_lowered:
0x8: {  	[smem:$0x3F9B] =	sst s0  }
0x9: {  	[smem:$0x3F9C] =	sst s1  }
0xa: {  	[smem:$0x3F9D] =	sst s2  }
0xb: {  	[smem:$0x3F9E] =	sst s3  }
0xc: {  	[smem:$0x3F9F] =	sst s4  }
0xd: {  	[smem:$0x3FA0] =	sst s5  }
0xe: {  	[smem:$0x3FA1] =	sst s6  }
0xf: {  	[smem:$0x3FA2] =	sst s7  }
0x10: {  	[smem:$0x3FA3] =	sst s8  }
0x11: {  	[smem:$0x3FA4] =	sst s9;
	s0 =	simm.s32 @!p0 $0x0  }
0x12: {  	s1 =	sld [smem:$0x3F8A];
	s0 =	simm.s32 @p0 $0x1  }
0x13: {  	[smem:$0x3FA5] =	sst s0;
	s0 =	simm.s32 @!p1 $0x0  }
0x14: {  	s2 =	sld [smem:$0x3F89];
	s0 =	simm.s32 @p1 $0x1  }
0x15: {  	[smem:$0x3FA6] =	sst s0;
	s0 =	simm.s32 @!p2 $0x0  }
0x16: {  	s3 =	sld [smem:$0x3FDB];
	s0 =	simm.s32 @p2 $0x1  }
0x17: {  	s4 =	simm.s32 $0x1BF5;
	[smem:$0x3FA8] =	sst s0  }
0x18: {  	s0 =	sld [smem:$0x3F8B];
	_ =	swait.ge [sflag:s4], $0x0  }
0x19: {  	s7 =	sld [smem:$0x3F8C]  }
0x1a: {  	s8 =	sadd.s32 $0xFFFFE003, lr  }
0x1b: {  	s9 =	sadd.s32 $0xFFFFFEF7, lr;
	s5 =	simm.s32 $0xFFFFFFFF;
	p2 =	slt.u32 s8, $0xFFFFF086  }
0x1c: {  	p1 =	slt.u32 s9, $0xF7A;
	s5 =	simm.s32 @!p2 $0x0  }
0x1d: {  	s5 =	simm.s32 @p1 $0x1;
	p0 =	seq.s32 s7, s2  }
0x1e: {  	s7 =	smul.u32 @!p0 $0xF7A, s2;
	p2 =	seq.s32 @!p0 s5, $0x0  }
0x1f: {  	s9 =	smul.u32 $0xF7A, s1;
	s8 =	simm.s32 @!p0 $0x1BF5;
	p2 =	por !p2, p0  }
0x20: {  	[sflag:s8] =	ssyncset.s32 @!p0 $0xFFFFF086;
	s6 =	sadd.s32 @!p0 s3, s7;
	s7 =	simm.s32 @!p0 $0x108  }
0x21: {  	s3 =	sadd.s32 s3, s9;
	s6 =	sadd.s32 @!p0 $0x88, s6;
	s7 =	simm.s32 @p2 $0x1082  }
0x22: {  	[simem:s7], [sflag:s8] =	dma.local @!p0 [hbm:s6], $0xF7A  }
0x23: {  	s9 =	sor.u32 $0xD0000000, s2;
	s6 =	simm.s32 $0x108;
	_ =	swait.ge @!p0 [sflag:s8], $0x0  }
0x24: {  	s3 =	sadd.s32 $0x88, s3;
	s6 =	simm.s32 @!p1 $0x1082;
	[sflag:s4] =	ssyncset.s32 $0xFFFFF086  }
0x25: {  	[simem:s6], [sflag:s4] =	dma.local [hbm:s3], $0xF7A  }
0x26: {  	[smem:$0x3F8C] =	sst s1;
	(tag) =	ssettag s2;
	_ =	strace s9  }
0x27: {  	s1 =	sld [smem:$0x3F9C]  }
0x28: {  	s2 =	sld [smem:$0x3F9D]  }
0x29: {  	s4 =	sld [smem:$0x3F9F]  }
0x2a: {  	p0 =	seq.s32 s5, $0x0;
	s5 =	sld [smem:$0x3FA0]  }
0x2b: {  	s6 =	sld [smem:$0x3FA1]  }
0x2c: {  	s7 =	sld [smem:$0x3FA2]  }
0x2d: {  	s3 =	simm.s32 $0x108;
	s8 =	sld [smem:$0x3FA3]  }
0x2e: {  	s3 =	simm.s32 @!p0 $0x1082;
	s9 =	sld [smem:$0x3FA4]  }
0x2f: {  	lr =	sadd.s32 s0, s3;
	s0 =	sld [smem:$0x3F9B]  }
0x30: {  	s3 =	sld [smem:$0x3F9E]  }
0x31: {  	[smem:$0x3FA7] =	sst s10  }
0x32: {  	s10 =	sld [smem:$0x3FA5];
	_ =	sdelay $0x3  }
0x33: {  	p0 =	seq.s32 s10, $0x1;
	s10 =	sld [smem:$0x3FA7];
	_ =	sdelay $0x3  }
0x34: {  	[smem:$0x3FA7] =	sst s10  }
0x35: {  	s10 =	sld [smem:$0x3FA6];
	_ =	sdelay $0x3  }
0x36: {  	p1 =	seq.s32 s10, $0x1;
	s10 =	sld [smem:$0x3FA7];
	_ =	sdelay $0x3  }
0x37: {  	[smem:$0x3FA7] =	sst s10  }
0x38: {  	s10 =	sld [smem:$0x3FA8]  }
0x39: {  	_ = 	snop;
	(pc) =	sbr.ind lr, $3  }
0x3a: {  	_ = 	snop  }
0x3b: {  	_ = 	snop  }
0x3c: {  	p2 =	seq.s32 s10, $0x1;
	s10 =	sld [smem:$0x3FA7]  }
0x3d: {  	_ =	shalt  }
0x3e: {  	_ =	shalt  }
0x3f: {  	_ =	shalt  }
0x40: {  	_ =	shalt  }
0x41: {  	_ =	shalt  }
0x42: {  	_ =	shalt  }
0x43: {  	_ =	shalt  }
0x44: {  	_ =	shalt  }
0x45: {  	_ =	shalt  }
0x46: {  	_ =	shalt  }
0x47: {  	_ =	shalt  }
0x48: {  	_ =	shalt  }
0x49: {  	_ =	shalt  }
0x4a: {  	_ =	shalt  }
0x4b: {  	_ =	shalt  }
0x4c: {  	_ =	shalt  }
0x4d: {  	_ =	shalt  }
0x4e: {  	_ =	shalt  }
0x4f: {  	_ =	shalt  }
0x50: {  	_ =	shalt  }
0x51: {  	_ =	shalt  }
0x52: {  	_ =	shalt  }
0x53: {  	_ =	shalt  }
0x54: {  	_ =	shalt  }
0x55: {  	_ =	shalt  }
0x56: {  	_ =	shalt  }
0x57: {  	_ =	shalt  }
0x58: {  	_ =	shalt  }
0x59: {  	_ =	shalt  }
0x5a: {  	_ =	shalt  }
0x5b: {  	_ =	shalt  }
0x5c: {  	_ =	shalt  }
0x5d: {  	_ =	shalt  }
0x5e: {  	_ =	shalt  }
0x5f: {  	_ =	shalt  }
0x60: {  	_ =	shalt  }
0x61: {  	_ =	shalt  }
0x62: {  	_ =	shalt  }
0x63: {  	_ =	shalt  }
0x64: {  	_ =	shalt  }
0x65: {  	_ =	shalt  }
0x66: {  	_ =	shalt  }
0x67: {  	_ =	shalt  }
0x68: {  	_ =	shalt  }
0x69: {  	_ =	shalt  }
0x6a: {  	_ =	shalt  }
0x6b: {  	_ =	shalt  }
0x6c: {  	_ =	shalt  }
0x6d: {  	_ =	shalt  }
0x6e: {  	_ =	shalt  }
0x6f: {  	_ =	shalt  }
0x70: {  	_ =	shalt  }
0x71: {  	_ =	shalt  }
0x72: {  	_ =	shalt  }
0x73: {  	_ =	shalt  }
0x74: {  	_ =	shalt  }
0x75: {  	_ =	shalt  }
0x76: {  	_ =	shalt  }
0x77: {  	_ =	shalt  }
0x78: {  	_ =	shalt  }
0x79: {  	_ =	shalt  }
0x7a: {  	_ =	shalt  }
0x7b: {  	_ =	shalt  }
0x7c: {  	_ =	shalt  }
0x7d: {  	_ =	shalt  }
0x7e: {  	_ =	shalt  }
0x7f: {  	_ =	shalt  }
0x80: {  	_ =	shalt  }
0x81: {  	_ =	shalt  }
0x82: {  	_ =	shalt  }
0x83: {  	_ =	shalt  }
0x84: {  	_ =	shalt  }
0x85: {  	_ =	shalt  }
0x86: {  	_ =	shalt  }
0x87: {  	_ =	shalt  }
.Lfunc_end0:
.L_simem_size_0:
called_computation_lowered:
.L_overlay_start_0:
0x88: {  	s2 =	sld [smem:$0x3FD9]  }
0x89: {  	s3 =	sld [smem:$0x3FFE];
	_ =	sdelay $0x1  }
0x8a: {  	s1 =	srdreg.scid  }
0x8b: {  	s0 =	sand.u32 $0x1, s1  }
0x8c: {  	s17 =	sshll.u32 s0, $0xA;
	s2 =	sadd.s32 s3, s2  }
0x8d: {  	s2 =	sadd.s32 s2, s17  }
0x8e: {  	[smem:$0x3FB3] =	sst s2  }
0x8f: {  	_ = 	snop  }
0x90: {  	s2 =	sld [smem:$0x3FD0];
	(tm) =	ssettm $0x1  }
0x91: {  	s18 =	sld [smem:$0x3FFB];
	_ =	sdelay $0x3  }
0x92: {  	_ =	strace s18  }
0x93: {  	s3 =	sld [smem:$0x3FFC];
	_ =	sdelay $0x3  }
0x94: {  	_ =	strace s3  }
0x95: {  	s3 =	sld [smem:$0x3FFD];
	_ =	sdelay $0x3  }
0x96: {  	_ =	strace s3  }
0x97: {  	_ =	strace $0x8FFFFFFF  }
0x98: {  	s19 =	sld [smem:$0x3FDB];
	_ =	sdelay $0x1  }
0x99: {  	s4 =	simm.s32 $_scs_section_size  }
0x9a: {  	s5 =	simm.s32 $_size__tile_overlayer_lowered;
	s6 =	simm.s32 $_tile_overlayer_lowered  }
0x9b: {  	s22 =	simm.s32 $0x1BFF;
	s21 =	sshll.u32 s6, $0x1;
	s3 =	sadd.s32 s4, s19  }
0x9c: {  	s7 =	simm.s32 $0x0;
	s20 =	sshll.u32 s5, $0x1;
	s5 =	sadd.s32 s21, s3  }
0x9d: {  	[timem:s7], [sflag:s22] =	dma.local [hbm:s5], s20  }
0x9e: {  	_ =	swait.ge [sflag:s22], s20  }
0x9f: {  	s4 =	ssub.s32 $0x0, s20;
	[sflag:s22] =	ssyncset.done $0x0  }
0xa0: {  	[sflag:s22] =	ssyncadd.s32 s4;
	_ =	sdelay $0x1  }
0xa1: {  	s23 =	simm.s32 $0x1B8B  }
0xa2: {  	_ =	swait.ge [sflag:s23], $0x1  }
0xa3: {  	[sflag:s23] =	ssyncset.done $0x0  }
0xa4: {  	s25 =	simm.s32 $0x1B8E;
	s24 =	sld [smem:$0x3FFE];
	[sflag:s23] =	ssyncadd.s32 $0xFFFFFFFF  }
0xa5: {  	s26 =	simm.s32 $execute0_lowered;
	[smem:$0x3FD2] =	sst s25  }
0xa6: {  	s5 =	sshll.u32 s26, $0x1;
	_ =	strace $0x80000046;
	[dreg:$0x1] =	wrdreg $0xFFFFFFFF  }
0xa7: {  	s28 =	simm.s32 $_size_execute0_lowered;
	s3 =	sadd.s32 s3, s5;
	[dreg:$0x0] =	wrdreg $0x0  }
0xa8: {  	s5 =	sshll.u32 s28, $0x1;
	[dreg:$0x2] =	wrdreg s3  }
0xa9: {  	[dreg:$0x3] =	wrdreg s5  }
0xaa: {  	[dreg:$0x4] =	wrdreg $0xC0  }
0xab: {  	_ =	task [dreg:s7], $0x5FFFF  }
0xac: {  	[dreg:$0x1] =	wrdreg $0xFFFFFFFF  }
0xad: {  	[dreg:$0x0] =	wrdreg $0x60  }
0xae: {  	[dreg:$0x2] =	wrdreg s24  }
0xaf: {  	[dreg:$0x3] =	wrdreg s2  }
0xb0: {  	[dreg:$0x4] =	wrdreg $0x2A000  }
0xb1: {  	[dreg:$0x5] =	wrdreg $0x9  }
0xb2: {  	_ =	task.clear_ibuf [dreg:s7], $0x6FFFF;
	_ =	strace $0x90000046  }
0xb3: {  	s29 =	simm.s32 $0x9;
	_ =	strace $0x80000048  }
0xb4: {  	_ =	swait.ge [sflag:s29], $0x1  }
0xb5: {  	[sflag:s29] =	ssyncadd.s32 $0xFFFFFFFF  }
0xb6: {  	_ =	strace $0x90000048  }
0xb7: {  	_ =	sfence  }
0xb8: {  	s30 =	sld [smem:$0x0];
	_ =	sdelay $0x2  }
0xb9: {  	s31 =	sshll.u32 s1, $0xD;
	s1 =	sshrl.u32 s1, $0x2  }
0xba: {  	s3 =	sand.u32 $0x4000, s31;
	s1 =	sadd.s32 s1, s30  }
0xbb: {  	s0 =	sor.u32 s3, s0;
	s1 =	sshll.u32 s1, $0x11  }
0xbc: {  	s0 =	sor.u32 s1, s0  }
0xbd: {  	s0 =	sadd.s32 $0x8F2B, s0  }
0xbe: {  	[sflag:s0] =	ssyncadd.remote.s32 $0x1  }
0xbf: {  	_ =	sfence.sel $0xFFFF  }
0xc0: {  	[dreg:$0x0] =	wrdreg $0xFFFFFFFF;
	(pc) =	sbr.abs _section_cstart, $3  }
0xc1: {  	[dreg:$0x1] =	wrdreg $0xFFFFFFFF  }
0xc2: {  	_ =	task.clear_ibuf [dreg:s7], $0x2FFFF;
	_ =	strace $0x9FFFFFFF  }
0xc3: {  	(tm) =	ssettm $0x7FFFFFFF  }
tec
execute0_lowered:
.L_overlay_start_1:
0x0: {  	(tag) =	ssettag $0x1  }
0x1: {  	s5 =	rddreg [dreg:$0x0]  }
0x2: {  	s14 =	rddreg [dreg:$0x1]  }
0x3: {  	s2 =	rddreg [dreg:$0x2]  }
0x4: {  	s1 =	stileid.u32;
	s0 =	rddreg [dreg:$0x3];
	s3 =	simm.s32 $0x0  }
0x5: {  	s30 =	srdreg.scid;
	s19 =	simm.s32 $0x2;
	s20 =	simm.s32 $0x80  }
0x6: {  	s21 =	simm.s32 $0x1;
	s23 =	simm.s32 $0x0;
	s4 =	smul.u32 $0x500, s1  }
0x7: {  	[smem:$0x7FF] =	sst s3;
	s6 =	smul.u32 $0x280, s1;
	s15 =	sshll.u32 s1, $0x5  }
0x8: {  	s10 =	sand.u32 $0x1, s30;
	s13 =	sadd.s32 $0x9400, s5;
	s16 =	sadd.s32 $0x9600, s5  }
0x9: {  	_ =	strace $0x80000047;
	s11 =	sadd.s32 s15, s5;
	s31 =	ssub.s32 $0x2, s10  }
0xa: {  	p0 =	seq.s32 s10, $0x1;
	s18 =	sor.u32 $0x10, s15;
	s14 =	sadd.s32 s14, s15  }
0xb: {  	s9 =	sadd.s32 s4, s5;
	s7 =	sshrl.u32 s6, $0x3;
	s8 =	sshrl.u32 s31, $0x1  }
0xc: {  	s4 =	sadd.s32 s6, s2;
	s11 =	sadd.s32 $0x3C00, s11;
	s22 =	sshll.u32 @!p0 s1, $0x6  }
0xd: {  	s12 =	sadd.s32 s7, s5;
	s17 =	ssub.s32 s31, s8;
	s5 =	sadd.s32 $0x80, s4  }
0xe: {  	s6 =	sadd.s32 $0x100, s4;
	s7 =	sadd.s32 $0x180, s4;
	s8 =	sadd.s32 $0x200, s4  }
0xf: {  	s9 =	sadd.s32 $0x3E00, s9;
	s22 =	sor.u32 @!p0 $0x1C02, s22;
	s10 =	sadd.s32 $0x8E00, s12  }
0x10: {  	s12 =	sadd.s32 s13, s15;
	s13 =	sadd.s32 s13, s18;
	s15 =	sadd.s32 s16, s15  }
0x11: {  	v0 =	vimm.f32 $1.000000000e+00;
	s16 =	sadd.s32 s16, s18;
	s17 =	smax.u32 s17, $0x1;
	s18 =	simm.s32 $0x2800  }
.LBB2_1:
0x12: {  	[tilespmem:$0x2800] =	vst v0  }
0x13: {  	[tilespmem:$0x2810] =	vst v0  }
0x14: {  	[tilespmem:$0x2820] =	vst v0  }
0x15: {  	[tilespmem:$0x2830] =	vst v0  }
0x16: {  	[tilespmem:$0x2840] =	vst v0  }
0x17: {  	[tilespmem:$0x2850] =	vst v0  }
0x18: {  	[tilespmem:$0x2860] =	vst v0  }
0x19: {  	[tilespmem:$0x2870] =	vst v0  }
0x1a: {  	[spmem:s4] =	stream.linear.scatter [tilespmem:s18], [sflag:$0x2], $0x80, $0x38;
	[tilespmem:$0x2C80] =	vst v63  }
0x1b: {  	_ =	swait.ge [sflag:s19], $0x80  }
0x1c: {  	[sflag:s19] =	ssyncset.done $0x0  }
0x1d: {  	[sflag:s19] =	ssyncadd.s32 $0xFFFFFF80  }
0x1e: {  	[spmem:s5] =	stream.linear.scatter [tilespmem:s18], [sflag:$0x2], $0x80, $0x38;
	[tilespmem:$0x2C80] =	vst v63  }
0x1f: {  	_ =	swait.ge [sflag:s19], $0x80  }
0x20: {  	[sflag:s19] =	ssyncset.done $0x0  }
0x21: {  	[sflag:s19] =	ssyncadd.s32 $0xFFFFFF80  }
0x22: {  	[spmem:s6] =	stream.linear.scatter [tilespmem:s18], [sflag:$0x2], $0x80, $0x38;
	[tilespmem:$0x2C80] =	vst v63  }
0x23: {  	_ =	swait.ge [sflag:s19], $0x80  }
0x24: {  	[sflag:s19] =	ssyncset.done $0x0  }
0x25: {  	[sflag:s19] =	ssyncadd.s32 $0xFFFFFF80  }
0x26: {  	[spmem:s7] =	stream.linear.scatter [tilespmem:s18], [sflag:$0x2], $0x80, $0x38;
	[tilespmem:$0x2C80] =	vst v63  }
0x27: {  	_ =	swait.ge [sflag:s19], $0x80  }
0x28: {  	[sflag:s19] =	ssyncset.done $0x0  }
0x29: {  	[sflag:s19] =	ssyncadd.s32 $0xFFFFFF80  }
0x2a: {  	[spmem:s8] =	stream.linear.scatter [tilespmem:s18], [sflag:$0x2], $0x80, $0x38;
	[tilespmem:$0x2C80] =	vst v63  }
0x2b: {  	_ =	swait.ge [sflag:s19], $0x80  }
0x2c: {  	[sflag:s19] =	ssyncset.done $0x0  }
0x2d: {  	[sflag:s19] =	ssyncadd.s32 $0xFFFFFF80  }
0x2e: {  	[bflag:$0x0] =	sbarrier.arrive $0xFFFF  }
0x2f: {  	[tilespmem:s3], [sflag:$0x2] =	stream.linear.gather [hbm4b:s9+s3], $0x2800, $0x38;
	[tilespmem:$0x2C80] =	vst v63  }
0x30: {  	_ =	swait.ge [sflag:s19], $0x2800  }
0x31: {  	[sflag:s19] =	ssyncset.done $0x0  }
0x32: {  	s24 =	simm.s32 $0x0;
	[sflag:s19] =	ssyncadd.s32 $0xFFFFD800  }
0x33: {  	[spmem:s2] =	stream.indirect.scatter.add.f32 [tilespmem:s18], [sflag:$0x1], $0x1, s24, s20, $0xb8;
	[tilespmem:$0x2C80] =	vst v63  }
0x34: {  	s31 =	simm.s32 $0x80  }
0x35: {  	[spmem:s2] =	stream.indirect.scatter.add.f32 [tilespmem:s18], [sflag:$0x1], $0x1, s31, s20, $0xb8;
	[tilespmem:$0x2C80] =	vst v63  }
0x36: {  	s25 =	simm.s32 $0x100  }
0x37: {  	[spmem:s2] =	stream.indirect.scatter.add.f32 [tilespmem:s18], [sflag:$0x1], $0x1, s25, s20, $0xb8;
	[tilespmem:$0x2C80] =	vst v63  }
0x38: {  	s26 =	simm.s32 $0x180  }
0x39: {  	[spmem:s2] =	stream.indirect.scatter.add.f32 [tilespmem:s18], [sflag:$0x1], $0x1, s26, s20, $0xb8;
	[tilespmem:$0x2C80] =	vst v63  }
0x3a: {  	s28 =	simm.s32 $0x200  }
0x3b: {  	[spmem:s2] =	stream.indirect.scatter.add.f32 [tilespmem:s18], [sflag:$0x1], $0x1, s28, s20, $0xb8;
	[tilespmem:$0x2C80] =	vst v63  }
0x3c: {  	s29 =	simm.s32 $0x280  }
0x3d: {  	[spmem:s2] =	stream.indirect.scatter.add.f32 [tilespmem:s18], [sflag:$0x1], $0x1, s29, s20, $0xb8;
	[tilespmem:$0x2C80] =	vst v63  }
0x3e: {  	s30 =	simm.s32 $0x300  }
0x3f: {  	[spmem:s2] =	stream.indirect.scatter.add.f32 [tilespmem:s18], [sflag:$0x1], $0x1, s30, s20, $0xb8;
	[tilespmem:$0x2C80] =	vst v63  }
0x40: {  	s31 =	simm.s32 $0x380  }
0x41: {  	[spmem:s2] =	stream.indirect.scatter.add.f32 [tilespmem:s18], [sflag:$0x1], $0x1, s31, s20, $0xb8;
	[tilespmem:$0x2C80] =	vst v63  }
0x42: {  	_ =	swait.ge [sflag:s21], $0x80  }
0x43: {  	[sflag:s21] =	ssyncset.done $0x0  }
0x44: {  	[sflag:s21] =	ssyncadd.s32 $0xFFFFFF80  }
0x45: {  	_ =	swait.ge [sflag:s21], $0x80  }
0x46: {  	[sflag:s21] =	ssyncset.done $0x0  }
0x47: {  	[sflag:s21] =	ssyncadd.s32 $0xFFFFFF80  }
0x48: {  	_ =	swait.ge [sflag:s21], $0x80  }
0x49: {  	[sflag:s21] =	ssyncset.done $0x0  }
0x4a: {  	[sflag:s21] =	ssyncadd.s32 $0xFFFFFF80  }
0x4b: {  	_ =	swait.ge [sflag:s21], $0x80  }
0x4c: {  	[sflag:s21] =	ssyncset.done $0x0  }
0x4d: {  	[sflag:s21] =	ssyncadd.s32 $0xFFFFFF80  }
0x4e: {  	_ =	swait.ge [sflag:s21], $0x80  }
0x4f: {  	[sflag:s21] =	ssyncset.done $0x0  }
0x50: {  	[sflag:s21] =	ssyncadd.s32 $0xFFFFFF80  }
0x51: {  	_ =	swait.ge [sflag:s21], $0x80  }
0x52: {  	[sflag:s21] =	ssyncset.done $0x0  }
0x53: {  	[sflag:s21] =	ssyncadd.s32 $0xFFFFFF80  }
0x54: {  	_ =	swait.ge [sflag:s21], $0x80  }
0x55: {  	[sflag:s21] =	ssyncset.done $0x0  }
0x56: {  	[sflag:s21] =	ssyncadd.s32 $0xFFFFFF80  }
0x57: {  	_ =	swait.ge [sflag:s21], $0x80  }
0x58: {  	s24 =	simm.s32 $0x1000;
	s26 =	simm.s32 $0x2000;
	[sflag:s21] =	ssyncset.done $0x0  }
.LBB2_2:
0x59: {  	s28 =	sshra.s32 s24, $0x2  }
0x5a: {  	[sflag:s21] =	ssyncadd.s32 $0xFFFFFF80;
	s24 =	smov.u32 s26;
	s25 =	sadd.s32 $0x1000, s26  }
0x5b: {  	[spmem:s2] =	stream.indirect.scatter.add.f32 [tilespmem:s18], [sflag:$0x1], $0x1, s28, s20, $0xb8;
	[tilespmem:$0x2C80] =	vst v63  }
0x5c: {  	p1 =	sne.s32 s26, $0x9000;
	s26 =	sadd.s32 $0x80, s28  }
0x5d: {  	[spmem:s2] =	stream.indirect.scatter.add.f32 [tilespmem:s18], [sflag:$0x1], $0x1, s26, s20, $0xb8;
	[tilespmem:$0x2C80] =	vst v63  }
0x5e: {  	s26 =	sadd.s32 $0x100, s28  }
0x5f: {  	[spmem:s2] =	stream.indirect.scatter.add.f32 [tilespmem:s18], [sflag:$0x1], $0x1, s26, s20, $0xb8;
	[tilespmem:$0x2C80] =	vst v63  }
0x60: {  	s26 =	sadd.s32 $0x180, s28  }
0x61: {  	[spmem:s2] =	stream.indirect.scatter.add.f32 [tilespmem:s18], [sflag:$0x1], $0x1, s26, s20, $0xb8;
	[tilespmem:$0x2C80] =	vst v63  }
0x62: {  	s26 =	sadd.s32 $0x200, s28  }
0x63: {  	[spmem:s2] =	stream.indirect.scatter.add.f32 [tilespmem:s18], [sflag:$0x1], $0x1, s26, s20, $0xb8;
	[tilespmem:$0x2C80] =	vst v63  }
0x64: {  	s26 =	sadd.s32 $0x280, s28  }
0x65: {  	[spmem:s2] =	stream.indirect.scatter.add.f32 [tilespmem:s18], [sflag:$0x1], $0x1, s26, s20, $0xb8;
	[tilespmem:$0x2C80] =	vst v63  }
0x66: {  	s26 =	sadd.s32 $0x300, s28  }
0x67: {  	[spmem:s2] =	stream.indirect.scatter.add.f32 [tilespmem:s18], [sflag:$0x1], $0x1, s26, s20, $0xb8;
	[tilespmem:$0x2C80] =	vst v63  }
0x68: {  	s26 =	sadd.s32 $0x380, s28  }
0x69: {  	[spmem:s2] =	stream.indirect.scatter.add.f32 [tilespmem:s18], [sflag:$0x1], $0x1, s26, s20, $0xb8;
	[tilespmem:$0x2C80] =	vst v63  }
0x6a: {  	_ =	swait.ge [sflag:s21], $0x80  }
0x6b: {  	[sflag:s21] =	ssyncset.done $0x0  }
0x6c: {  	[sflag:s21] =	ssyncadd.s32 $0xFFFFFF80  }
0x6d: {  	_ =	swait.ge [sflag:s21], $0x80  }
0x6e: {  	[sflag:s21] =	ssyncset.done $0x0  }
0x6f: {  	[sflag:s21] =	ssyncadd.s32 $0xFFFFFF80  }
0x70: {  	_ =	swait.ge [sflag:s21], $0x80  }
0x71: {  	[sflag:s21] =	ssyncset.done $0x0  }
0x72: {  	[sflag:s21] =	ssyncadd.s32 $0xFFFFFF80  }
0x73: {  	_ =	swait.ge [sflag:s21], $0x80  }
0x74: {  	[sflag:s21] =	ssyncset.done $0x0  }
0x75: {  	[sflag:s21] =	ssyncadd.s32 $0xFFFFFF80  }
0x76: {  	_ =	swait.ge [sflag:s21], $0x80  }
0x77: {  	[sflag:s21] =	ssyncset.done $0x0  }
0x78: {  	[sflag:s21] =	ssyncadd.s32 $0xFFFFFF80  }
0x79: {  	_ =	swait.ge [sflag:s21], $0x80  }
0x7a: {  	[sflag:s21] =	ssyncset.done $0x0  }
0x7b: {  	[sflag:s21] =	ssyncadd.s32 $0xFFFFFF80  }
.Ltmp0:
0x7c: {  	_ =	swait.ge [sflag:s21], $0x80;
	(pc) =	sbr.rel @p1 .LBB2_2-.Ltmp0, $4  }
0x7d: {  	[sflag:s21] =	ssyncset.done $0x0  }
0x7e: {  	[sflag:s21] =	ssyncadd.s32 $0xFFFFFF80  }
0x7f: {  	_ =	swait.ge [sflag:s21], $0x80  }
0x80: {  	s26 =	smov.u32 s25;
	[sflag:s21] =	ssyncset.done $0x0  }
0x81: {  	s24 =	sshra.s32 s24, $0x2;
	[sflag:s21] =	ssyncadd.s32 $0xFFFFFF80  }
0x82: {  	[spmem:s2] =	stream.indirect.scatter.add.f32 [tilespmem:s18], [sflag:$0x1], $0x1, s24, s20, $0xb8;
	[tilespmem:$0x2C80] =	vst v63  }
0x83: {  	s25 =	sadd.s32 $0x80, s24  }
0x84: {  	[spmem:s2] =	stream.indirect.scatter.add.f32 [tilespmem:s18], [sflag:$0x1], $0x1, s25, s20, $0xb8;
	[tilespmem:$0x2C80] =	vst v63  }
0x85: {  	s26 =	sadd.s32 $0x100, s24  }
0x86: {  	[spmem:s2] =	stream.indirect.scatter.add.f32 [tilespmem:s18], [sflag:$0x1], $0x1, s26, s20, $0xb8;
	[tilespmem:$0x2C80] =	vst v63  }
0x87: {  	s28 =	sadd.s32 $0x180, s24  }
0x88: {  	[spmem:s2] =	stream.indirect.scatter.add.f32 [tilespmem:s18], [sflag:$0x1], $0x1, s28, s20, $0xb8;
	[tilespmem:$0x2C80] =	vst v63  }
0x89: {  	s29 =	sadd.s32 $0x200, s24  }
0x8a: {  	[spmem:s2] =	stream.indirect.scatter.add.f32 [tilespmem:s18], [sflag:$0x1], $0x1, s29, s20, $0xb8;
	[tilespmem:$0x2C80] =	vst v63  }
0x8b: {  	s30 =	sadd.s32 $0x280, s24  }
0x8c: {  	[spmem:s2] =	stream.indirect.scatter.add.f32 [tilespmem:s18], [sflag:$0x1], $0x1, s30, s20, $0xb8;
	[tilespmem:$0x2C80] =	vst v63  }
0x8d: {  	s31 =	sadd.s32 $0x300, s24  }
0x8e: {  	[spmem:s2] =	stream.indirect.scatter.add.f32 [tilespmem:s18], [sflag:$0x1], $0x1, s31, s20, $0xb8;
	[tilespmem:$0x2C80] =	vst v63  }
0x8f: {  	s24 =	sadd.s32 $0x380, s24  }
0x90: {  	[spmem:s2] =	stream.indirect.scatter.add.f32 [tilespmem:s18], [sflag:$0x1], $0x1, s24, s20, $0xb8;
	[tilespmem:$0x2C80] =	vst v63  }
0x91: {  	_ =	swait.ge [sflag:s21], $0x80  }
0x92: {  	[sflag:s21] =	ssyncset.done $0x0  }
0x93: {  	[sflag:s21] =	ssyncadd.s32 $0xFFFFFF80  }
0x94: {  	_ =	swait.ge [sflag:s21], $0x80  }
0x95: {  	[sflag:s21] =	ssyncset.done $0x0  }
0x96: {  	[sflag:s21] =	ssyncadd.s32 $0xFFFFFF80  }
0x97: {  	_ =	swait.ge [sflag:s21], $0x80  }
0x98: {  	[sflag:s21] =	ssyncset.done $0x0  }
0x99: {  	[sflag:s21] =	ssyncadd.s32 $0xFFFFFF80  }
0x9a: {  	_ =	swait.ge [sflag:s21], $0x80  }
0x9b: {  	[sflag:s21] =	ssyncset.done $0x0  }
0x9c: {  	[sflag:s21] =	ssyncadd.s32 $0xFFFFFF80  }
0x9d: {  	_ =	swait.ge [sflag:s21], $0x80  }
0x9e: {  	[sflag:s21] =	ssyncset.done $0x0  }
0x9f: {  	[sflag:s21] =	ssyncadd.s32 $0xFFFFFF80  }
0xa0: {  	_ =	swait.ge [sflag:s21], $0x80  }
0xa1: {  	[sflag:s21] =	ssyncset.done $0x0  }
0xa2: {  	[sflag:s21] =	ssyncadd.s32 $0xFFFFFF80  }
0xa3: {  	_ =	swait.ge [sflag:s21], $0x80  }
0xa4: {  	[sflag:s21] =	ssyncset.done $0x0  }
0xa5: {  	[sflag:s21] =	ssyncadd.s32 $0xFFFFFF80  }
0xa6: {  	_ =	swait.ge [sflag:s21], $0x80  }
0xa7: {  	[sflag:s21] =	ssyncset.done $0x0  }
0xa8: {  	s25 =	simm.s32 @p0 $0x2880;
	[sflag:s21] =	ssyncadd.s32 $0xFFFFFF80  }
0xa9: {  	s26 =	simm.s32 @p0 $0x2;
	s24 =	simm.s32 @p0 $0x0;
	[bflag:$0x0] =	sbarrier.arrive $0xFFFF  }
0xaa: {  	[tilespmem:s25], [sflag:$0x2] =	stream.linear.gather @p0 [hbm4b:s11+s24], $0x100, $0x38;
	[tilespmem:$0x2C80] =	vst v63  }
0xab: {  	_ =	swait.ge @p0 [sflag:s26], $0x100  }
0xac: {  	s28 =	simm.s32 @p0 $0x80;
	[sflag:s26] =	ssyncset.done @p0 $0x0  }
0xad: {  	s29 =	simm.s32 @p0 $0x2980;
	s30 =	simm.s32 @p0 $0x1;
	[sflag:s26] =	ssyncadd.s32 @p0 $0xFFFFFF00  }
0xae: {  	[tilespmem:s29], [sflag:$0x1] =	stream.indirect.gather @p0 [spmem:s2], $0x1, s25, s28, $0xb8;
	[tilespmem:$0x2C80] =	vst v63  }
0xaf: {  	_ =	swait.ge @p0 [sflag:s30], $0x80  }
0xb0: {  	[sflag:s30] =	ssyncset.done @p0 $0x0  }
0xb1: {  	[sflag:s30] =	ssyncadd.s32 @p0 $0xFFFFFF80  }
0xb2: {  	[hbm4b:s12+s24] =	stream.linear.scatter @p0 [tilespmem:s29], [sflag:$0x2], $0x80, $0x38;
	[tilespmem:$0x2C80] =	vst v63  }
0xb3: {  	_ =	swait.ge @p0 [sflag:s26], $0x80  }
0xb4: {  	[sflag:s26] =	ssyncset.done @p0 $0x0  }
0xb5: {  	s31 =	simm.s32 @p0 $0x2900;
	[sflag:s26] =	ssyncadd.s32 @p0 $0xFFFFFF80  }
0xb6: {  	[tilespmem:s29], [sflag:$0x1] =	stream.indirect.gather @p0 [spmem:s2], $0x1, s31, s28, $0xb8;
	[tilespmem:$0x2C80] =	vst v63  }
0xb7: {  	_ =	swait.ge @p0 [sflag:s30], $0x80  }
0xb8: {  	[sflag:s30] =	ssyncset.done @p0 $0x0  }
0xb9: {  	[sflag:s30] =	ssyncadd.s32 @p0 $0xFFFFFF80  }
0xba: {  	[hbm4b:s13+s24] =	stream.linear.scatter @p0 [tilespmem:s29], [sflag:$0x2], $0x80, $0x38;
	[tilespmem:$0x2C80] =	vst v63  }
0xbb: {  	_ =	swait.ge @p0 [sflag:s26], $0x80  }
0xbc: {  	[sflag:s26] =	ssyncset.done @p0 $0x0  }
0xbd: {  	[sflag:s26] =	ssyncadd.s32 @p0 $0xFFFFFF80  }
0xbe: {  	[tilespmem:s25], [sflag:$0x2] =	stream.linear.gather @p0 [hbm4b:s14+s24], $0x100, $0x38;
	[tilespmem:$0x2C80] =	vst v63  }
0xbf: {  	_ =	swait.ge @p0 [sflag:s26], $0x100  }
0xc0: {  	[sflag:s26] =	ssyncset.done @p0 $0x0  }
0xc1: {  	[sflag:s26] =	ssyncadd.s32 @p0 $0xFFFFFF00  }
0xc2: {  	[tilespmem:s29], [sflag:$0x1] =	stream.indirect.gather @p0 [spmem:s2], $0x1, s25, s28, $0xb8;
	[tilespmem:$0x2C80] =	vst v63  }
0xc3: {  	_ =	swait.ge @p0 [sflag:s30], $0x80  }
0xc4: {  	[sflag:s30] =	ssyncset.done @p0 $0x0  }
0xc5: {  	[sflag:s30] =	ssyncadd.s32 @p0 $0xFFFFFF80  }
0xc6: {  	[hbm4b:s15+s24] =	stream.linear.scatter @p0 [tilespmem:s29], [sflag:$0x2], $0x80, $0x38;
	[tilespmem:$0x2C80] =	vst v63  }
0xc7: {  	_ =	swait.ge @p0 [sflag:s26], $0x80  }
0xc8: {  	[sflag:s26] =	ssyncset.done @p0 $0x0  }
0xc9: {  	[sflag:s26] =	ssyncadd.s32 @p0 $0xFFFFFF80  }
0xca: {  	[tilespmem:s29], [sflag:$0x1] =	stream.indirect.gather @p0 [spmem:s2], $0x1, s31, s28, $0xb8;
	[tilespmem:$0x2C80] =	vst v63  }
0xcb: {  	_ =	swait.ge @p0 [sflag:s30], $0x80  }
0xcc: {  	[sflag:s30] =	ssyncset.done @p0 $0x0  }
0xcd: {  	[sflag:s30] =	ssyncadd.s32 @p0 $0xFFFFFF80  }
0xce: {  	[hbm4b:s16+s24] =	stream.linear.scatter @p0 [tilespmem:s29], [sflag:$0x2], $0x80, $0x38;
	[tilespmem:$0x2C80] =	vst v63  }
0xcf: {  	_ =	swait.ge @p0 [sflag:s26], $0x80  }
0xd0: {  	s23 =	sadd.s32 $0x1, s23;
	[sflag:s26] =	ssyncset.done @p0 $0x0  }
0xd1: {  	p1 =	sne.s32 s23, s17;
	s24 =	sshrl.u32 @!p0 s4, $0x3;
	[sflag:s26] =	ssyncadd.s32 @p0 $0xFFFFFF80  }
0xd2: {  	[hbm:s10], [sflag:s22] =	dma.local @!p0 [spmem:s24], $0x50  }
.Ltmp1:
0xd3: {  	_ = 	snop;
	(pc) =	sbr.rel @p1 .LBB2_1-.Ltmp1, $4  }
0xd4: {  	s24 =	simm.s32 @!p0 $0x2  }
0xd5: {  	_ =	swait.ge @!p0 [sflag:s24], $0x50  }
0xd6: {  	[sflag:s24] =	ssyncset.done @!p0 $0x0  }
0xd7: {  	[sflag:s24] =	ssyncadd.s32 @!p0 $0xFFFFFFB0  }
0xd8: {  	_ =	sfence.sel $0x180000  }
0xd9: {  	[bflag:$0x0] =	sbarrier.arrive $0xFFFF  }
0xda: {  	p0 =	sne.s32 s1, $0x0;
	_ =	strace $0x90000047  }
0xdb: {  	s0 =	sadd.s32 @!p0 $0x100000, s0;
	[bflag:$0x2] =	sbarrier.arrive $0xFFFF  }
0xdc: {  	[sflag:s0] =	ssyncadd.tile.s32 @!p0 $0x1;
	_ =	shalt  }
.Lfunc_end2:
_tile_overlayer_lowered:
.L_overlay_start_2:
0xdd: {  	(tag) =	ssettag $0x2  }
0xde: {  	s0 =	rddreg [dreg:$0x0];
	s2 =	stileid.u32  }
0xdf: {  	s1 =	rddreg [dreg:$0x1];
	p0 =	sne.s32 s2, $0x0  }
0xe0: {  	s3 =	rddreg [dreg:$0x2];
	[bflag:$0x3] =	sbarrier.arrive $0xFFFF;
	s2 =	simm.s32 @!p0 $0x1C02  }
0xe1: {  	[timem:s3], [sflag:s2] =	dma.local @!p0 [hbm:s0], s1  }
0xe2: {  	s0 =	simm.s32 @!p0 $0x2  }
0xe3: {  	_ =	swait.ge @!p0 [sflag:s0], s1  }
0xe4: {  	s1 =	ssub.s32 @!p0 $0x0, s1;
	[sflag:s0] =	ssyncset.done @!p0 $0x0  }
0xe5: {  	[sflag:s0] =	ssyncadd.s32 @!p0 s1  }
0xe6: {  	[bflag:$0x3] =	sbarrier.arrive $0xFFFF  }
0xe7: {  	_ =	shalt  }

</sc_bundles>
